<compile_context>
chip_gen: v7x
topology: tpu7x:2x2x1
jax: 0.10.2.dev20260603
libtpu: 0.0.44.dev20260713+nightly
codegen_flags: <defaults>
</compile_context>

<pallas_src>
import jax
import jax.numpy as jnp
from jax import lax
from jax.experimental import pallas as pl
from jax.experimental.pallas import tpu as pltpu
from jax.experimental.pallas import tpu_sc as plsc
import functools

BATCH = 16384
DIM = 64
NC = 2
NS = 16
NW = NC * NS
BPW = BATCH // NW
ICH = 128
NCH = BPW // ICH
NL = 16
PSTR = NL + 1


def _sc_body(uidx_hbm, iidx_hbm, uemb_hbm, iemb_hbm, ubias_hbm, ibias_hbm,
             out_hbm, uidx_v, iidx_v, urows_v, irows_v, ub_v, ib_v, pt_v,
             out_v, sem):
    wid = lax.axis_index("s") * NC + lax.axis_index("c")
    base = wid * BPW

    pltpu.sync_copy(uidx_hbm.at[wid], uidx_v)
    pltpu.sync_copy(iidx_hbm.at[wid], iidx_v)

    for j in range(NCH):
        pltpu.async_copy(uemb_hbm.at[uidx_v.at[j]], urows_v.at[j], sem)
        pltpu.async_copy(iemb_hbm.at[iidx_v.at[j]], irows_v.at[j], sem)
        pltpu.async_copy(ubias_hbm.at[uidx_v.at[j]], ub_v.at[j], sem)
        pltpu.async_copy(ibias_hbm.at[iidx_v.at[j]], ib_v.at[j], sem)
    for j in range(NCH):
        pltpu.make_async_copy(uemb_hbm.at[uidx_v.at[j]], urows_v.at[j],
                              sem).wait()
        pltpu.make_async_copy(iemb_hbm.at[iidx_v.at[j]], irows_v.at[j],
                              sem).wait()
        pltpu.make_async_copy(ubias_hbm.at[uidx_v.at[j]], ub_v.at[j],
                              sem).wait()
        pltpu.make_async_copy(ibias_hbm.at[iidx_v.at[j]], ib_v.at[j],
                              sem).wait()

    lanes = lax.iota(jnp.int32, NL)
    gidx = lanes * PSTR

    for j in range(NCH):
        def gbody(g, carry, j=j):
            r0 = g * NL
            for l in range(NL):
                r = r0 + l
                s0 = (urows_v[j, r, pl.ds(0, NL)]
                      * irows_v[j, r, pl.ds(0, NL)])
                s1 = (urows_v[j, r, pl.ds(NL, NL)]
                      * irows_v[j, r, pl.ds(NL, NL)])
                for d in range(2 * NL, DIM, 2 * NL):
                    s0 = s0 + (urows_v[j, r, pl.ds(d, NL)]
                               * irows_v[j, r, pl.ds(d, NL)])
                    s1 = s1 + (urows_v[j, r, pl.ds(d + NL, NL)]
                               * irows_v[j, r, pl.ds(d + NL, NL)])
                pt_v[pl.ds(l * PSTR, NL)] = s0 + s1
            tot = ub_v[j, pl.ds(r0, NL)] + ib_v[j, pl.ds(r0, NL)]
            for k in range(NL):
                tot = tot + plsc.load_gather(pt_v, [gidx + k])
            out_v[pl.ds(j * ICH + r0, NL)] = tot
            return carry
        lax.fori_loop(0, ICH // NL, gbody, 0)

    pltpu.sync_copy(out_v, out_hbm.at[pl.ds(base, BPW)])


@jax.jit
def _mf_sc(uidx, iidx, uemb, iemb, ubias, ibias):
    mesh = plsc.VectorSubcoreMesh(core_axis_name="c", subcore_axis_name="s")
    kfn = functools.partial(
        pl.kernel,
        mesh=mesh,
        out_type=jax.ShapeDtypeStruct((BATCH,), jnp.float32),
        scratch_types=[
            pltpu.VMEM((NCH, ICH), jnp.int32),
            pltpu.VMEM((NCH, ICH), jnp.int32),
            pltpu.VMEM((NCH, ICH, DIM), jnp.float32),
            pltpu.VMEM((NCH, ICH, DIM), jnp.float32),
            pltpu.VMEM((NCH, ICH), jnp.float32),
            pltpu.VMEM((NCH, ICH), jnp.float32),
            pltpu.VMEM((NL * PSTR,), jnp.float32),
            pltpu.VMEM((BPW,), jnp.float32),
            pltpu.SemaphoreType.DMA,
        ],
        compiler_params=pltpu.CompilerParams(needs_layout_passes=False,
                                             use_tc_tiling_on_sc=False),
    )(_sc_body)
    return kfn(uidx, iidx, uemb, iemb, ubias, ibias)


def kernel(user_idx, item_idx, user_emb, item_emb, user_bias, item_bias):
    uidx = user_idx.astype(jnp.int32).reshape(NW, NCH, ICH)
    iidx = item_idx.astype(jnp.int32).reshape(NW, NCH, ICH)
    return _mf_sc(uidx, iidx, user_emb, item_emb,
                  user_bias.reshape(-1), item_bias.reshape(-1))

# --- scband reference (transcript-rebuilt; emitter-appended) ---
"""Pipeline reference for scband-matrix-factorization-87471303950775 (READ-ONLY COPY).

The authoritative reference and input builder live on the scoring server;
editing this copy changes nothing except your own understanding.
"""

import jax, jax.numpy as jnp
import numpy as np

N_USERS = 100000
N_ITEMS = 1000000
DIM = 64
BATCH = 16384

def setup_inputs(seed: int = 0) -> dict:
    key = jax.random.key(seed)
    k1, k2, k3, k4, k5, k6 = jax.random.split(key, 6)
    user_idx = jax.random.randint(k1, (BATCH,), 0, N_USERS, dtype=jnp.int64 if jax.config.jax_enable_x64 else jnp.int32)
    item_idx = jax.random.randint(k2, (BATCH,), 0, N_ITEMS, dtype=jnp.int64 if jax.config.jax_enable_x64 else jnp.int32)
    user_emb = jax.random.normal(k3, (N_USERS, DIM), dtype=jnp.float32) * 0.05
    item_emb = jax.random.normal(k4, (N_ITEMS, DIM), dtype=jnp.float32) * 0.05
    user_bias = jax.random.normal(k5, (N_USERS, 1), dtype=jnp.float32) * 0.05
    item_bias = jax.random.normal(k6, (N_ITEMS, 1), dtype=jnp.float32) * 0.05
    return {"user_idx": user_idx, "item_idx": item_idx, "user_emb": user_emb, "item_emb": item_emb, "user_bias": user_bias, "item_bias": item_bias}

def reference(user_idx, item_idx, user_emb, item_emb, user_bias, item_bias):
    u = jnp.take(user_emb, user_idx, axis=0)
    v = jnp.take(item_emb, item_idx, axis=0)
    dot = jnp.sum(u * v, axis=-1)
    ub = jnp.take(user_bias, user_idx, axis=0).squeeze(-1)
    ib = jnp.take(item_bias, item_idx, axis=0).squeeze(-1)
    return dot + ub + ib

if __name__ == "__main__":
    import jax
    _d = setup_inputs()
    print(jax.jit(kernel)(*tuple(_d.values())))

</pallas_src>

<mosaic_0001>
#map = affine_map<(d0, d1) -> (0, 0, 0)>
#map1 = affine_map<(d0, d1) -> (0, 0)>
#map2 = affine_map<(d0, d1) -> (0)>
module attributes {stable_mosaic.version = 14 : i64} {
  func.func @_sc_body(%arg0: i32, %arg1: i32, %arg2: memref<32x4x128xi32, #tpu.memory_space<hbm>>, %arg3: memref<32x4x128xi32, #tpu.memory_space<hbm>>, %arg4: memref<100000x64xf32, #tpu.memory_space<hbm>>, %arg5: memref<1000000x64xf32, #tpu.memory_space<hbm>>, %arg6: memref<100000xf32, #tpu.memory_space<hbm>>, %arg7: memref<1000000xf32, #tpu.memory_space<hbm>>, %arg8: memref<16384xf32, #tpu.memory_space<hbm>>, %arg9: memref<4x128xi32, #tpu.memory_space<vmem>>, %arg10: memref<4x128xi32, #tpu.memory_space<vmem>>, %arg11: memref<4x128x64xf32, #tpu.memory_space<vmem>>, %arg12: memref<4x128x64xf32, #tpu.memory_space<vmem>>, %arg13: memref<4x128xf32, #tpu.memory_space<vmem>>, %arg14: memref<4x128xf32, #tpu.memory_space<vmem>>, %arg15: memref<272xf32, #tpu.memory_space<vmem>>, %arg16: memref<512xf32, #tpu.memory_space<vmem>>, %arg17: memref<!tpu.dma_semaphore, #tpu.memory_space<semaphore_mem>>) attributes {dimension_semantics = [#tpu.dimension_semantics<core_parallel>, #tpu.dimension_semantics<subcore_parallel>], iteration_bounds = array<i64: 2, 16>, scalar_prefetch = 0 : i64, scratch_operands = 9 : i64, tpu.core_type = #tpu.core_type<sc_vector_subcore>, window_params = [{transform_indices = #map}, {transform_indices = #map}, {transform_indices = #map1}, {transform_indices = #map1}, {transform_indices = #map2}, {transform_indices = #map2}, {transform_indices = #map2}]} {
    %mul3A = arith.constant 2 : i32
    %mul3A_0 = arith.muli %arg1, %mul3A : i32
    %add3A = arith.addi %mul3A_0, %arg0 : i32
    %mul3A_1 = arith.constant 512 : i32
    %mul3A_2 = arith.muli %add3A, %mul3A_1 : i32
    "tpu.region"() ({
      %run_scoped3A = tpu.sem_alloc : memref<!tpu.dma_semaphore, #tpu.memory_space<semaphore_mem>>
      %dma_start3A_379 = arith.constant 0 : i32
      %dma_start3A_380 = arith.constant 0 : i32
      %dma_start3A_381 = tpu.memref_slice %arg2[%add3A, %dma_start3A_379, %dma_start3A_380] : memref<32x4x128xi32, #tpu.memory_space<hbm>> -> memref<1x4x128xi32, #tpu.memory_space<hbm>>
      %dma_start3A_382 = tpu.memref_squeeze %dma_start3A_381 : memref<1x4x128xi32, #tpu.memory_space<hbm>> -> memref<4x128xi32, #tpu.memory_space<hbm>>
      %dma_start3A_383 = arith.constant 0 : i32
      %dma_start3A_384 = arith.constant 0 : i32
      %dma_start3A_385 = tpu.memref_slice %arg2[%add3A, %dma_start3A_383, %dma_start3A_384] : memref<32x4x128xi32, #tpu.memory_space<hbm>> -> memref<1x4x128xi32, #tpu.memory_space<hbm>>
      %dma_start3A_386 = tpu.memref_squeeze %dma_start3A_385 : memref<1x4x128xi32, #tpu.memory_space<hbm>> -> memref<4x128xi32, #tpu.memory_space<hbm>>
      tpu.enqueue_dma source(%dma_start3A_386 : memref<4x128xi32, #tpu.memory_space<hbm>>) target(%arg9 : memref<4x128xi32, #tpu.memory_space<vmem>>) target_semaphore(%run_scoped3A : memref<!tpu.dma_semaphore, #tpu.memory_space<semaphore_mem>>)
      %dma_wait3A_387 = arith.constant 0 : i32
      %dma_wait3A_388 = arith.constant 0 : i32
      %dma_wait3A_389 = tpu.memref_slice %arg2[%add3A, %dma_wait3A_387, %dma_wait3A_388] : memref<32x4x128xi32, #tpu.memory_space<hbm>> -> memref<1x4x128xi32, #tpu.memory_space<hbm>>
      %dma_wait3A_390 = tpu.memref_squeeze %dma_wait3A_389 : memref<1x4x128xi32, #tpu.memory_space<hbm>> -> memref<4x128xi32, #tpu.memory_space<hbm>>
      %dma_wait3A_391 = arith.constant 0 : i32
      %dma_wait3A_392 = arith.constant 0 : i32
      %dma_wait3A_393 = tpu.memref_slice %arg2[%add3A, %dma_wait3A_391, %dma_wait3A_392] : memref<32x4x128xi32, #tpu.memory_space<hbm>> -> memref<1x4x128xi32, #tpu.memory_space<hbm>>
      %dma_wait3A_394 = tpu.memref_squeeze %dma_wait3A_393 : memref<1x4x128xi32, #tpu.memory_space<hbm>> -> memref<4x128xi32, #tpu.memory_space<hbm>>
      tpu.wait_dma2 semaphore(%run_scoped3A : memref<!tpu.dma_semaphore, #tpu.memory_space<semaphore_mem>>) src(%dma_wait3A_394 : memref<4x128xi32, #tpu.memory_space<hbm>>) dst(%arg9 : memref<4x128xi32, #tpu.memory_space<vmem>>)
      tpu.yield
    }) : () -> ()
    "tpu.region"() ({
      %run_scoped3A = tpu.sem_alloc : memref<!tpu.dma_semaphore, #tpu.memory_space<semaphore_mem>>
      %dma_start3A_379 = arith.constant 0 : i32
      %dma_start3A_380 = arith.constant 0 : i32
      %dma_start3A_381 = tpu.memref_slice %arg3[%add3A, %dma_start3A_379, %dma_start3A_380] : memref<32x4x128xi32, #tpu.memory_space<hbm>> -> memref<1x4x128xi32, #tpu.memory_space<hbm>>
      %dma_start3A_382 = tpu.memref_squeeze %dma_start3A_381 : memref<1x4x128xi32, #tpu.memory_space<hbm>> -> memref<4x128xi32, #tpu.memory_space<hbm>>
      %dma_start3A_383 = arith.constant 0 : i32
      %dma_start3A_384 = arith.constant 0 : i32
      %dma_start3A_385 = tpu.memref_slice %arg3[%add3A, %dma_start3A_383, %dma_start3A_384] : memref<32x4x128xi32, #tpu.memory_space<hbm>> -> memref<1x4x128xi32, #tpu.memory_space<hbm>>
      %dma_start3A_386 = tpu.memref_squeeze %dma_start3A_385 : memref<1x4x128xi32, #tpu.memory_space<hbm>> -> memref<4x128xi32, #tpu.memory_space<hbm>>
      tpu.enqueue_dma source(%dma_start3A_386 : memref<4x128xi32, #tpu.memory_space<hbm>>) target(%arg10 : memref<4x128xi32, #tpu.memory_space<vmem>>) target_semaphore(%run_scoped3A : memref<!tpu.dma_semaphore, #tpu.memory_space<semaphore_mem>>)
      %dma_wait3A_387 = arith.constant 0 : i32
      %dma_wait3A_388 = arith.constant 0 : i32
      %dma_wait3A_389 = tpu.memref_slice %arg3[%add3A, %dma_wait3A_387, %dma_wait3A_388] : memref<32x4x128xi32, #tpu.memory_space<hbm>> -> memref<1x4x128xi32, #tpu.memory_space<hbm>>
      %dma_wait3A_390 = tpu.memref_squeeze %dma_wait3A_389 : memref<1x4x128xi32, #tpu.memory_space<hbm>> -> memref<4x128xi32, #tpu.memory_space<hbm>>
      %dma_wait3A_391 = arith.constant 0 : i32
      %dma_wait3A_392 = arith.constant 0 : i32
      %dma_wait3A_393 = tpu.memref_slice %arg3[%add3A, %dma_wait3A_391, %dma_wait3A_392] : memref<32x4x128xi32, #tpu.memory_space<hbm>> -> memref<1x4x128xi32, #tpu.memory_space<hbm>>
      %dma_wait3A_394 = tpu.memref_squeeze %dma_wait3A_393 : memref<1x4x128xi32, #tpu.memory_space<hbm>> -> memref<4x128xi32, #tpu.memory_space<hbm>>
      tpu.wait_dma2 semaphore(%run_scoped3A : memref<!tpu.dma_semaphore, #tpu.memory_space<semaphore_mem>>) src(%dma_wait3A_394 : memref<4x128xi32, #tpu.memory_space<hbm>>) dst(%arg10 : memref<4x128xi32, #tpu.memory_space<vmem>>)
      tpu.yield
    }) : () -> ()
    %dma_start3A = arith.constant 0 : i32
    %dma_start3A_3 = arith.constant 0 : i32
    %dma_start3A_4 = arith.constant 0 : i32
    %dma_start3A_5 = arith.constant 0 : i32
    %dma_start3A_6 = tpu.memref_slice %arg11[%dma_start3A_3, %dma_start3A_4, %dma_start3A_5] : memref<4x128x64xf32, #tpu.memory_space<vmem>> -> memref<1x128x64xf32, #tpu.memory_space<vmem>>
    %dma_start3A_7 = tpu.memref_squeeze %dma_start3A_6 : memref<1x128x64xf32, #tpu.memory_space<vmem>> -> memref<128x64xf32, #tpu.memory_space<vmem>>
    %dma_start3A_8 = arith.constant 0 : i32
    %dma_start3A_9 = tpu.memref_slice %arg9[%dma_start3A, %dma_start3A_8] : memref<4x128xi32, #tpu.memory_space<vmem>> -> memref<1x128xi32, #tpu.memory_space<vmem>>
    %dma_start3A_10 = tpu.memref_squeeze %dma_start3A_9 : memref<1x128xi32, #tpu.memory_space<vmem>> -> memref<128xi32, #tpu.memory_space<vmem>>
    %dma_start3A_11 = arith.constant 0 : i32
    %dma_start3A_12 = arith.constant 0 : i32
    %dma_start3A_13 = tpu.memref_slice %arg4[%dma_start3A_11, %dma_start3A_12] : memref<100000x64xf32, #tpu.memory_space<hbm>> -> memref<100000x64xf32, #tpu.memory_space<hbm>>
    tpu.enqueue_indirect_dma source(%dma_start3A_13 : memref<100000x64xf32, #tpu.memory_space<hbm>>) target(%dma_start3A_7 : memref<128x64xf32, #tpu.memory_space<vmem>>) offsets(%dma_start3A_10 : memref<128xi32, #tpu.memory_space<vmem>>) semaphore(%arg17 : memref<!tpu.dma_semaphore, #tpu.memory_space<semaphore_mem>>)
    %dma_start3A_14 = arith.constant 0 : i32
    %dma_start3A_15 = arith.constant 0 : i32
    %dma_start3A_16 = arith.constant 0 : i32
    %dma_start3A_17 = arith.constant 0 : i32
    %dma_start3A_18 = tpu.memref_slice %arg12[%dma_start3A_15, %dma_start3A_16, %dma_start3A_17] : memref<4x128x64xf32, #tpu.memory_space<vmem>> -> memref<1x128x64xf32, #tpu.memory_space<vmem>>
    %dma_start3A_19 = tpu.memref_squeeze %dma_start3A_18 : memref<1x128x64xf32, #tpu.memory_space<vmem>> -> memref<128x64xf32, #tpu.memory_space<vmem>>
    %dma_start3A_20 = arith.constant 0 : i32
    %dma_start3A_21 = tpu.memref_slice %arg10[%dma_start3A_14, %dma_start3A_20] : memref<4x128xi32, #tpu.memory_space<vmem>> -> memref<1x128xi32, #tpu.memory_space<vmem>>
    %dma_start3A_22 = tpu.memref_squeeze %dma_start3A_21 : memref<1x128xi32, #tpu.memory_space<vmem>> -> memref<128xi32, #tpu.memory_space<vmem>>
    %dma_start3A_23 = arith.constant 0 : i32
    %dma_start3A_24 = arith.constant 0 : i32
    %dma_start3A_25 = tpu.memref_slice %arg5[%dma_start3A_23, %dma_start3A_24] : memref<1000000x64xf32, #tpu.memory_space<hbm>> -> memref<1000000x64xf32, #tpu.memory_space<hbm>>
    tpu.enqueue_indirect_dma source(%dma_start3A_25 : memref<1000000x64xf32, #tpu.memory_space<hbm>>) target(%dma_start3A_19 : memref<128x64xf32, #tpu.memory_space<vmem>>) offsets(%dma_start3A_22 : memref<128xi32, #tpu.memory_space<vmem>>) semaphore(%arg17 : memref<!tpu.dma_semaphore, #tpu.memory_space<semaphore_mem>>)
    %dma_start3A_26 = arith.constant 0 : i32
    %dma_start3A_27 = arith.constant 0 : i32
    %dma_start3A_28 = arith.constant 0 : i32
    %dma_start3A_29 = tpu.memref_slice %arg13[%dma_start3A_27, %dma_start3A_28] : memref<4x128xf32, #tpu.memory_space<vmem>> -> memref<1x128xf32, #tpu.memory_space<vmem>>
    %dma_start3A_30 = tpu.memref_squeeze %dma_start3A_29 : memref<1x128xf32, #tpu.memory_space<vmem>> -> memref<128xf32, #tpu.memory_space<vmem>>
    %dma_start3A_31 = arith.constant 0 : i32
    %dma_start3A_32 = tpu.memref_slice %arg9[%dma_start3A_26, %dma_start3A_31] : memref<4x128xi32, #tpu.memory_space<vmem>> -> memref<1x128xi32, #tpu.memory_space<vmem>>
    %dma_start3A_33 = tpu.memref_squeeze %dma_start3A_32 : memref<1x128xi32, #tpu.memory_space<vmem>> -> memref<128xi32, #tpu.memory_space<vmem>>
    %dma_start3A_34 = arith.constant 0 : i32
    %dma_start3A_35 = tpu.memref_slice %arg6[%dma_start3A_34] : memref<100000xf32, #tpu.memory_space<hbm>> -> memref<100000xf32, #tpu.memory_space<hbm>>
    tpu.enqueue_indirect_dma source(%dma_start3A_35 : memref<100000xf32, #tpu.memory_space<hbm>>) target(%dma_start3A_30 : memref<128xf32, #tpu.memory_space<vmem>>) offsets(%dma_start3A_33 : memref<128xi32, #tpu.memory_space<vmem>>) semaphore(%arg17 : memref<!tpu.dma_semaphore, #tpu.memory_space<semaphore_mem>>)
    %dma_start3A_36 = arith.constant 0 : i32
    %dma_start3A_37 = arith.constant 0 : i32
    %dma_start3A_38 = arith.constant 0 : i32
    %dma_start3A_39 = tpu.memref_slice %arg14[%dma_start3A_37, %dma_start3A_38] : memref<4x128xf32, #tpu.memory_space<vmem>> -> memref<1x128xf32, #tpu.memory_space<vmem>>
    %dma_start3A_40 = tpu.memref_squeeze %dma_start3A_39 : memref<1x128xf32, #tpu.memory_space<vmem>> -> memref<128xf32, #tpu.memory_space<vmem>>
    %dma_start3A_41 = arith.constant 0 : i32
    %dma_start3A_42 = tpu.memref_slice %arg10[%dma_start3A_36, %dma_start3A_41] : memref<4x128xi32, #tpu.memory_space<vmem>> -> memref<1x128xi32, #tpu.memory_space<vmem>>
    %dma_start3A_43 = tpu.memref_squeeze %dma_start3A_42 : memref<1x128xi32, #tpu.memory_space<vmem>> -> memref<128xi32, #tpu.memory_space<vmem>>
    %dma_start3A_44 = arith.constant 0 : i32
    %dma_start3A_45 = tpu.memref_slice %arg7[%dma_start3A_44] : memref<1000000xf32, #tpu.memory_space<hbm>> -> memref<1000000xf32, #tpu.memory_space<hbm>>
    tpu.enqueue_indirect_dma source(%dma_start3A_45 : memref<1000000xf32, #tpu.memory_space<hbm>>) target(%dma_start3A_40 : memref<128xf32, #tpu.memory_space<vmem>>) offsets(%dma_start3A_43 : memref<128xi32, #tpu.memory_space<vmem>>) semaphore(%arg17 : memref<!tpu.dma_semaphore, #tpu.memory_space<semaphore_mem>>)
    %dma_start3A_46 = arith.constant 1 : i32
    %dma_start3A_47 = arith.constant 1 : i32
    %dma_start3A_48 = arith.constant 0 : i32
    %dma_start3A_49 = arith.constant 0 : i32
    %dma_start3A_50 = tpu.memref_slice %arg11[%dma_start3A_47, %dma_start3A_48, %dma_start3A_49] : memref<4x128x64xf32, #tpu.memory_space<vmem>> -> memref<1x128x64xf32, #tpu.memory_space<vmem>>
    %dma_start3A_51 = tpu.memref_squeeze %dma_start3A_50 : memref<1x128x64xf32, #tpu.memory_space<vmem>> -> memref<128x64xf32, #tpu.memory_space<vmem>>
    %dma_start3A_52 = arith.constant 0 : i32
    %dma_start3A_53 = tpu.memref_slice %arg9[%dma_start3A_46, %dma_start3A_52] : memref<4x128xi32, #tpu.memory_space<vmem>> -> memref<1x128xi32, #tpu.memory_space<vmem>>
    %dma_start3A_54 = tpu.memref_squeeze %dma_start3A_53 : memref<1x128xi32, #tpu.memory_space<vmem>> -> memref<128xi32, #tpu.memory_space<vmem>>
    %dma_start3A_55 = arith.constant 0 : i32
    %dma_start3A_56 = arith.constant 0 : i32
    %dma_start3A_57 = tpu.memref_slice %arg4[%dma_start3A_55, %dma_start3A_56] : memref<100000x64xf32, #tpu.memory_space<hbm>> -> memref<100000x64xf32, #tpu.memory_space<hbm>>
    tpu.enqueue_indirect_dma source(%dma_start3A_57 : memref<100000x64xf32, #tpu.memory_space<hbm>>) target(%dma_start3A_51 : memref<128x64xf32, #tpu.memory_space<vmem>>) offsets(%dma_start3A_54 : memref<128xi32, #tpu.memory_space<vmem>>) semaphore(%arg17 : memref<!tpu.dma_semaphore, #tpu.memory_space<semaphore_mem>>)
    %dma_start3A_58 = arith.constant 1 : i32
    %dma_start3A_59 = arith.constant 1 : i32
    %dma_start3A_60 = arith.constant 0 : i32
    %dma_start3A_61 = arith.constant 0 : i32
    %dma_start3A_62 = tpu.memref_slice %arg12[%dma_start3A_59, %dma_start3A_60, %dma_start3A_61] : memref<4x128x64xf32, #tpu.memory_space<vmem>> -> memref<1x128x64xf32, #tpu.memory_space<vmem>>
    %dma_start3A_63 = tpu.memref_squeeze %dma_start3A_62 : memref<1x128x64xf32, #tpu.memory_space<vmem>> -> memref<128x64xf32, #tpu.memory_space<vmem>>
    %dma_start3A_64 = arith.constant 0 : i32
    %dma_start3A_65 = tpu.memref_slice %arg10[%dma_start3A_58, %dma_start3A_64] : memref<4x128xi32, #tpu.memory_space<vmem>> -> memref<1x128xi32, #tpu.memory_space<vmem>>
    %dma_start3A_66 = tpu.memref_squeeze %dma_start3A_65 : memref<1x128xi32, #tpu.memory_space<vmem>> -> memref<128xi32, #tpu.memory_space<vmem>>
    %dma_start3A_67 = arith.constant 0 : i32
    %dma_start3A_68 = arith.constant 0 : i32
    %dma_start3A_69 = tpu.memref_slice %arg5[%dma_start3A_67, %dma_start3A_68] : memref<1000000x64xf32, #tpu.memory_space<hbm>> -> memref<1000000x64xf32, #tpu.memory_space<hbm>>
    tpu.enqueue_indirect_dma source(%dma_start3A_69 : memref<1000000x64xf32, #tpu.memory_space<hbm>>) target(%dma_start3A_63 : memref<128x64xf32, #tpu.memory_space<vmem>>) offsets(%dma_start3A_66 : memref<128xi32, #tpu.memory_space<vmem>>) semaphore(%arg17 : memref<!tpu.dma_semaphore, #tpu.memory_space<semaphore_mem>>)
    %dma_start3A_70 = arith.constant 1 : i32
    %dma_start3A_71 = arith.constant 1 : i32
    %dma_start3A_72 = arith.constant 0 : i32
    %dma_start3A_73 = tpu.memref_slice %arg13[%dma_start3A_71, %dma_start3A_72] : memref<4x128xf32, #tpu.memory_space<vmem>> -> memref<1x128xf32, #tpu.memory_space<vmem>>
    %dma_start3A_74 = tpu.memref_squeeze %dma_start3A_73 : memref<1x128xf32, #tpu.memory_space<vmem>> -> memref<128xf32, #tpu.memory_space<vmem>>
    %dma_start3A_75 = arith.constant 0 : i32
    %dma_start3A_76 = tpu.memref_slice %arg9[%dma_start3A_70, %dma_start3A_75] : memref<4x128xi32, #tpu.memory_space<vmem>> -> memref<1x128xi32, #tpu.memory_space<vmem>>
    %dma_start3A_77 = tpu.memref_squeeze %dma_start3A_76 : memref<1x128xi32, #tpu.memory_space<vmem>> -> memref<128xi32, #tpu.memory_space<vmem>>
    %dma_start3A_78 = arith.constant 0 : i32
    %dma_start3A_79 = tpu.memref_slice %arg6[%dma_start3A_78] : memref<100000xf32, #tpu.memory_space<hbm>> -> memref<100000xf32, #tpu.memory_space<hbm>>
    tpu.enqueue_indirect_dma source(%dma_start3A_79 : memref<100000xf32, #tpu.memory_space<hbm>>) target(%dma_start3A_74 : memref<128xf32, #tpu.memory_space<vmem>>) offsets(%dma_start3A_77 : memref<128xi32, #tpu.memory_space<vmem>>) semaphore(%arg17 : memref<!tpu.dma_semaphore, #tpu.memory_space<semaphore_mem>>)
    %dma_start3A_80 = arith.constant 1 : i32
    %dma_start3A_81 = arith.constant 1 : i32
    %dma_start3A_82 = arith.constant 0 : i32
    %dma_start3A_83 = tpu.memref_slice %arg14[%dma_start3A_81, %dma_start3A_82] : memref<4x128xf32, #tpu.memory_space<vmem>> -> memref<1x128xf32, #tpu.memory_space<vmem>>
    %dma_start3A_84 = tpu.memref_squeeze %dma_start3A_83 : memref<1x128xf32, #tpu.memory_space<vmem>> -> memref<128xf32, #tpu.memory_space<vmem>>
    %dma_start3A_85 = arith.constant 0 : i32
    %dma_start3A_86 = tpu.memref_slice %arg10[%dma_start3A_80, %dma_start3A_85] : memref<4x128xi32, #tpu.memory_space<vmem>> -> memref<1x128xi32, #tpu.memory_space<vmem>>
    %dma_start3A_87 = tpu.memref_squeeze %dma_start3A_86 : memref<1x128xi32, #tpu.memory_space<vmem>> -> memref<128xi32, #tpu.memory_space<vmem>>
    %dma_start3A_88 = arith.constant 0 : i32
    %dma_start3A_89 = tpu.memref_slice %arg7[%dma_start3A_88] : memref<1000000xf32, #tpu.memory_space<hbm>> -> memref<1000000xf32, #tpu.memory_space<hbm>>
    tpu.enqueue_indirect_dma source(%dma_start3A_89 : memref<1000000xf32, #tpu.memory_space<hbm>>) target(%dma_start3A_84 : memref<128xf32, #tpu.memory_space<vmem>>) offsets(%dma_start3A_87 : memref<128xi32, #tpu.memory_space<vmem>>) semaphore(%arg17 : memref<!tpu.dma_semaphore, #tpu.memory_space<semaphore_mem>>)
    %dma_start3A_90 = arith.constant 2 : i32
    %dma_start3A_91 = arith.constant 2 : i32
    %dma_start3A_92 = arith.constant 0 : i32
    %dma_start3A_93 = arith.constant 0 : i32
    %dma_start3A_94 = tpu.memref_slice %arg11[%dma_start3A_91, %dma_start3A_92, %dma_start3A_93] : memref<4x128x64xf32, #tpu.memory_space<vmem>> -> memref<1x128x64xf32, #tpu.memory_space<vmem>>
    %dma_start3A_95 = tpu.memref_squeeze %dma_start3A_94 : memref<1x128x64xf32, #tpu.memory_space<vmem>> -> memref<128x64xf32, #tpu.memory_space<vmem>>
    %dma_start3A_96 = arith.constant 0 : i32
    %dma_start3A_97 = tpu.memref_slice %arg9[%dma_start3A_90, %dma_start3A_96] : memref<4x128xi32, #tpu.memory_space<vmem>> -> memref<1x128xi32, #tpu.memory_space<vmem>>
    %dma_start3A_98 = tpu.memref_squeeze %dma_start3A_97 : memref<1x128xi32, #tpu.memory_space<vmem>> -> memref<128xi32, #tpu.memory_space<vmem>>
    %dma_start3A_99 = arith.constant 0 : i32
    %dma_start3A_100 = arith.constant 0 : i32
    %dma_start3A_101 = tpu.memref_slice %arg4[%dma_start3A_99, %dma_start3A_100] : memref<100000x64xf32, #tpu.memory_space<hbm>> -> memref<100000x64xf32, #tpu.memory_space<hbm>>
    tpu.enqueue_indirect_dma source(%dma_start3A_101 : memref<100000x64xf32, #tpu.memory_space<hbm>>) target(%dma_start3A_95 : memref<128x64xf32, #tpu.memory_space<vmem>>) offsets(%dma_start3A_98 : memref<128xi32, #tpu.memory_space<vmem>>) semaphore(%arg17 : memref<!tpu.dma_semaphore, #tpu.memory_space<semaphore_mem>>)
    %dma_start3A_102 = arith.constant 2 : i32
    %dma_start3A_103 = arith.constant 2 : i32
    %dma_start3A_104 = arith.constant 0 : i32
    %dma_start3A_105 = arith.constant 0 : i32
    %dma_start3A_106 = tpu.memref_slice %arg12[%dma_start3A_103, %dma_start3A_104, %dma_start3A_105] : memref<4x128x64xf32, #tpu.memory_space<vmem>> -> memref<1x128x64xf32, #tpu.memory_space<vmem>>
    %dma_start3A_107 = tpu.memref_squeeze %dma_start3A_106 : memref<1x128x64xf32, #tpu.memory_space<vmem>> -> memref<128x64xf32, #tpu.memory_space<vmem>>
    %dma_start3A_108 = arith.constant 0 : i32
    %dma_start3A_109 = tpu.memref_slice %arg10[%dma_start3A_102, %dma_start3A_108] : memref<4x128xi32, #tpu.memory_space<vmem>> -> memref<1x128xi32, #tpu.memory_space<vmem>>
    %dma_start3A_110 = tpu.memref_squeeze %dma_start3A_109 : memref<1x128xi32, #tpu.memory_space<vmem>> -> memref<128xi32, #tpu.memory_space<vmem>>
    %dma_start3A_111 = arith.constant 0 : i32
    %dma_start3A_112 = arith.constant 0 : i32
    %dma_start3A_113 = tpu.memref_slice %arg5[%dma_start3A_111, %dma_start3A_112] : memref<1000000x64xf32, #tpu.memory_space<hbm>> -> memref<1000000x64xf32, #tpu.memory_space<hbm>>
    tpu.enqueue_indirect_dma source(%dma_start3A_113 : memref<1000000x64xf32, #tpu.memory_space<hbm>>) target(%dma_start3A_107 : memref<128x64xf32, #tpu.memory_space<vmem>>) offsets(%dma_start3A_110 : memref<128xi32, #tpu.memory_space<vmem>>) semaphore(%arg17 : memref<!tpu.dma_semaphore, #tpu.memory_space<semaphore_mem>>)
    %dma_start3A_114 = arith.constant 2 : i32
    %dma_start3A_115 = arith.constant 2 : i32
    %dma_start3A_116 = arith.constant 0 : i32
    %dma_start3A_117 = tpu.memref_slice %arg13[%dma_start3A_115, %dma_start3A_116] : memref<4x128xf32, #tpu.memory_space<vmem>> -> memref<1x128xf32, #tpu.memory_space<vmem>>
    %dma_start3A_118 = tpu.memref_squeeze %dma_start3A_117 : memref<1x128xf32, #tpu.memory_space<vmem>> -> memref<128xf32, #tpu.memory_space<vmem>>
    %dma_start3A_119 = arith.constant 0 : i32
    %dma_start3A_120 = tpu.memref_slice %arg9[%dma_start3A_114, %dma_start3A_119] : memref<4x128xi32, #tpu.memory_space<vmem>> -> memref<1x128xi32, #tpu.memory_space<vmem>>
    %dma_start3A_121 = tpu.memref_squeeze %dma_start3A_120 : memref<1x128xi32, #tpu.memory_space<vmem>> -> memref<128xi32, #tpu.memory_space<vmem>>
    %dma_start3A_122 = arith.constant 0 : i32
    %dma_start3A_123 = tpu.memref_slice %arg6[%dma_start3A_122] : memref<100000xf32, #tpu.memory_space<hbm>> -> memref<100000xf32, #tpu.memory_space<hbm>>
    tpu.enqueue_indirect_dma source(%dma_start3A_123 : memref<100000xf32, #tpu.memory_space<hbm>>) target(%dma_start3A_118 : memref<128xf32, #tpu.memory_space<vmem>>) offsets(%dma_start3A_121 : memref<128xi32, #tpu.memory_space<vmem>>) semaphore(%arg17 : memref<!tpu.dma_semaphore, #tpu.memory_space<semaphore_mem>>)
    %dma_start3A_124 = arith.constant 2 : i32
    %dma_start3A_125 = arith.constant 2 : i32
    %dma_start3A_126 = arith.constant 0 : i32
    %dma_start3A_127 = tpu.memref_slice %arg14[%dma_start3A_125, %dma_start3A_126] : memref<4x128xf32, #tpu.memory_space<vmem>> -> memref<1x128xf32, #tpu.memory_space<vmem>>
    %dma_start3A_128 = tpu.memref_squeeze %dma_start3A_127 : memref<1x128xf32, #tpu.memory_space<vmem>> -> memref<128xf32, #tpu.memory_space<vmem>>
    %dma_start3A_129 = arith.constant 0 : i32
    %dma_start3A_130 = tpu.memref_slice %arg10[%dma_start3A_124, %dma_start3A_129] : memref<4x128xi32, #tpu.memory_space<vmem>> -> memref<1x128xi32, #tpu.memory_space<vmem>>
    %dma_start3A_131 = tpu.memref_squeeze %dma_start3A_130 : memref<1x128xi32, #tpu.memory_space<vmem>> -> memref<128xi32, #tpu.memory_space<vmem>>
    %dma_start3A_132 = arith.constant 0 : i32
    %dma_start3A_133 = tpu.memref_slice %arg7[%dma_start3A_132] : memref<1000000xf32, #tpu.memory_space<hbm>> -> memref<1000000xf32, #tpu.memory_space<hbm>>
    tpu.enqueue_indirect_dma source(%dma_start3A_133 : memref<1000000xf32, #tpu.memory_space<hbm>>) target(%dma_start3A_128 : memref<128xf32, #tpu.memory_space<vmem>>) offsets(%dma_start3A_131 : memref<128xi32, #tpu.memory_space<vmem>>) semaphore(%arg17 : memref<!tpu.dma_semaphore, #tpu.memory_space<semaphore_mem>>)
    %dma_start3A_134 = arith.constant 3 : i32
    %dma_start3A_135 = arith.constant 3 : i32
    %dma_start3A_136 = arith.constant 0 : i32
    %dma_start3A_137 = arith.constant 0 : i32
    %dma_start3A_138 = tpu.memref_slice %arg11[%dma_start3A_135, %dma_start3A_136, %dma_start3A_137] : memref<4x128x64xf32, #tpu.memory_space<vmem>> -> memref<1x128x64xf32, #tpu.memory_space<vmem>>
    %dma_start3A_139 = tpu.memref_squeeze %dma_start3A_138 : memref<1x128x64xf32, #tpu.memory_space<vmem>> -> memref<128x64xf32, #tpu.memory_space<vmem>>
    %dma_start3A_140 = arith.constant 0 : i32
    %dma_start3A_141 = tpu.memref_slice %arg9[%dma_start3A_134, %dma_start3A_140] : memref<4x128xi32, #tpu.memory_space<vmem>> -> memref<1x128xi32, #tpu.memory_space<vmem>>
    %dma_start3A_142 = tpu.memref_squeeze %dma_start3A_141 : memref<1x128xi32, #tpu.memory_space<vmem>> -> memref<128xi32, #tpu.memory_space<vmem>>
    %dma_start3A_143 = arith.constant 0 : i32
    %dma_start3A_144 = arith.constant 0 : i32
    %dma_start3A_145 = tpu.memref_slice %arg4[%dma_start3A_143, %dma_start3A_144] : memref<100000x64xf32, #tpu.memory_space<hbm>> -> memref<100000x64xf32, #tpu.memory_space<hbm>>
    tpu.enqueue_indirect_dma source(%dma_start3A_145 : memref<100000x64xf32, #tpu.memory_space<hbm>>) target(%dma_start3A_139 : memref<128x64xf32, #tpu.memory_space<vmem>>) offsets(%dma_start3A_142 : memref<128xi32, #tpu.memory_space<vmem>>) semaphore(%arg17 : memref<!tpu.dma_semaphore, #tpu.memory_space<semaphore_mem>>)
    %dma_start3A_146 = arith.constant 3 : i32
    %dma_start3A_147 = arith.constant 3 : i32
    %dma_start3A_148 = arith.constant 0 : i32
    %dma_start3A_149 = arith.constant 0 : i32
    %dma_start3A_150 = tpu.memref_slice %arg12[%dma_start3A_147, %dma_start3A_148, %dma_start3A_149] : memref<4x128x64xf32, #tpu.memory_space<vmem>> -> memref<1x128x64xf32, #tpu.memory_space<vmem>>
    %dma_start3A_151 = tpu.memref_squeeze %dma_start3A_150 : memref<1x128x64xf32, #tpu.memory_space<vmem>> -> memref<128x64xf32, #tpu.memory_space<vmem>>
    %dma_start3A_152 = arith.constant 0 : i32
    %dma_start3A_153 = tpu.memref_slice %arg10[%dma_start3A_146, %dma_start3A_152] : memref<4x128xi32, #tpu.memory_space<vmem>> -> memref<1x128xi32, #tpu.memory_space<vmem>>
    %dma_start3A_154 = tpu.memref_squeeze %dma_start3A_153 : memref<1x128xi32, #tpu.memory_space<vmem>> -> memref<128xi32, #tpu.memory_space<vmem>>
    %dma_start3A_155 = arith.constant 0 : i32
    %dma_start3A_156 = arith.constant 0 : i32
    %dma_start3A_157 = tpu.memref_slice %arg5[%dma_start3A_155, %dma_start3A_156] : memref<1000000x64xf32, #tpu.memory_space<hbm>> -> memref<1000000x64xf32, #tpu.memory_space<hbm>>
    tpu.enqueue_indirect_dma source(%dma_start3A_157 : memref<1000000x64xf32, #tpu.memory_space<hbm>>) target(%dma_start3A_151 : memref<128x64xf32, #tpu.memory_space<vmem>>) offsets(%dma_start3A_154 : memref<128xi32, #tpu.memory_space<vmem>>) semaphore(%arg17 : memref<!tpu.dma_semaphore, #tpu.memory_space<semaphore_mem>>)
    %dma_start3A_158 = arith.constant 3 : i32
    %dma_start3A_159 = arith.constant 3 : i32
    %dma_start3A_160 = arith.constant 0 : i32
    %dma_start3A_161 = tpu.memref_slice %arg13[%dma_start3A_159, %dma_start3A_160] : memref<4x128xf32, #tpu.memory_space<vmem>> -> memref<1x128xf32, #tpu.memory_space<vmem>>
    %dma_start3A_162 = tpu.memref_squeeze %dma_start3A_161 : memref<1x128xf32, #tpu.memory_space<vmem>> -> memref<128xf32, #tpu.memory_space<vmem>>
    %dma_start3A_163 = arith.constant 0 : i32
    %dma_start3A_164 = tpu.memref_slice %arg9[%dma_start3A_158, %dma_start3A_163] : memref<4x128xi32, #tpu.memory_space<vmem>> -> memref<1x128xi32, #tpu.memory_space<vmem>>
    %dma_start3A_165 = tpu.memref_squeeze %dma_start3A_164 : memref<1x128xi32, #tpu.memory_space<vmem>> -> memref<128xi32, #tpu.memory_space<vmem>>
    %dma_start3A_166 = arith.constant 0 : i32
    %dma_start3A_167 = tpu.memref_slice %arg6[%dma_start3A_166] : memref<100000xf32, #tpu.memory_space<hbm>> -> memref<100000xf32, #tpu.memory_space<hbm>>
    tpu.enqueue_indirect_dma source(%dma_start3A_167 : memref<100000xf32, #tpu.memory_space<hbm>>) target(%dma_start3A_162 : memref<128xf32, #tpu.memory_space<vmem>>) offsets(%dma_start3A_165 : memref<128xi32, #tpu.memory_space<vmem>>) semaphore(%arg17 : memref<!tpu.dma_semaphore, #tpu.memory_space<semaphore_mem>>)
    %dma_start3A_168 = arith.constant 3 : i32
    %dma_start3A_169 = arith.constant 3 : i32
    %dma_start3A_170 = arith.constant 0 : i32
    %dma_start3A_171 = tpu.memref_slice %arg14[%dma_start3A_169, %dma_start3A_170] : memref<4x128xf32, #tpu.memory_space<vmem>> -> memref<1x128xf32, #tpu.memory_space<vmem>>
    %dma_start3A_172 = tpu.memref_squeeze %dma_start3A_171 : memref<1x128xf32, #tpu.memory_space<vmem>> -> memref<128xf32, #tpu.memory_space<vmem>>
    %dma_start3A_173 = arith.constant 0 : i32
    %dma_start3A_174 = tpu.memref_slice %arg10[%dma_start3A_168, %dma_start3A_173] : memref<4x128xi32, #tpu.memory_space<vmem>> -> memref<1x128xi32, #tpu.memory_space<vmem>>
    %dma_start3A_175 = tpu.memref_squeeze %dma_start3A_174 : memref<1x128xi32, #tpu.memory_space<vmem>> -> memref<128xi32, #tpu.memory_space<vmem>>
    %dma_start3A_176 = arith.constant 0 : i32
    %dma_start3A_177 = tpu.memref_slice %arg7[%dma_start3A_176] : memref<1000000xf32, #tpu.memory_space<hbm>> -> memref<1000000xf32, #tpu.memory_space<hbm>>
    tpu.enqueue_indirect_dma source(%dma_start3A_177 : memref<1000000xf32, #tpu.memory_space<hbm>>) target(%dma_start3A_172 : memref<128xf32, #tpu.memory_space<vmem>>) offsets(%dma_start3A_175 : memref<128xi32, #tpu.memory_space<vmem>>) semaphore(%arg17 : memref<!tpu.dma_semaphore, #tpu.memory_space<semaphore_mem>>)
    %dma_wait3A = arith.constant 0 : i32
    %dma_wait3A_178 = arith.constant 0 : i32
    %dma_wait3A_179 = arith.constant 0 : i32
    %dma_wait3A_180 = arith.constant 0 : i32
    %dma_wait3A_181 = tpu.memref_slice %arg11[%dma_wait3A_178, %dma_wait3A_179, %dma_wait3A_180] : memref<4x128x64xf32, #tpu.memory_space<vmem>> -> memref<1x128x64xf32, #tpu.memory_space<vmem>>
    %dma_wait3A_182 = tpu.memref_squeeze %dma_wait3A_181 : memref<1x128x64xf32, #tpu.memory_space<vmem>> -> memref<128x64xf32, #tpu.memory_space<vmem>>
    %dma_wait3A_183 = arith.constant 0 : i32
    %dma_wait3A_184 = tpu.memref_slice %arg9[%dma_wait3A, %dma_wait3A_183] : memref<4x128xi32, #tpu.memory_space<vmem>> -> memref<1x128xi32, #tpu.memory_space<vmem>>
    %dma_wait3A_185 = tpu.memref_squeeze %dma_wait3A_184 : memref<1x128xi32, #tpu.memory_space<vmem>> -> memref<128xi32, #tpu.memory_space<vmem>>
    %dma_wait3A_186 = arith.constant 0 : i32
    %dma_wait3A_187 = arith.constant 0 : i32
    %dma_wait3A_188 = tpu.memref_slice %arg4[%dma_wait3A_186, %dma_wait3A_187] : memref<100000x64xf32, #tpu.memory_space<hbm>> -> memref<100000x64xf32, #tpu.memory_space<hbm>>
    tpu.wait_indirect_dma semaphore(%arg17 : memref<!tpu.dma_semaphore, #tpu.memory_space<semaphore_mem>>) src(%dma_wait3A_188 : memref<100000x64xf32, #tpu.memory_space<hbm>>) dst(%dma_wait3A_182 : memref<128x64xf32, #tpu.memory_space<vmem>>)
    %dma_wait3A_189 = arith.constant 0 : i32
    %dma_wait3A_190 = arith.constant 0 : i32
    %dma_wait3A_191 = arith.constant 0 : i32
    %dma_wait3A_192 = arith.constant 0 : i32
    %dma_wait3A_193 = tpu.memref_slice %arg12[%dma_wait3A_190, %dma_wait3A_191, %dma_wait3A_192] : memref<4x128x64xf32, #tpu.memory_space<vmem>> -> memref<1x128x64xf32, #tpu.memory_space<vmem>>
    %dma_wait3A_194 = tpu.memref_squeeze %dma_wait3A_193 : memref<1x128x64xf32, #tpu.memory_space<vmem>> -> memref<128x64xf32, #tpu.memory_space<vmem>>
    %dma_wait3A_195 = arith.constant 0 : i32
    %dma_wait3A_196 = tpu.memref_slice %arg10[%dma_wait3A_189, %dma_wait3A_195] : memref<4x128xi32, #tpu.memory_space<vmem>> -> memref<1x128xi32, #tpu.memory_space<vmem>>
    %dma_wait3A_197 = tpu.memref_squeeze %dma_wait3A_196 : memref<1x128xi32, #tpu.memory_space<vmem>> -> memref<128xi32, #tpu.memory_space<vmem>>
    %dma_wait3A_198 = arith.constant 0 : i32
    %dma_wait3A_199 = arith.constant 0 : i32
    %dma_wait3A_200 = tpu.memref_slice %arg5[%dma_wait3A_198, %dma_wait3A_199] : memref<1000000x64xf32, #tpu.memory_space<hbm>> -> memref<1000000x64xf32, #tpu.memory_space<hbm>>
    tpu.wait_indirect_dma semaphore(%arg17 : memref<!tpu.dma_semaphore, #tpu.memory_space<semaphore_mem>>) src(%dma_wait3A_200 : memref<1000000x64xf32, #tpu.memory_space<hbm>>) dst(%dma_wait3A_194 : memref<128x64xf32, #tpu.memory_space<vmem>>)
    %dma_wait3A_201 = arith.constant 0 : i32
    %dma_wait3A_202 = arith.constant 0 : i32
    %dma_wait3A_203 = arith.constant 0 : i32
    %dma_wait3A_204 = tpu.memref_slice %arg13[%dma_wait3A_202, %dma_wait3A_203] : memref<4x128xf32, #tpu.memory_space<vmem>> -> memref<1x128xf32, #tpu.memory_space<vmem>>
    %dma_wait3A_205 = tpu.memref_squeeze %dma_wait3A_204 : memref<1x128xf32, #tpu.memory_space<vmem>> -> memref<128xf32, #tpu.memory_space<vmem>>
    %dma_wait3A_206 = arith.constant 0 : i32
    %dma_wait3A_207 = tpu.memref_slice %arg9[%dma_wait3A_201, %dma_wait3A_206] : memref<4x128xi32, #tpu.memory_space<vmem>> -> memref<1x128xi32, #tpu.memory_space<vmem>>
    %dma_wait3A_208 = tpu.memref_squeeze %dma_wait3A_207 : memref<1x128xi32, #tpu.memory_space<vmem>> -> memref<128xi32, #tpu.memory_space<vmem>>
    %dma_wait3A_209 = arith.constant 0 : i32
    %dma_wait3A_210 = tpu.memref_slice %arg6[%dma_wait3A_209] : memref<100000xf32, #tpu.memory_space<hbm>> -> memref<100000xf32, #tpu.memory_space<hbm>>
    tpu.wait_indirect_dma semaphore(%arg17 : memref<!tpu.dma_semaphore, #tpu.memory_space<semaphore_mem>>) src(%dma_wait3A_210 : memref<100000xf32, #tpu.memory_space<hbm>>) dst(%dma_wait3A_205 : memref<128xf32, #tpu.memory_space<vmem>>)
    %dma_wait3A_211 = arith.constant 0 : i32
    %dma_wait3A_212 = arith.constant 0 : i32
    %dma_wait3A_213 = arith.constant 0 : i32
    %dma_wait3A_214 = tpu.memref_slice %arg14[%dma_wait3A_212, %dma_wait3A_213] : memref<4x128xf32, #tpu.memory_space<vmem>> -> memref<1x128xf32, #tpu.memory_space<vmem>>
    %dma_wait3A_215 = tpu.memref_squeeze %dma_wait3A_214 : memref<1x128xf32, #tpu.memory_space<vmem>> -> memref<128xf32, #tpu.memory_space<vmem>>
    %dma_wait3A_216 = arith.constant 0 : i32
    %dma_wait3A_217 = tpu.memref_slice %arg10[%dma_wait3A_211, %dma_wait3A_216] : memref<4x128xi32, #tpu.memory_space<vmem>> -> memref<1x128xi32, #tpu.memory_space<vmem>>
    %dma_wait3A_218 = tpu.memref_squeeze %dma_wait3A_217 : memref<1x128xi32, #tpu.memory_space<vmem>> -> memref<128xi32, #tpu.memory_space<vmem>>
    %dma_wait3A_219 = arith.constant 0 : i32
    %dma_wait3A_220 = tpu.memref_slice %arg7[%dma_wait3A_219] : memref<1000000xf32, #tpu.memory_space<hbm>> -> memref<1000000xf32, #tpu.memory_space<hbm>>
    tpu.wait_indirect_dma semaphore(%arg17 : memref<!tpu.dma_semaphore, #tpu.memory_space<semaphore_mem>>) src(%dma_wait3A_220 : memref<1000000xf32, #tpu.memory_space<hbm>>) dst(%dma_wait3A_215 : memref<128xf32, #tpu.memory_space<vmem>>)
    %dma_wait3A_221 = arith.constant 1 : i32
    %dma_wait3A_222 = arith.constant 1 : i32
    %dma_wait3A_223 = arith.constant 0 : i32
    %dma_wait3A_224 = arith.constant 0 : i32
    %dma_wait3A_225 = tpu.memref_slice %arg11[%dma_wait3A_222, %dma_wait3A_223, %dma_wait3A_224] : memref<4x128x64xf32, #tpu.memory_space<vmem>> -> memref<1x128x64xf32, #tpu.memory_space<vmem>>
    %dma_wait3A_226 = tpu.memref_squeeze %dma_wait3A_225 : memref<1x128x64xf32, #tpu.memory_space<vmem>> -> memref<128x64xf32, #tpu.memory_space<vmem>>
    %dma_wait3A_227 = arith.constant 0 : i32
    %dma_wait3A_228 = tpu.memref_slice %arg9[%dma_wait3A_221, %dma_wait3A_227] : memref<4x128xi32, #tpu.memory_space<vmem>> -> memref<1x128xi32, #tpu.memory_space<vmem>>
    %dma_wait3A_229 = tpu.memref_squeeze %dma_wait3A_228 : memref<1x128xi32, #tpu.memory_space<vmem>> -> memref<128xi32, #tpu.memory_space<vmem>>
    %dma_wait3A_230 = arith.constant 0 : i32
    %dma_wait3A_231 = arith.constant 0 : i32
    %dma_wait3A_232 = tpu.memref_slice %arg4[%dma_wait3A_230, %dma_wait3A_231] : memref<100000x64xf32, #tpu.memory_space<hbm>> -> memref<100000x64xf32, #tpu.memory_space<hbm>>
    tpu.wait_indirect_dma semaphore(%arg17 : memref<!tpu.dma_semaphore, #tpu.memory_space<semaphore_mem>>) src(%dma_wait3A_232 : memref<100000x64xf32, #tpu.memory_space<hbm>>) dst(%dma_wait3A_226 : memref<128x64xf32, #tpu.memory_space<vmem>>)
    %dma_wait3A_233 = arith.constant 1 : i32
    %dma_wait3A_234 = arith.constant 1 : i32
    %dma_wait3A_235 = arith.constant 0 : i32
    %dma_wait3A_236 = arith.constant 0 : i32
    %dma_wait3A_237 = tpu.memref_slice %arg12[%dma_wait3A_234, %dma_wait3A_235, %dma_wait3A_236] : memref<4x128x64xf32, #tpu.memory_space<vmem>> -> memref<1x128x64xf32, #tpu.memory_space<vmem>>
    %dma_wait3A_238 = tpu.memref_squeeze %dma_wait3A_237 : memref<1x128x64xf32, #tpu.memory_space<vmem>> -> memref<128x64xf32, #tpu.memory_space<vmem>>
    %dma_wait3A_239 = arith.constant 0 : i32
    %dma_wait3A_240 = tpu.memref_slice %arg10[%dma_wait3A_233, %dma_wait3A_239] : memref<4x128xi32, #tpu.memory_space<vmem>> -> memref<1x128xi32, #tpu.memory_space<vmem>>
    %dma_wait3A_241 = tpu.memref_squeeze %dma_wait3A_240 : memref<1x128xi32, #tpu.memory_space<vmem>> -> memref<128xi32, #tpu.memory_space<vmem>>
    %dma_wait3A_242 = arith.constant 0 : i32
    %dma_wait3A_243 = arith.constant 0 : i32
    %dma_wait3A_244 = tpu.memref_slice %arg5[%dma_wait3A_242, %dma_wait3A_243] : memref<1000000x64xf32, #tpu.memory_space<hbm>> -> memref<1000000x64xf32, #tpu.memory_space<hbm>>
    tpu.wait_indirect_dma semaphore(%arg17 : memref<!tpu.dma_semaphore, #tpu.memory_space<semaphore_mem>>) src(%dma_wait3A_244 : memref<1000000x64xf32, #tpu.memory_space<hbm>>) dst(%dma_wait3A_238 : memref<128x64xf32, #tpu.memory_space<vmem>>)
    %dma_wait3A_245 = arith.constant 1 : i32
    %dma_wait3A_246 = arith.constant 1 : i32
    %dma_wait3A_247 = arith.constant 0 : i32
    %dma_wait3A_248 = tpu.memref_slice %arg13[%dma_wait3A_246, %dma_wait3A_247] : memref<4x128xf32, #tpu.memory_space<vmem>> -> memref<1x128xf32, #tpu.memory_space<vmem>>
    %dma_wait3A_249 = tpu.memref_squeeze %dma_wait3A_248 : memref<1x128xf32, #tpu.memory_space<vmem>> -> memref<128xf32, #tpu.memory_space<vmem>>
    %dma_wait3A_250 = arith.constant 0 : i32
    %dma_wait3A_251 = tpu.memref_slice %arg9[%dma_wait3A_245, %dma_wait3A_250] : memref<4x128xi32, #tpu.memory_space<vmem>> -> memref<1x128xi32, #tpu.memory_space<vmem>>
    %dma_wait3A_252 = tpu.memref_squeeze %dma_wait3A_251 : memref<1x128xi32, #tpu.memory_space<vmem>> -> memref<128xi32, #tpu.memory_space<vmem>>
    %dma_wait3A_253 = arith.constant 0 : i32
    %dma_wait3A_254 = tpu.memref_slice %arg6[%dma_wait3A_253] : memref<100000xf32, #tpu.memory_space<hbm>> -> memref<100000xf32, #tpu.memory_space<hbm>>
    tpu.wait_indirect_dma semaphore(%arg17 : memref<!tpu.dma_semaphore, #tpu.memory_space<semaphore_mem>>) src(%dma_wait3A_254 : memref<100000xf32, #tpu.memory_space<hbm>>) dst(%dma_wait3A_249 : memref<128xf32, #tpu.memory_space<vmem>>)
    %dma_wait3A_255 = arith.constant 1 : i32
    %dma_wait3A_256 = arith.constant 1 : i32
    %dma_wait3A_257 = arith.constant 0 : i32
    %dma_wait3A_258 = tpu.memref_slice %arg14[%dma_wait3A_256, %dma_wait3A_257] : memref<4x128xf32, #tpu.memory_space<vmem>> -> memref<1x128xf32, #tpu.memory_space<vmem>>
    %dma_wait3A_259 = tpu.memref_squeeze %dma_wait3A_258 : memref<1x128xf32, #tpu.memory_space<vmem>> -> memref<128xf32, #tpu.memory_space<vmem>>
    %dma_wait3A_260 = arith.constant 0 : i32
    %dma_wait3A_261 = tpu.memref_slice %arg10[%dma_wait3A_255, %dma_wait3A_260] : memref<4x128xi32, #tpu.memory_space<vmem>> -> memref<1x128xi32, #tpu.memory_space<vmem>>
    %dma_wait3A_262 = tpu.memref_squeeze %dma_wait3A_261 : memref<1x128xi32, #tpu.memory_space<vmem>> -> memref<128xi32, #tpu.memory_space<vmem>>
    %dma_wait3A_263 = arith.constant 0 : i32
    %dma_wait3A_264 = tpu.memref_slice %arg7[%dma_wait3A_263] : memref<1000000xf32, #tpu.memory_space<hbm>> -> memref<1000000xf32, #tpu.memory_space<hbm>>
    tpu.wait_indirect_dma semaphore(%arg17 : memref<!tpu.dma_semaphore, #tpu.memory_space<semaphore_mem>>) src(%dma_wait3A_264 : memref<1000000xf32, #tpu.memory_space<hbm>>) dst(%dma_wait3A_259 : memref<128xf32, #tpu.memory_space<vmem>>)
    %dma_wait3A_265 = arith.constant 2 : i32
    %dma_wait3A_266 = arith.constant 2 : i32
    %dma_wait3A_267 = arith.constant 0 : i32
    %dma_wait3A_268 = arith.constant 0 : i32
    %dma_wait3A_269 = tpu.memref_slice %arg11[%dma_wait3A_266, %dma_wait3A_267, %dma_wait3A_268] : memref<4x128x64xf32, #tpu.memory_space<vmem>> -> memref<1x128x64xf32, #tpu.memory_space<vmem>>
    %dma_wait3A_270 = tpu.memref_squeeze %dma_wait3A_269 : memref<1x128x64xf32, #tpu.memory_space<vmem>> -> memref<128x64xf32, #tpu.memory_space<vmem>>
    %dma_wait3A_271 = arith.constant 0 : i32
    %dma_wait3A_272 = tpu.memref_slice %arg9[%dma_wait3A_265, %dma_wait3A_271] : memref<4x128xi32, #tpu.memory_space<vmem>> -> memref<1x128xi32, #tpu.memory_space<vmem>>
    %dma_wait3A_273 = tpu.memref_squeeze %dma_wait3A_272 : memref<1x128xi32, #tpu.memory_space<vmem>> -> memref<128xi32, #tpu.memory_space<vmem>>
    %dma_wait3A_274 = arith.constant 0 : i32
    %dma_wait3A_275 = arith.constant 0 : i32
    %dma_wait3A_276 = tpu.memref_slice %arg4[%dma_wait3A_274, %dma_wait3A_275] : memref<100000x64xf32, #tpu.memory_space<hbm>> -> memref<100000x64xf32, #tpu.memory_space<hbm>>
    tpu.wait_indirect_dma semaphore(%arg17 : memref<!tpu.dma_semaphore, #tpu.memory_space<semaphore_mem>>) src(%dma_wait3A_276 : memref<100000x64xf32, #tpu.memory_space<hbm>>) dst(%dma_wait3A_270 : memref<128x64xf32, #tpu.memory_space<vmem>>)
    %dma_wait3A_277 = arith.constant 2 : i32
    %dma_wait3A_278 = arith.constant 2 : i32
    %dma_wait3A_279 = arith.constant 0 : i32
    %dma_wait3A_280 = arith.constant 0 : i32
    %dma_wait3A_281 = tpu.memref_slice %arg12[%dma_wait3A_278, %dma_wait3A_279, %dma_wait3A_280] : memref<4x128x64xf32, #tpu.memory_space<vmem>> -> memref<1x128x64xf32, #tpu.memory_space<vmem>>
    %dma_wait3A_282 = tpu.memref_squeeze %dma_wait3A_281 : memref<1x128x64xf32, #tpu.memory_space<vmem>> -> memref<128x64xf32, #tpu.memory_space<vmem>>
    %dma_wait3A_283 = arith.constant 0 : i32
    %dma_wait3A_284 = tpu.memref_slice %arg10[%dma_wait3A_277, %dma_wait3A_283] : memref<4x128xi32, #tpu.memory_space<vmem>> -> memref<1x128xi32, #tpu.memory_space<vmem>>
    %dma_wait3A_285 = tpu.memref_squeeze %dma_wait3A_284 : memref<1x128xi32, #tpu.memory_space<vmem>> -> memref<128xi32, #tpu.memory_space<vmem>>
    %dma_wait3A_286 = arith.constant 0 : i32
    %dma_wait3A_287 = arith.constant 0 : i32
    %dma_wait3A_288 = tpu.memref_slice %arg5[%dma_wait3A_286, %dma_wait3A_287] : memref<1000000x64xf32, #tpu.memory_space<hbm>> -> memref<1000000x64xf32, #tpu.memory_space<hbm>>
    tpu.wait_indirect_dma semaphore(%arg17 : memref<!tpu.dma_semaphore, #tpu.memory_space<semaphore_mem>>) src(%dma_wait3A_288 : memref<1000000x64xf32, #tpu.memory_space<hbm>>) dst(%dma_wait3A_282 : memref<128x64xf32, #tpu.memory_space<vmem>>)
    %dma_wait3A_289 = arith.constant 2 : i32
    %dma_wait3A_290 = arith.constant 2 : i32
    %dma_wait3A_291 = arith.constant 0 : i32
    %dma_wait3A_292 = tpu.memref_slice %arg13[%dma_wait3A_290, %dma_wait3A_291] : memref<4x128xf32, #tpu.memory_space<vmem>> -> memref<1x128xf32, #tpu.memory_space<vmem>>
    %dma_wait3A_293 = tpu.memref_squeeze %dma_wait3A_292 : memref<1x128xf32, #tpu.memory_space<vmem>> -> memref<128xf32, #tpu.memory_space<vmem>>
    %dma_wait3A_294 = arith.constant 0 : i32
    %dma_wait3A_295 = tpu.memref_slice %arg9[%dma_wait3A_289, %dma_wait3A_294] : memref<4x128xi32, #tpu.memory_space<vmem>> -> memref<1x128xi32, #tpu.memory_space<vmem>>
    %dma_wait3A_296 = tpu.memref_squeeze %dma_wait3A_295 : memref<1x128xi32, #tpu.memory_space<vmem>> -> memref<128xi32, #tpu.memory_space<vmem>>
    %dma_wait3A_297 = arith.constant 0 : i32
    %dma_wait3A_298 = tpu.memref_slice %arg6[%dma_wait3A_297] : memref<100000xf32, #tpu.memory_space<hbm>> -> memref<100000xf32, #tpu.memory_space<hbm>>
    tpu.wait_indirect_dma semaphore(%arg17 : memref<!tpu.dma_semaphore, #tpu.memory_space<semaphore_mem>>) src(%dma_wait3A_298 : memref<100000xf32, #tpu.memory_space<hbm>>) dst(%dma_wait3A_293 : memref<128xf32, #tpu.memory_space<vmem>>)
    %dma_wait3A_299 = arith.constant 2 : i32
    %dma_wait3A_300 = arith.constant 2 : i32
    %dma_wait3A_301 = arith.constant 0 : i32
    %dma_wait3A_302 = tpu.memref_slice %arg14[%dma_wait3A_300, %dma_wait3A_301] : memref<4x128xf32, #tpu.memory_space<vmem>> -> memref<1x128xf32, #tpu.memory_space<vmem>>
    %dma_wait3A_303 = tpu.memref_squeeze %dma_wait3A_302 : memref<1x128xf32, #tpu.memory_space<vmem>> -> memref<128xf32, #tpu.memory_space<vmem>>
    %dma_wait3A_304 = arith.constant 0 : i32
    %dma_wait3A_305 = tpu.memref_slice %arg10[%dma_wait3A_299, %dma_wait3A_304] : memref<4x128xi32, #tpu.memory_space<vmem>> -> memref<1x128xi32, #tpu.memory_space<vmem>>
    %dma_wait3A_306 = tpu.memref_squeeze %dma_wait3A_305 : memref<1x128xi32, #tpu.memory_space<vmem>> -> memref<128xi32, #tpu.memory_space<vmem>>
    %dma_wait3A_307 = arith.constant 0 : i32
    %dma_wait3A_308 = tpu.memref_slice %arg7[%dma_wait3A_307] : memref<1000000xf32, #tpu.memory_space<hbm>> -> memref<1000000xf32, #tpu.memory_space<hbm>>
    tpu.wait_indirect_dma semaphore(%arg17 : memref<!tpu.dma_semaphore, #tpu.memory_space<semaphore_mem>>) src(%dma_wait3A_308 : memref<1000000xf32, #tpu.memory_space<hbm>>) dst(%dma_wait3A_303 : memref<128xf32, #tpu.memory_space<vmem>>)
    %dma_wait3A_309 = arith.constant 3 : i32
    %dma_wait3A_310 = arith.constant 3 : i32
    %dma_wait3A_311 = arith.constant 0 : i32
    %dma_wait3A_312 = arith.constant 0 : i32
    %dma_wait3A_313 = tpu.memref_slice %arg11[%dma_wait3A_310, %dma_wait3A_311, %dma_wait3A_312] : memref<4x128x64xf32, #tpu.memory_space<vmem>> -> memref<1x128x64xf32, #tpu.memory_space<vmem>>
    %dma_wait3A_314 = tpu.memref_squeeze %dma_wait3A_313 : memref<1x128x64xf32, #tpu.memory_space<vmem>> -> memref<128x64xf32, #tpu.memory_space<vmem>>
    %dma_wait3A_315 = arith.constant 0 : i32
    %dma_wait3A_316 = tpu.memref_slice %arg9[%dma_wait3A_309, %dma_wait3A_315] : memref<4x128xi32, #tpu.memory_space<vmem>> -> memref<1x128xi32, #tpu.memory_space<vmem>>
    %dma_wait3A_317 = tpu.memref_squeeze %dma_wait3A_316 : memref<1x128xi32, #tpu.memory_space<vmem>> -> memref<128xi32, #tpu.memory_space<vmem>>
    %dma_wait3A_318 = arith.constant 0 : i32
    %dma_wait3A_319 = arith.constant 0 : i32
    %dma_wait3A_320 = tpu.memref_slice %arg4[%dma_wait3A_318, %dma_wait3A_319] : memref<100000x64xf32, #tpu.memory_space<hbm>> -> memref<100000x64xf32, #tpu.memory_space<hbm>>
    tpu.wait_indirect_dma semaphore(%arg17 : memref<!tpu.dma_semaphore, #tpu.memory_space<semaphore_mem>>) src(%dma_wait3A_320 : memref<100000x64xf32, #tpu.memory_space<hbm>>) dst(%dma_wait3A_314 : memref<128x64xf32, #tpu.memory_space<vmem>>)
    %dma_wait3A_321 = arith.constant 3 : i32
    %dma_wait3A_322 = arith.constant 3 : i32
    %dma_wait3A_323 = arith.constant 0 : i32
    %dma_wait3A_324 = arith.constant 0 : i32
    %dma_wait3A_325 = tpu.memref_slice %arg12[%dma_wait3A_322, %dma_wait3A_323, %dma_wait3A_324] : memref<4x128x64xf32, #tpu.memory_space<vmem>> -> memref<1x128x64xf32, #tpu.memory_space<vmem>>
    %dma_wait3A_326 = tpu.memref_squeeze %dma_wait3A_325 : memref<1x128x64xf32, #tpu.memory_space<vmem>> -> memref<128x64xf32, #tpu.memory_space<vmem>>
    %dma_wait3A_327 = arith.constant 0 : i32
    %dma_wait3A_328 = tpu.memref_slice %arg10[%dma_wait3A_321, %dma_wait3A_327] : memref<4x128xi32, #tpu.memory_space<vmem>> -> memref<1x128xi32, #tpu.memory_space<vmem>>
    %dma_wait3A_329 = tpu.memref_squeeze %dma_wait3A_328 : memref<1x128xi32, #tpu.memory_space<vmem>> -> memref<128xi32, #tpu.memory_space<vmem>>
    %dma_wait3A_330 = arith.constant 0 : i32
    %dma_wait3A_331 = arith.constant 0 : i32
    %dma_wait3A_332 = tpu.memref_slice %arg5[%dma_wait3A_330, %dma_wait3A_331] : memref<1000000x64xf32, #tpu.memory_space<hbm>> -> memref<1000000x64xf32, #tpu.memory_space<hbm>>
    tpu.wait_indirect_dma semaphore(%arg17 : memref<!tpu.dma_semaphore, #tpu.memory_space<semaphore_mem>>) src(%dma_wait3A_332 : memref<1000000x64xf32, #tpu.memory_space<hbm>>) dst(%dma_wait3A_326 : memref<128x64xf32, #tpu.memory_space<vmem>>)
    %dma_wait3A_333 = arith.constant 3 : i32
    %dma_wait3A_334 = arith.constant 3 : i32
    %dma_wait3A_335 = arith.constant 0 : i32
    %dma_wait3A_336 = tpu.memref_slice %arg13[%dma_wait3A_334, %dma_wait3A_335] : memref<4x128xf32, #tpu.memory_space<vmem>> -> memref<1x128xf32, #tpu.memory_space<vmem>>
    %dma_wait3A_337 = tpu.memref_squeeze %dma_wait3A_336 : memref<1x128xf32, #tpu.memory_space<vmem>> -> memref<128xf32, #tpu.memory_space<vmem>>
    %dma_wait3A_338 = arith.constant 0 : i32
    %dma_wait3A_339 = tpu.memref_slice %arg9[%dma_wait3A_333, %dma_wait3A_338] : memref<4x128xi32, #tpu.memory_space<vmem>> -> memref<1x128xi32, #tpu.memory_space<vmem>>
    %dma_wait3A_340 = tpu.memref_squeeze %dma_wait3A_339 : memref<1x128xi32, #tpu.memory_space<vmem>> -> memref<128xi32, #tpu.memory_space<vmem>>
    %dma_wait3A_341 = arith.constant 0 : i32
    %dma_wait3A_342 = tpu.memref_slice %arg6[%dma_wait3A_341] : memref<100000xf32, #tpu.memory_space<hbm>> -> memref<100000xf32, #tpu.memory_space<hbm>>
    tpu.wait_indirect_dma semaphore(%arg17 : memref<!tpu.dma_semaphore, #tpu.memory_space<semaphore_mem>>) src(%dma_wait3A_342 : memref<100000xf32, #tpu.memory_space<hbm>>) dst(%dma_wait3A_337 : memref<128xf32, #tpu.memory_space<vmem>>)
    %dma_wait3A_343 = arith.constant 3 : i32
    %dma_wait3A_344 = arith.constant 3 : i32
    %dma_wait3A_345 = arith.constant 0 : i32
    %dma_wait3A_346 = tpu.memref_slice %arg14[%dma_wait3A_344, %dma_wait3A_345] : memref<4x128xf32, #tpu.memory_space<vmem>> -> memref<1x128xf32, #tpu.memory_space<vmem>>
    %dma_wait3A_347 = tpu.memref_squeeze %dma_wait3A_346 : memref<1x128xf32, #tpu.memory_space<vmem>> -> memref<128xf32, #tpu.memory_space<vmem>>
    %dma_wait3A_348 = arith.constant 0 : i32
    %dma_wait3A_349 = tpu.memref_slice %arg10[%dma_wait3A_343, %dma_wait3A_348] : memref<4x128xi32, #tpu.memory_space<vmem>> -> memref<1x128xi32, #tpu.memory_space<vmem>>
    %dma_wait3A_350 = tpu.memref_squeeze %dma_wait3A_349 : memref<1x128xi32, #tpu.memory_space<vmem>> -> memref<128xi32, #tpu.memory_space<vmem>>
    %dma_wait3A_351 = arith.constant 0 : i32
    %dma_wait3A_352 = tpu.memref_slice %arg7[%dma_wait3A_351] : memref<1000000xf32, #tpu.memory_space<hbm>> -> memref<1000000xf32, #tpu.memory_space<hbm>>
    tpu.wait_indirect_dma semaphore(%arg17 : memref<!tpu.dma_semaphore, #tpu.memory_space<semaphore_mem>>) src(%dma_wait3A_352 : memref<1000000xf32, #tpu.memory_space<hbm>>) dst(%dma_wait3A_347 : memref<128xf32, #tpu.memory_space<vmem>>)
    %iota3A = tpu.iota {dimensions = array<i32: 0>} : vector<16xi32>
    %mul3A_353 = arith.constant 17 : i32
    %mul3A_354 = vector.broadcast %mul3A_353 : i32 to vector<16xi32>
    %mul3A_355 = arith.muli %iota3A, %mul3A_354 : vector<16xi32>
    %scan3A = arith.constant 0 : i32
    %scan3A_356 = arith.constant 0 : i32
    %scan3A_357 = arith.constant 8 : i32
    %scan3A_358 = arith.addi %scan3A_356, %scan3A_357 : i32
    %scan3A_359 = arith.constant 1 : i32
    scf.for %scan3A_379 = %scan3A_356 to %scan3A_358 step %scan3A_359  : i32 {
      %mul3A_380 = arith.constant 16 : i32
      %mul3A_381 = arith.muli %scan3A_379, %mul3A_380 : i32
      %add3A_382 = arith.constant 0 : i32
      %add3A_383 = arith.addi %mul3A_381, %add3A_382 : i32
      %get3A = arith.constant 0 : i32
      %get3A_384 = arith.index_cast %get3A : i32 to index
      %get3A_385 = arith.index_cast %add3A_383 : i32 to index
      %get3A_386 = arith.constant 0 : index
      %get3A_387 = tpu.vector_load %arg11[%get3A_384, %get3A_385, %get3A_386] {strides = array<i32>} : memref<4x128x64xf32, #tpu.memory_space<vmem>>, vector<16xf32>,
      %get3A_388 = arith.constant 0 : i32
      %get3A_389 = arith.index_cast %get3A_388 : i32 to index
      %get3A_390 = arith.index_cast %add3A_383 : i32 to index
      %get3A_391 = arith.constant 0 : index
      %get3A_392 = tpu.vector_load %arg12[%get3A_389, %get3A_390, %get3A_391] {strides = array<i32>} : memref<4x128x64xf32, #tpu.memory_space<vmem>>, vector<16xf32>,
      %mul3A_393 = arith.mulf %get3A_387, %get3A_392 : vector<16xf32>
      %get3A_394 = arith.constant 0 : i32
      %get3A_395 = arith.index_cast %get3A_394 : i32 to index
      %get3A_396 = arith.index_cast %add3A_383 : i32 to index
      %get3A_397 = arith.constant 16 : index
      %get3A_398 = tpu.vector_load %arg11[%get3A_395, %get3A_396, %get3A_397] {strides = array<i32>} : memref<4x128x64xf32, #tpu.memory_space<vmem>>, vector<16xf32>,
      %get3A_399 = arith.constant 0 : i32
      %get3A_400 = arith.index_cast %get3A_399 : i32 to index
      %get3A_401 = arith.index_cast %add3A_383 : i32 to index
      %get3A_402 = arith.constant 16 : index
      %get3A_403 = tpu.vector_load %arg12[%get3A_400, %get3A_401, %get3A_402] {strides = array<i32>} : memref<4x128x64xf32, #tpu.memory_space<vmem>>, vector<16xf32>,
      %mul3A_404 = arith.mulf %get3A_398, %get3A_403 : vector<16xf32>
      %get3A_405 = arith.constant 0 : i32
      %get3A_406 = arith.index_cast %get3A_405 : i32 to index
      %get3A_407 = arith.index_cast %add3A_383 : i32 to index
      %get3A_408 = arith.constant 32 : index
      %get3A_409 = tpu.vector_load %arg11[%get3A_406, %get3A_407, %get3A_408] {strides = array<i32>} : memref<4x128x64xf32, #tpu.memory_space<vmem>>, vector<16xf32>,
      %get3A_410 = arith.constant 0 : i32
      %get3A_411 = arith.index_cast %get3A_410 : i32 to index
      %get3A_412 = arith.index_cast %add3A_383 : i32 to index
      %get3A_413 = arith.constant 32 : index
      %get3A_414 = tpu.vector_load %arg12[%get3A_411, %get3A_412, %get3A_413] {strides = array<i32>} : memref<4x128x64xf32, #tpu.memory_space<vmem>>, vector<16xf32>,
      %mul3A_415 = arith.mulf %get3A_409, %get3A_414 : vector<16xf32>
      %add3A_416 = arith.addf %mul3A_393, %mul3A_415 : vector<16xf32>
      %get3A_417 = arith.constant 0 : i32
      %get3A_418 = arith.index_cast %get3A_417 : i32 to index
      %get3A_419 = arith.index_cast %add3A_383 : i32 to index
      %get3A_420 = arith.constant 48 : index
      %get3A_421 = tpu.vector_load %arg11[%get3A_418, %get3A_419, %get3A_420] {strides = array<i32>} : memref<4x128x64xf32, #tpu.memory_space<vmem>>, vector<16xf32>,
      %get3A_422 = arith.constant 0 : i32
      %get3A_423 = arith.index_cast %get3A_422 : i32 to index
      %get3A_424 = arith.index_cast %add3A_383 : i32 to index
      %get3A_425 = arith.constant 48 : index
      %get3A_426 = tpu.vector_load %arg12[%get3A_423, %get3A_424, %get3A_425] {strides = array<i32>} : memref<4x128x64xf32, #tpu.memory_space<vmem>>, vector<16xf32>,
      %mul3A_427 = arith.mulf %get3A_421, %get3A_426 : vector<16xf32>
      %add3A_428 = arith.addf %mul3A_404, %mul3A_427 : vector<16xf32>
      %add3A_429 = arith.addf %add3A_416, %add3A_428 : vector<16xf32>
      %swap3A = arith.constant 0 : index
      %swap3A_430 = tpu.vector_load %arg15[%swap3A] {strides = array<i32>} : memref<272xf32, #tpu.memory_space<vmem>>, vector<16xf32>,
      tpu.vector_store %arg15[%swap3A], %add3A_429 {strides = array<i32>} : memref<272xf32, #tpu.memory_space<vmem>>, vector<16xf32>,
      %add3A_431 = arith.constant 1 : i32
      %add3A_432 = arith.addi %mul3A_381, %add3A_431 : i32
      %get3A_433 = arith.constant 0 : i32
      %get3A_434 = arith.index_cast %get3A_433 : i32 to index
      %get3A_435 = arith.index_cast %add3A_432 : i32 to index
      %get3A_436 = arith.constant 0 : index
      %get3A_437 = tpu.vector_load %arg11[%get3A_434, %get3A_435, %get3A_436] {strides = array<i32>} : memref<4x128x64xf32, #tpu.memory_space<vmem>>, vector<16xf32>,
      %get3A_438 = arith.constant 0 : i32
      %get3A_439 = arith.index_cast %get3A_438 : i32 to index
      %get3A_440 = arith.index_cast %add3A_432 : i32 to index
      %get3A_441 = arith.constant 0 : index
      %get3A_442 = tpu.vector_load %arg12[%get3A_439, %get3A_440, %get3A_441] {strides = array<i32>} : memref<4x128x64xf32, #tpu.memory_space<vmem>>, vector<16xf32>,
      %mul3A_443 = arith.mulf %get3A_437, %get3A_442 : vector<16xf32>
      %get3A_444 = arith.constant 0 : i32
      %get3A_445 = arith.index_cast %get3A_444 : i32 to index
      %get3A_446 = arith.index_cast %add3A_432 : i32 to index
      %get3A_447 = arith.constant 16 : index
      %get3A_448 = tpu.vector_load %arg11[%get3A_445, %get3A_446, %get3A_447] {strides = array<i32>} : memref<4x128x64xf32, #tpu.memory_space<vmem>>, vector<16xf32>,
      %get3A_449 = arith.constant 0 : i32
      %get3A_450 = arith.index_cast %get3A_449 : i32 to index
      %get3A_451 = arith.index_cast %add3A_432 : i32 to index
      %get3A_452 = arith.constant 16 : index
      %get3A_453 = tpu.vector_load %arg12[%get3A_450, %get3A_451, %get3A_452] {strides = array<i32>} : memref<4x128x64xf32, #tpu.memory_space<vmem>>, vector<16xf32>,
      %mul3A_454 = arith.mulf %get3A_448, %get3A_453 : vector<16xf32>
      %get3A_455 = arith.constant 0 : i32
      %get3A_456 = arith.index_cast %get3A_455 : i32 to index
      %get3A_457 = arith.index_cast %add3A_432 : i32 to index
      %get3A_458 = arith.constant 32 : index
      %get3A_459 = tpu.vector_load %arg11[%get3A_456, %get3A_457, %get3A_458] {strides = array<i32>} : memref<4x128x64xf32, #tpu.memory_space<vmem>>, vector<16xf32>,
      %get3A_460 = arith.constant 0 : i32
      %get3A_461 = arith.index_cast %get3A_460 : i32 to index
      %get3A_462 = arith.index_cast %add3A_432 : i32 to index
      %get3A_463 = arith.constant 32 : index
      %get3A_464 = tpu.vector_load %arg12[%get3A_461, %get3A_462, %get3A_463] {strides = array<i32>} : memref<4x128x64xf32, #tpu.memory_space<vmem>>, vector<16xf32>,
      %mul3A_465 = arith.mulf %get3A_459, %get3A_464 : vector<16xf32>
      %add3A_466 = arith.addf %mul3A_443, %mul3A_465 : vector<16xf32>
      %get3A_467 = arith.constant 0 : i32
      %get3A_468 = arith.index_cast %get3A_467 : i32 to index
      %get3A_469 = arith.index_cast %add3A_432 : i32 to index
      %get3A_470 = arith.constant 48 : index
      %get3A_471 = tpu.vector_load %arg11[%get3A_468, %get3A_469, %get3A_470] {strides = array<i32>} : memref<4x128x64xf32, #tpu.memory_space<vmem>>, vector<16xf32>,
      %get3A_472 = arith.constant 0 : i32
      %get3A_473 = arith.index_cast %get3A_472 : i32 to index
      %get3A_474 = arith.index_cast %add3A_432 : i32 to index
      %get3A_475 = arith.constant 48 : index
      %get3A_476 = tpu.vector_load %arg12[%get3A_473, %get3A_474, %get3A_475] {strides = array<i32>} : memref<4x128x64xf32, #tpu.memory_space<vmem>>, vector<16xf32>,
      %mul3A_477 = arith.mulf %get3A_471, %get3A_476 : vector<16xf32>
      %add3A_478 = arith.addf %mul3A_454, %mul3A_477 : vector<16xf32>
      %add3A_479 = arith.addf %add3A_466, %add3A_478 : vector<16xf32>
      %swap3A_480 = arith.constant 17 : index
      %swap3A_481 = tpu.vector_load %arg15[%swap3A_480] {strides = array<i32>} : memref<272xf32, #tpu.memory_space<vmem>>, vector<16xf32>,
      tpu.vector_store %arg15[%swap3A_480], %add3A_479 {strides = array<i32>} : memref<272xf32, #tpu.memory_space<vmem>>, vector<16xf32>,
      %add3A_482 = arith.constant 2 : i32
      %add3A_483 = arith.addi %mul3A_381, %add3A_482 : i32
      %get3A_484 = arith.constant 0 : i32
      %get3A_485 = arith.index_cast %get3A_484 : i32 to index
      %get3A_486 = arith.index_cast %add3A_483 : i32 to index
      %get3A_487 = arith.constant 0 : index
      %get3A_488 = tpu.vector_load %arg11[%get3A_485, %get3A_486, %get3A_487] {strides = array<i32>} : memref<4x128x64xf32, #tpu.memory_space<vmem>>, vector<16xf32>,
      %get3A_489 = arith.constant 0 : i32
      %get3A_490 = arith.index_cast %get3A_489 : i32 to index
      %get3A_491 = arith.index_cast %add3A_483 : i32 to index
      %get3A_492 = arith.constant 0 : index
      %get3A_493 = tpu.vector_load %arg12[%get3A_490, %get3A_491, %get3A_492] {strides = array<i32>} : memref<4x128x64xf32, #tpu.memory_space<vmem>>, vector<16xf32>,
      %mul3A_494 = arith.mulf %get3A_488, %get3A_493 : vector<16xf32>
      %get3A_495 = arith.constant 0 : i32
      %get3A_496 = arith.index_cast %get3A_495 : i32 to index
      %get3A_497 = arith.index_cast %add3A_483 : i32 to index
      %get3A_498 = arith.constant 16 : index
      %get3A_499 = tpu.vector_load %arg11[%get3A_496, %get3A_497, %get3A_498] {strides = array<i32>} : memref<4x128x64xf32, #tpu.memory_space<vmem>>, vector<16xf32>,
      %get3A_500 = arith.constant 0 : i32
      %get3A_501 = arith.index_cast %get3A_500 : i32 to index
      %get3A_502 = arith.index_cast %add3A_483 : i32 to index
      %get3A_503 = arith.constant 16 : index
      %get3A_504 = tpu.vector_load %arg12[%get3A_501, %get3A_502, %get3A_503] {strides = array<i32>} : memref<4x128x64xf32, #tpu.memory_space<vmem>>, vector<16xf32>,
      %mul3A_505 = arith.mulf %get3A_499, %get3A_504 : vector<16xf32>
      %get3A_506 = arith.constant 0 : i32
      %get3A_507 = arith.index_cast %get3A_506 : i32 to index
      %get3A_508 = arith.index_cast %add3A_483 : i32 to index
      %get3A_509 = arith.constant 32 : index
      %get3A_510 = tpu.vector_load %arg11[%get3A_507, %get3A_508, %get3A_509] {strides = array<i32>} : memref<4x128x64xf32, #tpu.memory_space<vmem>>, vector<16xf32>,
      %get3A_511 = arith.constant 0 : i32
      %get3A_512 = arith.index_cast %get3A_511 : i32 to index
      %get3A_513 = arith.index_cast %add3A_483 : i32 to index
      %get3A_514 = arith.constant 32 : index
      %get3A_515 = tpu.vector_load %arg12[%get3A_512, %get3A_513, %get3A_514] {strides = array<i32>} : memref<4x128x64xf32, #tpu.memory_space<vmem>>, vector<16xf32>,
      %mul3A_516 = arith.mulf %get3A_510, %get3A_515 : vector<16xf32>
      %add3A_517 = arith.addf %mul3A_494, %mul3A_516 : vector<16xf32>
      %get3A_518 = arith.constant 0 : i32
      %get3A_519 = arith.index_cast %get3A_518 : i32 to index
      %get3A_520 = arith.index_cast %add3A_483 : i32 to index
      %get3A_521 = arith.constant 48 : index
      %get3A_522 = tpu.vector_load %arg11[%get3A_519, %get3A_520, %get3A_521] {strides = array<i32>} : memref<4x128x64xf32, #tpu.memory_space<vmem>>, vector<16xf32>,
      %get3A_523 = arith.constant 0 : i32
      %get3A_524 = arith.index_cast %get3A_523 : i32 to index
      %get3A_525 = arith.index_cast %add3A_483 : i32 to index
      %get3A_526 = arith.constant 48 : index
      %get3A_527 = tpu.vector_load %arg12[%get3A_524, %get3A_525, %get3A_526] {strides = array<i32>} : memref<4x128x64xf32, #tpu.memory_space<vmem>>, vector<16xf32>,
      %mul3A_528 = arith.mulf %get3A_522, %get3A_527 : vector<16xf32>
      %add3A_529 = arith.addf %mul3A_505, %mul3A_528 : vector<16xf32>
      %add3A_530 = arith.addf %add3A_517, %add3A_529 : vector<16xf32>
      %swap3A_531 = arith.constant 34 : index
      %swap3A_532 = tpu.vector_load %arg15[%swap3A_531] {strides = array<i32>} : memref<272xf32, #tpu.memory_space<vmem>>, vector<16xf32>,
      tpu.vector_store %arg15[%swap3A_531], %add3A_530 {strides = array<i32>} : memref<272xf32, #tpu.memory_space<vmem>>, vector<16xf32>,
      %add3A_533 = arith.constant 3 : i32
      %add3A_534 = arith.addi %mul3A_381, %add3A_533 : i32
      %get3A_535 = arith.constant 0 : i32
      %get3A_536 = arith.index_cast %get3A_535 : i32 to index
      %get3A_537 = arith.index_cast %add3A_534 : i32 to index
      %get3A_538 = arith.constant 0 : index
      %get3A_539 = tpu.vector_load %arg11[%get3A_536, %get3A_537, %get3A_538] {strides = array<i32>} : memref<4x128x64xf32, #tpu.memory_space<vmem>>, vector<16xf32>,
      %get3A_540 = arith.constant 0 : i32
      %get3A_541 = arith.index_cast %get3A_540 : i32 to index
      %get3A_542 = arith.index_cast %add3A_534 : i32 to index
      %get3A_543 = arith.constant 0 : index
      %get3A_544 = tpu.vector_load %arg12[%get3A_541, %get3A_542, %get3A_543] {strides = array<i32>} : memref<4x128x64xf32, #tpu.memory_space<vmem>>, vector<16xf32>,
      %mul3A_545 = arith.mulf %get3A_539, %get3A_544 : vector<16xf32>
      %get3A_546 = arith.constant 0 : i32
      %get3A_547 = arith.index_cast %get3A_546 : i32 to index
      %get3A_548 = arith.index_cast %add3A_534 : i32 to index
      %get3A_549 = arith.constant 16 : index
      %get3A_550 = tpu.vector_load %arg11[%get3A_547, %get3A_548, %get3A_549] {strides = array<i32>} : memref<4x128x64xf32, #tpu.memory_space<vmem>>, vector<16xf32>,
      %get3A_551 = arith.constant 0 : i32
      %get3A_552 = arith.index_cast %get3A_551 : i32 to index
      %get3A_553 = arith.index_cast %add3A_534 : i32 to index
      %get3A_554 = arith.constant 16 : index
      %get3A_555 = tpu.vector_load %arg12[%get3A_552, %get3A_553, %get3A_554] {strides = array<i32>} : memref<4x128x64xf32, #tpu.memory_space<vmem>>, vector<16xf32>,
      %mul3A_556 = arith.mulf %get3A_550, %get3A_555 : vector<16xf32>
      %get3A_557 = arith.constant 0 : i32
      %get3A_558 = arith.index_cast %get3A_557 : i32 to index
      %get3A_559 = arith.index_cast %add3A_534 : i32 to index
      %get3A_560 = arith.constant 32 : index
      %get3A_561 = tpu.vector_load %arg11[%get3A_558, %get3A_559, %get3A_560] {strides = array<i32>} : memref<4x128x64xf32, #tpu.memory_space<vmem>>, vector<16xf32>,
      %get3A_562 = arith.constant 0 : i32
      %get3A_563 = arith.index_cast %get3A_562 : i32 to index
      %get3A_564 = arith.index_cast %add3A_534 : i32 to index
      %get3A_565 = arith.constant 32 : index
      %get3A_566 = tpu.vector_load %arg12[%get3A_563, %get3A_564, %get3A_565] {strides = array<i32>} : memref<4x128x64xf32, #tpu.memory_space<vmem>>, vector<16xf32>,
      %mul3A_567 = arith.mulf %get3A_561, %get3A_566 : vector<16xf32>
      %add3A_568 = arith.addf %mul3A_545, %mul3A_567 : vector<16xf32>
      %get3A_569 = arith.constant 0 : i32
      %get3A_570 = arith.index_cast %get3A_569 : i32 to index
      %get3A_571 = arith.index_cast %add3A_534 : i32 to index
      %get3A_572 = arith.constant 48 : index
      %get3A_573 = tpu.vector_load %arg11[%get3A_570, %get3A_571, %get3A_572] {strides = array<i32>} : memref<4x128x64xf32, #tpu.memory_space<vmem>>, vector<16xf32>,
      %get3A_574 = arith.constant 0 : i32
      %get3A_575 = arith.index_cast %get3A_574 : i32 to index
      %get3A_576 = arith.index_cast %add3A_534 : i32 to index
      %get3A_577 = arith.constant 48 : index
      %get3A_578 = tpu.vector_load %arg12[%get3A_575, %get3A_576, %get3A_577] {strides = array<i32>} : memref<4x128x64xf32, #tpu.memory_space<vmem>>, vector<16xf32>,
      %mul3A_579 = arith.mulf %get3A_573, %get3A_578 : vector<16xf32>
      %add3A_580 = arith.addf %mul3A_556, %mul3A_579 : vector<16xf32>
      %add3A_581 = arith.addf %add3A_568, %add3A_580 : vector<16xf32>
      %swap3A_582 = arith.constant 51 : index
      %swap3A_583 = tpu.vector_load %arg15[%swap3A_582] {strides = array<i32>} : memref<272xf32, #tpu.memory_space<vmem>>, vector<16xf32>,
      tpu.vector_store %arg15[%swap3A_582], %add3A_581 {strides = array<i32>} : memref<272xf32, #tpu.memory_space<vmem>>, vector<16xf32>,
      %add3A_584 = arith.constant 4 : i32
      %add3A_585 = arith.addi %mul3A_381, %add3A_584 : i32
      %get3A_586 = arith.constant 0 : i32
      %get3A_587 = arith.index_cast %get3A_586 : i32 to index
      %get3A_588 = arith.index_cast %add3A_585 : i32 to index
      %get3A_589 = arith.constant 0 : index
      %get3A_590 = tpu.vector_load %arg11[%get3A_587, %get3A_588, %get3A_589] {strides = array<i32>} : memref<4x128x64xf32, #tpu.memory_space<vmem>>, vector<16xf32>,
      %get3A_591 = arith.constant 0 : i32
      %get3A_592 = arith.index_cast %get3A_591 : i32 to index
      %get3A_593 = arith.index_cast %add3A_585 : i32 to index
      %get3A_594 = arith.constant 0 : index
      %get3A_595 = tpu.vector_load %arg12[%get3A_592, %get3A_593, %get3A_594] {strides = array<i32>} : memref<4x128x64xf32, #tpu.memory_space<vmem>>, vector<16xf32>,
      %mul3A_596 = arith.mulf %get3A_590, %get3A_595 : vector<16xf32>
      %get3A_597 = arith.constant 0 : i32
      %get3A_598 = arith.index_cast %get3A_597 : i32 to index
      %get3A_599 = arith.index_cast %add3A_585 : i32 to index
      %get3A_600 = arith.constant 16 : index
      %get3A_601 = tpu.vector_load %arg11[%get3A_598, %get3A_599, %get3A_600] {strides = array<i32>} : memref<4x128x64xf32, #tpu.memory_space<vmem>>, vector<16xf32>,
      %get3A_602 = arith.constant 0 : i32
      %get3A_603 = arith.index_cast %get3A_602 : i32 to index
      %get3A_604 = arith.index_cast %add3A_585 : i32 to index
      %get3A_605 = arith.constant 16 : index
      %get3A_606 = tpu.vector_load %arg12[%get3A_603, %get3A_604, %get3A_605] {strides = array<i32>} : memref<4x128x64xf32, #tpu.memory_space<vmem>>, vector<16xf32>,
      %mul3A_607 = arith.mulf %get3A_601, %get3A_606 : vector<16xf32>
      %get3A_608 = arith.constant 0 : i32
      %get3A_609 = arith.index_cast %get3A_608 : i32 to index
      %get3A_610 = arith.index_cast %add3A_585 : i32 to index
      %get3A_611 = arith.constant 32 : index
      %get3A_612 = tpu.vector_load %arg11[%get3A_609, %get3A_610, %get3A_611] {strides = array<i32>} : memref<4x128x64xf32, #tpu.memory_space<vmem>>, vector<16xf32>,
      %get3A_613 = arith.constant 0 : i32
      %get3A_614 = arith.index_cast %get3A_613 : i32 to index
      %get3A_615 = arith.index_cast %add3A_585 : i32 to index
      %get3A_616 = arith.constant 32 : index
      %get3A_617 = tpu.vector_load %arg12[%get3A_614, %get3A_615, %get3A_616] {strides = array<i32>} : memref<4x128x64xf32, #tpu.memory_space<vmem>>, vector<16xf32>,
      %mul3A_618 = arith.mulf %get3A_612, %get3A_617 : vector<16xf32>
      %add3A_619 = arith.addf %mul3A_596, %mul3A_618 : vector<16xf32>
      %get3A_620 = arith.constant 0 : i32
      %get3A_621 = arith.index_cast %get3A_620 : i32 to index
      %get3A_622 = arith.index_cast %add3A_585 : i32 to index
      %get3A_623 = arith.constant 48 : index
      %get3A_624 = tpu.vector_load %arg11[%get3A_621, %get3A_622, %get3A_623] {strides = array<i32>} : memref<4x128x64xf32, #tpu.memory_space<vmem>>, vector<16xf32>,
      %get3A_625 = arith.constant 0 : i32
      %get3A_626 = arith.index_cast %get3A_625 : i32 to index
      %get3A_627 = arith.index_cast %add3A_585 : i32 to index
      %get3A_628 = arith.constant 48 : index
      %get3A_629 = tpu.vector_load %arg12[%get3A_626, %get3A_627, %get3A_628] {strides = array<i32>} : memref<4x128x64xf32, #tpu.memory_space<vmem>>, vector<16xf32>,
      %mul3A_630 = arith.mulf %get3A_624, %get3A_629 : vector<16xf32>
      %add3A_631 = arith.addf %mul3A_607, %mul3A_630 : vector<16xf32>
      %add3A_632 = arith.addf %add3A_619, %add3A_631 : vector<16xf32>
      %swap3A_633 = arith.constant 68 : index
      %swap3A_634 = tpu.vector_load %arg15[%swap3A_633] {strides = array<i32>} : memref<272xf32, #tpu.memory_space<vmem>>, vector<16xf32>,
      tpu.vector_store %arg15[%swap3A_633], %add3A_632 {strides = array<i32>} : memref<272xf32, #tpu.memory_space<vmem>>, vector<16xf32>,
      %add3A_635 = arith.constant 5 : i32
      %add3A_636 = arith.addi %mul3A_381, %add3A_635 : i32
      %get3A_637 = arith.constant 0 : i32
      %get3A_638 = arith.index_cast %get3A_637 : i32 to index
      %get3A_639 = arith.index_cast %add3A_636 : i32 to index
      %get3A_640 = arith.constant 0 : index
      %get3A_641 = tpu.vector_load %arg11[%get3A_638, %get3A_639, %get3A_640] {strides = array<i32>} : memref<4x128x64xf32, #tpu.memory_space<vmem>>, vector<16xf32>,
      %get3A_642 = arith.constant 0 : i32
      %get3A_643 = arith.index_cast %get3A_642 : i32 to index
      %get3A_644 = arith.index_cast %add3A_636 : i32 to index
      %get3A_645 = arith.constant 0 : index
      %get3A_646 = tpu.vector_load %arg12[%get3A_643, %get3A_644, %get3A_645] {strides = array<i32>} : memref<4x128x64xf32, #tpu.memory_space<vmem>>, vector<16xf32>,
      %mul3A_647 = arith.mulf %get3A_641, %get3A_646 : vector<16xf32>
      %get3A_648 = arith.constant 0 : i32
      %get3A_649 = arith.index_cast %get3A_648 : i32 to index
      %get3A_650 = arith.index_cast %add3A_636 : i32 to index
      %get3A_651 = arith.constant 16 : index
      %get3A_652 = tpu.vector_load %arg11[%get3A_649, %get3A_650, %get3A_651] {strides = array<i32>} : memref<4x128x64xf32, #tpu.memory_space<vmem>>, vector<16xf32>,
      %get3A_653 = arith.constant 0 : i32
      %get3A_654 = arith.index_cast %get3A_653 : i32 to index
      %get3A_655 = arith.index_cast %add3A_636 : i32 to index
      %get3A_656 = arith.constant 16 : index
      %get3A_657 = tpu.vector_load %arg12[%get3A_654, %get3A_655, %get3A_656] {strides = array<i32>} : memref<4x128x64xf32, #tpu.memory_space<vmem>>, vector<16xf32>,
      %mul3A_658 = arith.mulf %get3A_652, %get3A_657 : vector<16xf32>
      %get3A_659 = arith.constant 0 : i32
      %get3A_660 = arith.index_cast %get3A_659 : i32 to index
      %get3A_661 = arith.index_cast %add3A_636 : i32 to index
      %get3A_662 = arith.constant 32 : index
      %get3A_663 = tpu.vector_load %arg11[%get3A_660, %get3A_661, %get3A_662] {strides = array<i32>} : memref<4x128x64xf32, #tpu.memory_space<vmem>>, vector<16xf32>,
      %get3A_664 = arith.constant 0 : i32
      %get3A_665 = arith.index_cast %get3A_664 : i32 to index
      %get3A_666 = arith.index_cast %add3A_636 : i32 to index
      %get3A_667 = arith.constant 32 : index
      %get3A_668 = tpu.vector_load %arg12[%get3A_665, %get3A_666, %get3A_667] {strides = array<i32>} : memref<4x128x64xf32, #tpu.memory_space<vmem>>, vector<16xf32>,
      %mul3A_669 = arith.mulf %get3A_663, %get3A_668 : vector<16xf32>
      %add3A_670 = arith.addf %mul3A_647, %mul3A_669 : vector<16xf32>
      %get3A_671 = arith.constant 0 : i32
      %get3A_672 = arith.index_cast %get3A_671 : i32 to index
      %get3A_673 = arith.index_cast %add3A_636 : i32 to index
      %get3A_674 = arith.constant 48 : index
      %get3A_675 = tpu.vector_load %arg11[%get3A_672, %get3A_673, %get3A_674] {strides = array<i32>} : memref<4x128x64xf32, #tpu.memory_space<vmem>>, vector<16xf32>,
      %get3A_676 = arith.constant 0 : i32
      %get3A_677 = arith.index_cast %get3A_676 : i32 to index
      %get3A_678 = arith.index_cast %add3A_636 : i32 to index
      %get3A_679 = arith.constant 48 : index
      %get3A_680 = tpu.vector_load %arg12[%get3A_677, %get3A_678, %get3A_679] {strides = array<i32>} : memref<4x128x64xf32, #tpu.memory_space<vmem>>, vector<16xf32>,
      %mul3A_681 = arith.mulf %get3A_675, %get3A_680 : vector<16xf32>
      %add3A_682 = arith.addf %mul3A_658, %mul3A_681 : vector<16xf32>
      %add3A_683 = arith.addf %add3A_670, %add3A_682 : vector<16xf32>
      %swap3A_684 = arith.constant 85 : index
      %swap3A_685 = tpu.vector_load %arg15[%swap3A_684] {strides = array<i32>} : memref<272xf32, #tpu.memory_space<vmem>>, vector<16xf32>,
      tpu.vector_store %arg15[%swap3A_684], %add3A_683 {strides = array<i32>} : memref<272xf32, #tpu.memory_space<vmem>>, vector<16xf32>,
      %add3A_686 = arith.constant 6 : i32
      %add3A_687 = arith.addi %mul3A_381, %add3A_686 : i32
      %get3A_688 = arith.constant 0 : i32
      %get3A_689 = arith.index_cast %get3A_688 : i32 to index
      %get3A_690 = arith.index_cast %add3A_687 : i32 to index
      %get3A_691 = arith.constant 0 : index
      %get3A_692 = tpu.vector_load %arg11[%get3A_689, %get3A_690, %get3A_691] {strides = array<i32>} : memref<4x128x64xf32, #tpu.memory_space<vmem>>, vector<16xf32>,
      %get3A_693 = arith.constant 0 : i32
      %get3A_694 = arith.index_cast %get3A_693 : i32 to index
      %get3A_695 = arith.index_cast %add3A_687 : i32 to index
      %get3A_696 = arith.constant 0 : index
      %get3A_697 = tpu.vector_load %arg12[%get3A_694, %get3A_695, %get3A_696] {strides = array<i32>} : memref<4x128x64xf32, #tpu.memory_space<vmem>>, vector<16xf32>,
      %mul3A_698 = arith.mulf %get3A_692, %get3A_697 : vector<16xf32>
      %get3A_699 = arith.constant 0 : i32
      %get3A_700 = arith.index_cast %get3A_699 : i32 to index
      %get3A_701 = arith.index_cast %add3A_687 : i32 to index
      %get3A_702 = arith.constant 16 : index
      %get3A_703 = tpu.vector_load %arg11[%get3A_700, %get3A_701, %get3A_702] {strides = array<i32>} : memref<4x128x64xf32, #tpu.memory_space<vmem>>, vector<16xf32>,
      %get3A_704 = arith.constant 0 : i32
      %get3A_705 = arith.index_cast %get3A_704 : i32 to index
      %get3A_706 = arith.index_cast %add3A_687 : i32 to index
      %get3A_707 = arith.constant 16 : index
      %get3A_708 = tpu.vector_load %arg12[%get3A_705, %get3A_706, %get3A_707] {strides = array<i32>} : memref<4x128x64xf32, #tpu.memory_space<vmem>>, vector<16xf32>,
      %mul3A_709 = arith.mulf %get3A_703, %get3A_708 : vector<16xf32>
      %get3A_710 = arith.constant 0 : i32
      %get3A_711 = arith.index_cast %get3A_710 : i32 to index
      %get3A_712 = arith.index_cast %add3A_687 : i32 to index
      %get3A_713 = arith.constant 32 : index
      %get3A_714 = tpu.vector_load %arg11[%get3A_711, %get3A_712, %get3A_713] {strides = array<i32>} : memref<4x128x64xf32, #tpu.memory_space<vmem>>, vector<16xf32>,
      %get3A_715 = arith.constant 0 : i32
      %get3A_716 = arith.index_cast %get3A_715 : i32 to index
      %get3A_717 = arith.index_cast %add3A_687 : i32 to index
      %get3A_718 = arith.constant 32 : index
      %get3A_719 = tpu.vector_load %arg12[%get3A_716, %get3A_717, %get3A_718] {strides = array<i32>} : memref<4x128x64xf32, #tpu.memory_space<vmem>>, vector<16xf32>,
      %mul3A_720 = arith.mulf %get3A_714, %get3A_719 : vector<16xf32>
      %add3A_721 = arith.addf %mul3A_698, %mul3A_720 : vector<16xf32>
      %get3A_722 = arith.constant 0 : i32
      %get3A_723 = arith.index_cast %get3A_722 : i32 to index
      %get3A_724 = arith.index_cast %add3A_687 : i32 to index
      %get3A_725 = arith.constant 48 : index
      %get3A_726 = tpu.vector_load %arg11[%get3A_723, %get3A_724, %get3A_725] {strides = array<i32>} : memref<4x128x64xf32, #tpu.memory_space<vmem>>, vector<16xf32>,
      %get3A_727 = arith.constant 0 : i32
      %get3A_728 = arith.index_cast %get3A_727 : i32 to index
      %get3A_729 = arith.index_cast %add3A_687 : i32 to index
      %get3A_730 = arith.constant 48 : index
      %get3A_731 = tpu.vector_load %arg12[%get3A_728, %get3A_729, %get3A_730] {strides = array<i32>} : memref<4x128x64xf32, #tpu.memory_space<vmem>>, vector<16xf32>,
      %mul3A_732 = arith.mulf %get3A_726, %get3A_731 : vector<16xf32>
      %add3A_733 = arith.addf %mul3A_709, %mul3A_732 : vector<16xf32>
      %add3A_734 = arith.addf %add3A_721, %add3A_733 : vector<16xf32>
      %swap3A_735 = arith.constant 102 : index
      %swap3A_736 = tpu.vector_load %arg15[%swap3A_735] {strides = array<i32>} : memref<272xf32, #tpu.memory_space<vmem>>, vector<16xf32>,
      tpu.vector_store %arg15[%swap3A_735], %add3A_734 {strides = array<i32>} : memref<272xf32, #tpu.memory_space<vmem>>, vector<16xf32>,
      %add3A_737 = arith.constant 7 : i32
      %add3A_738 = arith.addi %mul3A_381, %add3A_737 : i32
      %get3A_739 = arith.constant 0 : i32
      %get3A_740 = arith.index_cast %get3A_739 : i32 to index
      %get3A_741 = arith.index_cast %add3A_738 : i32 to index
      %get3A_742 = arith.constant 0 : index
      %get3A_743 = tpu.vector_load %arg11[%get3A_740, %get3A_741, %get3A_742] {strides = array<i32>} : memref<4x128x64xf32, #tpu.memory_space<vmem>>, vector<16xf32>,
      %get3A_744 = arith.constant 0 : i32
      %get3A_745 = arith.index_cast %get3A_744 : i32 to index
      %get3A_746 = arith.index_cast %add3A_738 : i32 to index
      %get3A_747 = arith.constant 0 : index
      %get3A_748 = tpu.vector_load %arg12[%get3A_745, %get3A_746, %get3A_747] {strides = array<i32>} : memref<4x128x64xf32, #tpu.memory_space<vmem>>, vector<16xf32>,
      %mul3A_749 = arith.mulf %get3A_743, %get3A_748 : vector<16xf32>
      %get3A_750 = arith.constant 0 : i32
      %get3A_751 = arith.index_cast %get3A_750 : i32 to index
      %get3A_752 = arith.index_cast %add3A_738 : i32 to index
      %get3A_753 = arith.constant 16 : index
      %get3A_754 = tpu.vector_load %arg11[%get3A_751, %get3A_752, %get3A_753] {strides = array<i32>} : memref<4x128x64xf32, #tpu.memory_space<vmem>>, vector<16xf32>,
      %get3A_755 = arith.constant 0 : i32
      %get3A_756 = arith.index_cast %get3A_755 : i32 to index
      %get3A_757 = arith.index_cast %add3A_738 : i32 to index
      %get3A_758 = arith.constant 16 : index
      %get3A_759 = tpu.vector_load %arg12[%get3A_756, %get3A_757, %get3A_758] {strides = array<i32>} : memref<4x128x64xf32, #tpu.memory_space<vmem>>, vector<16xf32>,
      %mul3A_760 = arith.mulf %get3A_754, %get3A_759 : vector<16xf32>
      %get3A_761 = arith.constant 0 : i32
      %get3A_762 = arith.index_cast %get3A_761 : i32 to index
      %get3A_763 = arith.index_cast %add3A_738 : i32 to index
      %get3A_764 = arith.constant 32 : index
      %get3A_765 = tpu.vector_load %arg11[%get3A_762, %get3A_763, %get3A_764] {strides = array<i32>} : memref<4x128x64xf32, #tpu.memory_space<vmem>>, vector<16xf32>,
      %get3A_766 = arith.constant 0 : i32
      %get3A_767 = arith.index_cast %get3A_766 : i32 to index
      %get3A_768 = arith.index_cast %add3A_738 : i32 to index
      %get3A_769 = arith.constant 32 : index
      %get3A_770 = tpu.vector_load %arg12[%get3A_767, %get3A_768, %get3A_769] {strides = array<i32>} : memref<4x128x64xf32, #tpu.memory_space<vmem>>, vector<16xf32>,
      %mul3A_771 = arith.mulf %get3A_765, %get3A_770 : vector<16xf32>
      %add3A_772 = arith.addf %mul3A_749, %mul3A_771 : vector<16xf32>
      %get3A_773 = arith.constant 0 : i32
      %get3A_774 = arith.index_cast %get3A_773 : i32 to index
      %get3A_775 = arith.index_cast %add3A_738 : i32 to index
      %get3A_776 = arith.constant 48 : index
      %get3A_777 = tpu.vector_load %arg11[%get3A_774, %get3A_775, %get3A_776] {strides = array<i32>} : memref<4x128x64xf32, #tpu.memory_space<vmem>>, vector<16xf32>,
      %get3A_778 = arith.constant 0 : i32
      %get3A_779 = arith.index_cast %get3A_778 : i32 to index
      %get3A_780 = arith.index_cast %add3A_738 : i32 to index
      %get3A_781 = arith.constant 48 : index
      %get3A_782 = tpu.vector_load %arg12[%get3A_779, %get3A_780, %get3A_781] {strides = array<i32>} : memref<4x128x64xf32, #tpu.memory_space<vmem>>, vector<16xf32>,
      %mul3A_783 = arith.mulf %get3A_777, %get3A_782 : vector<16xf32>
      %add3A_784 = arith.addf %mul3A_760, %mul3A_783 : vector<16xf32>
      %add3A_785 = arith.addf %add3A_772, %add3A_784 : vector<16xf32>
      %swap3A_786 = arith.constant 119 : index
      %swap3A_787 = tpu.vector_load %arg15[%swap3A_786] {strides = array<i32>} : memref<272xf32, #tpu.memory_space<vmem>>, vector<16xf32>,
      tpu.vector_store %arg15[%swap3A_786], %add3A_785 {strides = array<i32>} : memref<272xf32, #tpu.memory_space<vmem>>, vector<16xf32>,
      %add3A_788 = arith.constant 8 : i32
      %add3A_789 = arith.addi %mul3A_381, %add3A_788 : i32
      %get3A_790 = arith.constant 0 : i32
      %get3A_791 = arith.index_cast %get3A_790 : i32 to index
      %get3A_792 = arith.index_cast %add3A_789 : i32 to index
      %get3A_793 = arith.constant 0 : index
      %get3A_794 = tpu.vector_load %arg11[%get3A_791, %get3A_792, %get3A_793] {strides = array<i32>} : memref<4x128x64xf32, #tpu.memory_space<vmem>>, vector<16xf32>,
      %get3A_795 = arith.constant 0 : i32
      %get3A_796 = arith.index_cast %get3A_795 : i32 to index
      %get3A_797 = arith.index_cast %add3A_789 : i32 to index
      %get3A_798 = arith.constant 0 : index
      %get3A_799 = tpu.vector_load %arg12[%get3A_796, %get3A_797, %get3A_798] {strides = array<i32>} : memref<4x128x64xf32, #tpu.memory_space<vmem>>, vector<16xf32>,
      %mul3A_800 = arith.mulf %get3A_794, %get3A_799 : vector<16xf32>
      %get3A_801 = arith.constant 0 : i32
      %get3A_802 = arith.index_cast %get3A_801 : i32 to index
      %get3A_803 = arith.index_cast %add3A_789 : i32 to index
      %get3A_804 = arith.constant 16 : index
      %get3A_805 = tpu.vector_load %arg11[%get3A_802, %get3A_803, %get3A_804] {strides = array<i32>} : memref<4x128x64xf32, #tpu.memory_space<vmem>>, vector<16xf32>,
      %get3A_806 = arith.constant 0 : i32
      %get3A_807 = arith.index_cast %get3A_806 : i32 to index
      %get3A_808 = arith.index_cast %add3A_789 : i32 to index
      %get3A_809 = arith.constant 16 : index
      %get3A_810 = tpu.vector_load %arg12[%get3A_807, %get3A_808, %get3A_809] {strides = array<i32>} : memref<4x128x64xf32, #tpu.memory_space<vmem>>, vector<16xf32>,
      %mul3A_811 = arith.mulf %get3A_805, %get3A_810 : vector<16xf32>
      %get3A_812 = arith.constant 0 : i32
      %get3A_813 = arith.index_cast %get3A_812 : i32 to index
      %get3A_814 = arith.index_cast %add3A_789 : i32 to index
      %get3A_815 = arith.constant 32 : index
      %get3A_816 = tpu.vector_load %arg11[%get3A_813, %get3A_814, %get3A_815] {strides = array<i32>} : memref<4x128x64xf32, #tpu.memory_space<vmem>>, vector<16xf32>,
      %get3A_817 = arith.constant 0 : i32
      %get3A_818 = arith.index_cast %get3A_817 : i32 to index
      %get3A_819 = arith.index_cast %add3A_789 : i32 to index
      %get3A_820 = arith.constant 32 : index
      %get3A_821 = tpu.vector_load %arg12[%get3A_818, %get3A_819, %get3A_820] {strides = array<i32>} : memref<4x128x64xf32, #tpu.memory_space<vmem>>, vector<16xf32>,
      %mul3A_822 = arith.mulf %get3A_816, %get3A_821 : vector<16xf32>
      %add3A_823 = arith.addf %mul3A_800, %mul3A_822 : vector<16xf32>
      %get3A_824 = arith.constant 0 : i32
      %get3A_825 = arith.index_cast %get3A_824 : i32 to index
      %get3A_826 = arith.index_cast %add3A_789 : i32 to index
      %get3A_827 = arith.constant 48 : index
      %get3A_828 = tpu.vector_load %arg11[%get3A_825, %get3A_826, %get3A_827] {strides = array<i32>} : memref<4x128x64xf32, #tpu.memory_space<vmem>>, vector<16xf32>,
      %get3A_829 = arith.constant 0 : i32
      %get3A_830 = arith.index_cast %get3A_829 : i32 to index
      %get3A_831 = arith.index_cast %add3A_789 : i32 to index
      %get3A_832 = arith.constant 48 : index
      %get3A_833 = tpu.vector_load %arg12[%get3A_830, %get3A_831, %get3A_832] {strides = array<i32>} : memref<4x128x64xf32, #tpu.memory_space<vmem>>, vector<16xf32>,
      %mul3A_834 = arith.mulf %get3A_828, %get3A_833 : vector<16xf32>
      %add3A_835 = arith.addf %mul3A_811, %mul3A_834 : vector<16xf32>
      %add3A_836 = arith.addf %add3A_823, %add3A_835 : vector<16xf32>
      %swap3A_837 = arith.constant 136 : index
      %swap3A_838 = tpu.vector_load %arg15[%swap3A_837] {strides = array<i32>} : memref<272xf32, #tpu.memory_space<vmem>>, vector<16xf32>,
      tpu.vector_store %arg15[%swap3A_837], %add3A_836 {strides = array<i32>} : memref<272xf32, #tpu.memory_space<vmem>>, vector<16xf32>,
      %add3A_839 = arith.constant 9 : i32
      %add3A_840 = arith.addi %mul3A_381, %add3A_839 : i32
      %get3A_841 = arith.constant 0 : i32
      %get3A_842 = arith.index_cast %get3A_841 : i32 to index
      %get3A_843 = arith.index_cast %add3A_840 : i32 to index
      %get3A_844 = arith.constant 0 : index
      %get3A_845 = tpu.vector_load %arg11[%get3A_842, %get3A_843, %get3A_844] {strides = array<i32>} : memref<4x128x64xf32, #tpu.memory_space<vmem>>, vector<16xf32>,
      %get3A_846 = arith.constant 0 : i32
      %get3A_847 = arith.index_cast %get3A_846 : i32 to index
      %get3A_848 = arith.index_cast %add3A_840 : i32 to index
      %get3A_849 = arith.constant 0 : index
      %get3A_850 = tpu.vector_load %arg12[%get3A_847, %get3A_848, %get3A_849] {strides = array<i32>} : memref<4x128x64xf32, #tpu.memory_space<vmem>>, vector<16xf32>,
      %mul3A_851 = arith.mulf %get3A_845, %get3A_850 : vector<16xf32>
      %get3A_852 = arith.constant 0 : i32
      %get3A_853 = arith.index_cast %get3A_852 : i32 to index
      %get3A_854 = arith.index_cast %add3A_840 : i32 to index
      %get3A_855 = arith.constant 16 : index
      %get3A_856 = tpu.vector_load %arg11[%get3A_853, %get3A_854, %get3A_855] {strides = array<i32>} : memref<4x128x64xf32, #tpu.memory_space<vmem>>, vector<16xf32>,
      %get3A_857 = arith.constant 0 : i32
      %get3A_858 = arith.index_cast %get3A_857 : i32 to index
      %get3A_859 = arith.index_cast %add3A_840 : i32 to index
      %get3A_860 = arith.constant 16 : index
      %get3A_861 = tpu.vector_load %arg12[%get3A_858, %get3A_859, %get3A_860] {strides = array<i32>} : memref<4x128x64xf32, #tpu.memory_space<vmem>>, vector<16xf32>,
      %mul3A_862 = arith.mulf %get3A_856, %get3A_861 : vector<16xf32>
      %get3A_863 = arith.constant 0 : i32
      %get3A_864 = arith.index_cast %get3A_863 : i32 to index
      %get3A_865 = arith.index_cast %add3A_840 : i32 to index
      %get3A_866 = arith.constant 32 : index
      %get3A_867 = tpu.vector_load %arg11[%get3A_864, %get3A_865, %get3A_866] {strides = array<i32>} : memref<4x128x64xf32, #tpu.memory_space<vmem>>, vector<16xf32>,
      %get3A_868 = arith.constant 0 : i32
      %get3A_869 = arith.index_cast %get3A_868 : i32 to index
      %get3A_870 = arith.index_cast %add3A_840 : i32 to index
      %get3A_871 = arith.constant 32 : index
      %get3A_872 = tpu.vector_load %arg12[%get3A_869, %get3A_870, %get3A_871] {strides = array<i32>} : memref<4x128x64xf32, #tpu.memory_space<vmem>>, vector<16xf32>,
      %mul3A_873 = arith.mulf %get3A_867, %get3A_872 : vector<16xf32>
      %add3A_874 = arith.addf %mul3A_851, %mul3A_873 : vector<16xf32>
      %get3A_875 = arith.constant 0 : i32
      %get3A_876 = arith.index_cast %get3A_875 : i32 to index
      %get3A_877 = arith.index_cast %add3A_840 : i32 to index
      %get3A_878 = arith.constant 48 : index
      %get3A_879 = tpu.vector_load %arg11[%get3A_876, %get3A_877, %get3A_878] {strides = array<i32>} : memref<4x128x64xf32, #tpu.memory_space<vmem>>, vector<16xf32>,
      %get3A_880 = arith.constant 0 : i32
      %get3A_881 = arith.index_cast %get3A_880 : i32 to index
      %get3A_882 = arith.index_cast %add3A_840 : i32 to index
      %get3A_883 = arith.constant 48 : index
      %get3A_884 = tpu.vector_load %arg12[%get3A_881, %get3A_882, %get3A_883] {strides = array<i32>} : memref<4x128x64xf32, #tpu.memory_space<vmem>>, vector<16xf32>,
      %mul3A_885 = arith.mulf %get3A_879, %get3A_884 : vector<16xf32>
      %add3A_886 = arith.addf %mul3A_862, %mul3A_885 : vector<16xf32>
      %add3A_887 = arith.addf %add3A_874, %add3A_886 : vector<16xf32>
      %swap3A_888 = arith.constant 153 : index
      %swap3A_889 = tpu.vector_load %arg15[%swap3A_888] {strides = array<i32>} : memref<272xf32, #tpu.memory_space<vmem>>, vector<16xf32>,
      tpu.vector_store %arg15[%swap3A_888], %add3A_887 {strides = array<i32>} : memref<272xf32, #tpu.memory_space<vmem>>, vector<16xf32>,
      %add3A_890 = arith.constant 10 : i32
      %add3A_891 = arith.addi %mul3A_381, %add3A_890 : i32
      %get3A_892 = arith.constant 0 : i32
      %get3A_893 = arith.index_cast %get3A_892 : i32 to index
      %get3A_894 = arith.index_cast %add3A_891 : i32 to index
      %get3A_895 = arith.constant 0 : index
      %get3A_896 = tpu.vector_load %arg11[%get3A_893, %get3A_894, %get3A_895] {strides = array<i32>} : memref<4x128x64xf32, #tpu.memory_space<vmem>>, vector<16xf32>,
      %get3A_897 = arith.constant 0 : i32
      %get3A_898 = arith.index_cast %get3A_897 : i32 to index
      %get3A_899 = arith.index_cast %add3A_891 : i32 to index
      %get3A_900 = arith.constant 0 : index
      %get3A_901 = tpu.vector_load %arg12[%get3A_898, %get3A_899, %get3A_900] {strides = array<i32>} : memref<4x128x64xf32, #tpu.memory_space<vmem>>, vector<16xf32>,
      %mul3A_902 = arith.mulf %get3A_896, %get3A_901 : vector<16xf32>
      %get3A_903 = arith.constant 0 : i32
      %get3A_904 = arith.index_cast %get3A_903 : i32 to index
      %get3A_905 = arith.index_cast %add3A_891 : i32 to index
      %get3A_906 = arith.constant 16 : index
      %get3A_907 = tpu.vector_load %arg11[%get3A_904, %get3A_905, %get3A_906] {strides = array<i32>} : memref<4x128x64xf32, #tpu.memory_space<vmem>>, vector<16xf32>,
      %get3A_908 = arith.constant 0 : i32
      %get3A_909 = arith.index_cast %get3A_908 : i32 to index
      %get3A_910 = arith.index_cast %add3A_891 : i32 to index
      %get3A_911 = arith.constant 16 : index
      %get3A_912 = tpu.vector_load %arg12[%get3A_909, %get3A_910, %get3A_911] {strides = array<i32>} : memref<4x128x64xf32, #tpu.memory_space<vmem>>, vector<16xf32>,
      %mul3A_913 = arith.mulf %get3A_907, %get3A_912 : vector<16xf32>
      %get3A_914 = arith.constant 0 : i32
      %get3A_915 = arith.index_cast %get3A_914 : i32 to index
      %get3A_916 = arith.index_cast %add3A_891 : i32 to index
      %get3A_917 = arith.constant 32 : index
      %get3A_918 = tpu.vector_load %arg11[%get3A_915, %get3A_916, %get3A_917] {strides = array<i32>} : memref<4x128x64xf32, #tpu.memory_space<vmem>>, vector<16xf32>,
      %get3A_919 = arith.constant 0 : i32
      %get3A_920 = arith.index_cast %get3A_919 : i32 to index
      %get3A_921 = arith.index_cast %add3A_891 : i32 to index
      %get3A_922 = arith.constant 32 : index
      %get3A_923 = tpu.vector_load %arg12[%get3A_920, %get3A_921, %get3A_922] {strides = array<i32>} : memref<4x128x64xf32, #tpu.memory_space<vmem>>, vector<16xf32>,
      %mul3A_924 = arith.mulf %get3A_918, %get3A_923 : vector<16xf32>
      %add3A_925 = arith.addf %mul3A_902, %mul3A_924 : vector<16xf32>
      %get3A_926 = arith.constant 0 : i32
      %get3A_927 = arith.index_cast %get3A_926 : i32 to index
      %get3A_928 = arith.index_cast %add3A_891 : i32 to index
      %get3A_929 = arith.constant 48 : index
      %get3A_930 = tpu.vector_load %arg11[%get3A_927, %get3A_928, %get3A_929] {strides = array<i32>} : memref<4x128x64xf32, #tpu.memory_space<vmem>>, vector<16xf32>,
      %get3A_931 = arith.constant 0 : i32
      %get3A_932 = arith.index_cast %get3A_931 : i32 to index
      %get3A_933 = arith.index_cast %add3A_891 : i32 to index
      %get3A_934 = arith.constant 48 : index
      %get3A_935 = tpu.vector_load %arg12[%get3A_932, %get3A_933, %get3A_934] {strides = array<i32>} : memref<4x128x64xf32, #tpu.memory_space<vmem>>, vector<16xf32>,
      %mul3A_936 = arith.mulf %get3A_930, %get3A_935 : vector<16xf32>
      %add3A_937 = arith.addf %mul3A_913, %mul3A_936 : vector<16xf32>
      %add3A_938 = arith.addf %add3A_925, %add3A_937 : vector<16xf32>
      %swap3A_939 = arith.constant 170 : index
      %swap3A_940 = tpu.vector_load %arg15[%swap3A_939] {strides = array<i32>} : memref<272xf32, #tpu.memory_space<vmem>>, vector<16xf32>,
      tpu.vector_store %arg15[%swap3A_939], %add3A_938 {strides = array<i32>} : memref<272xf32, #tpu.memory_space<vmem>>, vector<16xf32>,
      %add3A_941 = arith.constant 11 : i32
      %add3A_942 = arith.addi %mul3A_381, %add3A_941 : i32
      %get3A_943 = arith.constant 0 : i32
      %get3A_944 = arith.index_cast %get3A_943 : i32 to index
      %get3A_945 = arith.index_cast %add3A_942 : i32 to index
      %get3A_946 = arith.constant 0 : index
      %get3A_947 = tpu.vector_load %arg11[%get3A_944, %get3A_945, %get3A_946] {strides = array<i32>} : memref<4x128x64xf32, #tpu.memory_space<vmem>>, vector<16xf32>,
      %get3A_948 = arith.constant 0 : i32
      %get3A_949 = arith.index_cast %get3A_948 : i32 to index
      %get3A_950 = arith.index_cast %add3A_942 : i32 to index
      %get3A_951 = arith.constant 0 : index
      %get3A_952 = tpu.vector_load %arg12[%get3A_949, %get3A_950, %get3A_951] {strides = array<i32>} : memref<4x128x64xf32, #tpu.memory_space<vmem>>, vector<16xf32>,
      %mul3A_953 = arith.mulf %get3A_947, %get3A_952 : vector<16xf32>
      %get3A_954 = arith.constant 0 : i32
      %get3A_955 = arith.index_cast %get3A_954 : i32 to index
      %get3A_956 = arith.index_cast %add3A_942 : i32 to index
      %get3A_957 = arith.constant 16 : index
      %get3A_958 = tpu.vector_load %arg11[%get3A_955, %get3A_956, %get3A_957] {strides = array<i32>} : memref<4x128x64xf32, #tpu.memory_space<vmem>>, vector<16xf32>,
      %get3A_959 = arith.constant 0 : i32
      %get3A_960 = arith.index_cast %get3A_959 : i32 to index
      %get3A_961 = arith.index_cast %add3A_942 : i32 to index
      %get3A_962 = arith.constant 16 : index
      %get3A_963 = tpu.vector_load %arg12[%get3A_960, %get3A_961, %get3A_962] {strides = array<i32>} : memref<4x128x64xf32, #tpu.memory_space<vmem>>, vector<16xf32>,
      %mul3A_964 = arith.mulf %get3A_958, %get3A_963 : vector<16xf32>
      %get3A_965 = arith.constant 0 : i32
      %get3A_966 = arith.index_cast %get3A_965 : i32 to index
      %get3A_967 = arith.index_cast %add3A_942 : i32 to index
      %get3A_968 = arith.constant 32 : index
      %get3A_969 = tpu.vector_load %arg11[%get3A_966, %get3A_967, %get3A_968] {strides = array<i32>} : memref<4x128x64xf32, #tpu.memory_space<vmem>>, vector<16xf32>,
      %get3A_970 = arith.constant 0 : i32
      %get3A_971 = arith.index_cast %get3A_970 : i32 to index
      %get3A_972 = arith.index_cast %add3A_942 : i32 to index
      %get3A_973 = arith.constant 32 : index
      %get3A_974 = tpu.vector_load %arg12[%get3A_971, %get3A_972, %get3A_973] {strides = array<i32>} : memref<4x128x64xf32, #tpu.memory_space<vmem>>, vector<16xf32>,
      %mul3A_975 = arith.mulf %get3A_969, %get3A_974 : vector<16xf32>
      %add3A_976 = arith.addf %mul3A_953, %mul3A_975 : vector<16xf32>
      %get3A_977 = arith.constant 0 : i32
      %get3A_978 = arith.index_cast %get3A_977 : i32 to index
      %get3A_979 = arith.index_cast %add3A_942 : i32 to index
      %get3A_980 = arith.constant 48 : index
      %get3A_981 = tpu.vector_load %arg11[%get3A_978, %get3A_979, %get3A_980] {strides = array<i32>} : memref<4x128x64xf32, #tpu.memory_space<vmem>>, vector<16xf32>,
      %get3A_982 = arith.constant 0 : i32
      %get3A_983 = arith.index_cast %get3A_982 : i32 to index
      %get3A_984 = arith.index_cast %add3A_942 : i32 to index
      %get3A_985 = arith.constant 48 : index
      %get3A_986 = tpu.vector_load %arg12[%get3A_983, %get3A_984, %get3A_985] {strides = array<i32>} : memref<4x128x64xf32, #tpu.memory_space<vmem>>, vector<16xf32>,
      %mul3A_987 = arith.mulf %get3A_981, %get3A_986 : vector<16xf32>
      %add3A_988 = arith.addf %mul3A_964, %mul3A_987 : vector<16xf32>
      %add3A_989 = arith.addf %add3A_976, %add3A_988 : vector<16xf32>
      %swap3A_990 = arith.constant 187 : index
      %swap3A_991 = tpu.vector_load %arg15[%swap3A_990] {strides = array<i32>} : memref<272xf32, #tpu.memory_space<vmem>>, vector<16xf32>,
      tpu.vector_store %arg15[%swap3A_990], %add3A_989 {strides = array<i32>} : memref<272xf32, #tpu.memory_space<vmem>>, vector<16xf32>,
      %add3A_992 = arith.constant 12 : i32
      %add3A_993 = arith.addi %mul3A_381, %add3A_992 : i32
      %get3A_994 = arith.constant 0 : i32
      %get3A_995 = arith.index_cast %get3A_994 : i32 to index
      %get3A_996 = arith.index_cast %add3A_993 : i32 to index
      %get3A_997 = arith.constant 0 : index
      %get3A_998 = tpu.vector_load %arg11[%get3A_995, %get3A_996, %get3A_997] {strides = array<i32>} : memref<4x128x64xf32, #tpu.memory_space<vmem>>, vector<16xf32>,
      %get3A_999 = arith.constant 0 : i32
      %get3A_1000 = arith.index_cast %get3A_999 : i32 to index
      %get3A_1001 = arith.index_cast %add3A_993 : i32 to index
      %get3A_1002 = arith.constant 0 : index
      %get3A_1003 = tpu.vector_load %arg12[%get3A_1000, %get3A_1001, %get3A_1002] {strides = array<i32>} : memref<4x128x64xf32, #tpu.memory_space<vmem>>, vector<16xf32>,
      %mul3A_1004 = arith.mulf %get3A_998, %get3A_1003 : vector<16xf32>
      %get3A_1005 = arith.constant 0 : i32
      %get3A_1006 = arith.index_cast %get3A_1005 : i32 to index
      %get3A_1007 = arith.index_cast %add3A_993 : i32 to index
      %get3A_1008 = arith.constant 16 : index
      %get3A_1009 = tpu.vector_load %arg11[%get3A_1006, %get3A_1007, %get3A_1008] {strides = array<i32>} : memref<4x128x64xf32, #tpu.memory_space<vmem>>, vector<16xf32>,
      %get3A_1010 = arith.constant 0 : i32
      %get3A_1011 = arith.index_cast %get3A_1010 : i32 to index
      %get3A_1012 = arith.index_cast %add3A_993 : i32 to index
      %get3A_1013 = arith.constant 16 : index
      %get3A_1014 = tpu.vector_load %arg12[%get3A_1011, %get3A_1012, %get3A_1013] {strides = array<i32>} : memref<4x128x64xf32, #tpu.memory_space<vmem>>, vector<16xf32>,
      %mul3A_1015 = arith.mulf %get3A_1009, %get3A_1014 : vector<16xf32>
      %get3A_1016 = arith.constant 0 : i32
      %get3A_1017 = arith.index_cast %get3A_1016 : i32 to index
      %get3A_1018 = arith.index_cast %add3A_993 : i32 to index
      %get3A_1019 = arith.constant 32 : index
      %get3A_1020 = tpu.vector_load %arg11[%get3A_1017, %get3A_1018, %get3A_1019] {strides = array<i32>} : memref<4x128x64xf32, #tpu.memory_space<vmem>>, vector<16xf32>,
      %get3A_1021 = arith.constant 0 : i32
      %get3A_1022 = arith.index_cast %get3A_1021 : i32 to index
      %get3A_1023 = arith.index_cast %add3A_993 : i32 to index
      %get3A_1024 = arith.constant 32 : index
      %get3A_1025 = tpu.vector_load %arg12[%get3A_1022, %get3A_1023, %get3A_1024] {strides = array<i32>} : memref<4x128x64xf32, #tpu.memory_space<vmem>>, vector<16xf32>,
      %mul3A_1026 = arith.mulf %get3A_1020, %get3A_1025 : vector<16xf32>
      %add3A_1027 = arith.addf %mul3A_1004, %mul3A_1026 : vector<16xf32>
      %get3A_1028 = arith.constant 0 : i32
      %get3A_1029 = arith.index_cast %get3A_1028 : i32 to index
      %get3A_1030 = arith.index_cast %add3A_993 : i32 to index
      %get3A_1031 = arith.constant 48 : index
      %get3A_1032 = tpu.vector_load %arg11[%get3A_1029, %get3A_1030, %get3A_1031] {strides = array<i32>} : memref<4x128x64xf32, #tpu.memory_space<vmem>>, vector<16xf32>,
      %get3A_1033 = arith.constant 0 : i32
      %get3A_1034 = arith.index_cast %get3A_1033 : i32 to index
      %get3A_1035 = arith.index_cast %add3A_993 : i32 to index
      %get3A_1036 = arith.constant 48 : index
      %get3A_1037 = tpu.vector_load %arg12[%get3A_1034, %get3A_1035, %get3A_1036] {strides = array<i32>} : memref<4x128x64xf32, #tpu.memory_space<vmem>>, vector<16xf32>,
      %mul3A_1038 = arith.mulf %get3A_1032, %get3A_1037 : vector<16xf32>
      %add3A_1039 = arith.addf %mul3A_1015, %mul3A_1038 : vector<16xf32>
      %add3A_1040 = arith.addf %add3A_1027, %add3A_1039 : vector<16xf32>
      %swap3A_1041 = arith.constant 204 : index
      %swap3A_1042 = tpu.vector_load %arg15[%swap3A_1041] {strides = array<i32>} : memref<272xf32, #tpu.memory_space<vmem>>, vector<16xf32>,
      tpu.vector_store %arg15[%swap3A_1041], %add3A_1040 {strides = array<i32>} : memref<272xf32, #tpu.memory_space<vmem>>, vector<16xf32>,
      %add3A_1043 = arith.constant 13 : i32
      %add3A_1044 = arith.addi %mul3A_381, %add3A_1043 : i32
      %get3A_1045 = arith.constant 0 : i32
      %get3A_1046 = arith.index_cast %get3A_1045 : i32 to index
      %get3A_1047 = arith.index_cast %add3A_1044 : i32 to index
      %get3A_1048 = arith.constant 0 : index
      %get3A_1049 = tpu.vector_load %arg11[%get3A_1046, %get3A_1047, %get3A_1048] {strides = array<i32>} : memref<4x128x64xf32, #tpu.memory_space<vmem>>, vector<16xf32>,
      %get3A_1050 = arith.constant 0 : i32
      %get3A_1051 = arith.index_cast %get3A_1050 : i32 to index
      %get3A_1052 = arith.index_cast %add3A_1044 : i32 to index
      %get3A_1053 = arith.constant 0 : index
      %get3A_1054 = tpu.vector_load %arg12[%get3A_1051, %get3A_1052, %get3A_1053] {strides = array<i32>} : memref<4x128x64xf32, #tpu.memory_space<vmem>>, vector<16xf32>,
      %mul3A_1055 = arith.mulf %get3A_1049, %get3A_1054 : vector<16xf32>
      %get3A_1056 = arith.constant 0 : i32
      %get3A_1057 = arith.index_cast %get3A_1056 : i32 to index
      %get3A_1058 = arith.index_cast %add3A_1044 : i32 to index
      %get3A_1059 = arith.constant 16 : index
      %get3A_1060 = tpu.vector_load %arg11[%get3A_1057, %get3A_1058, %get3A_1059] {strides = array<i32>} : memref<4x128x64xf32, #tpu.memory_space<vmem>>, vector<16xf32>,
      %get3A_1061 = arith.constant 0 : i32
      %get3A_1062 = arith.index_cast %get3A_1061 : i32 to index
      %get3A_1063 = arith.index_cast %add3A_1044 : i32 to index
      %get3A_1064 = arith.constant 16 : index
      %get3A_1065 = tpu.vector_load %arg12[%get3A_1062, %get3A_1063, %get3A_1064] {strides = array<i32>} : memref<4x128x64xf32, #tpu.memory_space<vmem>>, vector<16xf32>,
      %mul3A_1066 = arith.mulf %get3A_1060, %get3A_1065 : vector<16xf32>
      %get3A_1067 = arith.constant 0 : i32
      %get3A_1068 = arith.index_cast %get3A_1067 : i32 to index
      %get3A_1069 = arith.index_cast %add3A_1044 : i32 to index
      %get3A_1070 = arith.constant 32 : index
      %get3A_1071 = tpu.vector_load %arg11[%get3A_1068, %get3A_1069, %get3A_1070] {strides = array<i32>} : memref<4x128x64xf32, #tpu.memory_space<vmem>>, vector<16xf32>,
      %get3A_1072 = arith.constant 0 : i32
      %get3A_1073 = arith.index_cast %get3A_1072 : i32 to index
      %get3A_1074 = arith.index_cast %add3A_1044 : i32 to index
      %get3A_1075 = arith.constant 32 : index
      %get3A_1076 = tpu.vector_load %arg12[%get3A_1073, %get3A_1074, %get3A_1075] {strides = array<i32>} : memref<4x128x64xf32, #tpu.memory_space<vmem>>, vector<16xf32>,
      %mul3A_1077 = arith.mulf %get3A_1071, %get3A_1076 : vector<16xf32>
      %add3A_1078 = arith.addf %mul3A_1055, %mul3A_1077 : vector<16xf32>
      %get3A_1079 = arith.constant 0 : i32
      %get3A_1080 = arith.index_cast %get3A_1079 : i32 to index
      %get3A_1081 = arith.index_cast %add3A_1044 : i32 to index
      %get3A_1082 = arith.constant 48 : index
      %get3A_1083 = tpu.vector_load %arg11[%get3A_1080, %get3A_1081, %get3A_1082] {strides = array<i32>} : memref<4x128x64xf32, #tpu.memory_space<vmem>>, vector<16xf32>,
      %get3A_1084 = arith.constant 0 : i32
      %get3A_1085 = arith.index_cast %get3A_1084 : i32 to index
      %get3A_1086 = arith.index_cast %add3A_1044 : i32 to index
      %get3A_1087 = arith.constant 48 : index
      %get3A_1088 = tpu.vector_load %arg12[%get3A_1085, %get3A_1086, %get3A_1087] {strides = array<i32>} : memref<4x128x64xf32, #tpu.memory_space<vmem>>, vector<16xf32>,
      %mul3A_1089 = arith.mulf %get3A_1083, %get3A_1088 : vector<16xf32>
      %add3A_1090 = arith.addf %mul3A_1066, %mul3A_1089 : vector<16xf32>
      %add3A_1091 = arith.addf %add3A_1078, %add3A_1090 : vector<16xf32>
      %swap3A_1092 = arith.constant 221 : index
      %swap3A_1093 = tpu.vector_load %arg15[%swap3A_1092] {strides = array<i32>} : memref<272xf32, #tpu.memory_space<vmem>>, vector<16xf32>,
      tpu.vector_store %arg15[%swap3A_1092], %add3A_1091 {strides = array<i32>} : memref<272xf32, #tpu.memory_space<vmem>>, vector<16xf32>,
      %add3A_1094 = arith.constant 14 : i32
      %add3A_1095 = arith.addi %mul3A_381, %add3A_1094 : i32
      %get3A_1096 = arith.constant 0 : i32
      %get3A_1097 = arith.index_cast %get3A_1096 : i32 to index
      %get3A_1098 = arith.index_cast %add3A_1095 : i32 to index
      %get3A_1099 = arith.constant 0 : index
      %get3A_1100 = tpu.vector_load %arg11[%get3A_1097, %get3A_1098, %get3A_1099] {strides = array<i32>} : memref<4x128x64xf32, #tpu.memory_space<vmem>>, vector<16xf32>,
      %get3A_1101 = arith.constant 0 : i32
      %get3A_1102 = arith.index_cast %get3A_1101 : i32 to index
      %get3A_1103 = arith.index_cast %add3A_1095 : i32 to index
      %get3A_1104 = arith.constant 0 : index
      %get3A_1105 = tpu.vector_load %arg12[%get3A_1102, %get3A_1103, %get3A_1104] {strides = array<i32>} : memref<4x128x64xf32, #tpu.memory_space<vmem>>, vector<16xf32>,
      %mul3A_1106 = arith.mulf %get3A_1100, %get3A_1105 : vector<16xf32>
      %get3A_1107 = arith.constant 0 : i32
      %get3A_1108 = arith.index_cast %get3A_1107 : i32 to index
      %get3A_1109 = arith.index_cast %add3A_1095 : i32 to index
      %get3A_1110 = arith.constant 16 : index
      %get3A_1111 = tpu.vector_load %arg11[%get3A_1108, %get3A_1109, %get3A_1110] {strides = array<i32>} : memref<4x128x64xf32, #tpu.memory_space<vmem>>, vector<16xf32>,
      %get3A_1112 = arith.constant 0 : i32
      %get3A_1113 = arith.index_cast %get3A_1112 : i32 to index
      %get3A_1114 = arith.index_cast %add3A_1095 : i32 to index
      %get3A_1115 = arith.constant 16 : index
      %get3A_1116 = tpu.vector_load %arg12[%get3A_1113, %get3A_1114, %get3A_1115] {strides = array<i32>} : memref<4x128x64xf32, #tpu.memory_space<vmem>>, vector<16xf32>,
      %mul3A_1117 = arith.mulf %get3A_1111, %get3A_1116 : vector<16xf32>
      %get3A_1118 = arith.constant 0 : i32
      %get3A_1119 = arith.index_cast %get3A_1118 : i32 to index
      %get3A_1120 = arith.index_cast %add3A_1095 : i32 to index
      %get3A_1121 = arith.constant 32 : index
      %get3A_1122 = tpu.vector_load %arg11[%get3A_1119, %get3A_1120, %get3A_1121] {strides = array<i32>} : memref<4x128x64xf32, #tpu.memory_space<vmem>>, vector<16xf32>,
      %get3A_1123 = arith.constant 0 : i32
      %get3A_1124 = arith.index_cast %get3A_1123 : i32 to index
      %get3A_1125 = arith.index_cast %add3A_1095 : i32 to index
      %get3A_1126 = arith.constant 32 : index
      %get3A_1127 = tpu.vector_load %arg12[%get3A_1124, %get3A_1125, %get3A_1126] {strides = array<i32>} : memref<4x128x64xf32, #tpu.memory_space<vmem>>, vector<16xf32>,
      %mul3A_1128 = arith.mulf %get3A_1122, %get3A_1127 : vector<16xf32>
      %add3A_1129 = arith.addf %mul3A_1106, %mul3A_1128 : vector<16xf32>
      %get3A_1130 = arith.constant 0 : i32
      %get3A_1131 = arith.index_cast %get3A_1130 : i32 to index
      %get3A_1132 = arith.index_cast %add3A_1095 : i32 to index
      %get3A_1133 = arith.constant 48 : index
      %get3A_1134 = tpu.vector_load %arg11[%get3A_1131, %get3A_1132, %get3A_1133] {strides = array<i32>} : memref<4x128x64xf32, #tpu.memory_space<vmem>>, vector<16xf32>,
      %get3A_1135 = arith.constant 0 : i32
      %get3A_1136 = arith.index_cast %get3A_1135 : i32 to index
      %get3A_1137 = arith.index_cast %add3A_1095 : i32 to index
      %get3A_1138 = arith.constant 48 : index
      %get3A_1139 = tpu.vector_load %arg12[%get3A_1136, %get3A_1137, %get3A_1138] {strides = array<i32>} : memref<4x128x64xf32, #tpu.memory_space<vmem>>, vector<16xf32>,
      %mul3A_1140 = arith.mulf %get3A_1134, %get3A_1139 : vector<16xf32>
      %add3A_1141 = arith.addf %mul3A_1117, %mul3A_1140 : vector<16xf32>
      %add3A_1142 = arith.addf %add3A_1129, %add3A_1141 : vector<16xf32>
      %swap3A_1143 = arith.constant 238 : index
      %swap3A_1144 = tpu.vector_load %arg15[%swap3A_1143] {strides = array<i32>} : memref<272xf32, #tpu.memory_space<vmem>>, vector<16xf32>,
      tpu.vector_store %arg15[%swap3A_1143], %add3A_1142 {strides = array<i32>} : memref<272xf32, #tpu.memory_space<vmem>>, vector<16xf32>,
      %add3A_1145 = arith.constant 15 : i32
      %add3A_1146 = arith.addi %mul3A_381, %add3A_1145 : i32
      %get3A_1147 = arith.constant 0 : i32
      %get3A_1148 = arith.index_cast %get3A_1147 : i32 to index
      %get3A_1149 = arith.index_cast %add3A_1146 : i32 to index
      %get3A_1150 = arith.constant 0 : index
      %get3A_1151 = tpu.vector_load %arg11[%get3A_1148, %get3A_1149, %get3A_1150] {strides = array<i32>} : memref<4x128x64xf32, #tpu.memory_space<vmem>>, vector<16xf32>,
      %get3A_1152 = arith.constant 0 : i32
      %get3A_1153 = arith.index_cast %get3A_1152 : i32 to index
      %get3A_1154 = arith.index_cast %add3A_1146 : i32 to index
      %get3A_1155 = arith.constant 0 : index
      %get3A_1156 = tpu.vector_load %arg12[%get3A_1153, %get3A_1154, %get3A_1155] {strides = array<i32>} : memref<4x128x64xf32, #tpu.memory_space<vmem>>, vector<16xf32>,
      %mul3A_1157 = arith.mulf %get3A_1151, %get3A_1156 : vector<16xf32>
      %get3A_1158 = arith.constant 0 : i32
      %get3A_1159 = arith.index_cast %get3A_1158 : i32 to index
      %get3A_1160 = arith.index_cast %add3A_1146 : i32 to index
      %get3A_1161 = arith.constant 16 : index
      %get3A_1162 = tpu.vector_load %arg11[%get3A_1159, %get3A_1160, %get3A_1161] {strides = array<i32>} : memref<4x128x64xf32, #tpu.memory_space<vmem>>, vector<16xf32>,
      %get3A_1163 = arith.constant 0 : i32
      %get3A_1164 = arith.index_cast %get3A_1163 : i32 to index
      %get3A_1165 = arith.index_cast %add3A_1146 : i32 to index
      %get3A_1166 = arith.constant 16 : index
      %get3A_1167 = tpu.vector_load %arg12[%get3A_1164, %get3A_1165, %get3A_1166] {strides = array<i32>} : memref<4x128x64xf32, #tpu.memory_space<vmem>>, vector<16xf32>,
      %mul3A_1168 = arith.mulf %get3A_1162, %get3A_1167 : vector<16xf32>
      %get3A_1169 = arith.constant 0 : i32
      %get3A_1170 = arith.index_cast %get3A_1169 : i32 to index
      %get3A_1171 = arith.index_cast %add3A_1146 : i32 to index
      %get3A_1172 = arith.constant 32 : index
      %get3A_1173 = tpu.vector_load %arg11[%get3A_1170, %get3A_1171, %get3A_1172] {strides = array<i32>} : memref<4x128x64xf32, #tpu.memory_space<vmem>>, vector<16xf32>,
      %get3A_1174 = arith.constant 0 : i32
      %get3A_1175 = arith.index_cast %get3A_1174 : i32 to index
      %get3A_1176 = arith.index_cast %add3A_1146 : i32 to index
      %get3A_1177 = arith.constant 32 : index
      %get3A_1178 = tpu.vector_load %arg12[%get3A_1175, %get3A_1176, %get3A_1177] {strides = array<i32>} : memref<4x128x64xf32, #tpu.memory_space<vmem>>, vector<16xf32>,
      %mul3A_1179 = arith.mulf %get3A_1173, %get3A_1178 : vector<16xf32>
      %add3A_1180 = arith.addf %mul3A_1157, %mul3A_1179 : vector<16xf32>
      %get3A_1181 = arith.constant 0 : i32
      %get3A_1182 = arith.index_cast %get3A_1181 : i32 to index
      %get3A_1183 = arith.index_cast %add3A_1146 : i32 to index
      %get3A_1184 = arith.constant 48 : index
      %get3A_1185 = tpu.vector_load %arg11[%get3A_1182, %get3A_1183, %get3A_1184] {strides = array<i32>} : memref<4x128x64xf32, #tpu.memory_space<vmem>>, vector<16xf32>,
      %get3A_1186 = arith.constant 0 : i32
      %get3A_1187 = arith.index_cast %get3A_1186 : i32 to index
      %get3A_1188 = arith.index_cast %add3A_1146 : i32 to index
      %get3A_1189 = arith.constant 48 : index
      %get3A_1190 = tpu.vector_load %arg12[%get3A_1187, %get3A_1188, %get3A_1189] {strides = array<i32>} : memref<4x128x64xf32, #tpu.memory_space<vmem>>, vector<16xf32>,
      %mul3A_1191 = arith.mulf %get3A_1185, %get3A_1190 : vector<16xf32>
      %add3A_1192 = arith.addf %mul3A_1168, %mul3A_1191 : vector<16xf32>
      %add3A_1193 = arith.addf %add3A_1180, %add3A_1192 : vector<16xf32>
      %swap3A_1194 = arith.constant 255 : index
      %swap3A_1195 = tpu.vector_load %arg15[%swap3A_1194] {strides = array<i32>} : memref<272xf32, #tpu.memory_space<vmem>>, vector<16xf32>,
      tpu.vector_store %arg15[%swap3A_1194], %add3A_1193 {strides = array<i32>} : memref<272xf32, #tpu.memory_space<vmem>>, vector<16xf32>,
      %get3A_1196 = arith.constant 0 : i32
      %get3A_1197 = arith.index_cast %get3A_1196 : i32 to index
      %get3A_1198 = arith.index_cast %mul3A_381 : i32 to index
      %get3A_1199 = tpu.vector_load %arg13[%get3A_1197, %get3A_1198] {strides = array<i32>} : memref<4x128xf32, #tpu.memory_space<vmem>>, vector<16xf32>,
      %get3A_1200 = arith.constant 0 : i32
      %get3A_1201 = arith.index_cast %get3A_1200 : i32 to index
      %get3A_1202 = arith.index_cast %mul3A_381 : i32 to index
      %get3A_1203 = tpu.vector_load %arg14[%get3A_1201, %get3A_1202] {strides = array<i32>} : memref<4x128xf32, #tpu.memory_space<vmem>>, vector<16xf32>,
      %add3A_1204 = arith.addf %get3A_1199, %get3A_1203 : vector<16xf32>
      %add3A_1205 = arith.constant 0 : i32
      %add3A_1206 = vector.broadcast %add3A_1205 : i32 to vector<16xi32>
      %add3A_1207 = arith.addi %mul3A_355, %add3A_1206 : vector<16xi32>
      %gather3A = tpu.vector_load_idx %arg15[%add3A_1207] : memref<272xf32, #tpu.memory_space<vmem>>[vector<16xi32>], vector<16xf32>,
      %add3A_1208 = arith.addf %add3A_1204, %gather3A : vector<16xf32>
      %add3A_1209 = arith.constant 1 : i32
      %add3A_1210 = vector.broadcast %add3A_1209 : i32 to vector<16xi32>
      %add3A_1211 = arith.addi %mul3A_355, %add3A_1210 : vector<16xi32>
      %gather3A_1212 = tpu.vector_load_idx %arg15[%add3A_1211] : memref<272xf32, #tpu.memory_space<vmem>>[vector<16xi32>], vector<16xf32>,
      %add3A_1213 = arith.addf %add3A_1208, %gather3A_1212 : vector<16xf32>
      %add3A_1214 = arith.constant 2 : i32
      %add3A_1215 = vector.broadcast %add3A_1214 : i32 to vector<16xi32>
      %add3A_1216 = arith.addi %mul3A_355, %add3A_1215 : vector<16xi32>
      %gather3A_1217 = tpu.vector_load_idx %arg15[%add3A_1216] : memref<272xf32, #tpu.memory_space<vmem>>[vector<16xi32>], vector<16xf32>,
      %add3A_1218 = arith.addf %add3A_1213, %gather3A_1217 : vector<16xf32>
      %add3A_1219 = arith.constant 3 : i32
      %add3A_1220 = vector.broadcast %add3A_1219 : i32 to vector<16xi32>
      %add3A_1221 = arith.addi %mul3A_355, %add3A_1220 : vector<16xi32>
      %gather3A_1222 = tpu.vector_load_idx %arg15[%add3A_1221] : memref<272xf32, #tpu.memory_space<vmem>>[vector<16xi32>], vector<16xf32>,
      %add3A_1223 = arith.addf %add3A_1218, %gather3A_1222 : vector<16xf32>
      %add3A_1224 = arith.constant 4 : i32
      %add3A_1225 = vector.broadcast %add3A_1224 : i32 to vector<16xi32>
      %add3A_1226 = arith.addi %mul3A_355, %add3A_1225 : vector<16xi32>
      %gather3A_1227 = tpu.vector_load_idx %arg15[%add3A_1226] : memref<272xf32, #tpu.memory_space<vmem>>[vector<16xi32>], vector<16xf32>,
      %add3A_1228 = arith.addf %add3A_1223, %gather3A_1227 : vector<16xf32>
      %add3A_1229 = arith.constant 5 : i32
      %add3A_1230 = vector.broadcast %add3A_1229 : i32 to vector<16xi32>
      %add3A_1231 = arith.addi %mul3A_355, %add3A_1230 : vector<16xi32>
      %gather3A_1232 = tpu.vector_load_idx %arg15[%add3A_1231] : memref<272xf32, #tpu.memory_space<vmem>>[vector<16xi32>], vector<16xf32>,
      %add3A_1233 = arith.addf %add3A_1228, %gather3A_1232 : vector<16xf32>
      %add3A_1234 = arith.constant 6 : i32
      %add3A_1235 = vector.broadcast %add3A_1234 : i32 to vector<16xi32>
      %add3A_1236 = arith.addi %mul3A_355, %add3A_1235 : vector<16xi32>
      %gather3A_1237 = tpu.vector_load_idx %arg15[%add3A_1236] : memref<272xf32, #tpu.memory_space<vmem>>[vector<16xi32>], vector<16xf32>,
      %add3A_1238 = arith.addf %add3A_1233, %gather3A_1237 : vector<16xf32>
      %add3A_1239 = arith.constant 7 : i32
      %add3A_1240 = vector.broadcast %add3A_1239 : i32 to vector<16xi32>
      %add3A_1241 = arith.addi %mul3A_355, %add3A_1240 : vector<16xi32>
      %gather3A_1242 = tpu.vector_load_idx %arg15[%add3A_1241] : memref<272xf32, #tpu.memory_space<vmem>>[vector<16xi32>], vector<16xf32>,
      %add3A_1243 = arith.addf %add3A_1238, %gather3A_1242 : vector<16xf32>
      %add3A_1244 = arith.constant 8 : i32
      %add3A_1245 = vector.broadcast %add3A_1244 : i32 to vector<16xi32>
      %add3A_1246 = arith.addi %mul3A_355, %add3A_1245 : vector<16xi32>
      %gather3A_1247 = tpu.vector_load_idx %arg15[%add3A_1246] : memref<272xf32, #tpu.memory_space<vmem>>[vector<16xi32>], vector<16xf32>,
      %add3A_1248 = arith.addf %add3A_1243, %gather3A_1247 : vector<16xf32>
      %add3A_1249 = arith.constant 9 : i32
      %add3A_1250 = vector.broadcast %add3A_1249 : i32 to vector<16xi32>
      %add3A_1251 = arith.addi %mul3A_355, %add3A_1250 : vector<16xi32>
      %gather3A_1252 = tpu.vector_load_idx %arg15[%add3A_1251] : memref<272xf32, #tpu.memory_space<vmem>>[vector<16xi32>], vector<16xf32>,
      %add3A_1253 = arith.addf %add3A_1248, %gather3A_1252 : vector<16xf32>
      %add3A_1254 = arith.constant 10 : i32
      %add3A_1255 = vector.broadcast %add3A_1254 : i32 to vector<16xi32>
      %add3A_1256 = arith.addi %mul3A_355, %add3A_1255 : vector<16xi32>
      %gather3A_1257 = tpu.vector_load_idx %arg15[%add3A_1256] : memref<272xf32, #tpu.memory_space<vmem>>[vector<16xi32>], vector<16xf32>,
      %add3A_1258 = arith.addf %add3A_1253, %gather3A_1257 : vector<16xf32>
      %add3A_1259 = arith.constant 11 : i32
      %add3A_1260 = vector.broadcast %add3A_1259 : i32 to vector<16xi32>
      %add3A_1261 = arith.addi %mul3A_355, %add3A_1260 : vector<16xi32>
      %gather3A_1262 = tpu.vector_load_idx %arg15[%add3A_1261] : memref<272xf32, #tpu.memory_space<vmem>>[vector<16xi32>], vector<16xf32>,
      %add3A_1263 = arith.addf %add3A_1258, %gather3A_1262 : vector<16xf32>
      %add3A_1264 = arith.constant 12 : i32
      %add3A_1265 = vector.broadcast %add3A_1264 : i32 to vector<16xi32>
      %add3A_1266 = arith.addi %mul3A_355, %add3A_1265 : vector<16xi32>
      %gather3A_1267 = tpu.vector_load_idx %arg15[%add3A_1266] : memref<272xf32, #tpu.memory_space<vmem>>[vector<16xi32>], vector<16xf32>,
      %add3A_1268 = arith.addf %add3A_1263, %gather3A_1267 : vector<16xf32>
      %add3A_1269 = arith.constant 13 : i32
      %add3A_1270 = vector.broadcast %add3A_1269 : i32 to vector<16xi32>
      %add3A_1271 = arith.addi %mul3A_355, %add3A_1270 : vector<16xi32>
      %gather3A_1272 = tpu.vector_load_idx %arg15[%add3A_1271] : memref<272xf32, #tpu.memory_space<vmem>>[vector<16xi32>], vector<16xf32>,
      %add3A_1273 = arith.addf %add3A_1268, %gather3A_1272 : vector<16xf32>
      %add3A_1274 = arith.constant 14 : i32
      %add3A_1275 = vector.broadcast %add3A_1274 : i32 to vector<16xi32>
      %add3A_1276 = arith.addi %mul3A_355, %add3A_1275 : vector<16xi32>
      %gather3A_1277 = tpu.vector_load_idx %arg15[%add3A_1276] : memref<272xf32, #tpu.memory_space<vmem>>[vector<16xi32>], vector<16xf32>,
      %add3A_1278 = arith.addf %add3A_1273, %gather3A_1277 : vector<16xf32>
      %add3A_1279 = arith.constant 15 : i32
      %add3A_1280 = vector.broadcast %add3A_1279 : i32 to vector<16xi32>
      %add3A_1281 = arith.addi %mul3A_355, %add3A_1280 : vector<16xi32>
      %gather3A_1282 = tpu.vector_load_idx %arg15[%add3A_1281] : memref<272xf32, #tpu.memory_space<vmem>>[vector<16xi32>], vector<16xf32>,
      %add3A_1283 = arith.addf %add3A_1278, %gather3A_1282 : vector<16xf32>
      %add3A_1284 = arith.constant 0 : i32
      %add3A_1285 = arith.addi %add3A_1284, %mul3A_381 : i32
      %swap3A_1286 = arith.index_cast %add3A_1285 : i32 to index
      %swap3A_1287 = tpu.vector_load %arg16[%swap3A_1286] {strides = array<i32>} : memref<512xf32, #tpu.memory_space<vmem>>, vector<16xf32>,
      tpu.vector_store %arg16[%swap3A_1286], %add3A_1283 {strides = array<i32>} : memref<512xf32, #tpu.memory_space<vmem>>, vector<16xf32>,
    }
    %scan3A_360 = arith.constant 8 : i32
    %scan3A_361 = arith.constant 0 : i32
    %scan3A_362 = arith.constant 0 : i32
    %scan3A_363 = arith.constant 8 : i32
    %scan3A_364 = arith.addi %scan3A_362, %scan3A_363 : i32
    %scan3A_365 = arith.constant 1 : i32
    scf.for %scan3A_379 = %scan3A_362 to %scan3A_364 step %scan3A_365  : i32 {
      %mul3A_380 = arith.constant 16 : i32
      %mul3A_381 = arith.muli %scan3A_379, %mul3A_380 : i32
      %add3A_382 = arith.constant 0 : i32
      %add3A_383 = arith.addi %mul3A_381, %add3A_382 : i32
      %get3A = arith.constant 1 : i32
      %get3A_384 = arith.index_cast %get3A : i32 to index
      %get3A_385 = arith.index_cast %add3A_383 : i32 to index
      %get3A_386 = arith.constant 0 : index
      %get3A_387 = tpu.vector_load %arg11[%get3A_384, %get3A_385, %get3A_386] {strides = array<i32>} : memref<4x128x64xf32, #tpu.memory_space<vmem>>, vector<16xf32>,
      %get3A_388 = arith.constant 1 : i32
      %get3A_389 = arith.index_cast %get3A_388 : i32 to index
      %get3A_390 = arith.index_cast %add3A_383 : i32 to index
      %get3A_391 = arith.constant 0 : index
      %get3A_392 = tpu.vector_load %arg12[%get3A_389, %get3A_390, %get3A_391] {strides = array<i32>} : memref<4x128x64xf32, #tpu.memory_space<vmem>>, vector<16xf32>,
      %mul3A_393 = arith.mulf %get3A_387, %get3A_392 : vector<16xf32>
      %get3A_394 = arith.constant 1 : i32
      %get3A_395 = arith.index_cast %get3A_394 : i32 to index
      %get3A_396 = arith.index_cast %add3A_383 : i32 to index
      %get3A_397 = arith.constant 16 : index
      %get3A_398 = tpu.vector_load %arg11[%get3A_395, %get3A_396, %get3A_397] {strides = array<i32>} : memref<4x128x64xf32, #tpu.memory_space<vmem>>, vector<16xf32>,
      %get3A_399 = arith.constant 1 : i32
      %get3A_400 = arith.index_cast %get3A_399 : i32 to index
      %get3A_401 = arith.index_cast %add3A_383 : i32 to index
      %get3A_402 = arith.constant 16 : index
      %get3A_403 = tpu.vector_load %arg12[%get3A_400, %get3A_401, %get3A_402] {strides = array<i32>} : memref<4x128x64xf32, #tpu.memory_space<vmem>>, vector<16xf32>,
      %mul3A_404 = arith.mulf %get3A_398, %get3A_403 : vector<16xf32>
      %get3A_405 = arith.constant 1 : i32
      %get3A_406 = arith.index_cast %get3A_405 : i32 to index
      %get3A_407 = arith.index_cast %add3A_383 : i32 to index
      %get3A_408 = arith.constant 32 : index
      %get3A_409 = tpu.vector_load %arg11[%get3A_406, %get3A_407, %get3A_408] {strides = array<i32>} : memref<4x128x64xf32, #tpu.memory_space<vmem>>, vector<16xf32>,
      %get3A_410 = arith.constant 1 : i32
      %get3A_411 = arith.index_cast %get3A_410 : i32 to index
      %get3A_412 = arith.index_cast %add3A_383 : i32 to index
      %get3A_413 = arith.constant 32 : index
      %get3A_414 = tpu.vector_load %arg12[%get3A_411, %get3A_412, %get3A_413] {strides = array<i32>} : memref<4x128x64xf32, #tpu.memory_space<vmem>>, vector<16xf32>,
      %mul3A_415 = arith.mulf %get3A_409, %get3A_414 : vector<16xf32>
      %add3A_416 = arith.addf %mul3A_393, %mul3A_415 : vector<16xf32>
      %get3A_417 = arith.constant 1 : i32
      %get3A_418 = arith.index_cast %get3A_417 : i32 to index
      %get3A_419 = arith.index_cast %add3A_383 : i32 to index
      %get3A_420 = arith.constant 48 : index
      %get3A_421 = tpu.vector_load %arg11[%get3A_418, %get3A_419, %get3A_420] {strides = array<i32>} : memref<4x128x64xf32, #tpu.memory_space<vmem>>, vector<16xf32>,
      %get3A_422 = arith.constant 1 : i32
      %get3A_423 = arith.index_cast %get3A_422 : i32 to index
      %get3A_424 = arith.index_cast %add3A_383 : i32 to index
      %get3A_425 = arith.constant 48 : index
      %get3A_426 = tpu.vector_load %arg12[%get3A_423, %get3A_424, %get3A_425] {strides = array<i32>} : memref<4x128x64xf32, #tpu.memory_space<vmem>>, vector<16xf32>,
      %mul3A_427 = arith.mulf %get3A_421, %get3A_426 : vector<16xf32>
      %add3A_428 = arith.addf %mul3A_404, %mul3A_427 : vector<16xf32>
      %add3A_429 = arith.addf %add3A_416, %add3A_428 : vector<16xf32>
      %swap3A = arith.constant 0 : index
      %swap3A_430 = tpu.vector_load %arg15[%swap3A] {strides = array<i32>} : memref<272xf32, #tpu.memory_space<vmem>>, vector<16xf32>,
      tpu.vector_store %arg15[%swap3A], %add3A_429 {strides = array<i32>} : memref<272xf32, #tpu.memory_space<vmem>>, vector<16xf32>,
      %add3A_431 = arith.constant 1 : i32
      %add3A_432 = arith.addi %mul3A_381, %add3A_431 : i32
      %get3A_433 = arith.constant 1 : i32
      %get3A_434 = arith.index_cast %get3A_433 : i32 to index
      %get3A_435 = arith.index_cast %add3A_432 : i32 to index
      %get3A_436 = arith.constant 0 : index
      %get3A_437 = tpu.vector_load %arg11[%get3A_434, %get3A_435, %get3A_436] {strides = array<i32>} : memref<4x128x64xf32, #tpu.memory_space<vmem>>, vector<16xf32>,
      %get3A_438 = arith.constant 1 : i32
      %get3A_439 = arith.index_cast %get3A_438 : i32 to index
      %get3A_440 = arith.index_cast %add3A_432 : i32 to index
      %get3A_441 = arith.constant 0 : index
      %get3A_442 = tpu.vector_load %arg12[%get3A_439, %get3A_440, %get3A_441] {strides = array<i32>} : memref<4x128x64xf32, #tpu.memory_space<vmem>>, vector<16xf32>,
      %mul3A_443 = arith.mulf %get3A_437, %get3A_442 : vector<16xf32>
      %get3A_444 = arith.constant 1 : i32
      %get3A_445 = arith.index_cast %get3A_444 : i32 to index
      %get3A_446 = arith.index_cast %add3A_432 : i32 to index
      %get3A_447 = arith.constant 16 : index
      %get3A_448 = tpu.vector_load %arg11[%get3A_445, %get3A_446, %get3A_447] {strides = array<i32>} : memref<4x128x64xf32, #tpu.memory_space<vmem>>, vector<16xf32>,
      %get3A_449 = arith.constant 1 : i32
      %get3A_450 = arith.index_cast %get3A_449 : i32 to index
      %get3A_451 = arith.index_cast %add3A_432 : i32 to index
      %get3A_452 = arith.constant 16 : index
      %get3A_453 = tpu.vector_load %arg12[%get3A_450, %get3A_451, %get3A_452] {strides = array<i32>} : memref<4x128x64xf32, #tpu.memory_space<vmem>>, vector<16xf32>,
      %mul3A_454 = arith.mulf %get3A_448, %get3A_453 : vector<16xf32>
      %get3A_455 = arith.constant 1 : i32
      %get3A_456 = arith.index_cast %get3A_455 : i32 to index
      %get3A_457 = arith.index_cast %add3A_432 : i32 to index
      %get3A_458 = arith.constant 32 : index
      %get3A_459 = tpu.vector_load %arg11[%get3A_456, %get3A_457, %get3A_458] {strides = array<i32>} : memref<4x128x64xf32, #tpu.memory_space<vmem>>, vector<16xf32>,
      %get3A_460 = arith.constant 1 : i32
      %get3A_461 = arith.index_cast %get3A_460 : i32 to index
      %get3A_462 = arith.index_cast %add3A_432 : i32 to index
      %get3A_463 = arith.constant 32 : index
      %get3A_464 = tpu.vector_load %arg12[%get3A_461, %get3A_462, %get3A_463] {strides = array<i32>} : memref<4x128x64xf32, #tpu.memory_space<vmem>>, vector<16xf32>,
      %mul3A_465 = arith.mulf %get3A_459, %get3A_464 : vector<16xf32>
      %add3A_466 = arith.addf %mul3A_443, %mul3A_465 : vector<16xf32>
      %get3A_467 = arith.constant 1 : i32
      %get3A_468 = arith.index_cast %get3A_467 : i32 to index
      %get3A_469 = arith.index_cast %add3A_432 : i32 to index
      %get3A_470 = arith.constant 48 : index
      %get3A_471 = tpu.vector_load %arg11[%get3A_468, %get3A_469, %get3A_470] {strides = array<i32>} : memref<4x128x64xf32, #tpu.memory_space<vmem>>, vector<16xf32>,
      %get3A_472 = arith.constant 1 : i32
      %get3A_473 = arith.index_cast %get3A_472 : i32 to index
      %get3A_474 = arith.index_cast %add3A_432 : i32 to index
      %get3A_475 = arith.constant 48 : index
      %get3A_476 = tpu.vector_load %arg12[%get3A_473, %get3A_474, %get3A_475] {strides = array<i32>} : memref<4x128x64xf32, #tpu.memory_space<vmem>>, vector<16xf32>,
      %mul3A_477 = arith.mulf %get3A_471, %get3A_476 : vector<16xf32>
      %add3A_478 = arith.addf %mul3A_454, %mul3A_477 : vector<16xf32>
      %add3A_479 = arith.addf %add3A_466, %add3A_478 : vector<16xf32>
      %swap3A_480 = arith.constant 17 : index
      %swap3A_481 = tpu.vector_load %arg15[%swap3A_480] {strides = array<i32>} : memref<272xf32, #tpu.memory_space<vmem>>, vector<16xf32>,
      tpu.vector_store %arg15[%swap3A_480], %add3A_479 {strides = array<i32>} : memref<272xf32, #tpu.memory_space<vmem>>, vector<16xf32>,
      %add3A_482 = arith.constant 2 : i32
      %add3A_483 = arith.addi %mul3A_381, %add3A_482 : i32
      %get3A_484 = arith.constant 1 : i32
      %get3A_485 = arith.index_cast %get3A_484 : i32 to index
      %get3A_486 = arith.index_cast %add3A_483 : i32 to index
      %get3A_487 = arith.constant 0 : index
      %get3A_488 = tpu.vector_load %arg11[%get3A_485, %get3A_486, %get3A_487] {strides = array<i32>} : memref<4x128x64xf32, #tpu.memory_space<vmem>>, vector<16xf32>,
      %get3A_489 = arith.constant 1 : i32
      %get3A_490 = arith.index_cast %get3A_489 : i32 to index
      %get3A_491 = arith.index_cast %add3A_483 : i32 to index
      %get3A_492 = arith.constant 0 : index
      %get3A_493 = tpu.vector_load %arg12[%get3A_490, %get3A_491, %get3A_492] {strides = array<i32>} : memref<4x128x64xf32, #tpu.memory_space<vmem>>, vector<16xf32>,
      %mul3A_494 = arith.mulf %get3A_488, %get3A_493 : vector<16xf32>
      %get3A_495 = arith.constant 1 : i32
      %get3A_496 = arith.index_cast %get3A_495 : i32 to index
      %get3A_497 = arith.index_cast %add3A_483 : i32 to index
      %get3A_498 = arith.constant 16 : index
      %get3A_499 = tpu.vector_load %arg11[%get3A_496, %get3A_497, %get3A_498] {strides = array<i32>} : memref<4x128x64xf32, #tpu.memory_space<vmem>>, vector<16xf32>,
      %get3A_500 = arith.constant 1 : i32
      %get3A_501 = arith.index_cast %get3A_500 : i32 to index
      %get3A_502 = arith.index_cast %add3A_483 : i32 to index
      %get3A_503 = arith.constant 16 : index
      %get3A_504 = tpu.vector_load %arg12[%get3A_501, %get3A_502, %get3A_503] {strides = array<i32>} : memref<4x128x64xf32, #tpu.memory_space<vmem>>, vector<16xf32>,
      %mul3A_505 = arith.mulf %get3A_499, %get3A_504 : vector<16xf32>
      %get3A_506 = arith.constant 1 : i32
      %get3A_507 = arith.index_cast %get3A_506 : i32 to index
      %get3A_508 = arith.index_cast %add3A_483 : i32 to index
      %get3A_509 = arith.constant 32 : index
      %get3A_510 = tpu.vector_load %arg11[%get3A_507, %get3A_508, %get3A_509] {strides = array<i32>} : memref<4x128x64xf32, #tpu.memory_space<vmem>>, vector<16xf32>,
      %get3A_511 = arith.constant 1 : i32
      %get3A_512 = arith.index_cast %get3A_511 : i32 to index
      %get3A_513 = arith.index_cast %add3A_483 : i32 to index
      %get3A_514 = arith.constant 32 : index
      %get3A_515 = tpu.vector_load %arg12[%get3A_512, %get3A_513, %get3A_514] {strides = array<i32>} : memref<4x128x64xf32, #tpu.memory_space<vmem>>, vector<16xf32>,
      %mul3A_516 = arith.mulf %get3A_510, %get3A_515 : vector<16xf32>
      %add3A_517 = arith.addf %mul3A_494, %mul3A_516 : vector<16xf32>
      %get3A_518 = arith.constant 1 : i32
      %get3A_519 = arith.index_cast %get3A_518 : i32 to index
      %get3A_520 = arith.index_cast %add3A_483 : i32 to index
      %get3A_521 = arith.constant 48 : index
      %get3A_522 = tpu.vector_load %arg11[%get3A_519, %get3A_520, %get3A_521] {strides = array<i32>} : memref<4x128x64xf32, #tpu.memory_space<vmem>>, vector<16xf32>,
      %get3A_523 = arith.constant 1 : i32
      %get3A_524 = arith.index_cast %get3A_523 : i32 to index
      %get3A_525 = arith.index_cast %add3A_483 : i32 to index
      %get3A_526 = arith.constant 48 : index
      %get3A_527 = tpu.vector_load %arg12[%get3A_524, %get3A_525, %get3A_526] {strides = array<i32>} : memref<4x128x64xf32, #tpu.memory_space<vmem>>, vector<16xf32>,
      %mul3A_528 = arith.mulf %get3A_522, %get3A_527 : vector<16xf32>
      %add3A_529 = arith.addf %mul3A_505, %mul3A_528 : vector<16xf32>
      %add3A_530 = arith.addf %add3A_517, %add3A_529 : vector<16xf32>
      %swap3A_531 = arith.constant 34 : index
      %swap3A_532 = tpu.vector_load %arg15[%swap3A_531] {strides = array<i32>} : memref<272xf32, #tpu.memory_space<vmem>>, vector<16xf32>,
      tpu.vector_store %arg15[%swap3A_531], %add3A_530 {strides = array<i32>} : memref<272xf32, #tpu.memory_space<vmem>>, vector<16xf32>,
      %add3A_533 = arith.constant 3 : i32
      %add3A_534 = arith.addi %mul3A_381, %add3A_533 : i32
      %get3A_535 = arith.constant 1 : i32
      %get3A_536 = arith.index_cast %get3A_535 : i32 to index
      %get3A_537 = arith.index_cast %add3A_534 : i32 to index
      %get3A_538 = arith.constant 0 : index
      %get3A_539 = tpu.vector_load %arg11[%get3A_536, %get3A_537, %get3A_538] {strides = array<i32>} : memref<4x128x64xf32, #tpu.memory_space<vmem>>, vector<16xf32>,
      %get3A_540 = arith.constant 1 : i32
      %get3A_541 = arith.index_cast %get3A_540 : i32 to index
      %get3A_542 = arith.index_cast %add3A_534 : i32 to index
      %get3A_543 = arith.constant 0 : index
      %get3A_544 = tpu.vector_load %arg12[%get3A_541, %get3A_542, %get3A_543] {strides = array<i32>} : memref<4x128x64xf32, #tpu.memory_space<vmem>>, vector<16xf32>,
      %mul3A_545 = arith.mulf %get3A_539, %get3A_544 : vector<16xf32>
      %get3A_546 = arith.constant 1 : i32
      %get3A_547 = arith.index_cast %get3A_546 : i32 to index
      %get3A_548 = arith.index_cast %add3A_534 : i32 to index
      %get3A_549 = arith.constant 16 : index
      %get3A_550 = tpu.vector_load %arg11[%get3A_547, %get3A_548, %get3A_549] {strides = array<i32>} : memref<4x128x64xf32, #tpu.memory_space<vmem>>, vector<16xf32>,
      %get3A_551 = arith.constant 1 : i32
      %get3A_552 = arith.index_cast %get3A_551 : i32 to index
      %get3A_553 = arith.index_cast %add3A_534 : i32 to index
      %get3A_554 = arith.constant 16 : index
      %get3A_555 = tpu.vector_load %arg12[%get3A_552, %get3A_553, %get3A_554] {strides = array<i32>} : memref<4x128x64xf32, #tpu.memory_space<vmem>>, vector<16xf32>,
      %mul3A_556 = arith.mulf %get3A_550, %get3A_555 : vector<16xf32>
      %get3A_557 = arith.constant 1 : i32
      %get3A_558 = arith.index_cast %get3A_557 : i32 to index
      %get3A_559 = arith.index_cast %add3A_534 : i32 to index
      %get3A_560 = arith.constant 32 : index
      %get3A_561 = tpu.vector_load %arg11[%get3A_558, %get3A_559, %get3A_560] {strides = array<i32>} : memref<4x128x64xf32, #tpu.memory_space<vmem>>, vector<16xf32>,
      %get3A_562 = arith.constant 1 : i32
      %get3A_563 = arith.index_cast %get3A_562 : i32 to index
      %get3A_564 = arith.index_cast %add3A_534 : i32 to index
      %get3A_565 = arith.constant 32 : index
      %get3A_566 = tpu.vector_load %arg12[%get3A_563, %get3A_564, %get3A_565] {strides = array<i32>} : memref<4x128x64xf32, #tpu.memory_space<vmem>>, vector<16xf32>,
      %mul3A_567 = arith.mulf %get3A_561, %get3A_566 : vector<16xf32>
      %add3A_568 = arith.addf %mul3A_545, %mul3A_567 : vector<16xf32>
      %get3A_569 = arith.constant 1 : i32
      %get3A_570 = arith.index_cast %get3A_569 : i32 to index
      %get3A_571 = arith.index_cast %add3A_534 : i32 to index
      %get3A_572 = arith.constant 48 : index
      %get3A_573 = tpu.vector_load %arg11[%get3A_570, %get3A_571, %get3A_572] {strides = array<i32>} : memref<4x128x64xf32, #tpu.memory_space<vmem>>, vector<16xf32>,
      %get3A_574 = arith.constant 1 : i32
      %get3A_575 = arith.index_cast %get3A_574 : i32 to index
      %get3A_576 = arith.index_cast %add3A_534 : i32 to index
      %get3A_577 = arith.constant 48 : index
      %get3A_578 = tpu.vector_load %arg12[%get3A_575, %get3A_576, %get3A_577] {strides = array<i32>} : memref<4x128x64xf32, #tpu.memory_space<vmem>>, vector<16xf32>,
      %mul3A_579 = arith.mulf %get3A_573, %get3A_578 : vector<16xf32>
      %add3A_580 = arith.addf %mul3A_556, %mul3A_579 : vector<16xf32>
      %add3A_581 = arith.addf %add3A_568, %add3A_580 : vector<16xf32>
      %swap3A_582 = arith.constant 51 : index
      %swap3A_583 = tpu.vector_load %arg15[%swap3A_582] {strides = array<i32>} : memref<272xf32, #tpu.memory_space<vmem>>, vector<16xf32>,
      tpu.vector_store %arg15[%swap3A_582], %add3A_581 {strides = array<i32>} : memref<272xf32, #tpu.memory_space<vmem>>, vector<16xf32>,
      %add3A_584 = arith.constant 4 : i32
      %add3A_585 = arith.addi %mul3A_381, %add3A_584 : i32
      %get3A_586 = arith.constant 1 : i32
      %get3A_587 = arith.index_cast %get3A_586 : i32 to index
      %get3A_588 = arith.index_cast %add3A_585 : i32 to index
      %get3A_589 = arith.constant 0 : index
      %get3A_590 = tpu.vector_load %arg11[%get3A_587, %get3A_588, %get3A_589] {strides = array<i32>} : memref<4x128x64xf32, #tpu.memory_space<vmem>>, vector<16xf32>,
      %get3A_591 = arith.constant 1 : i32
      %get3A_592 = arith.index_cast %get3A_591 : i32 to index
      %get3A_593 = arith.index_cast %add3A_585 : i32 to index
      %get3A_594 = arith.constant 0 : index
      %get3A_595 = tpu.vector_load %arg12[%get3A_592, %get3A_593, %get3A_594] {strides = array<i32>} : memref<4x128x64xf32, #tpu.memory_space<vmem>>, vector<16xf32>,
      %mul3A_596 = arith.mulf %get3A_590, %get3A_595 : vector<16xf32>
      %get3A_597 = arith.constant 1 : i32
      %get3A_598 = arith.index_cast %get3A_597 : i32 to index
      %get3A_599 = arith.index_cast %add3A_585 : i32 to index
      %get3A_600 = arith.constant 16 : index
      %get3A_601 = tpu.vector_load %arg11[%get3A_598, %get3A_599, %get3A_600] {strides = array<i32>} : memref<4x128x64xf32, #tpu.memory_space<vmem>>, vector<16xf32>,
      %get3A_602 = arith.constant 1 : i32
      %get3A_603 = arith.index_cast %get3A_602 : i32 to index
      %get3A_604 = arith.index_cast %add3A_585 : i32 to index
      %get3A_605 = arith.constant 16 : index
      %get3A_606 = tpu.vector_load %arg12[%get3A_603, %get3A_604, %get3A_605] {strides = array<i32>} : memref<4x128x64xf32, #tpu.memory_space<vmem>>, vector<16xf32>,
      %mul3A_607 = arith.mulf %get3A_601, %get3A_606 : vector<16xf32>
      %get3A_608 = arith.constant 1 : i32
      %get3A_609 = arith.index_cast %get3A_608 : i32 to index
      %get3A_610 = arith.index_cast %add3A_585 : i32 to index
      %get3A_611 = arith.constant 32 : index
      %get3A_612 = tpu.vector_load %arg11[%get3A_609, %get3A_610, %get3A_611] {strides = array<i32>} : memref<4x128x64xf32, #tpu.memory_space<vmem>>, vector<16xf32>,
      %get3A_613 = arith.constant 1 : i32
      %get3A_614 = arith.index_cast %get3A_613 : i32 to index
      %get3A_615 = arith.index_cast %add3A_585 : i32 to index
      %get3A_616 = arith.constant 32 : index
      %get3A_617 = tpu.vector_load %arg12[%get3A_614, %get3A_615, %get3A_616] {strides = array<i32>} : memref<4x128x64xf32, #tpu.memory_space<vmem>>, vector<16xf32>,
      %mul3A_618 = arith.mulf %get3A_612, %get3A_617 : vector<16xf32>
      %add3A_619 = arith.addf %mul3A_596, %mul3A_618 : vector<16xf32>
      %get3A_620 = arith.constant 1 : i32
      %get3A_621 = arith.index_cast %get3A_620 : i32 to index
      %get3A_622 = arith.index_cast %add3A_585 : i32 to index
      %get3A_623 = arith.constant 48 : index
      %get3A_624 = tpu.vector_load %arg11[%get3A_621, %get3A_622, %get3A_623] {strides = array<i32>} : memref<4x128x64xf32, #tpu.memory_space<vmem>>, vector<16xf32>,
      %get3A_625 = arith.constant 1 : i32
      %get3A_626 = arith.index_cast %get3A_625 : i32 to index
      %get3A_627 = arith.index_cast %add3A_585 : i32 to index
      %get3A_628 = arith.constant 48 : index
      %get3A_629 = tpu.vector_load %arg12[%get3A_626, %get3A_627, %get3A_628] {strides = array<i32>} : memref<4x128x64xf32, #tpu.memory_space<vmem>>, vector<16xf32>,
      %mul3A_630 = arith.mulf %get3A_624, %get3A_629 : vector<16xf32>
      %add3A_631 = arith.addf %mul3A_607, %mul3A_630 : vector<16xf32>
      %add3A_632 = arith.addf %add3A_619, %add3A_631 : vector<16xf32>
      %swap3A_633 = arith.constant 68 : index
      %swap3A_634 = tpu.vector_load %arg15[%swap3A_633] {strides = array<i32>} : memref<272xf32, #tpu.memory_space<vmem>>, vector<16xf32>,
      tpu.vector_store %arg15[%swap3A_633], %add3A_632 {strides = array<i32>} : memref<272xf32, #tpu.memory_space<vmem>>, vector<16xf32>,
      %add3A_635 = arith.constant 5 : i32
      %add3A_636 = arith.addi %mul3A_381, %add3A_635 : i32
      %get3A_637 = arith.constant 1 : i32
      %get3A_638 = arith.index_cast %get3A_637 : i32 to index
      %get3A_639 = arith.index_cast %add3A_636 : i32 to index
      %get3A_640 = arith.constant 0 : index
      %get3A_641 = tpu.vector_load %arg11[%get3A_638, %get3A_639, %get3A_640] {strides = array<i32>} : memref<4x128x64xf32, #tpu.memory_space<vmem>>, vector<16xf32>,
      %get3A_642 = arith.constant 1 : i32
      %get3A_643 = arith.index_cast %get3A_642 : i32 to index
      %get3A_644 = arith.index_cast %add3A_636 : i32 to index
      %get3A_645 = arith.constant 0 : index
      %get3A_646 = tpu.vector_load %arg12[%get3A_643, %get3A_644, %get3A_645] {strides = array<i32>} : memref<4x128x64xf32, #tpu.memory_space<vmem>>, vector<16xf32>,
      %mul3A_647 = arith.mulf %get3A_641, %get3A_646 : vector<16xf32>
      %get3A_648 = arith.constant 1 : i32
      %get3A_649 = arith.index_cast %get3A_648 : i32 to index
      %get3A_650 = arith.index_cast %add3A_636 : i32 to index
      %get3A_651 = arith.constant 16 : index
      %get3A_652 = tpu.vector_load %arg11[%get3A_649, %get3A_650, %get3A_651] {strides = array<i32>} : memref<4x128x64xf32, #tpu.memory_space<vmem>>, vector<16xf32>,
      %get3A_653 = arith.constant 1 : i32
      %get3A_654 = arith.index_cast %get3A_653 : i32 to index
      %get3A_655 = arith.index_cast %add3A_636 : i32 to index
      %get3A_656 = arith.constant 16 : index
      %get3A_657 = tpu.vector_load %arg12[%get3A_654, %get3A_655, %get3A_656] {strides = array<i32>} : memref<4x128x64xf32, #tpu.memory_space<vmem>>, vector<16xf32>,
      %mul3A_658 = arith.mulf %get3A_652, %get3A_657 : vector<16xf32>
      %get3A_659 = arith.constant 1 : i32
      %get3A_660 = arith.index_cast %get3A_659 : i32 to index
      %get3A_661 = arith.index_cast %add3A_636 : i32 to index
      %get3A_662 = arith.constant 32 : index
      %get3A_663 = tpu.vector_load %arg11[%get3A_660, %get3A_661, %get3A_662] {strides = array<i32>} : memref<4x128x64xf32, #tpu.memory_space<vmem>>, vector<16xf32>,
      %get3A_664 = arith.constant 1 : i32
      %get3A_665 = arith.index_cast %get3A_664 : i32 to index
      %get3A_666 = arith.index_cast %add3A_636 : i32 to index
      %get3A_667 = arith.constant 32 : index
      %get3A_668 = tpu.vector_load %arg12[%get3A_665, %get3A_666, %get3A_667] {strides = array<i32>} : memref<4x128x64xf32, #tpu.memory_space<vmem>>, vector<16xf32>,
      %mul3A_669 = arith.mulf %get3A_663, %get3A_668 : vector<16xf32>
      %add3A_670 = arith.addf %mul3A_647, %mul3A_669 : vector<16xf32>
      %get3A_671 = arith.constant 1 : i32
      %get3A_672 = arith.index_cast %get3A_671 : i32 to index
      %get3A_673 = arith.index_cast %add3A_636 : i32 to index
      %get3A_674 = arith.constant 48 : index
      %get3A_675 = tpu.vector_load %arg11[%get3A_672, %get3A_673, %get3A_674] {strides = array<i32>} : memref<4x128x64xf32, #tpu.memory_space<vmem>>, vector<16xf32>,
      %get3A_676 = arith.constant 1 : i32
      %get3A_677 = arith.index_cast %get3A_676 : i32 to index
      %get3A_678 = arith.index_cast %add3A_636 : i32 to index
      %get3A_679 = arith.constant 48 : index
      %get3A_680 = tpu.vector_load %arg12[%get3A_677, %get3A_678, %get3A_679] {strides = array<i32>} : memref<4x128x64xf32, #tpu.memory_space<vmem>>, vector<16xf32>,
      %mul3A_681 = arith.mulf %get3A_675, %get3A_680 : vector<16xf32>
      %add3A_682 = arith.addf %mul3A_658, %mul3A_681 : vector<16xf32>
      %add3A_683 = arith.addf %add3A_670, %add3A_682 : vector<16xf32>
      %swap3A_684 = arith.constant 85 : index
      %swap3A_685 = tpu.vector_load %arg15[%swap3A_684] {strides = array<i32>} : memref<272xf32, #tpu.memory_space<vmem>>, vector<16xf32>,
      tpu.vector_store %arg15[%swap3A_684], %add3A_683 {strides = array<i32>} : memref<272xf32, #tpu.memory_space<vmem>>, vector<16xf32>,
      %add3A_686 = arith.constant 6 : i32
      %add3A_687 = arith.addi %mul3A_381, %add3A_686 : i32
      %get3A_688 = arith.constant 1 : i32
      %get3A_689 = arith.index_cast %get3A_688 : i32 to index
      %get3A_690 = arith.index_cast %add3A_687 : i32 to index
      %get3A_691 = arith.constant 0 : index
      %get3A_692 = tpu.vector_load %arg11[%get3A_689, %get3A_690, %get3A_691] {strides = array<i32>} : memref<4x128x64xf32, #tpu.memory_space<vmem>>, vector<16xf32>,
      %get3A_693 = arith.constant 1 : i32
      %get3A_694 = arith.index_cast %get3A_693 : i32 to index
      %get3A_695 = arith.index_cast %add3A_687 : i32 to index
      %get3A_696 = arith.constant 0 : index
      %get3A_697 = tpu.vector_load %arg12[%get3A_694, %get3A_695, %get3A_696] {strides = array<i32>} : memref<4x128x64xf32, #tpu.memory_space<vmem>>, vector<16xf32>,
      %mul3A_698 = arith.mulf %get3A_692, %get3A_697 : vector<16xf32>
      %get3A_699 = arith.constant 1 : i32
      %get3A_700 = arith.index_cast %get3A_699 : i32 to index
      %get3A_701 = arith.index_cast %add3A_687 : i32 to index
      %get3A_702 = arith.constant 16 : index
      %get3A_703 = tpu.vector_load %arg11[%get3A_700, %get3A_701, %get3A_702] {strides = array<i32>} : memref<4x128x64xf32, #tpu.memory_space<vmem>>, vector<16xf32>,
      %get3A_704 = arith.constant 1 : i32
      %get3A_705 = arith.index_cast %get3A_704 : i32 to index
      %get3A_706 = arith.index_cast %add3A_687 : i32 to index
      %get3A_707 = arith.constant 16 : index
      %get3A_708 = tpu.vector_load %arg12[%get3A_705, %get3A_706, %get3A_707] {strides = array<i32>} : memref<4x128x64xf32, #tpu.memory_space<vmem>>, vector<16xf32>,
      %mul3A_709 = arith.mulf %get3A_703, %get3A_708 : vector<16xf32>
      %get3A_710 = arith.constant 1 : i32
      %get3A_711 = arith.index_cast %get3A_710 : i32 to index
      %get3A_712 = arith.index_cast %add3A_687 : i32 to index
      %get3A_713 = arith.constant 32 : index
      %get3A_714 = tpu.vector_load %arg11[%get3A_711, %get3A_712, %get3A_713] {strides = array<i32>} : memref<4x128x64xf32, #tpu.memory_space<vmem>>, vector<16xf32>,
      %get3A_715 = arith.constant 1 : i32
      %get3A_716 = arith.index_cast %get3A_715 : i32 to index
      %get3A_717 = arith.index_cast %add3A_687 : i32 to index
      %get3A_718 = arith.constant 32 : index
      %get3A_719 = tpu.vector_load %arg12[%get3A_716, %get3A_717, %get3A_718] {strides = array<i32>} : memref<4x128x64xf32, #tpu.memory_space<vmem>>, vector<16xf32>,
      %mul3A_720 = arith.mulf %get3A_714, %get3A_719 : vector<16xf32>
      %add3A_721 = arith.addf %mul3A_698, %mul3A_720 : vector<16xf32>
      %get3A_722 = arith.constant 1 : i32
      %get3A_723 = arith.index_cast %get3A_722 : i32 to index
      %get3A_724 = arith.index_cast %add3A_687 : i32 to index
      %get3A_725 = arith.constant 48 : index
      %get3A_726 = tpu.vector_load %arg11[%get3A_723, %get3A_724, %get3A_725] {strides = array<i32>} : memref<4x128x64xf32, #tpu.memory_space<vmem>>, vector<16xf32>,
      %get3A_727 = arith.constant 1 : i32
      %get3A_728 = arith.index_cast %get3A_727 : i32 to index
      %get3A_729 = arith.index_cast %add3A_687 : i32 to index
      %get3A_730 = arith.constant 48 : index
      %get3A_731 = tpu.vector_load %arg12[%get3A_728, %get3A_729, %get3A_730] {strides = array<i32>} : memref<4x128x64xf32, #tpu.memory_space<vmem>>, vector<16xf32>,
      %mul3A_732 = arith.mulf %get3A_726, %get3A_731 : vector<16xf32>
      %add3A_733 = arith.addf %mul3A_709, %mul3A_732 : vector<16xf32>
      %add3A_734 = arith.addf %add3A_721, %add3A_733 : vector<16xf32>
      %swap3A_735 = arith.constant 102 : index
      %swap3A_736 = tpu.vector_load %arg15[%swap3A_735] {strides = array<i32>} : memref<272xf32, #tpu.memory_space<vmem>>, vector<16xf32>,
      tpu.vector_store %arg15[%swap3A_735], %add3A_734 {strides = array<i32>} : memref<272xf32, #tpu.memory_space<vmem>>, vector<16xf32>,
      %add3A_737 = arith.constant 7 : i32
      %add3A_738 = arith.addi %mul3A_381, %add3A_737 : i32
      %get3A_739 = arith.constant 1 : i32
      %get3A_740 = arith.index_cast %get3A_739 : i32 to index
      %get3A_741 = arith.index_cast %add3A_738 : i32 to index
      %get3A_742 = arith.constant 0 : index
      %get3A_743 = tpu.vector_load %arg11[%get3A_740, %get3A_741, %get3A_742] {strides = array<i32>} : memref<4x128x64xf32, #tpu.memory_space<vmem>>, vector<16xf32>,
      %get3A_744 = arith.constant 1 : i32
      %get3A_745 = arith.index_cast %get3A_744 : i32 to index
      %get3A_746 = arith.index_cast %add3A_738 : i32 to index
      %get3A_747 = arith.constant 0 : index
      %get3A_748 = tpu.vector_load %arg12[%get3A_745, %get3A_746, %get3A_747] {strides = array<i32>} : memref<4x128x64xf32, #tpu.memory_space<vmem>>, vector<16xf32>,
      %mul3A_749 = arith.mulf %get3A_743, %get3A_748 : vector<16xf32>
      %get3A_750 = arith.constant 1 : i32
      %get3A_751 = arith.index_cast %get3A_750 : i32 to index
      %get3A_752 = arith.index_cast %add3A_738 : i32 to index
      %get3A_753 = arith.constant 16 : index
      %get3A_754 = tpu.vector_load %arg11[%get3A_751, %get3A_752, %get3A_753] {strides = array<i32>} : memref<4x128x64xf32, #tpu.memory_space<vmem>>, vector<16xf32>,
      %get3A_755 = arith.constant 1 : i32
      %get3A_756 = arith.index_cast %get3A_755 : i32 to index
      %get3A_757 = arith.index_cast %add3A_738 : i32 to index
      %get3A_758 = arith.constant 16 : index
      %get3A_759 = tpu.vector_load %arg12[%get3A_756, %get3A_757, %get3A_758] {strides = array<i32>} : memref<4x128x64xf32, #tpu.memory_space<vmem>>, vector<16xf32>,
      %mul3A_760 = arith.mulf %get3A_754, %get3A_759 : vector<16xf32>
      %get3A_761 = arith.constant 1 : i32
      %get3A_762 = arith.index_cast %get3A_761 : i32 to index
      %get3A_763 = arith.index_cast %add3A_738 : i32 to index
      %get3A_764 = arith.constant 32 : index
      %get3A_765 = tpu.vector_load %arg11[%get3A_762, %get3A_763, %get3A_764] {strides = array<i32>} : memref<4x128x64xf32, #tpu.memory_space<vmem>>, vector<16xf32>,
      %get3A_766 = arith.constant 1 : i32
      %get3A_767 = arith.index_cast %get3A_766 : i32 to index
      %get3A_768 = arith.index_cast %add3A_738 : i32 to index
      %get3A_769 = arith.constant 32 : index
      %get3A_770 = tpu.vector_load %arg12[%get3A_767, %get3A_768, %get3A_769] {strides = array<i32>} : memref<4x128x64xf32, #tpu.memory_space<vmem>>, vector<16xf32>,
      %mul3A_771 = arith.mulf %get3A_765, %get3A_770 : vector<16xf32>
      %add3A_772 = arith.addf %mul3A_749, %mul3A_771 : vector<16xf32>
      %get3A_773 = arith.constant 1 : i32
      %get3A_774 = arith.index_cast %get3A_773 : i32 to index
      %get3A_775 = arith.index_cast %add3A_738 : i32 to index
      %get3A_776 = arith.constant 48 : index
      %get3A_777 = tpu.vector_load %arg11[%get3A_774, %get3A_775, %get3A_776] {strides = array<i32>} : memref<4x128x64xf32, #tpu.memory_space<vmem>>, vector<16xf32>,
      %get3A_778 = arith.constant 1 : i32
      %get3A_779 = arith.index_cast %get3A_778 : i32 to index
      %get3A_780 = arith.index_cast %add3A_738 : i32 to index
      %get3A_781 = arith.constant 48 : index
      %get3A_782 = tpu.vector_load %arg12[%get3A_779, %get3A_780, %get3A_781] {strides = array<i32>} : memref<4x128x64xf32, #tpu.memory_space<vmem>>, vector<16xf32>,
      %mul3A_783 = arith.mulf %get3A_777, %get3A_782 : vector<16xf32>
      %add3A_784 = arith.addf %mul3A_760, %mul3A_783 : vector<16xf32>
      %add3A_785 = arith.addf %add3A_772, %add3A_784 : vector<16xf32>
      %swap3A_786 = arith.constant 119 : index
      %swap3A_787 = tpu.vector_load %arg15[%swap3A_786] {strides = array<i32>} : memref<272xf32, #tpu.memory_space<vmem>>, vector<16xf32>,
      tpu.vector_store %arg15[%swap3A_786], %add3A_785 {strides = array<i32>} : memref<272xf32, #tpu.memory_space<vmem>>, vector<16xf32>,
      %add3A_788 = arith.constant 8 : i32
      %add3A_789 = arith.addi %mul3A_381, %add3A_788 : i32
      %get3A_790 = arith.constant 1 : i32
      %get3A_791 = arith.index_cast %get3A_790 : i32 to index
      %get3A_792 = arith.index_cast %add3A_789 : i32 to index
      %get3A_793 = arith.constant 0 : index
      %get3A_794 = tpu.vector_load %arg11[%get3A_791, %get3A_792, %get3A_793] {strides = array<i32>} : memref<4x128x64xf32, #tpu.memory_space<vmem>>, vector<16xf32>,
      %get3A_795 = arith.constant 1 : i32
      %get3A_796 = arith.index_cast %get3A_795 : i32 to index
      %get3A_797 = arith.index_cast %add3A_789 : i32 to index
      %get3A_798 = arith.constant 0 : index
      %get3A_799 = tpu.vector_load %arg12[%get3A_796, %get3A_797, %get3A_798] {strides = array<i32>} : memref<4x128x64xf32, #tpu.memory_space<vmem>>, vector<16xf32>,
      %mul3A_800 = arith.mulf %get3A_794, %get3A_799 : vector<16xf32>
      %get3A_801 = arith.constant 1 : i32
      %get3A_802 = arith.index_cast %get3A_801 : i32 to index
      %get3A_803 = arith.index_cast %add3A_789 : i32 to index
      %get3A_804 = arith.constant 16 : index
      %get3A_805 = tpu.vector_load %arg11[%get3A_802, %get3A_803, %get3A_804] {strides = array<i32>} : memref<4x128x64xf32, #tpu.memory_space<vmem>>, vector<16xf32>,
      %get3A_806 = arith.constant 1 : i32
      %get3A_807 = arith.index_cast %get3A_806 : i32 to index
      %get3A_808 = arith.index_cast %add3A_789 : i32 to index
      %get3A_809 = arith.constant 16 : index
      %get3A_810 = tpu.vector_load %arg12[%get3A_807, %get3A_808, %get3A_809] {strides = array<i32>} : memref<4x128x64xf32, #tpu.memory_space<vmem>>, vector<16xf32>,
      %mul3A_811 = arith.mulf %get3A_805, %get3A_810 : vector<16xf32>
      %get3A_812 = arith.constant 1 : i32
      %get3A_813 = arith.index_cast %get3A_812 : i32 to index
      %get3A_814 = arith.index_cast %add3A_789 : i32 to index
      %get3A_815 = arith.constant 32 : index
      %get3A_816 = tpu.vector_load %arg11[%get3A_813, %get3A_814, %get3A_815] {strides = array<i32>} : memref<4x128x64xf32, #tpu.memory_space<vmem>>, vector<16xf32>,
      %get3A_817 = arith.constant 1 : i32
      %get3A_818 = arith.index_cast %get3A_817 : i32 to index
      %get3A_819 = arith.index_cast %add3A_789 : i32 to index
      %get3A_820 = arith.constant 32 : index
      %get3A_821 = tpu.vector_load %arg12[%get3A_818, %get3A_819, %get3A_820] {strides = array<i32>} : memref<4x128x64xf32, #tpu.memory_space<vmem>>, vector<16xf32>,
      %mul3A_822 = arith.mulf %get3A_816, %get3A_821 : vector<16xf32>
      %add3A_823 = arith.addf %mul3A_800, %mul3A_822 : vector<16xf32>
      %get3A_824 = arith.constant 1 : i32
      %get3A_825 = arith.index_cast %get3A_824 : i32 to index
      %get3A_826 = arith.index_cast %add3A_789 : i32 to index
      %get3A_827 = arith.constant 48 : index
      %get3A_828 = tpu.vector_load %arg11[%get3A_825, %get3A_826, %get3A_827] {strides = array<i32>} : memref<4x128x64xf32, #tpu.memory_space<vmem>>, vector<16xf32>,
      %get3A_829 = arith.constant 1 : i32
      %get3A_830 = arith.index_cast %get3A_829 : i32 to index
      %get3A_831 = arith.index_cast %add3A_789 : i32 to index
      %get3A_832 = arith.constant 48 : index
      %get3A_833 = tpu.vector_load %arg12[%get3A_830, %get3A_831, %get3A_832] {strides = array<i32>} : memref<4x128x64xf32, #tpu.memory_space<vmem>>, vector<16xf32>,
      %mul3A_834 = arith.mulf %get3A_828, %get3A_833 : vector<16xf32>
      %add3A_835 = arith.addf %mul3A_811, %mul3A_834 : vector<16xf32>
      %add3A_836 = arith.addf %add3A_823, %add3A_835 : vector<16xf32>
      %swap3A_837 = arith.constant 136 : index
      %swap3A_838 = tpu.vector_load %arg15[%swap3A_837] {strides = array<i32>} : memref<272xf32, #tpu.memory_space<vmem>>, vector<16xf32>,
      tpu.vector_store %arg15[%swap3A_837], %add3A_836 {strides = array<i32>} : memref<272xf32, #tpu.memory_space<vmem>>, vector<16xf32>,
      %add3A_839 = arith.constant 9 : i32
      %add3A_840 = arith.addi %mul3A_381, %add3A_839 : i32
      %get3A_841 = arith.constant 1 : i32
      %get3A_842 = arith.index_cast %get3A_841 : i32 to index
      %get3A_843 = arith.index_cast %add3A_840 : i32 to index
      %get3A_844 = arith.constant 0 : index
      %get3A_845 = tpu.vector_load %arg11[%get3A_842, %get3A_843, %get3A_844] {strides = array<i32>} : memref<4x128x64xf32, #tpu.memory_space<vmem>>, vector<16xf32>,
      %get3A_846 = arith.constant 1 : i32
      %get3A_847 = arith.index_cast %get3A_846 : i32 to index
      %get3A_848 = arith.index_cast %add3A_840 : i32 to index
      %get3A_849 = arith.constant 0 : index
      %get3A_850 = tpu.vector_load %arg12[%get3A_847, %get3A_848, %get3A_849] {strides = array<i32>} : memref<4x128x64xf32, #tpu.memory_space<vmem>>, vector<16xf32>,
      %mul3A_851 = arith.mulf %get3A_845, %get3A_850 : vector<16xf32>
      %get3A_852 = arith.constant 1 : i32
      %get3A_853 = arith.index_cast %get3A_852 : i32 to index
      %get3A_854 = arith.index_cast %add3A_840 : i32 to index
      %get3A_855 = arith.constant 16 : index
      %get3A_856 = tpu.vector_load %arg11[%get3A_853, %get3A_854, %get3A_855] {strides = array<i32>} : memref<4x128x64xf32, #tpu.memory_space<vmem>>, vector<16xf32>,
      %get3A_857 = arith.constant 1 : i32
      %get3A_858 = arith.index_cast %get3A_857 : i32 to index
      %get3A_859 = arith.index_cast %add3A_840 : i32 to index
      %get3A_860 = arith.constant 16 : index
      %get3A_861 = tpu.vector_load %arg12[%get3A_858, %get3A_859, %get3A_860] {strides = array<i32>} : memref<4x128x64xf32, #tpu.memory_space<vmem>>, vector<16xf32>,
      %mul3A_862 = arith.mulf %get3A_856, %get3A_861 : vector<16xf32>
      %get3A_863 = arith.constant 1 : i32
      %get3A_864 = arith.index_cast %get3A_863 : i32 to index
      %get3A_865 = arith.index_cast %add3A_840 : i32 to index
      %get3A_866 = arith.constant 32 : index
      %get3A_867 = tpu.vector_load %arg11[%get3A_864, %get3A_865, %get3A_866] {strides = array<i32>} : memref<4x128x64xf32, #tpu.memory_space<vmem>>, vector<16xf32>,
      %get3A_868 = arith.constant 1 : i32
      %get3A_869 = arith.index_cast %get3A_868 : i32 to index
      %get3A_870 = arith.index_cast %add3A_840 : i32 to index
      %get3A_871 = arith.constant 32 : index
      %get3A_872 = tpu.vector_load %arg12[%get3A_869, %get3A_870, %get3A_871] {strides = array<i32>} : memref<4x128x64xf32, #tpu.memory_space<vmem>>, vector<16xf32>,
      %mul3A_873 = arith.mulf %get3A_867, %get3A_872 : vector<16xf32>
      %add3A_874 = arith.addf %mul3A_851, %mul3A_873 : vector<16xf32>
      %get3A_875 = arith.constant 1 : i32
      %get3A_876 = arith.index_cast %get3A_875 : i32 to index
      %get3A_877 = arith.index_cast %add3A_840 : i32 to index
      %get3A_878 = arith.constant 48 : index
      %get3A_879 = tpu.vector_load %arg11[%get3A_876, %get3A_877, %get3A_878] {strides = array<i32>} : memref<4x128x64xf32, #tpu.memory_space<vmem>>, vector<16xf32>,
      %get3A_880 = arith.constant 1 : i32
      %get3A_881 = arith.index_cast %get3A_880 : i32 to index
      %get3A_882 = arith.index_cast %add3A_840 : i32 to index
      %get3A_883 = arith.constant 48 : index
      %get3A_884 = tpu.vector_load %arg12[%get3A_881, %get3A_882, %get3A_883] {strides = array<i32>} : memref<4x128x64xf32, #tpu.memory_space<vmem>>, vector<16xf32>,
      %mul3A_885 = arith.mulf %get3A_879, %get3A_884 : vector<16xf32>
      %add3A_886 = arith.addf %mul3A_862, %mul3A_885 : vector<16xf32>
      %add3A_887 = arith.addf %add3A_874, %add3A_886 : vector<16xf32>
      %swap3A_888 = arith.constant 153 : index
      %swap3A_889 = tpu.vector_load %arg15[%swap3A_888] {strides = array<i32>} : memref<272xf32, #tpu.memory_space<vmem>>, vector<16xf32>,
      tpu.vector_store %arg15[%swap3A_888], %add3A_887 {strides = array<i32>} : memref<272xf32, #tpu.memory_space<vmem>>, vector<16xf32>,
      %add3A_890 = arith.constant 10 : i32
      %add3A_891 = arith.addi %mul3A_381, %add3A_890 : i32
      %get3A_892 = arith.constant 1 : i32
      %get3A_893 = arith.index_cast %get3A_892 : i32 to index
      %get3A_894 = arith.index_cast %add3A_891 : i32 to index
      %get3A_895 = arith.constant 0 : index
      %get3A_896 = tpu.vector_load %arg11[%get3A_893, %get3A_894, %get3A_895] {strides = array<i32>} : memref<4x128x64xf32, #tpu.memory_space<vmem>>, vector<16xf32>,
      %get3A_897 = arith.constant 1 : i32
      %get3A_898 = arith.index_cast %get3A_897 : i32 to index
      %get3A_899 = arith.index_cast %add3A_891 : i32 to index
      %get3A_900 = arith.constant 0 : index
      %get3A_901 = tpu.vector_load %arg12[%get3A_898, %get3A_899, %get3A_900] {strides = array<i32>} : memref<4x128x64xf32, #tpu.memory_space<vmem>>, vector<16xf32>,
      %mul3A_902 = arith.mulf %get3A_896, %get3A_901 : vector<16xf32>
      %get3A_903 = arith.constant 1 : i32
      %get3A_904 = arith.index_cast %get3A_903 : i32 to index
      %get3A_905 = arith.index_cast %add3A_891 : i32 to index
      %get3A_906 = arith.constant 16 : index
      %get3A_907 = tpu.vector_load %arg11[%get3A_904, %get3A_905, %get3A_906] {strides = array<i32>} : memref<4x128x64xf32, #tpu.memory_space<vmem>>, vector<16xf32>,
      %get3A_908 = arith.constant 1 : i32
      %get3A_909 = arith.index_cast %get3A_908 : i32 to index
      %get3A_910 = arith.index_cast %add3A_891 : i32 to index
      %get3A_911 = arith.constant 16 : index
      %get3A_912 = tpu.vector_load %arg12[%get3A_909, %get3A_910, %get3A_911] {strides = array<i32>} : memref<4x128x64xf32, #tpu.memory_space<vmem>>, vector<16xf32>,
      %mul3A_913 = arith.mulf %get3A_907, %get3A_912 : vector<16xf32>
      %get3A_914 = arith.constant 1 : i32
      %get3A_915 = arith.index_cast %get3A_914 : i32 to index
      %get3A_916 = arith.index_cast %add3A_891 : i32 to index
      %get3A_917 = arith.constant 32 : index
      %get3A_918 = tpu.vector_load %arg11[%get3A_915, %get3A_916, %get3A_917] {strides = array<i32>} : memref<4x128x64xf32, #tpu.memory_space<vmem>>, vector<16xf32>,
      %get3A_919 = arith.constant 1 : i32
      %get3A_920 = arith.index_cast %get3A_919 : i32 to index
      %get3A_921 = arith.index_cast %add3A_891 : i32 to index
      %get3A_922 = arith.constant 32 : index
      %get3A_923 = tpu.vector_load %arg12[%get3A_920, %get3A_921, %get3A_922] {strides = array<i32>} : memref<4x128x64xf32, #tpu.memory_space<vmem>>, vector<16xf32>,
      %mul3A_924 = arith.mulf %get3A_918, %get3A_923 : vector<16xf32>
      %add3A_925 = arith.addf %mul3A_902, %mul3A_924 : vector<16xf32>
      %get3A_926 = arith.constant 1 : i32
      %get3A_927 = arith.index_cast %get3A_926 : i32 to index
      %get3A_928 = arith.index_cast %add3A_891 : i32 to index
      %get3A_929 = arith.constant 48 : index
      %get3A_930 = tpu.vector_load %arg11[%get3A_927, %get3A_928, %get3A_929] {strides = array<i32>} : memref<4x128x64xf32, #tpu.memory_space<vmem>>, vector<16xf32>,
      %get3A_931 = arith.constant 1 : i32
      %get3A_932 = arith.index_cast %get3A_931 : i32 to index
      %get3A_933 = arith.index_cast %add3A_891 : i32 to index
      %get3A_934 = arith.constant 48 : index
      %get3A_935 = tpu.vector_load %arg12[%get3A_932, %get3A_933, %get3A_934] {strides = array<i32>} : memref<4x128x64xf32, #tpu.memory_space<vmem>>, vector<16xf32>,
      %mul3A_936 = arith.mulf %get3A_930, %get3A_935 : vector<16xf32>
      %add3A_937 = arith.addf %mul3A_913, %mul3A_936 : vector<16xf32>
      %add3A_938 = arith.addf %add3A_925, %add3A_937 : vector<16xf32>
      %swap3A_939 = arith.constant 170 : index
      %swap3A_940 = tpu.vector_load %arg15[%swap3A_939] {strides = array<i32>} : memref<272xf32, #tpu.memory_space<vmem>>, vector<16xf32>,
      tpu.vector_store %arg15[%swap3A_939], %add3A_938 {strides = array<i32>} : memref<272xf32, #tpu.memory_space<vmem>>, vector<16xf32>,
      %add3A_941 = arith.constant 11 : i32
      %add3A_942 = arith.addi %mul3A_381, %add3A_941 : i32
      %get3A_943 = arith.constant 1 : i32
      %get3A_944 = arith.index_cast %get3A_943 : i32 to index
      %get3A_945 = arith.index_cast %add3A_942 : i32 to index
      %get3A_946 = arith.constant 0 : index
      %get3A_947 = tpu.vector_load %arg11[%get3A_944, %get3A_945, %get3A_946] {strides = array<i32>} : memref<4x128x64xf32, #tpu.memory_space<vmem>>, vector<16xf32>,
      %get3A_948 = arith.constant 1 : i32
      %get3A_949 = arith.index_cast %get3A_948 : i32 to index
      %get3A_950 = arith.index_cast %add3A_942 : i32 to index
      %get3A_951 = arith.constant 0 : index
      %get3A_952 = tpu.vector_load %arg12[%get3A_949, %get3A_950, %get3A_951] {strides = array<i32>} : memref<4x128x64xf32, #tpu.memory_space<vmem>>, vector<16xf32>,
      %mul3A_953 = arith.mulf %get3A_947, %get3A_952 : vector<16xf32>
      %get3A_954 = arith.constant 1 : i32
      %get3A_955 = arith.index_cast %get3A_954 : i32 to index
      %get3A_956 = arith.index_cast %add3A_942 : i32 to index
      %get3A_957 = arith.constant 16 : index
      %get3A_958 = tpu.vector_load %arg11[%get3A_955, %get3A_956, %get3A_957] {strides = array<i32>} : memref<4x128x64xf32, #tpu.memory_space<vmem>>, vector<16xf32>,
      %get3A_959 = arith.constant 1 : i32
      %get3A_960 = arith.index_cast %get3A_959 : i32 to index
      %get3A_961 = arith.index_cast %add3A_942 : i32 to index
      %get3A_962 = arith.constant 16 : index
      %get3A_963 = tpu.vector_load %arg12[%get3A_960, %get3A_961, %get3A_962] {strides = array<i32>} : memref<4x128x64xf32, #tpu.memory_space<vmem>>, vector<16xf32>,
      %mul3A_964 = arith.mulf %get3A_958, %get3A_963 : vector<16xf32>
      %get3A_965 = arith.constant 1 : i32
      %get3A_966 = arith.index_cast %get3A_965 : i32 to index
      %get3A_967 = arith.index_cast %add3A_942 : i32 to index
      %get3A_968 = arith.constant 32 : index
      %get3A_969 = tpu.vector_load %arg11[%get3A_966, %get3A_967, %get3A_968] {strides = array<i32>} : memref<4x128x64xf32, #tpu.memory_space<vmem>>, vector<16xf32>,
      %get3A_970 = arith.constant 1 : i32
      %get3A_971 = arith.index_cast %get3A_970 : i32 to index
      %get3A_972 = arith.index_cast %add3A_942 : i32 to index
      %get3A_973 = arith.constant 32 : index
      %get3A_974 = tpu.vector_load %arg12[%get3A_971, %get3A_972, %get3A_973] {strides = array<i32>} : memref<4x128x64xf32, #tpu.memory_space<vmem>>, vector<16xf32>,
      %mul3A_975 = arith.mulf %get3A_969, %get3A_974 : vector<16xf32>
      %add3A_976 = arith.addf %mul3A_953, %mul3A_975 : vector<16xf32>
      %get3A_977 = arith.constant 1 : i32
      %get3A_978 = arith.index_cast %get3A_977 : i32 to index
      %get3A_979 = arith.index_cast %add3A_942 : i32 to index
      %get3A_980 = arith.constant 48 : index
      %get3A_981 = tpu.vector_load %arg11[%get3A_978, %get3A_979, %get3A_980] {strides = array<i32>} : memref<4x128x64xf32, #tpu.memory_space<vmem>>, vector<16xf32>,
      %get3A_982 = arith.constant 1 : i32
      %get3A_983 = arith.index_cast %get3A_982 : i32 to index
      %get3A_984 = arith.index_cast %add3A_942 : i32 to index
      %get3A_985 = arith.constant 48 : index
      %get3A_986 = tpu.vector_load %arg12[%get3A_983, %get3A_984, %get3A_985] {strides = array<i32>} : memref<4x128x64xf32, #tpu.memory_space<vmem>>, vector<16xf32>,
      %mul3A_987 = arith.mulf %get3A_981, %get3A_986 : vector<16xf32>
      %add3A_988 = arith.addf %mul3A_964, %mul3A_987 : vector<16xf32>
      %add3A_989 = arith.addf %add3A_976, %add3A_988 : vector<16xf32>
      %swap3A_990 = arith.constant 187 : index
      %swap3A_991 = tpu.vector_load %arg15[%swap3A_990] {strides = array<i32>} : memref<272xf32, #tpu.memory_space<vmem>>, vector<16xf32>,
      tpu.vector_store %arg15[%swap3A_990], %add3A_989 {strides = array<i32>} : memref<272xf32, #tpu.memory_space<vmem>>, vector<16xf32>,
      %add3A_992 = arith.constant 12 : i32
      %add3A_993 = arith.addi %mul3A_381, %add3A_992 : i32
      %get3A_994 = arith.constant 1 : i32
      %get3A_995 = arith.index_cast %get3A_994 : i32 to index
      %get3A_996 = arith.index_cast %add3A_993 : i32 to index
      %get3A_997 = arith.constant 0 : index
      %get3A_998 = tpu.vector_load %arg11[%get3A_995, %get3A_996, %get3A_997] {strides = array<i32>} : memref<4x128x64xf32, #tpu.memory_space<vmem>>, vector<16xf32>,
      %get3A_999 = arith.constant 1 : i32
      %get3A_1000 = arith.index_cast %get3A_999 : i32 to index
      %get3A_1001 = arith.index_cast %add3A_993 : i32 to index
      %get3A_1002 = arith.constant 0 : index
      %get3A_1003 = tpu.vector_load %arg12[%get3A_1000, %get3A_1001, %get3A_1002] {strides = array<i32>} : memref<4x128x64xf32, #tpu.memory_space<vmem>>, vector<16xf32>,
      %mul3A_1004 = arith.mulf %get3A_998, %get3A_1003 : vector<16xf32>
      %get3A_1005 = arith.constant 1 : i32
      %get3A_1006 = arith.index_cast %get3A_1005 : i32 to index
      %get3A_1007 = arith.index_cast %add3A_993 : i32 to index
      %get3A_1008 = arith.constant 16 : index
      %get3A_1009 = tpu.vector_load %arg11[%get3A_1006, %get3A_1007, %get3A_1008] {strides = array<i32>} : memref<4x128x64xf32, #tpu.memory_space<vmem>>, vector<16xf32>,
      %get3A_1010 = arith.constant 1 : i32
      %get3A_1011 = arith.index_cast %get3A_1010 : i32 to index
      %get3A_1012 = arith.index_cast %add3A_993 : i32 to index
      %get3A_1013 = arith.constant 16 : index
      %get3A_1014 = tpu.vector_load %arg12[%get3A_1011, %get3A_1012, %get3A_1013] {strides = array<i32>} : memref<4x128x64xf32, #tpu.memory_space<vmem>>, vector<16xf32>,
      %mul3A_1015 = arith.mulf %get3A_1009, %get3A_1014 : vector<16xf32>
      %get3A_1016 = arith.constant 1 : i32
      %get3A_1017 = arith.index_cast %get3A_1016 : i32 to index
      %get3A_1018 = arith.index_cast %add3A_993 : i32 to index
      %get3A_1019 = arith.constant 32 : index
      %get3A_1020 = tpu.vector_load %arg11[%get3A_1017, %get3A_1018, %get3A_1019] {strides = array<i32>} : memref<4x128x64xf32, #tpu.memory_space<vmem>>, vector<16xf32>,
      %get3A_1021 = arith.constant 1 : i32
      %get3A_1022 = arith.index_cast %get3A_1021 : i32 to index
      %get3A_1023 = arith.index_cast %add3A_993 : i32 to index
      %get3A_1024 = arith.constant 32 : index
      %get3A_1025 = tpu.vector_load %arg12[%get3A_1022, %get3A_1023, %get3A_1024] {strides = array<i32>} : memref<4x128x64xf32, #tpu.memory_space<vmem>>, vector<16xf32>,
      %mul3A_1026 = arith.mulf %get3A_1020, %get3A_1025 : vector<16xf32>
      %add3A_1027 = arith.addf %mul3A_1004, %mul3A_1026 : vector<16xf32>
      %get3A_1028 = arith.constant 1 : i32
      %get3A_1029 = arith.index_cast %get3A_1028 : i32 to index
      %get3A_1030 = arith.index_cast %add3A_993 : i32 to index
      %get3A_1031 = arith.constant 48 : index
      %get3A_1032 = tpu.vector_load %arg11[%get3A_1029, %get3A_1030, %get3A_1031] {strides = array<i32>} : memref<4x128x64xf32, #tpu.memory_space<vmem>>, vector<16xf32>,
      %get3A_1033 = arith.constant 1 : i32
      %get3A_1034 = arith.index_cast %get3A_1033 : i32 to index
      %get3A_1035 = arith.index_cast %add3A_993 : i32 to index
      %get3A_1036 = arith.constant 48 : index
      %get3A_1037 = tpu.vector_load %arg12[%get3A_1034, %get3A_1035, %get3A_1036] {strides = array<i32>} : memref<4x128x64xf32, #tpu.memory_space<vmem>>, vector<16xf32>,
      %mul3A_1038 = arith.mulf %get3A_1032, %get3A_1037 : vector<16xf32>
      %add3A_1039 = arith.addf %mul3A_1015, %mul3A_1038 : vector<16xf32>
      %add3A_1040 = arith.addf %add3A_1027, %add3A_1039 : vector<16xf32>
      %swap3A_1041 = arith.constant 204 : index
      %swap3A_1042 = tpu.vector_load %arg15[%swap3A_1041] {strides = array<i32>} : memref<272xf32, #tpu.memory_space<vmem>>, vector<16xf32>,
      tpu.vector_store %arg15[%swap3A_1041], %add3A_1040 {strides = array<i32>} : memref<272xf32, #tpu.memory_space<vmem>>, vector<16xf32>,
      %add3A_1043 = arith.constant 13 : i32
      %add3A_1044 = arith.addi %mul3A_381, %add3A_1043 : i32
      %get3A_1045 = arith.constant 1 : i32
      %get3A_1046 = arith.index_cast %get3A_1045 : i32 to index
      %get3A_1047 = arith.index_cast %add3A_1044 : i32 to index
      %get3A_1048 = arith.constant 0 : index
      %get3A_1049 = tpu.vector_load %arg11[%get3A_1046, %get3A_1047, %get3A_1048] {strides = array<i32>} : memref<4x128x64xf32, #tpu.memory_space<vmem>>, vector<16xf32>,
      %get3A_1050 = arith.constant 1 : i32
      %get3A_1051 = arith.index_cast %get3A_1050 : i32 to index
      %get3A_1052 = arith.index_cast %add3A_1044 : i32 to index
      %get3A_1053 = arith.constant 0 : index
      %get3A_1054 = tpu.vector_load %arg12[%get3A_1051, %get3A_1052, %get3A_1053] {strides = array<i32>} : memref<4x128x64xf32, #tpu.memory_space<vmem>>, vector<16xf32>,
      %mul3A_1055 = arith.mulf %get3A_1049, %get3A_1054 : vector<16xf32>
      %get3A_1056 = arith.constant 1 : i32
      %get3A_1057 = arith.index_cast %get3A_1056 : i32 to index
      %get3A_1058 = arith.index_cast %add3A_1044 : i32 to index
      %get3A_1059 = arith.constant 16 : index
      %get3A_1060 = tpu.vector_load %arg11[%get3A_1057, %get3A_1058, %get3A_1059] {strides = array<i32>} : memref<4x128x64xf32, #tpu.memory_space<vmem>>, vector<16xf32>,
      %get3A_1061 = arith.constant 1 : i32
      %get3A_1062 = arith.index_cast %get3A_1061 : i32 to index
      %get3A_1063 = arith.index_cast %add3A_1044 : i32 to index
      %get3A_1064 = arith.constant 16 : index
      %get3A_1065 = tpu.vector_load %arg12[%get3A_1062, %get3A_1063, %get3A_1064] {strides = array<i32>} : memref<4x128x64xf32, #tpu.memory_space<vmem>>, vector<16xf32>,
      %mul3A_1066 = arith.mulf %get3A_1060, %get3A_1065 : vector<16xf32>
      %get3A_1067 = arith.constant 1 : i32
      %get3A_1068 = arith.index_cast %get3A_1067 : i32 to index
      %get3A_1069 = arith.index_cast %add3A_1044 : i32 to index
      %get3A_1070 = arith.constant 32 : index
      %get3A_1071 = tpu.vector_load %arg11[%get3A_1068, %get3A_1069, %get3A_1070] {strides = array<i32>} : memref<4x128x64xf32, #tpu.memory_space<vmem>>, vector<16xf32>,
      %get3A_1072 = arith.constant 1 : i32
      %get3A_1073 = arith.index_cast %get3A_1072 : i32 to index
      %get3A_1074 = arith.index_cast %add3A_1044 : i32 to index
      %get3A_1075 = arith.constant 32 : index
      %get3A_1076 = tpu.vector_load %arg12[%get3A_1073, %get3A_1074, %get3A_1075] {strides = array<i32>} : memref<4x128x64xf32, #tpu.memory_space<vmem>>, vector<16xf32>,
      %mul3A_1077 = arith.mulf %get3A_1071, %get3A_1076 : vector<16xf32>
      %add3A_1078 = arith.addf %mul3A_1055, %mul3A_1077 : vector<16xf32>
      %get3A_1079 = arith.constant 1 : i32
      %get3A_1080 = arith.index_cast %get3A_1079 : i32 to index
      %get3A_1081 = arith.index_cast %add3A_1044 : i32 to index
      %get3A_1082 = arith.constant 48 : index
      %get3A_1083 = tpu.vector_load %arg11[%get3A_1080, %get3A_1081, %get3A_1082] {strides = array<i32>} : memref<4x128x64xf32, #tpu.memory_space<vmem>>, vector<16xf32>,
      %get3A_1084 = arith.constant 1 : i32
      %get3A_1085 = arith.index_cast %get3A_1084 : i32 to index
      %get3A_1086 = arith.index_cast %add3A_1044 : i32 to index
      %get3A_1087 = arith.constant 48 : index
      %get3A_1088 = tpu.vector_load %arg12[%get3A_1085, %get3A_1086, %get3A_1087] {strides = array<i32>} : memref<4x128x64xf32, #tpu.memory_space<vmem>>, vector<16xf32>,
      %mul3A_1089 = arith.mulf %get3A_1083, %get3A_1088 : vector<16xf32>
      %add3A_1090 = arith.addf %mul3A_1066, %mul3A_1089 : vector<16xf32>
      %add3A_1091 = arith.addf %add3A_1078, %add3A_1090 : vector<16xf32>
      %swap3A_1092 = arith.constant 221 : index
      %swap3A_1093 = tpu.vector_load %arg15[%swap3A_1092] {strides = array<i32>} : memref<272xf32, #tpu.memory_space<vmem>>, vector<16xf32>,
      tpu.vector_store %arg15[%swap3A_1092], %add3A_1091 {strides = array<i32>} : memref<272xf32, #tpu.memory_space<vmem>>, vector<16xf32>,
      %add3A_1094 = arith.constant 14 : i32
      %add3A_1095 = arith.addi %mul3A_381, %add3A_1094 : i32
      %get3A_1096 = arith.constant 1 : i32
      %get3A_1097 = arith.index_cast %get3A_1096 : i32 to index
      %get3A_1098 = arith.index_cast %add3A_1095 : i32 to index
      %get3A_1099 = arith.constant 0 : index
      %get3A_1100 = tpu.vector_load %arg11[%get3A_1097, %get3A_1098, %get3A_1099] {strides = array<i32>} : memref<4x128x64xf32, #tpu.memory_space<vmem>>, vector<16xf32>,
      %get3A_1101 = arith.constant 1 : i32
      %get3A_1102 = arith.index_cast %get3A_1101 : i32 to index
      %get3A_1103 = arith.index_cast %add3A_1095 : i32 to index
      %get3A_1104 = arith.constant 0 : index
      %get3A_1105 = tpu.vector_load %arg12[%get3A_1102, %get3A_1103, %get3A_1104] {strides = array<i32>} : memref<4x128x64xf32, #tpu.memory_space<vmem>>, vector<16xf32>,
      %mul3A_1106 = arith.mulf %get3A_1100, %get3A_1105 : vector<16xf32>
      %get3A_1107 = arith.constant 1 : i32
      %get3A_1108 = arith.index_cast %get3A_1107 : i32 to index
      %get3A_1109 = arith.index_cast %add3A_1095 : i32 to index
      %get3A_1110 = arith.constant 16 : index
      %get3A_1111 = tpu.vector_load %arg11[%get3A_1108, %get3A_1109, %get3A_1110] {strides = array<i32>} : memref<4x128x64xf32, #tpu.memory_space<vmem>>, vector<16xf32>,
      %get3A_1112 = arith.constant 1 : i32
      %get3A_1113 = arith.index_cast %get3A_1112 : i32 to index
      %get3A_1114 = arith.index_cast %add3A_1095 : i32 to index
      %get3A_1115 = arith.constant 16 : index
      %get3A_1116 = tpu.vector_load %arg12[%get3A_1113, %get3A_1114, %get3A_1115] {strides = array<i32>} : memref<4x128x64xf32, #tpu.memory_space<vmem>>, vector<16xf32>,
      %mul3A_1117 = arith.mulf %get3A_1111, %get3A_1116 : vector<16xf32>
      %get3A_1118 = arith.constant 1 : i32
      %get3A_1119 = arith.index_cast %get3A_1118 : i32 to index
      %get3A_1120 = arith.index_cast %add3A_1095 : i32 to index
      %get3A_1121 = arith.constant 32 : index
      %get3A_1122 = tpu.vector_load %arg11[%get3A_1119, %get3A_1120, %get3A_1121] {strides = array<i32>} : memref<4x128x64xf32, #tpu.memory_space<vmem>>, vector<16xf32>,
      %get3A_1123 = arith.constant 1 : i32
      %get3A_1124 = arith.index_cast %get3A_1123 : i32 to index
      %get3A_1125 = arith.index_cast %add3A_1095 : i32 to index
      %get3A_1126 = arith.constant 32 : index
      %get3A_1127 = tpu.vector_load %arg12[%get3A_1124, %get3A_1125, %get3A_1126] {strides = array<i32>} : memref<4x128x64xf32, #tpu.memory_space<vmem>>, vector<16xf32>,
      %mul3A_1128 = arith.mulf %get3A_1122, %get3A_1127 : vector<16xf32>
      %add3A_1129 = arith.addf %mul3A_1106, %mul3A_1128 : vector<16xf32>
      %get3A_1130 = arith.constant 1 : i32
      %get3A_1131 = arith.index_cast %get3A_1130 : i32 to index
      %get3A_1132 = arith.index_cast %add3A_1095 : i32 to index
      %get3A_1133 = arith.constant 48 : index
      %get3A_1134 = tpu.vector_load %arg11[%get3A_1131, %get3A_1132, %get3A_1133] {strides = array<i32>} : memref<4x128x64xf32, #tpu.memory_space<vmem>>, vector<16xf32>,
      %get3A_1135 = arith.constant 1 : i32
      %get3A_1136 = arith.index_cast %get3A_1135 : i32 to index
      %get3A_1137 = arith.index_cast %add3A_1095 : i32 to index
      %get3A_1138 = arith.constant 48 : index
      %get3A_1139 = tpu.vector_load %arg12[%get3A_1136, %get3A_1137, %get3A_1138] {strides = array<i32>} : memref<4x128x64xf32, #tpu.memory_space<vmem>>, vector<16xf32>,
      %mul3A_1140 = arith.mulf %get3A_1134, %get3A_1139 : vector<16xf32>
      %add3A_1141 = arith.addf %mul3A_1117, %mul3A_1140 : vector<16xf32>
      %add3A_1142 = arith.addf %add3A_1129, %add3A_1141 : vector<16xf32>
      %swap3A_1143 = arith.constant 238 : index
      %swap3A_1144 = tpu.vector_load %arg15[%swap3A_1143] {strides = array<i32>} : memref<272xf32, #tpu.memory_space<vmem>>, vector<16xf32>,
      tpu.vector_store %arg15[%swap3A_1143], %add3A_1142 {strides = array<i32>} : memref<272xf32, #tpu.memory_space<vmem>>, vector<16xf32>,
      %add3A_1145 = arith.constant 15 : i32
      %add3A_1146 = arith.addi %mul3A_381, %add3A_1145 : i32
      %get3A_1147 = arith.constant 1 : i32
      %get3A_1148 = arith.index_cast %get3A_1147 : i32 to index
      %get3A_1149 = arith.index_cast %add3A_1146 : i32 to index
      %get3A_1150 = arith.constant 0 : index
      %get3A_1151 = tpu.vector_load %arg11[%get3A_1148, %get3A_1149, %get3A_1150] {strides = array<i32>} : memref<4x128x64xf32, #tpu.memory_space<vmem>>, vector<16xf32>,
      %get3A_1152 = arith.constant 1 : i32
      %get3A_1153 = arith.index_cast %get3A_1152 : i32 to index
      %get3A_1154 = arith.index_cast %add3A_1146 : i32 to index
      %get3A_1155 = arith.constant 0 : index
      %get3A_1156 = tpu.vector_load %arg12[%get3A_1153, %get3A_1154, %get3A_1155] {strides = array<i32>} : memref<4x128x64xf32, #tpu.memory_space<vmem>>, vector<16xf32>,
      %mul3A_1157 = arith.mulf %get3A_1151, %get3A_1156 : vector<16xf32>
      %get3A_1158 = arith.constant 1 : i32
      %get3A_1159 = arith.index_cast %get3A_1158 : i32 to index
      %get3A_1160 = arith.index_cast %add3A_1146 : i32 to index
      %get3A_1161 = arith.constant 16 : index
      %get3A_1162 = tpu.vector_load %arg11[%get3A_1159, %get3A_1160, %get3A_1161] {strides = array<i32>} : memref<4x128x64xf32, #tpu.memory_space<vmem>>, vector<16xf32>,
      %get3A_1163 = arith.constant 1 : i32
      %get3A_1164 = arith.index_cast %get3A_1163 : i32 to index
      %get3A_1165 = arith.index_cast %add3A_1146 : i32 to index
      %get3A_1166 = arith.constant 16 : index
      %get3A_1167 = tpu.vector_load %arg12[%get3A_1164, %get3A_1165, %get3A_1166] {strides = array<i32>} : memref<4x128x64xf32, #tpu.memory_space<vmem>>, vector<16xf32>,
      %mul3A_1168 = arith.mulf %get3A_1162, %get3A_1167 : vector<16xf32>
      %get3A_1169 = arith.constant 1 : i32
      %get3A_1170 = arith.index_cast %get3A_1169 : i32 to index
      %get3A_1171 = arith.index_cast %add3A_1146 : i32 to index
      %get3A_1172 = arith.constant 32 : index
      %get3A_1173 = tpu.vector_load %arg11[%get3A_1170, %get3A_1171, %get3A_1172] {strides = array<i32>} : memref<4x128x64xf32, #tpu.memory_space<vmem>>, vector<16xf32>,
      %get3A_1174 = arith.constant 1 : i32
      %get3A_1175 = arith.index_cast %get3A_1174 : i32 to index
      %get3A_1176 = arith.index_cast %add3A_1146 : i32 to index
      %get3A_1177 = arith.constant 32 : index
      %get3A_1178 = tpu.vector_load %arg12[%get3A_1175, %get3A_1176, %get3A_1177] {strides = array<i32>} : memref<4x128x64xf32, #tpu.memory_space<vmem>>, vector<16xf32>,
      %mul3A_1179 = arith.mulf %get3A_1173, %get3A_1178 : vector<16xf32>
      %add3A_1180 = arith.addf %mul3A_1157, %mul3A_1179 : vector<16xf32>
      %get3A_1181 = arith.constant 1 : i32
      %get3A_1182 = arith.index_cast %get3A_1181 : i32 to index
      %get3A_1183 = arith.index_cast %add3A_1146 : i32 to index
      %get3A_1184 = arith.constant 48 : index
      %get3A_1185 = tpu.vector_load %arg11[%get3A_1182, %get3A_1183, %get3A_1184] {strides = array<i32>} : memref<4x128x64xf32, #tpu.memory_space<vmem>>, vector<16xf32>,
      %get3A_1186 = arith.constant 1 : i32
      %get3A_1187 = arith.index_cast %get3A_1186 : i32 to index
      %get3A_1188 = arith.index_cast %add3A_1146 : i32 to index
      %get3A_1189 = arith.constant 48 : index
      %get3A_1190 = tpu.vector_load %arg12[%get3A_1187, %get3A_1188, %get3A_1189] {strides = array<i32>} : memref<4x128x64xf32, #tpu.memory_space<vmem>>, vector<16xf32>,
      %mul3A_1191 = arith.mulf %get3A_1185, %get3A_1190 : vector<16xf32>
      %add3A_1192 = arith.addf %mul3A_1168, %mul3A_1191 : vector<16xf32>
      %add3A_1193 = arith.addf %add3A_1180, %add3A_1192 : vector<16xf32>
      %swap3A_1194 = arith.constant 255 : index
      %swap3A_1195 = tpu.vector_load %arg15[%swap3A_1194] {strides = array<i32>} : memref<272xf32, #tpu.memory_space<vmem>>, vector<16xf32>,
      tpu.vector_store %arg15[%swap3A_1194], %add3A_1193 {strides = array<i32>} : memref<272xf32, #tpu.memory_space<vmem>>, vector<16xf32>,
      %get3A_1196 = arith.constant 1 : i32
      %get3A_1197 = arith.index_cast %get3A_1196 : i32 to index
      %get3A_1198 = arith.index_cast %mul3A_381 : i32 to index
      %get3A_1199 = tpu.vector_load %arg13[%get3A_1197, %get3A_1198] {strides = array<i32>} : memref<4x128xf32, #tpu.memory_space<vmem>>, vector<16xf32>,
      %get3A_1200 = arith.constant 1 : i32
      %get3A_1201 = arith.index_cast %get3A_1200 : i32 to index
      %get3A_1202 = arith.index_cast %mul3A_381 : i32 to index
      %get3A_1203 = tpu.vector_load %arg14[%get3A_1201, %get3A_1202] {strides = array<i32>} : memref<4x128xf32, #tpu.memory_space<vmem>>, vector<16xf32>,
      %add3A_1204 = arith.addf %get3A_1199, %get3A_1203 : vector<16xf32>
      %add3A_1205 = arith.constant 0 : i32
      %add3A_1206 = vector.broadcast %add3A_1205 : i32 to vector<16xi32>
      %add3A_1207 = arith.addi %mul3A_355, %add3A_1206 : vector<16xi32>
      %gather3A = tpu.vector_load_idx %arg15[%add3A_1207] : memref<272xf32, #tpu.memory_space<vmem>>[vector<16xi32>], vector<16xf32>,
      %add3A_1208 = arith.addf %add3A_1204, %gather3A : vector<16xf32>
      %add3A_1209 = arith.constant 1 : i32
      %add3A_1210 = vector.broadcast %add3A_1209 : i32 to vector<16xi32>
      %add3A_1211 = arith.addi %mul3A_355, %add3A_1210 : vector<16xi32>
      %gather3A_1212 = tpu.vector_load_idx %arg15[%add3A_1211] : memref<272xf32, #tpu.memory_space<vmem>>[vector<16xi32>], vector<16xf32>,
      %add3A_1213 = arith.addf %add3A_1208, %gather3A_1212 : vector<16xf32>
      %add3A_1214 = arith.constant 2 : i32
      %add3A_1215 = vector.broadcast %add3A_1214 : i32 to vector<16xi32>
      %add3A_1216 = arith.addi %mul3A_355, %add3A_1215 : vector<16xi32>
      %gather3A_1217 = tpu.vector_load_idx %arg15[%add3A_1216] : memref<272xf32, #tpu.memory_space<vmem>>[vector<16xi32>], vector<16xf32>,
      %add3A_1218 = arith.addf %add3A_1213, %gather3A_1217 : vector<16xf32>
      %add3A_1219 = arith.constant 3 : i32
      %add3A_1220 = vector.broadcast %add3A_1219 : i32 to vector<16xi32>
      %add3A_1221 = arith.addi %mul3A_355, %add3A_1220 : vector<16xi32>
      %gather3A_1222 = tpu.vector_load_idx %arg15[%add3A_1221] : memref<272xf32, #tpu.memory_space<vmem>>[vector<16xi32>], vector<16xf32>,
      %add3A_1223 = arith.addf %add3A_1218, %gather3A_1222 : vector<16xf32>
      %add3A_1224 = arith.constant 4 : i32
      %add3A_1225 = vector.broadcast %add3A_1224 : i32 to vector<16xi32>
      %add3A_1226 = arith.addi %mul3A_355, %add3A_1225 : vector<16xi32>
      %gather3A_1227 = tpu.vector_load_idx %arg15[%add3A_1226] : memref<272xf32, #tpu.memory_space<vmem>>[vector<16xi32>], vector<16xf32>,
      %add3A_1228 = arith.addf %add3A_1223, %gather3A_1227 : vector<16xf32>
      %add3A_1229 = arith.constant 5 : i32
      %add3A_1230 = vector.broadcast %add3A_1229 : i32 to vector<16xi32>
      %add3A_1231 = arith.addi %mul3A_355, %add3A_1230 : vector<16xi32>
      %gather3A_1232 = tpu.vector_load_idx %arg15[%add3A_1231] : memref<272xf32, #tpu.memory_space<vmem>>[vector<16xi32>], vector<16xf32>,
      %add3A_1233 = arith.addf %add3A_1228, %gather3A_1232 : vector<16xf32>
      %add3A_1234 = arith.constant 6 : i32
      %add3A_1235 = vector.broadcast %add3A_1234 : i32 to vector<16xi32>
      %add3A_1236 = arith.addi %mul3A_355, %add3A_1235 : vector<16xi32>
      %gather3A_1237 = tpu.vector_load_idx %arg15[%add3A_1236] : memref<272xf32, #tpu.memory_space<vmem>>[vector<16xi32>], vector<16xf32>,
      %add3A_1238 = arith.addf %add3A_1233, %gather3A_1237 : vector<16xf32>
      %add3A_1239 = arith.constant 7 : i32
      %add3A_1240 = vector.broadcast %add3A_1239 : i32 to vector<16xi32>
      %add3A_1241 = arith.addi %mul3A_355, %add3A_1240 : vector<16xi32>
      %gather3A_1242 = tpu.vector_load_idx %arg15[%add3A_1241] : memref<272xf32, #tpu.memory_space<vmem>>[vector<16xi32>], vector<16xf32>,
      %add3A_1243 = arith.addf %add3A_1238, %gather3A_1242 : vector<16xf32>
      %add3A_1244 = arith.constant 8 : i32
      %add3A_1245 = vector.broadcast %add3A_1244 : i32 to vector<16xi32>
      %add3A_1246 = arith.addi %mul3A_355, %add3A_1245 : vector<16xi32>
      %gather3A_1247 = tpu.vector_load_idx %arg15[%add3A_1246] : memref<272xf32, #tpu.memory_space<vmem>>[vector<16xi32>], vector<16xf32>,
      %add3A_1248 = arith.addf %add3A_1243, %gather3A_1247 : vector<16xf32>
      %add3A_1249 = arith.constant 9 : i32
      %add3A_1250 = vector.broadcast %add3A_1249 : i32 to vector<16xi32>
      %add3A_1251 = arith.addi %mul3A_355, %add3A_1250 : vector<16xi32>
      %gather3A_1252 = tpu.vector_load_idx %arg15[%add3A_1251] : memref<272xf32, #tpu.memory_space<vmem>>[vector<16xi32>], vector<16xf32>,
      %add3A_1253 = arith.addf %add3A_1248, %gather3A_1252 : vector<16xf32>
      %add3A_1254 = arith.constant 10 : i32
      %add3A_1255 = vector.broadcast %add3A_1254 : i32 to vector<16xi32>
      %add3A_1256 = arith.addi %mul3A_355, %add3A_1255 : vector<16xi32>
      %gather3A_1257 = tpu.vector_load_idx %arg15[%add3A_1256] : memref<272xf32, #tpu.memory_space<vmem>>[vector<16xi32>], vector<16xf32>,
      %add3A_1258 = arith.addf %add3A_1253, %gather3A_1257 : vector<16xf32>
      %add3A_1259 = arith.constant 11 : i32
      %add3A_1260 = vector.broadcast %add3A_1259 : i32 to vector<16xi32>
      %add3A_1261 = arith.addi %mul3A_355, %add3A_1260 : vector<16xi32>
      %gather3A_1262 = tpu.vector_load_idx %arg15[%add3A_1261] : memref<272xf32, #tpu.memory_space<vmem>>[vector<16xi32>], vector<16xf32>,
      %add3A_1263 = arith.addf %add3A_1258, %gather3A_1262 : vector<16xf32>
      %add3A_1264 = arith.constant 12 : i32
      %add3A_1265 = vector.broadcast %add3A_1264 : i32 to vector<16xi32>
      %add3A_1266 = arith.addi %mul3A_355, %add3A_1265 : vector<16xi32>
      %gather3A_1267 = tpu.vector_load_idx %arg15[%add3A_1266] : memref<272xf32, #tpu.memory_space<vmem>>[vector<16xi32>], vector<16xf32>,
      %add3A_1268 = arith.addf %add3A_1263, %gather3A_1267 : vector<16xf32>
      %add3A_1269 = arith.constant 13 : i32
      %add3A_1270 = vector.broadcast %add3A_1269 : i32 to vector<16xi32>
      %add3A_1271 = arith.addi %mul3A_355, %add3A_1270 : vector<16xi32>
      %gather3A_1272 = tpu.vector_load_idx %arg15[%add3A_1271] : memref<272xf32, #tpu.memory_space<vmem>>[vector<16xi32>], vector<16xf32>,
      %add3A_1273 = arith.addf %add3A_1268, %gather3A_1272 : vector<16xf32>
      %add3A_1274 = arith.constant 14 : i32
      %add3A_1275 = vector.broadcast %add3A_1274 : i32 to vector<16xi32>
      %add3A_1276 = arith.addi %mul3A_355, %add3A_1275 : vector<16xi32>
      %gather3A_1277 = tpu.vector_load_idx %arg15[%add3A_1276] : memref<272xf32, #tpu.memory_space<vmem>>[vector<16xi32>], vector<16xf32>,
      %add3A_1278 = arith.addf %add3A_1273, %gather3A_1277 : vector<16xf32>
      %add3A_1279 = arith.constant 15 : i32
      %add3A_1280 = vector.broadcast %add3A_1279 : i32 to vector<16xi32>
      %add3A_1281 = arith.addi %mul3A_355, %add3A_1280 : vector<16xi32>
      %gather3A_1282 = tpu.vector_load_idx %arg15[%add3A_1281] : memref<272xf32, #tpu.memory_space<vmem>>[vector<16xi32>], vector<16xf32>,
      %add3A_1283 = arith.addf %add3A_1278, %gather3A_1282 : vector<16xf32>
      %add3A_1284 = arith.constant 128 : i32
      %add3A_1285 = arith.addi %add3A_1284, %mul3A_381 : i32
      %swap3A_1286 = arith.index_cast %add3A_1285 : i32 to index
      %swap3A_1287 = tpu.vector_load %arg16[%swap3A_1286] {strides = array<i32>} : memref<512xf32, #tpu.memory_space<vmem>>, vector<16xf32>,
      tpu.vector_store %arg16[%swap3A_1286], %add3A_1283 {strides = array<i32>} : memref<512xf32, #tpu.memory_space<vmem>>, vector<16xf32>,
    }
    %scan3A_366 = arith.constant 8 : i32
    %scan3A_367 = arith.constant 0 : i32
    %scan3A_368 = arith.constant 0 : i32
    %scan3A_369 = arith.constant 8 : i32
    %scan3A_370 = arith.addi %scan3A_368, %scan3A_369 : i32
    %scan3A_371 = arith.constant 1 : i32
    scf.for %scan3A_379 = %scan3A_368 to %scan3A_370 step %scan3A_371  : i32 {
      %mul3A_380 = arith.constant 16 : i32
      %mul3A_381 = arith.muli %scan3A_379, %mul3A_380 : i32
      %add3A_382 = arith.constant 0 : i32
      %add3A_383 = arith.addi %mul3A_381, %add3A_382 : i32
      %get3A = arith.constant 2 : i32
      %get3A_384 = arith.index_cast %get3A : i32 to index
      %get3A_385 = arith.index_cast %add3A_383 : i32 to index
      %get3A_386 = arith.constant 0 : index
      %get3A_387 = tpu.vector_load %arg11[%get3A_384, %get3A_385, %get3A_386] {strides = array<i32>} : memref<4x128x64xf32, #tpu.memory_space<vmem>>, vector<16xf32>,
      %get3A_388 = arith.constant 2 : i32
      %get3A_389 = arith.index_cast %get3A_388 : i32 to index
      %get3A_390 = arith.index_cast %add3A_383 : i32 to index
      %get3A_391 = arith.constant 0 : index
      %get3A_392 = tpu.vector_load %arg12[%get3A_389, %get3A_390, %get3A_391] {strides = array<i32>} : memref<4x128x64xf32, #tpu.memory_space<vmem>>, vector<16xf32>,
      %mul3A_393 = arith.mulf %get3A_387, %get3A_392 : vector<16xf32>
      %get3A_394 = arith.constant 2 : i32
      %get3A_395 = arith.index_cast %get3A_394 : i32 to index
      %get3A_396 = arith.index_cast %add3A_383 : i32 to index
      %get3A_397 = arith.constant 16 : index
      %get3A_398 = tpu.vector_load %arg11[%get3A_395, %get3A_396, %get3A_397] {strides = array<i32>} : memref<4x128x64xf32, #tpu.memory_space<vmem>>, vector<16xf32>,
      %get3A_399 = arith.constant 2 : i32
      %get3A_400 = arith.index_cast %get3A_399 : i32 to index
      %get3A_401 = arith.index_cast %add3A_383 : i32 to index
      %get3A_402 = arith.constant 16 : index
      %get3A_403 = tpu.vector_load %arg12[%get3A_400, %get3A_401, %get3A_402] {strides = array<i32>} : memref<4x128x64xf32, #tpu.memory_space<vmem>>, vector<16xf32>,
      %mul3A_404 = arith.mulf %get3A_398, %get3A_403 : vector<16xf32>
      %get3A_405 = arith.constant 2 : i32
      %get3A_406 = arith.index_cast %get3A_405 : i32 to index
      %get3A_407 = arith.index_cast %add3A_383 : i32 to index
      %get3A_408 = arith.constant 32 : index
      %get3A_409 = tpu.vector_load %arg11[%get3A_406, %get3A_407, %get3A_408] {strides = array<i32>} : memref<4x128x64xf32, #tpu.memory_space<vmem>>, vector<16xf32>,
      %get3A_410 = arith.constant 2 : i32
      %get3A_411 = arith.index_cast %get3A_410 : i32 to index
      %get3A_412 = arith.index_cast %add3A_383 : i32 to index
      %get3A_413 = arith.constant 32 : index
      %get3A_414 = tpu.vector_load %arg12[%get3A_411, %get3A_412, %get3A_413] {strides = array<i32>} : memref<4x128x64xf32, #tpu.memory_space<vmem>>, vector<16xf32>,
      %mul3A_415 = arith.mulf %get3A_409, %get3A_414 : vector<16xf32>
      %add3A_416 = arith.addf %mul3A_393, %mul3A_415 : vector<16xf32>
      %get3A_417 = arith.constant 2 : i32
      %get3A_418 = arith.index_cast %get3A_417 : i32 to index
      %get3A_419 = arith.index_cast %add3A_383 : i32 to index
      %get3A_420 = arith.constant 48 : index
      %get3A_421 = tpu.vector_load %arg11[%get3A_418, %get3A_419, %get3A_420] {strides = array<i32>} : memref<4x128x64xf32, #tpu.memory_space<vmem>>, vector<16xf32>,
      %get3A_422 = arith.constant 2 : i32
      %get3A_423 = arith.index_cast %get3A_422 : i32 to index
      %get3A_424 = arith.index_cast %add3A_383 : i32 to index
      %get3A_425 = arith.constant 48 : index
      %get3A_426 = tpu.vector_load %arg12[%get3A_423, %get3A_424, %get3A_425] {strides = array<i32>} : memref<4x128x64xf32, #tpu.memory_space<vmem>>, vector<16xf32>,
      %mul3A_427 = arith.mulf %get3A_421, %get3A_426 : vector<16xf32>
      %add3A_428 = arith.addf %mul3A_404, %mul3A_427 : vector<16xf32>
      %add3A_429 = arith.addf %add3A_416, %add3A_428 : vector<16xf32>
      %swap3A = arith.constant 0 : index
      %swap3A_430 = tpu.vector_load %arg15[%swap3A] {strides = array<i32>} : memref<272xf32, #tpu.memory_space<vmem>>, vector<16xf32>,
      tpu.vector_store %arg15[%swap3A], %add3A_429 {strides = array<i32>} : memref<272xf32, #tpu.memory_space<vmem>>, vector<16xf32>,
      %add3A_431 = arith.constant 1 : i32
      %add3A_432 = arith.addi %mul3A_381, %add3A_431 : i32
      %get3A_433 = arith.constant 2 : i32
      %get3A_434 = arith.index_cast %get3A_433 : i32 to index
      %get3A_435 = arith.index_cast %add3A_432 : i32 to index
      %get3A_436 = arith.constant 0 : index
      %get3A_437 = tpu.vector_load %arg11[%get3A_434, %get3A_435, %get3A_436] {strides = array<i32>} : memref<4x128x64xf32, #tpu.memory_space<vmem>>, vector<16xf32>,
      %get3A_438 = arith.constant 2 : i32
      %get3A_439 = arith.index_cast %get3A_438 : i32 to index
      %get3A_440 = arith.index_cast %add3A_432 : i32 to index
      %get3A_441 = arith.constant 0 : index
      %get3A_442 = tpu.vector_load %arg12[%get3A_439, %get3A_440, %get3A_441] {strides = array<i32>} : memref<4x128x64xf32, #tpu.memory_space<vmem>>, vector<16xf32>,
      %mul3A_443 = arith.mulf %get3A_437, %get3A_442 : vector<16xf32>
      %get3A_444 = arith.constant 2 : i32
      %get3A_445 = arith.index_cast %get3A_444 : i32 to index
      %get3A_446 = arith.index_cast %add3A_432 : i32 to index
      %get3A_447 = arith.constant 16 : index
      %get3A_448 = tpu.vector_load %arg11[%get3A_445, %get3A_446, %get3A_447] {strides = array<i32>} : memref<4x128x64xf32, #tpu.memory_space<vmem>>, vector<16xf32>,
      %get3A_449 = arith.constant 2 : i32
      %get3A_450 = arith.index_cast %get3A_449 : i32 to index
      %get3A_451 = arith.index_cast %add3A_432 : i32 to index
      %get3A_452 = arith.constant 16 : index
      %get3A_453 = tpu.vector_load %arg12[%get3A_450, %get3A_451, %get3A_452] {strides = array<i32>} : memref<4x128x64xf32, #tpu.memory_space<vmem>>, vector<16xf32>,
      %mul3A_454 = arith.mulf %get3A_448, %get3A_453 : vector<16xf32>
      %get3A_455 = arith.constant 2 : i32
      %get3A_456 = arith.index_cast %get3A_455 : i32 to index
      %get3A_457 = arith.index_cast %add3A_432 : i32 to index
      %get3A_458 = arith.constant 32 : index
      %get3A_459 = tpu.vector_load %arg11[%get3A_456, %get3A_457, %get3A_458] {strides = array<i32>} : memref<4x128x64xf32, #tpu.memory_space<vmem>>, vector<16xf32>,
      %get3A_460 = arith.constant 2 : i32
      %get3A_461 = arith.index_cast %get3A_460 : i32 to index
      %get3A_462 = arith.index_cast %add3A_432 : i32 to index
      %get3A_463 = arith.constant 32 : index
      %get3A_464 = tpu.vector_load %arg12[%get3A_461, %get3A_462, %get3A_463] {strides = array<i32>} : memref<4x128x64xf32, #tpu.memory_space<vmem>>, vector<16xf32>,
      %mul3A_465 = arith.mulf %get3A_459, %get3A_464 : vector<16xf32>
      %add3A_466 = arith.addf %mul3A_443, %mul3A_465 : vector<16xf32>
      %get3A_467 = arith.constant 2 : i32
      %get3A_468 = arith.index_cast %get3A_467 : i32 to index
      %get3A_469 = arith.index_cast %add3A_432 : i32 to index
      %get3A_470 = arith.constant 48 : index
      %get3A_471 = tpu.vector_load %arg11[%get3A_468, %get3A_469, %get3A_470] {strides = array<i32>} : memref<4x128x64xf32, #tpu.memory_space<vmem>>, vector<16xf32>,
      %get3A_472 = arith.constant 2 : i32
      %get3A_473 = arith.index_cast %get3A_472 : i32 to index
      %get3A_474 = arith.index_cast %add3A_432 : i32 to index
      %get3A_475 = arith.constant 48 : index
      %get3A_476 = tpu.vector_load %arg12[%get3A_473, %get3A_474, %get3A_475] {strides = array<i32>} : memref<4x128x64xf32, #tpu.memory_space<vmem>>, vector<16xf32>,
      %mul3A_477 = arith.mulf %get3A_471, %get3A_476 : vector<16xf32>
      %add3A_478 = arith.addf %mul3A_454, %mul3A_477 : vector<16xf32>
      %add3A_479 = arith.addf %add3A_466, %add3A_478 : vector<16xf32>
      %swap3A_480 = arith.constant 17 : index
      %swap3A_481 = tpu.vector_load %arg15[%swap3A_480] {strides = array<i32>} : memref<272xf32, #tpu.memory_space<vmem>>, vector<16xf32>,
      tpu.vector_store %arg15[%swap3A_480], %add3A_479 {strides = array<i32>} : memref<272xf32, #tpu.memory_space<vmem>>, vector<16xf32>,
      %add3A_482 = arith.constant 2 : i32
      %add3A_483 = arith.addi %mul3A_381, %add3A_482 : i32
      %get3A_484 = arith.constant 2 : i32
      %get3A_485 = arith.index_cast %get3A_484 : i32 to index
      %get3A_486 = arith.index_cast %add3A_483 : i32 to index
      %get3A_487 = arith.constant 0 : index
      %get3A_488 = tpu.vector_load %arg11[%get3A_485, %get3A_486, %get3A_487] {strides = array<i32>} : memref<4x128x64xf32, #tpu.memory_space<vmem>>, vector<16xf32>,
      %get3A_489 = arith.constant 2 : i32
      %get3A_490 = arith.index_cast %get3A_489 : i32 to index
      %get3A_491 = arith.index_cast %add3A_483 : i32 to index
      %get3A_492 = arith.constant 0 : index
      %get3A_493 = tpu.vector_load %arg12[%get3A_490, %get3A_491, %get3A_492] {strides = array<i32>} : memref<4x128x64xf32, #tpu.memory_space<vmem>>, vector<16xf32>,
      %mul3A_494 = arith.mulf %get3A_488, %get3A_493 : vector<16xf32>
      %get3A_495 = arith.constant 2 : i32
      %get3A_496 = arith.index_cast %get3A_495 : i32 to index
      %get3A_497 = arith.index_cast %add3A_483 : i32 to index
      %get3A_498 = arith.constant 16 : index
      %get3A_499 = tpu.vector_load %arg11[%get3A_496, %get3A_497, %get3A_498] {strides = array<i32>} : memref<4x128x64xf32, #tpu.memory_space<vmem>>, vector<16xf32>,
      %get3A_500 = arith.constant 2 : i32
      %get3A_501 = arith.index_cast %get3A_500 : i32 to index
      %get3A_502 = arith.index_cast %add3A_483 : i32 to index
      %get3A_503 = arith.constant 16 : index
      %get3A_504 = tpu.vector_load %arg12[%get3A_501, %get3A_502, %get3A_503] {strides = array<i32>} : memref<4x128x64xf32, #tpu.memory_space<vmem>>, vector<16xf32>,
      %mul3A_505 = arith.mulf %get3A_499, %get3A_504 : vector<16xf32>
      %get3A_506 = arith.constant 2 : i32
      %get3A_507 = arith.index_cast %get3A_506 : i32 to index
      %get3A_508 = arith.index_cast %add3A_483 : i32 to index
      %get3A_509 = arith.constant 32 : index
      %get3A_510 = tpu.vector_load %arg11[%get3A_507, %get3A_508, %get3A_509] {strides = array<i32>} : memref<4x128x64xf32, #tpu.memory_space<vmem>>, vector<16xf32>,
      %get3A_511 = arith.constant 2 : i32
      %get3A_512 = arith.index_cast %get3A_511 : i32 to index
      %get3A_513 = arith.index_cast %add3A_483 : i32 to index
      %get3A_514 = arith.constant 32 : index
      %get3A_515 = tpu.vector_load %arg12[%get3A_512, %get3A_513, %get3A_514] {strides = array<i32>} : memref<4x128x64xf32, #tpu.memory_space<vmem>>, vector<16xf32>,
      %mul3A_516 = arith.mulf %get3A_510, %get3A_515 : vector<16xf32>
      %add3A_517 = arith.addf %mul3A_494, %mul3A_516 : vector<16xf32>
      %get3A_518 = arith.constant 2 : i32
      %get3A_519 = arith.index_cast %get3A_518 : i32 to index
      %get3A_520 = arith.index_cast %add3A_483 : i32 to index
      %get3A_521 = arith.constant 48 : index
      %get3A_522 = tpu.vector_load %arg11[%get3A_519, %get3A_520, %get3A_521] {strides = array<i32>} : memref<4x128x64xf32, #tpu.memory_space<vmem>>, vector<16xf32>,
      %get3A_523 = arith.constant 2 : i32
      %get3A_524 = arith.index_cast %get3A_523 : i32 to index
      %get3A_525 = arith.index_cast %add3A_483 : i32 to index
      %get3A_526 = arith.constant 48 : index
      %get3A_527 = tpu.vector_load %arg12[%get3A_524, %get3A_525, %get3A_526] {strides = array<i32>} : memref<4x128x64xf32, #tpu.memory_space<vmem>>, vector<16xf32>,
      %mul3A_528 = arith.mulf %get3A_522, %get3A_527 : vector<16xf32>
      %add3A_529 = arith.addf %mul3A_505, %mul3A_528 : vector<16xf32>
      %add3A_530 = arith.addf %add3A_517, %add3A_529 : vector<16xf32>
      %swap3A_531 = arith.constant 34 : index
      %swap3A_532 = tpu.vector_load %arg15[%swap3A_531] {strides = array<i32>} : memref<272xf32, #tpu.memory_space<vmem>>, vector<16xf32>,
      tpu.vector_store %arg15[%swap3A_531], %add3A_530 {strides = array<i32>} : memref<272xf32, #tpu.memory_space<vmem>>, vector<16xf32>,
      %add3A_533 = arith.constant 3 : i32
      %add3A_534 = arith.addi %mul3A_381, %add3A_533 : i32
      %get3A_535 = arith.constant 2 : i32
      %get3A_536 = arith.index_cast %get3A_535 : i32 to index
      %get3A_537 = arith.index_cast %add3A_534 : i32 to index
      %get3A_538 = arith.constant 0 : index
      %get3A_539 = tpu.vector_load %arg11[%get3A_536, %get3A_537, %get3A_538] {strides = array<i32>} : memref<4x128x64xf32, #tpu.memory_space<vmem>>, vector<16xf32>,
      %get3A_540 = arith.constant 2 : i32
      %get3A_541 = arith.index_cast %get3A_540 : i32 to index
      %get3A_542 = arith.index_cast %add3A_534 : i32 to index
      %get3A_543 = arith.constant 0 : index
      %get3A_544 = tpu.vector_load %arg12[%get3A_541, %get3A_542, %get3A_543] {strides = array<i32>} : memref<4x128x64xf32, #tpu.memory_space<vmem>>, vector<16xf32>,
      %mul3A_545 = arith.mulf %get3A_539, %get3A_544 : vector<16xf32>
      %get3A_546 = arith.constant 2 : i32
      %get3A_547 = arith.index_cast %get3A_546 : i32 to index
      %get3A_548 = arith.index_cast %add3A_534 : i32 to index
      %get3A_549 = arith.constant 16 : index
      %get3A_550 = tpu.vector_load %arg11[%get3A_547, %get3A_548, %get3A_549] {strides = array<i32>} : memref<4x128x64xf32, #tpu.memory_space<vmem>>, vector<16xf32>,
      %get3A_551 = arith.constant 2 : i32
      %get3A_552 = arith.index_cast %get3A_551 : i32 to index
      %get3A_553 = arith.index_cast %add3A_534 : i32 to index
      %get3A_554 = arith.constant 16 : index
      %get3A_555 = tpu.vector_load %arg12[%get3A_552, %get3A_553, %get3A_554] {strides = array<i32>} : memref<4x128x64xf32, #tpu.memory_space<vmem>>, vector<16xf32>,
      %mul3A_556 = arith.mulf %get3A_550, %get3A_555 : vector<16xf32>
      %get3A_557 = arith.constant 2 : i32
      %get3A_558 = arith.index_cast %get3A_557 : i32 to index
      %get3A_559 = arith.index_cast %add3A_534 : i32 to index
      %get3A_560 = arith.constant 32 : index
      %get3A_561 = tpu.vector_load %arg11[%get3A_558, %get3A_559, %get3A_560] {strides = array<i32>} : memref<4x128x64xf32, #tpu.memory_space<vmem>>, vector<16xf32>,
      %get3A_562 = arith.constant 2 : i32
      %get3A_563 = arith.index_cast %get3A_562 : i32 to index
      %get3A_564 = arith.index_cast %add3A_534 : i32 to index
      %get3A_565 = arith.constant 32 : index
      %get3A_566 = tpu.vector_load %arg12[%get3A_563, %get3A_564, %get3A_565] {strides = array<i32>} : memref<4x128x64xf32, #tpu.memory_space<vmem>>, vector<16xf32>,
      %mul3A_567 = arith.mulf %get3A_561, %get3A_566 : vector<16xf32>
      %add3A_568 = arith.addf %mul3A_545, %mul3A_567 : vector<16xf32>
      %get3A_569 = arith.constant 2 : i32
      %get3A_570 = arith.index_cast %get3A_569 : i32 to index
      %get3A_571 = arith.index_cast %add3A_534 : i32 to index
      %get3A_572 = arith.constant 48 : index
      %get3A_573 = tpu.vector_load %arg11[%get3A_570, %get3A_571, %get3A_572] {strides = array<i32>} : memref<4x128x64xf32, #tpu.memory_space<vmem>>, vector<16xf32>,
      %get3A_574 = arith.constant 2 : i32
      %get3A_575 = arith.index_cast %get3A_574 : i32 to index
      %get3A_576 = arith.index_cast %add3A_534 : i32 to index
      %get3A_577 = arith.constant 48 : index
      %get3A_578 = tpu.vector_load %arg12[%get3A_575, %get3A_576, %get3A_577] {strides = array<i32>} : memref<4x128x64xf32, #tpu.memory_space<vmem>>, vector<16xf32>,
      %mul3A_579 = arith.mulf %get3A_573, %get3A_578 : vector<16xf32>
      %add3A_580 = arith.addf %mul3A_556, %mul3A_579 : vector<16xf32>
      %add3A_581 = arith.addf %add3A_568, %add3A_580 : vector<16xf32>
      %swap3A_582 = arith.constant 51 : index
      %swap3A_583 = tpu.vector_load %arg15[%swap3A_582] {strides = array<i32>} : memref<272xf32, #tpu.memory_space<vmem>>, vector<16xf32>,
      tpu.vector_store %arg15[%swap3A_582], %add3A_581 {strides = array<i32>} : memref<272xf32, #tpu.memory_space<vmem>>, vector<16xf32>,
      %add3A_584 = arith.constant 4 : i32
      %add3A_585 = arith.addi %mul3A_381, %add3A_584 : i32
      %get3A_586 = arith.constant 2 : i32
      %get3A_587 = arith.index_cast %get3A_586 : i32 to index
      %get3A_588 = arith.index_cast %add3A_585 : i32 to index
      %get3A_589 = arith.constant 0 : index
      %get3A_590 = tpu.vector_load %arg11[%get3A_587, %get3A_588, %get3A_589] {strides = array<i32>} : memref<4x128x64xf32, #tpu.memory_space<vmem>>, vector<16xf32>,
      %get3A_591 = arith.constant 2 : i32
      %get3A_592 = arith.index_cast %get3A_591 : i32 to index
      %get3A_593 = arith.index_cast %add3A_585 : i32 to index
      %get3A_594 = arith.constant 0 : index
      %get3A_595 = tpu.vector_load %arg12[%get3A_592, %get3A_593, %get3A_594] {strides = array<i32>} : memref<4x128x64xf32, #tpu.memory_space<vmem>>, vector<16xf32>,
      %mul3A_596 = arith.mulf %get3A_590, %get3A_595 : vector<16xf32>
      %get3A_597 = arith.constant 2 : i32
      %get3A_598 = arith.index_cast %get3A_597 : i32 to index
      %get3A_599 = arith.index_cast %add3A_585 : i32 to index
      %get3A_600 = arith.constant 16 : index
      %get3A_601 = tpu.vector_load %arg11[%get3A_598, %get3A_599, %get3A_600] {strides = array<i32>} : memref<4x128x64xf32, #tpu.memory_space<vmem>>, vector<16xf32>,
      %get3A_602 = arith.constant 2 : i32
      %get3A_603 = arith.index_cast %get3A_602 : i32 to index
      %get3A_604 = arith.index_cast %add3A_585 : i32 to index
      %get3A_605 = arith.constant 16 : index
      %get3A_606 = tpu.vector_load %arg12[%get3A_603, %get3A_604, %get3A_605] {strides = array<i32>} : memref<4x128x64xf32, #tpu.memory_space<vmem>>, vector<16xf32>,
      %mul3A_607 = arith.mulf %get3A_601, %get3A_606 : vector<16xf32>
      %get3A_608 = arith.constant 2 : i32
      %get3A_609 = arith.index_cast %get3A_608 : i32 to index
      %get3A_610 = arith.index_cast %add3A_585 : i32 to index
      %get3A_611 = arith.constant 32 : index
      %get3A_612 = tpu.vector_load %arg11[%get3A_609, %get3A_610, %get3A_611] {strides = array<i32>} : memref<4x128x64xf32, #tpu.memory_space<vmem>>, vector<16xf32>,
      %get3A_613 = arith.constant 2 : i32
      %get3A_614 = arith.index_cast %get3A_613 : i32 to index
      %get3A_615 = arith.index_cast %add3A_585 : i32 to index
      %get3A_616 = arith.constant 32 : index
      %get3A_617 = tpu.vector_load %arg12[%get3A_614, %get3A_615, %get3A_616] {strides = array<i32>} : memref<4x128x64xf32, #tpu.memory_space<vmem>>, vector<16xf32>,
      %mul3A_618 = arith.mulf %get3A_612, %get3A_617 : vector<16xf32>
      %add3A_619 = arith.addf %mul3A_596, %mul3A_618 : vector<16xf32>
      %get3A_620 = arith.constant 2 : i32
      %get3A_621 = arith.index_cast %get3A_620 : i32 to index
      %get3A_622 = arith.index_cast %add3A_585 : i32 to index
      %get3A_623 = arith.constant 48 : index
      %get3A_624 = tpu.vector_load %arg11[%get3A_621, %get3A_622, %get3A_623] {strides = array<i32>} : memref<4x128x64xf32, #tpu.memory_space<vmem>>, vector<16xf32>,
      %get3A_625 = arith.constant 2 : i32
      %get3A_626 = arith.index_cast %get3A_625 : i32 to index
      %get3A_627 = arith.index_cast %add3A_585 : i32 to index
      %get3A_628 = arith.constant 48 : index
      %get3A_629 = tpu.vector_load %arg12[%get3A_626, %get3A_627, %get3A_628] {strides = array<i32>} : memref<4x128x64xf32, #tpu.memory_space<vmem>>, vector<16xf32>,
      %mul3A_630 = arith.mulf %get3A_624, %get3A_629 : vector<16xf32>
      %add3A_631 = arith.addf %mul3A_607, %mul3A_630 : vector<16xf32>
      %add3A_632 = arith.addf %add3A_619, %add3A_631 : vector<16xf32>
      %swap3A_633 = arith.constant 68 : index
      %swap3A_634 = tpu.vector_load %arg15[%swap3A_633] {strides = array<i32>} : memref<272xf32, #tpu.memory_space<vmem>>, vector<16xf32>,
      tpu.vector_store %arg15[%swap3A_633], %add3A_632 {strides = array<i32>} : memref<272xf32, #tpu.memory_space<vmem>>, vector<16xf32>,
      %add3A_635 = arith.constant 5 : i32
      %add3A_636 = arith.addi %mul3A_381, %add3A_635 : i32
      %get3A_637 = arith.constant 2 : i32
      %get3A_638 = arith.index_cast %get3A_637 : i32 to index
      %get3A_639 = arith.index_cast %add3A_636 : i32 to index
      %get3A_640 = arith.constant 0 : index
      %get3A_641 = tpu.vector_load %arg11[%get3A_638, %get3A_639, %get3A_640] {strides = array<i32>} : memref<4x128x64xf32, #tpu.memory_space<vmem>>, vector<16xf32>,
      %get3A_642 = arith.constant 2 : i32
      %get3A_643 = arith.index_cast %get3A_642 : i32 to index
      %get3A_644 = arith.index_cast %add3A_636 : i32 to index
      %get3A_645 = arith.constant 0 : index
      %get3A_646 = tpu.vector_load %arg12[%get3A_643, %get3A_644, %get3A_645] {strides = array<i32>} : memref<4x128x64xf32, #tpu.memory_space<vmem>>, vector<16xf32>,
      %mul3A_647 = arith.mulf %get3A_641, %get3A_646 : vector<16xf32>
      %get3A_648 = arith.constant 2 : i32
      %get3A_649 = arith.index_cast %get3A_648 : i32 to index
      %get3A_650 = arith.index_cast %add3A_636 : i32 to index
      %get3A_651 = arith.constant 16 : index
      %get3A_652 = tpu.vector_load %arg11[%get3A_649, %get3A_650, %get3A_651] {strides = array<i32>} : memref<4x128x64xf32, #tpu.memory_space<vmem>>, vector<16xf32>,
      %get3A_653 = arith.constant 2 : i32
      %get3A_654 = arith.index_cast %get3A_653 : i32 to index
      %get3A_655 = arith.index_cast %add3A_636 : i32 to index
      %get3A_656 = arith.constant 16 : index
      %get3A_657 = tpu.vector_load %arg12[%get3A_654, %get3A_655, %get3A_656] {strides = array<i32>} : memref<4x128x64xf32, #tpu.memory_space<vmem>>, vector<16xf32>,
      %mul3A_658 = arith.mulf %get3A_652, %get3A_657 : vector<16xf32>
      %get3A_659 = arith.constant 2 : i32
      %get3A_660 = arith.index_cast %get3A_659 : i32 to index
      %get3A_661 = arith.index_cast %add3A_636 : i32 to index
      %get3A_662 = arith.constant 32 : index
      %get3A_663 = tpu.vector_load %arg11[%get3A_660, %get3A_661, %get3A_662] {strides = array<i32>} : memref<4x128x64xf32, #tpu.memory_space<vmem>>, vector<16xf32>,
      %get3A_664 = arith.constant 2 : i32
      %get3A_665 = arith.index_cast %get3A_664 : i32 to index
      %get3A_666 = arith.index_cast %add3A_636 : i32 to index
      %get3A_667 = arith.constant 32 : index
      %get3A_668 = tpu.vector_load %arg12[%get3A_665, %get3A_666, %get3A_667] {strides = array<i32>} : memref<4x128x64xf32, #tpu.memory_space<vmem>>, vector<16xf32>,
      %mul3A_669 = arith.mulf %get3A_663, %get3A_668 : vector<16xf32>
      %add3A_670 = arith.addf %mul3A_647, %mul3A_669 : vector<16xf32>
      %get3A_671 = arith.constant 2 : i32
      %get3A_672 = arith.index_cast %get3A_671 : i32 to index
      %get3A_673 = arith.index_cast %add3A_636 : i32 to index
      %get3A_674 = arith.constant 48 : index
      %get3A_675 = tpu.vector_load %arg11[%get3A_672, %get3A_673, %get3A_674] {strides = array<i32>} : memref<4x128x64xf32, #tpu.memory_space<vmem>>, vector<16xf32>,
      %get3A_676 = arith.constant 2 : i32
      %get3A_677 = arith.index_cast %get3A_676 : i32 to index
      %get3A_678 = arith.index_cast %add3A_636 : i32 to index
      %get3A_679 = arith.constant 48 : index
      %get3A_680 = tpu.vector_load %arg12[%get3A_677, %get3A_678, %get3A_679] {strides = array<i32>} : memref<4x128x64xf32, #tpu.memory_space<vmem>>, vector<16xf32>,
      %mul3A_681 = arith.mulf %get3A_675, %get3A_680 : vector<16xf32>
      %add3A_682 = arith.addf %mul3A_658, %mul3A_681 : vector<16xf32>
      %add3A_683 = arith.addf %add3A_670, %add3A_682 : vector<16xf32>
      %swap3A_684 = arith.constant 85 : index
      %swap3A_685 = tpu.vector_load %arg15[%swap3A_684] {strides = array<i32>} : memref<272xf32, #tpu.memory_space<vmem>>, vector<16xf32>,
      tpu.vector_store %arg15[%swap3A_684], %add3A_683 {strides = array<i32>} : memref<272xf32, #tpu.memory_space<vmem>>, vector<16xf32>,
      %add3A_686 = arith.constant 6 : i32
      %add3A_687 = arith.addi %mul3A_381, %add3A_686 : i32
      %get3A_688 = arith.constant 2 : i32
      %get3A_689 = arith.index_cast %get3A_688 : i32 to index
      %get3A_690 = arith.index_cast %add3A_687 : i32 to index
      %get3A_691 = arith.constant 0 : index
      %get3A_692 = tpu.vector_load %arg11[%get3A_689, %get3A_690, %get3A_691] {strides = array<i32>} : memref<4x128x64xf32, #tpu.memory_space<vmem>>, vector<16xf32>,
      %get3A_693 = arith.constant 2 : i32
      %get3A_694 = arith.index_cast %get3A_693 : i32 to index
      %get3A_695 = arith.index_cast %add3A_687 : i32 to index
      %get3A_696 = arith.constant 0 : index
      %get3A_697 = tpu.vector_load %arg12[%get3A_694, %get3A_695, %get3A_696] {strides = array<i32>} : memref<4x128x64xf32, #tpu.memory_space<vmem>>, vector<16xf32>,
      %mul3A_698 = arith.mulf %get3A_692, %get3A_697 : vector<16xf32>
      %get3A_699 = arith.constant 2 : i32
      %get3A_700 = arith.index_cast %get3A_699 : i32 to index
      %get3A_701 = arith.index_cast %add3A_687 : i32 to index
      %get3A_702 = arith.constant 16 : index
      %get3A_703 = tpu.vector_load %arg11[%get3A_700, %get3A_701, %get3A_702] {strides = array<i32>} : memref<4x128x64xf32, #tpu.memory_space<vmem>>, vector<16xf32>,
      %get3A_704 = arith.constant 2 : i32
      %get3A_705 = arith.index_cast %get3A_704 : i32 to index
      %get3A_706 = arith.index_cast %add3A_687 : i32 to index
      %get3A_707 = arith.constant 16 : index
      %get3A_708 = tpu.vector_load %arg12[%get3A_705, %get3A_706, %get3A_707] {strides = array<i32>} : memref<4x128x64xf32, #tpu.memory_space<vmem>>, vector<16xf32>,
      %mul3A_709 = arith.mulf %get3A_703, %get3A_708 : vector<16xf32>
      %get3A_710 = arith.constant 2 : i32
      %get3A_711 = arith.index_cast %get3A_710 : i32 to index
      %get3A_712 = arith.index_cast %add3A_687 : i32 to index
      %get3A_713 = arith.constant 32 : index
      %get3A_714 = tpu.vector_load %arg11[%get3A_711, %get3A_712, %get3A_713] {strides = array<i32>} : memref<4x128x64xf32, #tpu.memory_space<vmem>>, vector<16xf32>,
      %get3A_715 = arith.constant 2 : i32
      %get3A_716 = arith.index_cast %get3A_715 : i32 to index
      %get3A_717 = arith.index_cast %add3A_687 : i32 to index
      %get3A_718 = arith.constant 32 : index
      %get3A_719 = tpu.vector_load %arg12[%get3A_716, %get3A_717, %get3A_718] {strides = array<i32>} : memref<4x128x64xf32, #tpu.memory_space<vmem>>, vector<16xf32>,
      %mul3A_720 = arith.mulf %get3A_714, %get3A_719 : vector<16xf32>
      %add3A_721 = arith.addf %mul3A_698, %mul3A_720 : vector<16xf32>
      %get3A_722 = arith.constant 2 : i32
      %get3A_723 = arith.index_cast %get3A_722 : i32 to index
      %get3A_724 = arith.index_cast %add3A_687 : i32 to index
      %get3A_725 = arith.constant 48 : index
      %get3A_726 = tpu.vector_load %arg11[%get3A_723, %get3A_724, %get3A_725] {strides = array<i32>} : memref<4x128x64xf32, #tpu.memory_space<vmem>>, vector<16xf32>,
      %get3A_727 = arith.constant 2 : i32
      %get3A_728 = arith.index_cast %get3A_727 : i32 to index
      %get3A_729 = arith.index_cast %add3A_687 : i32 to index
      %get3A_730 = arith.constant 48 : index
      %get3A_731 = tpu.vector_load %arg12[%get3A_728, %get3A_729, %get3A_730] {strides = array<i32>} : memref<4x128x64xf32, #tpu.memory_space<vmem>>, vector<16xf32>,
      %mul3A_732 = arith.mulf %get3A_726, %get3A_731 : vector<16xf32>
      %add3A_733 = arith.addf %mul3A_709, %mul3A_732 : vector<16xf32>
      %add3A_734 = arith.addf %add3A_721, %add3A_733 : vector<16xf32>
      %swap3A_735 = arith.constant 102 : index
      %swap3A_736 = tpu.vector_load %arg15[%swap3A_735] {strides = array<i32>} : memref<272xf32, #tpu.memory_space<vmem>>, vector<16xf32>,
      tpu.vector_store %arg15[%swap3A_735], %add3A_734 {strides = array<i32>} : memref<272xf32, #tpu.memory_space<vmem>>, vector<16xf32>,
      %add3A_737 = arith.constant 7 : i32
      %add3A_738 = arith.addi %mul3A_381, %add3A_737 : i32
      %get3A_739 = arith.constant 2 : i32
      %get3A_740 = arith.index_cast %get3A_739 : i32 to index
      %get3A_741 = arith.index_cast %add3A_738 : i32 to index
      %get3A_742 = arith.constant 0 : index
      %get3A_743 = tpu.vector_load %arg11[%get3A_740, %get3A_741, %get3A_742] {strides = array<i32>} : memref<4x128x64xf32, #tpu.memory_space<vmem>>, vector<16xf32>,
      %get3A_744 = arith.constant 2 : i32
      %get3A_745 = arith.index_cast %get3A_744 : i32 to index
      %get3A_746 = arith.index_cast %add3A_738 : i32 to index
      %get3A_747 = arith.constant 0 : index
      %get3A_748 = tpu.vector_load %arg12[%get3A_745, %get3A_746, %get3A_747] {strides = array<i32>} : memref<4x128x64xf32, #tpu.memory_space<vmem>>, vector<16xf32>,
      %mul3A_749 = arith.mulf %get3A_743, %get3A_748 : vector<16xf32>
      %get3A_750 = arith.constant 2 : i32
      %get3A_751 = arith.index_cast %get3A_750 : i32 to index
      %get3A_752 = arith.index_cast %add3A_738 : i32 to index
      %get3A_753 = arith.constant 16 : index
      %get3A_754 = tpu.vector_load %arg11[%get3A_751, %get3A_752, %get3A_753] {strides = array<i32>} : memref<4x128x64xf32, #tpu.memory_space<vmem>>, vector<16xf32>,
      %get3A_755 = arith.constant 2 : i32
      %get3A_756 = arith.index_cast %get3A_755 : i32 to index
      %get3A_757 = arith.index_cast %add3A_738 : i32 to index
      %get3A_758 = arith.constant 16 : index
      %get3A_759 = tpu.vector_load %arg12[%get3A_756, %get3A_757, %get3A_758] {strides = array<i32>} : memref<4x128x64xf32, #tpu.memory_space<vmem>>, vector<16xf32>,
      %mul3A_760 = arith.mulf %get3A_754, %get3A_759 : vector<16xf32>
      %get3A_761 = arith.constant 2 : i32
      %get3A_762 = arith.index_cast %get3A_761 : i32 to index
      %get3A_763 = arith.index_cast %add3A_738 : i32 to index
      %get3A_764 = arith.constant 32 : index
      %get3A_765 = tpu.vector_load %arg11[%get3A_762, %get3A_763, %get3A_764] {strides = array<i32>} : memref<4x128x64xf32, #tpu.memory_space<vmem>>, vector<16xf32>,
      %get3A_766 = arith.constant 2 : i32
      %get3A_767 = arith.index_cast %get3A_766 : i32 to index
      %get3A_768 = arith.index_cast %add3A_738 : i32 to index
      %get3A_769 = arith.constant 32 : index
      %get3A_770 = tpu.vector_load %arg12[%get3A_767, %get3A_768, %get3A_769] {strides = array<i32>} : memref<4x128x64xf32, #tpu.memory_space<vmem>>, vector<16xf32>,
      %mul3A_771 = arith.mulf %get3A_765, %get3A_770 : vector<16xf32>
      %add3A_772 = arith.addf %mul3A_749, %mul3A_771 : vector<16xf32>
      %get3A_773 = arith.constant 2 : i32
      %get3A_774 = arith.index_cast %get3A_773 : i32 to index
      %get3A_775 = arith.index_cast %add3A_738 : i32 to index
      %get3A_776 = arith.constant 48 : index
      %get3A_777 = tpu.vector_load %arg11[%get3A_774, %get3A_775, %get3A_776] {strides = array<i32>} : memref<4x128x64xf32, #tpu.memory_space<vmem>>, vector<16xf32>,
      %get3A_778 = arith.constant 2 : i32
      %get3A_779 = arith.index_cast %get3A_778 : i32 to index
      %get3A_780 = arith.index_cast %add3A_738 : i32 to index
      %get3A_781 = arith.constant 48 : index
      %get3A_782 = tpu.vector_load %arg12[%get3A_779, %get3A_780, %get3A_781] {strides = array<i32>} : memref<4x128x64xf32, #tpu.memory_space<vmem>>, vector<16xf32>,
      %mul3A_783 = arith.mulf %get3A_777, %get3A_782 : vector<16xf32>
      %add3A_784 = arith.addf %mul3A_760, %mul3A_783 : vector<16xf32>
      %add3A_785 = arith.addf %add3A_772, %add3A_784 : vector<16xf32>
      %swap3A_786 = arith.constant 119 : index
      %swap3A_787 = tpu.vector_load %arg15[%swap3A_786] {strides = array<i32>} : memref<272xf32, #tpu.memory_space<vmem>>, vector<16xf32>,
      tpu.vector_store %arg15[%swap3A_786], %add3A_785 {strides = array<i32>} : memref<272xf32, #tpu.memory_space<vmem>>, vector<16xf32>,
      %add3A_788 = arith.constant 8 : i32
      %add3A_789 = arith.addi %mul3A_381, %add3A_788 : i32
      %get3A_790 = arith.constant 2 : i32
      %get3A_791 = arith.index_cast %get3A_790 : i32 to index
      %get3A_792 = arith.index_cast %add3A_789 : i32 to index
      %get3A_793 = arith.constant 0 : index
      %get3A_794 = tpu.vector_load %arg11[%get3A_791, %get3A_792, %get3A_793] {strides = array<i32>} : memref<4x128x64xf32, #tpu.memory_space<vmem>>, vector<16xf32>,
      %get3A_795 = arith.constant 2 : i32
      %get3A_796 = arith.index_cast %get3A_795 : i32 to index
      %get3A_797 = arith.index_cast %add3A_789 : i32 to index
      %get3A_798 = arith.constant 0 : index
      %get3A_799 = tpu.vector_load %arg12[%get3A_796, %get3A_797, %get3A_798] {strides = array<i32>} : memref<4x128x64xf32, #tpu.memory_space<vmem>>, vector<16xf32>,
      %mul3A_800 = arith.mulf %get3A_794, %get3A_799 : vector<16xf32>
      %get3A_801 = arith.constant 2 : i32
      %get3A_802 = arith.index_cast %get3A_801 : i32 to index
      %get3A_803 = arith.index_cast %add3A_789 : i32 to index
      %get3A_804 = arith.constant 16 : index
      %get3A_805 = tpu.vector_load %arg11[%get3A_802, %get3A_803, %get3A_804] {strides = array<i32>} : memref<4x128x64xf32, #tpu.memory_space<vmem>>, vector<16xf32>,
      %get3A_806 = arith.constant 2 : i32
      %get3A_807 = arith.index_cast %get3A_806 : i32 to index
      %get3A_808 = arith.index_cast %add3A_789 : i32 to index
      %get3A_809 = arith.constant 16 : index
      %get3A_810 = tpu.vector_load %arg12[%get3A_807, %get3A_808, %get3A_809] {strides = array<i32>} : memref<4x128x64xf32, #tpu.memory_space<vmem>>, vector<16xf32>,
      %mul3A_811 = arith.mulf %get3A_805, %get3A_810 : vector<16xf32>
      %get3A_812 = arith.constant 2 : i32
      %get3A_813 = arith.index_cast %get3A_812 : i32 to index
      %get3A_814 = arith.index_cast %add3A_789 : i32 to index
      %get3A_815 = arith.constant 32 : index
      %get3A_816 = tpu.vector_load %arg11[%get3A_813, %get3A_814, %get3A_815] {strides = array<i32>} : memref<4x128x64xf32, #tpu.memory_space<vmem>>, vector<16xf32>,
      %get3A_817 = arith.constant 2 : i32
      %get3A_818 = arith.index_cast %get3A_817 : i32 to index
      %get3A_819 = arith.index_cast %add3A_789 : i32 to index
      %get3A_820 = arith.constant 32 : index
      %get3A_821 = tpu.vector_load %arg12[%get3A_818, %get3A_819, %get3A_820] {strides = array<i32>} : memref<4x128x64xf32, #tpu.memory_space<vmem>>, vector<16xf32>,
      %mul3A_822 = arith.mulf %get3A_816, %get3A_821 : vector<16xf32>
      %add3A_823 = arith.addf %mul3A_800, %mul3A_822 : vector<16xf32>
      %get3A_824 = arith.constant 2 : i32
      %get3A_825 = arith.index_cast %get3A_824 : i32 to index
      %get3A_826 = arith.index_cast %add3A_789 : i32 to index
      %get3A_827 = arith.constant 48 : index
      %get3A_828 = tpu.vector_load %arg11[%get3A_825, %get3A_826, %get3A_827] {strides = array<i32>} : memref<4x128x64xf32, #tpu.memory_space<vmem>>, vector<16xf32>,
      %get3A_829 = arith.constant 2 : i32
      %get3A_830 = arith.index_cast %get3A_829 : i32 to index
      %get3A_831 = arith.index_cast %add3A_789 : i32 to index
      %get3A_832 = arith.constant 48 : index
      %get3A_833 = tpu.vector_load %arg12[%get3A_830, %get3A_831, %get3A_832] {strides = array<i32>} : memref<4x128x64xf32, #tpu.memory_space<vmem>>, vector<16xf32>,
      %mul3A_834 = arith.mulf %get3A_828, %get3A_833 : vector<16xf32>
      %add3A_835 = arith.addf %mul3A_811, %mul3A_834 : vector<16xf32>
      %add3A_836 = arith.addf %add3A_823, %add3A_835 : vector<16xf32>
      %swap3A_837 = arith.constant 136 : index
      %swap3A_838 = tpu.vector_load %arg15[%swap3A_837] {strides = array<i32>} : memref<272xf32, #tpu.memory_space<vmem>>, vector<16xf32>,
      tpu.vector_store %arg15[%swap3A_837], %add3A_836 {strides = array<i32>} : memref<272xf32, #tpu.memory_space<vmem>>, vector<16xf32>,
      %add3A_839 = arith.constant 9 : i32
      %add3A_840 = arith.addi %mul3A_381, %add3A_839 : i32
      %get3A_841 = arith.constant 2 : i32
      %get3A_842 = arith.index_cast %get3A_841 : i32 to index
      %get3A_843 = arith.index_cast %add3A_840 : i32 to index
      %get3A_844 = arith.constant 0 : index
      %get3A_845 = tpu.vector_load %arg11[%get3A_842, %get3A_843, %get3A_844] {strides = array<i32>} : memref<4x128x64xf32, #tpu.memory_space<vmem>>, vector<16xf32>,
      %get3A_846 = arith.constant 2 : i32
      %get3A_847 = arith.index_cast %get3A_846 : i32 to index
      %get3A_848 = arith.index_cast %add3A_840 : i32 to index
      %get3A_849 = arith.constant 0 : index
      %get3A_850 = tpu.vector_load %arg12[%get3A_847, %get3A_848, %get3A_849] {strides = array<i32>} : memref<4x128x64xf32, #tpu.memory_space<vmem>>, vector<16xf32>,
      %mul3A_851 = arith.mulf %get3A_845, %get3A_850 : vector<16xf32>
      %get3A_852 = arith.constant 2 : i32
      %get3A_853 = arith.index_cast %get3A_852 : i32 to index
      %get3A_854 = arith.index_cast %add3A_840 : i32 to index
      %get3A_855 = arith.constant 16 : index
      %get3A_856 = tpu.vector_load %arg11[%get3A_853, %get3A_854, %get3A_855] {strides = array<i32>} : memref<4x128x64xf32, #tpu.memory_space<vmem>>, vector<16xf32>,
      %get3A_857 = arith.constant 2 : i32
      %get3A_858 = arith.index_cast %get3A_857 : i32 to index
      %get3A_859 = arith.index_cast %add3A_840 : i32 to index
      %get3A_860 = arith.constant 16 : index
      %get3A_861 = tpu.vector_load %arg12[%get3A_858, %get3A_859, %get3A_860] {strides = array<i32>} : memref<4x128x64xf32, #tpu.memory_space<vmem>>, vector<16xf32>,
      %mul3A_862 = arith.mulf %get3A_856, %get3A_861 : vector<16xf32>
      %get3A_863 = arith.constant 2 : i32
      %get3A_864 = arith.index_cast %get3A_863 : i32 to index
      %get3A_865 = arith.index_cast %add3A_840 : i32 to index
      %get3A_866 = arith.constant 32 : index
      %get3A_867 = tpu.vector_load %arg11[%get3A_864, %get3A_865, %get3A_866] {strides = array<i32>} : memref<4x128x64xf32, #tpu.memory_space<vmem>>, vector<16xf32>,
      %get3A_868 = arith.constant 2 : i32
      %get3A_869 = arith.index_cast %get3A_868 : i32 to index
      %get3A_870 = arith.index_cast %add3A_840 : i32 to index
      %get3A_871 = arith.constant 32 : index
      %get3A_872 = tpu.vector_load %arg12[%get3A_869, %get3A_870, %get3A_871] {strides = array<i32>} : memref<4x128x64xf32, #tpu.memory_space<vmem>>, vector<16xf32>,
      %mul3A_873 = arith.mulf %get3A_867, %get3A_872 : vector<16xf32>
      %add3A_874 = arith.addf %mul3A_851, %mul3A_873 : vector<16xf32>
      %get3A_875 = arith.constant 2 : i32
      %get3A_876 = arith.index_cast %get3A_875 : i32 to index
      %get3A_877 = arith.index_cast %add3A_840 : i32 to index
      %get3A_878 = arith.constant 48 : index
      %get3A_879 = tpu.vector_load %arg11[%get3A_876, %get3A_877, %get3A_878] {strides = array<i32>} : memref<4x128x64xf32, #tpu.memory_space<vmem>>, vector<16xf32>,
      %get3A_880 = arith.constant 2 : i32
      %get3A_881 = arith.index_cast %get3A_880 : i32 to index
      %get3A_882 = arith.index_cast %add3A_840 : i32 to index
      %get3A_883 = arith.constant 48 : index
      %get3A_884 = tpu.vector_load %arg12[%get3A_881, %get3A_882, %get3A_883] {strides = array<i32>} : memref<4x128x64xf32, #tpu.memory_space<vmem>>, vector<16xf32>,
      %mul3A_885 = arith.mulf %get3A_879, %get3A_884 : vector<16xf32>
      %add3A_886 = arith.addf %mul3A_862, %mul3A_885 : vector<16xf32>
      %add3A_887 = arith.addf %add3A_874, %add3A_886 : vector<16xf32>
      %swap3A_888 = arith.constant 153 : index
      %swap3A_889 = tpu.vector_load %arg15[%swap3A_888] {strides = array<i32>} : memref<272xf32, #tpu.memory_space<vmem>>, vector<16xf32>,
      tpu.vector_store %arg15[%swap3A_888], %add3A_887 {strides = array<i32>} : memref<272xf32, #tpu.memory_space<vmem>>, vector<16xf32>,
      %add3A_890 = arith.constant 10 : i32
      %add3A_891 = arith.addi %mul3A_381, %add3A_890 : i32
      %get3A_892 = arith.constant 2 : i32
      %get3A_893 = arith.index_cast %get3A_892 : i32 to index
      %get3A_894 = arith.index_cast %add3A_891 : i32 to index
      %get3A_895 = arith.constant 0 : index
      %get3A_896 = tpu.vector_load %arg11[%get3A_893, %get3A_894, %get3A_895] {strides = array<i32>} : memref<4x128x64xf32, #tpu.memory_space<vmem>>, vector<16xf32>,
      %get3A_897 = arith.constant 2 : i32
      %get3A_898 = arith.index_cast %get3A_897 : i32 to index
      %get3A_899 = arith.index_cast %add3A_891 : i32 to index
      %get3A_900 = arith.constant 0 : index
      %get3A_901 = tpu.vector_load %arg12[%get3A_898, %get3A_899, %get3A_900] {strides = array<i32>} : memref<4x128x64xf32, #tpu.memory_space<vmem>>, vector<16xf32>,
      %mul3A_902 = arith.mulf %get3A_896, %get3A_901 : vector<16xf32>
      %get3A_903 = arith.constant 2 : i32
      %get3A_904 = arith.index_cast %get3A_903 : i32 to index
      %get3A_905 = arith.index_cast %add3A_891 : i32 to index
      %get3A_906 = arith.constant 16 : index
      %get3A_907 = tpu.vector_load %arg11[%get3A_904, %get3A_905, %get3A_906] {strides = array<i32>} : memref<4x128x64xf32, #tpu.memory_space<vmem>>, vector<16xf32>,
      %get3A_908 = arith.constant 2 : i32
      %get3A_909 = arith.index_cast %get3A_908 : i32 to index
      %get3A_910 = arith.index_cast %add3A_891 : i32 to index
      %get3A_911 = arith.constant 16 : index
      %get3A_912 = tpu.vector_load %arg12[%get3A_909, %get3A_910, %get3A_911] {strides = array<i32>} : memref<4x128x64xf32, #tpu.memory_space<vmem>>, vector<16xf32>,
      %mul3A_913 = arith.mulf %get3A_907, %get3A_912 : vector<16xf32>
      %get3A_914 = arith.constant 2 : i32
      %get3A_915 = arith.index_cast %get3A_914 : i32 to index
      %get3A_916 = arith.index_cast %add3A_891 : i32 to index
      %get3A_917 = arith.constant 32 : index
      %get3A_918 = tpu.vector_load %arg11[%get3A_915, %get3A_916, %get3A_917] {strides = array<i32>} : memref<4x128x64xf32, #tpu.memory_space<vmem>>, vector<16xf32>,
      %get3A_919 = arith.constant 2 : i32
      %get3A_920 = arith.index_cast %get3A_919 : i32 to index
      %get3A_921 = arith.index_cast %add3A_891 : i32 to index
      %get3A_922 = arith.constant 32 : index
      %get3A_923 = tpu.vector_load %arg12[%get3A_920, %get3A_921, %get3A_922] {strides = array<i32>} : memref<4x128x64xf32, #tpu.memory_space<vmem>>, vector<16xf32>,
      %mul3A_924 = arith.mulf %get3A_918, %get3A_923 : vector<16xf32>
      %add3A_925 = arith.addf %mul3A_902, %mul3A_924 : vector<16xf32>
      %get3A_926 = arith.constant 2 : i32
      %get3A_927 = arith.index_cast %get3A_926 : i32 to index
      %get3A_928 = arith.index_cast %add3A_891 : i32 to index
      %get3A_929 = arith.constant 48 : index
      %get3A_930 = tpu.vector_load %arg11[%get3A_927, %get3A_928, %get3A_929] {strides = array<i32>} : memref<4x128x64xf32, #tpu.memory_space<vmem>>, vector<16xf32>,
      %get3A_931 = arith.constant 2 : i32
      %get3A_932 = arith.index_cast %get3A_931 : i32 to index
      %get3A_933 = arith.index_cast %add3A_891 : i32 to index
      %get3A_934 = arith.constant 48 : index
      %get3A_935 = tpu.vector_load %arg12[%get3A_932, %get3A_933, %get3A_934] {strides = array<i32>} : memref<4x128x64xf32, #tpu.memory_space<vmem>>, vector<16xf32>,
      %mul3A_936 = arith.mulf %get3A_930, %get3A_935 : vector<16xf32>
      %add3A_937 = arith.addf %mul3A_913, %mul3A_936 : vector<16xf32>
      %add3A_938 = arith.addf %add3A_925, %add3A_937 : vector<16xf32>
      %swap3A_939 = arith.constant 170 : index
      %swap3A_940 = tpu.vector_load %arg15[%swap3A_939] {strides = array<i32>} : memref<272xf32, #tpu.memory_space<vmem>>, vector<16xf32>,
      tpu.vector_store %arg15[%swap3A_939], %add3A_938 {strides = array<i32>} : memref<272xf32, #tpu.memory_space<vmem>>, vector<16xf32>,
      %add3A_941 = arith.constant 11 : i32
      %add3A_942 = arith.addi %mul3A_381, %add3A_941 : i32
      %get3A_943 = arith.constant 2 : i32
      %get3A_944 = arith.index_cast %get3A_943 : i32 to index
      %get3A_945 = arith.index_cast %add3A_942 : i32 to index
      %get3A_946 = arith.constant 0 : index
      %get3A_947 = tpu.vector_load %arg11[%get3A_944, %get3A_945, %get3A_946] {strides = array<i32>} : memref<4x128x64xf32, #tpu.memory_space<vmem>>, vector<16xf32>,
      %get3A_948 = arith.constant 2 : i32
      %get3A_949 = arith.index_cast %get3A_948 : i32 to index
      %get3A_950 = arith.index_cast %add3A_942 : i32 to index
      %get3A_951 = arith.constant 0 : index
      %get3A_952 = tpu.vector_load %arg12[%get3A_949, %get3A_950, %get3A_951] {strides = array<i32>} : memref<4x128x64xf32, #tpu.memory_space<vmem>>, vector<16xf32>,
      %mul3A_953 = arith.mulf %get3A_947, %get3A_952 : vector<16xf32>
      %get3A_954 = arith.constant 2 : i32
      %get3A_955 = arith.index_cast %get3A_954 : i32 to index
      %get3A_956 = arith.index_cast %add3A_942 : i32 to index
      %get3A_957 = arith.constant 16 : index
      %get3A_958 = tpu.vector_load %arg11[%get3A_955, %get3A_956, %get3A_957] {strides = array<i32>} : memref<4x128x64xf32, #tpu.memory_space<vmem>>, vector<16xf32>,
      %get3A_959 = arith.constant 2 : i32
      %get3A_960 = arith.index_cast %get3A_959 : i32 to index
      %get3A_961 = arith.index_cast %add3A_942 : i32 to index
      %get3A_962 = arith.constant 16 : index
      %get3A_963 = tpu.vector_load %arg12[%get3A_960, %get3A_961, %get3A_962] {strides = array<i32>} : memref<4x128x64xf32, #tpu.memory_space<vmem>>, vector<16xf32>,
      %mul3A_964 = arith.mulf %get3A_958, %get3A_963 : vector<16xf32>
      %get3A_965 = arith.constant 2 : i32
      %get3A_966 = arith.index_cast %get3A_965 : i32 to index
      %get3A_967 = arith.index_cast %add3A_942 : i32 to index
      %get3A_968 = arith.constant 32 : index
      %get3A_969 = tpu.vector_load %arg11[%get3A_966, %get3A_967, %get3A_968] {strides = array<i32>} : memref<4x128x64xf32, #tpu.memory_space<vmem>>, vector<16xf32>,
      %get3A_970 = arith.constant 2 : i32
      %get3A_971 = arith.index_cast %get3A_970 : i32 to index
      %get3A_972 = arith.index_cast %add3A_942 : i32 to index
      %get3A_973 = arith.constant 32 : index
      %get3A_974 = tpu.vector_load %arg12[%get3A_971, %get3A_972, %get3A_973] {strides = array<i32>} : memref<4x128x64xf32, #tpu.memory_space<vmem>>, vector<16xf32>,
      %mul3A_975 = arith.mulf %get3A_969, %get3A_974 : vector<16xf32>
      %add3A_976 = arith.addf %mul3A_953, %mul3A_975 : vector<16xf32>
      %get3A_977 = arith.constant 2 : i32
      %get3A_978 = arith.index_cast %get3A_977 : i32 to index
      %get3A_979 = arith.index_cast %add3A_942 : i32 to index
      %get3A_980 = arith.constant 48 : index
      %get3A_981 = tpu.vector_load %arg11[%get3A_978, %get3A_979, %get3A_980] {strides = array<i32>} : memref<4x128x64xf32, #tpu.memory_space<vmem>>, vector<16xf32>,
      %get3A_982 = arith.constant 2 : i32
      %get3A_983 = arith.index_cast %get3A_982 : i32 to index
      %get3A_984 = arith.index_cast %add3A_942 : i32 to index
      %get3A_985 = arith.constant 48 : index
      %get3A_986 = tpu.vector_load %arg12[%get3A_983, %get3A_984, %get3A_985] {strides = array<i32>} : memref<4x128x64xf32, #tpu.memory_space<vmem>>, vector<16xf32>,
      %mul3A_987 = arith.mulf %get3A_981, %get3A_986 : vector<16xf32>
      %add3A_988 = arith.addf %mul3A_964, %mul3A_987 : vector<16xf32>
      %add3A_989 = arith.addf %add3A_976, %add3A_988 : vector<16xf32>
      %swap3A_990 = arith.constant 187 : index
      %swap3A_991 = tpu.vector_load %arg15[%swap3A_990] {strides = array<i32>} : memref<272xf32, #tpu.memory_space<vmem>>, vector<16xf32>,
      tpu.vector_store %arg15[%swap3A_990], %add3A_989 {strides = array<i32>} : memref<272xf32, #tpu.memory_space<vmem>>, vector<16xf32>,
      %add3A_992 = arith.constant 12 : i32
      %add3A_993 = arith.addi %mul3A_381, %add3A_992 : i32
      %get3A_994 = arith.constant 2 : i32
      %get3A_995 = arith.index_cast %get3A_994 : i32 to index
      %get3A_996 = arith.index_cast %add3A_993 : i32 to index
      %get3A_997 = arith.constant 0 : index
      %get3A_998 = tpu.vector_load %arg11[%get3A_995, %get3A_996, %get3A_997] {strides = array<i32>} : memref<4x128x64xf32, #tpu.memory_space<vmem>>, vector<16xf32>,
      %get3A_999 = arith.constant 2 : i32
      %get3A_1000 = arith.index_cast %get3A_999 : i32 to index
      %get3A_1001 = arith.index_cast %add3A_993 : i32 to index
      %get3A_1002 = arith.constant 0 : index
      %get3A_1003 = tpu.vector_load %arg12[%get3A_1000, %get3A_1001, %get3A_1002] {strides = array<i32>} : memref<4x128x64xf32, #tpu.memory_space<vmem>>, vector<16xf32>,
      %mul3A_1004 = arith.mulf %get3A_998, %get3A_1003 : vector<16xf32>
      %get3A_1005 = arith.constant 2 : i32
      %get3A_1006 = arith.index_cast %get3A_1005 : i32 to index
      %get3A_1007 = arith.index_cast %add3A_993 : i32 to index
      %get3A_1008 = arith.constant 16 : index
      %get3A_1009 = tpu.vector_load %arg11[%get3A_1006, %get3A_1007, %get3A_1008] {strides = array<i32>} : memref<4x128x64xf32, #tpu.memory_space<vmem>>, vector<16xf32>,
      %get3A_1010 = arith.constant 2 : i32
      %get3A_1011 = arith.index_cast %get3A_1010 : i32 to index
      %get3A_1012 = arith.index_cast %add3A_993 : i32 to index
      %get3A_1013 = arith.constant 16 : index
      %get3A_1014 = tpu.vector_load %arg12[%get3A_1011, %get3A_1012, %get3A_1013] {strides = array<i32>} : memref<4x128x64xf32, #tpu.memory_space<vmem>>, vector<16xf32>,
      %mul3A_1015 = arith.mulf %get3A_1009, %get3A_1014 : vector<16xf32>
      %get3A_1016 = arith.constant 2 : i32
      %get3A_1017 = arith.index_cast %get3A_1016 : i32 to index
      %get3A_1018 = arith.index_cast %add3A_993 : i32 to index
      %get3A_1019 = arith.constant 32 : index
      %get3A_1020 = tpu.vector_load %arg11[%get3A_1017, %get3A_1018, %get3A_1019] {strides = array<i32>} : memref<4x128x64xf32, #tpu.memory_space<vmem>>, vector<16xf32>,
      %get3A_1021 = arith.constant 2 : i32
      %get3A_1022 = arith.index_cast %get3A_1021 : i32 to index
      %get3A_1023 = arith.index_cast %add3A_993 : i32 to index
      %get3A_1024 = arith.constant 32 : index
      %get3A_1025 = tpu.vector_load %arg12[%get3A_1022, %get3A_1023, %get3A_1024] {strides = array<i32>} : memref<4x128x64xf32, #tpu.memory_space<vmem>>, vector<16xf32>,
      %mul3A_1026 = arith.mulf %get3A_1020, %get3A_1025 : vector<16xf32>
      %add3A_1027 = arith.addf %mul3A_1004, %mul3A_1026 : vector<16xf32>
      %get3A_1028 = arith.constant 2 : i32
      %get3A_1029 = arith.index_cast %get3A_1028 : i32 to index
      %get3A_1030 = arith.index_cast %add3A_993 : i32 to index
      %get3A_1031 = arith.constant 48 : index
      %get3A_1032 = tpu.vector_load %arg11[%get3A_1029, %get3A_1030, %get3A_1031] {strides = array<i32>} : memref<4x128x64xf32, #tpu.memory_space<vmem>>, vector<16xf32>,
      %get3A_1033 = arith.constant 2 : i32
      %get3A_1034 = arith.index_cast %get3A_1033 : i32 to index
      %get3A_1035 = arith.index_cast %add3A_993 : i32 to index
      %get3A_1036 = arith.constant 48 : index
      %get3A_1037 = tpu.vector_load %arg12[%get3A_1034, %get3A_1035, %get3A_1036] {strides = array<i32>} : memref<4x128x64xf32, #tpu.memory_space<vmem>>, vector<16xf32>,
      %mul3A_1038 = arith.mulf %get3A_1032, %get3A_1037 : vector<16xf32>
      %add3A_1039 = arith.addf %mul3A_1015, %mul3A_1038 : vector<16xf32>
      %add3A_1040 = arith.addf %add3A_1027, %add3A_1039 : vector<16xf32>
      %swap3A_1041 = arith.constant 204 : index
      %swap3A_1042 = tpu.vector_load %arg15[%swap3A_1041] {strides = array<i32>} : memref<272xf32, #tpu.memory_space<vmem>>, vector<16xf32>,
      tpu.vector_store %arg15[%swap3A_1041], %add3A_1040 {strides = array<i32>} : memref<272xf32, #tpu.memory_space<vmem>>, vector<16xf32>,
      %add3A_1043 = arith.constant 13 : i32
      %add3A_1044 = arith.addi %mul3A_381, %add3A_1043 : i32
      %get3A_1045 = arith.constant 2 : i32
      %get3A_1046 = arith.index_cast %get3A_1045 : i32 to index
      %get3A_1047 = arith.index_cast %add3A_1044 : i32 to index
      %get3A_1048 = arith.constant 0 : index
      %get3A_1049 = tpu.vector_load %arg11[%get3A_1046, %get3A_1047, %get3A_1048] {strides = array<i32>} : memref<4x128x64xf32, #tpu.memory_space<vmem>>, vector<16xf32>,
      %get3A_1050 = arith.constant 2 : i32
      %get3A_1051 = arith.index_cast %get3A_1050 : i32 to index
      %get3A_1052 = arith.index_cast %add3A_1044 : i32 to index
      %get3A_1053 = arith.constant 0 : index
      %get3A_1054 = tpu.vector_load %arg12[%get3A_1051, %get3A_1052, %get3A_1053] {strides = array<i32>} : memref<4x128x64xf32, #tpu.memory_space<vmem>>, vector<16xf32>,
      %mul3A_1055 = arith.mulf %get3A_1049, %get3A_1054 : vector<16xf32>
      %get3A_1056 = arith.constant 2 : i32
      %get3A_1057 = arith.index_cast %get3A_1056 : i32 to index
      %get3A_1058 = arith.index_cast %add3A_1044 : i32 to index
      %get3A_1059 = arith.constant 16 : index
      %get3A_1060 = tpu.vector_load %arg11[%get3A_1057, %get3A_1058, %get3A_1059] {strides = array<i32>} : memref<4x128x64xf32, #tpu.memory_space<vmem>>, vector<16xf32>,
      %get3A_1061 = arith.constant 2 : i32
      %get3A_1062 = arith.index_cast %get3A_1061 : i32 to index
      %get3A_1063 = arith.index_cast %add3A_1044 : i32 to index
      %get3A_1064 = arith.constant 16 : index
      %get3A_1065 = tpu.vector_load %arg12[%get3A_1062, %get3A_1063, %get3A_1064] {strides = array<i32>} : memref<4x128x64xf32, #tpu.memory_space<vmem>>, vector<16xf32>,
      %mul3A_1066 = arith.mulf %get3A_1060, %get3A_1065 : vector<16xf32>
      %get3A_1067 = arith.constant 2 : i32
      %get3A_1068 = arith.index_cast %get3A_1067 : i32 to index
      %get3A_1069 = arith.index_cast %add3A_1044 : i32 to index
      %get3A_1070 = arith.constant 32 : index
      %get3A_1071 = tpu.vector_load %arg11[%get3A_1068, %get3A_1069, %get3A_1070] {strides = array<i32>} : memref<4x128x64xf32, #tpu.memory_space<vmem>>, vector<16xf32>,
      %get3A_1072 = arith.constant 2 : i32
      %get3A_1073 = arith.index_cast %get3A_1072 : i32 to index
      %get3A_1074 = arith.index_cast %add3A_1044 : i32 to index
      %get3A_1075 = arith.constant 32 : index
      %get3A_1076 = tpu.vector_load %arg12[%get3A_1073, %get3A_1074, %get3A_1075] {strides = array<i32>} : memref<4x128x64xf32, #tpu.memory_space<vmem>>, vector<16xf32>,
      %mul3A_1077 = arith.mulf %get3A_1071, %get3A_1076 : vector<16xf32>
      %add3A_1078 = arith.addf %mul3A_1055, %mul3A_1077 : vector<16xf32>
      %get3A_1079 = arith.constant 2 : i32
      %get3A_1080 = arith.index_cast %get3A_1079 : i32 to index
      %get3A_1081 = arith.index_cast %add3A_1044 : i32 to index
      %get3A_1082 = arith.constant 48 : index
      %get3A_1083 = tpu.vector_load %arg11[%get3A_1080, %get3A_1081, %get3A_1082] {strides = array<i32>} : memref<4x128x64xf32, #tpu.memory_space<vmem>>, vector<16xf32>,
      %get3A_1084 = arith.constant 2 : i32
      %get3A_1085 = arith.index_cast %get3A_1084 : i32 to index
      %get3A_1086 = arith.index_cast %add3A_1044 : i32 to index
      %get3A_1087 = arith.constant 48 : index
      %get3A_1088 = tpu.vector_load %arg12[%get3A_1085, %get3A_1086, %get3A_1087] {strides = array<i32>} : memref<4x128x64xf32, #tpu.memory_space<vmem>>, vector<16xf32>,
      %mul3A_1089 = arith.mulf %get3A_1083, %get3A_1088 : vector<16xf32>
      %add3A_1090 = arith.addf %mul3A_1066, %mul3A_1089 : vector<16xf32>
      %add3A_1091 = arith.addf %add3A_1078, %add3A_1090 : vector<16xf32>
      %swap3A_1092 = arith.constant 221 : index
      %swap3A_1093 = tpu.vector_load %arg15[%swap3A_1092] {strides = array<i32>} : memref<272xf32, #tpu.memory_space<vmem>>, vector<16xf32>,
      tpu.vector_store %arg15[%swap3A_1092], %add3A_1091 {strides = array<i32>} : memref<272xf32, #tpu.memory_space<vmem>>, vector<16xf32>,
      %add3A_1094 = arith.constant 14 : i32
      %add3A_1095 = arith.addi %mul3A_381, %add3A_1094 : i32
      %get3A_1096 = arith.constant 2 : i32
      %get3A_1097 = arith.index_cast %get3A_1096 : i32 to index
      %get3A_1098 = arith.index_cast %add3A_1095 : i32 to index
      %get3A_1099 = arith.constant 0 : index
      %get3A_1100 = tpu.vector_load %arg11[%get3A_1097, %get3A_1098, %get3A_1099] {strides = array<i32>} : memref<4x128x64xf32, #tpu.memory_space<vmem>>, vector<16xf32>,
      %get3A_1101 = arith.constant 2 : i32
      %get3A_1102 = arith.index_cast %get3A_1101 : i32 to index
      %get3A_1103 = arith.index_cast %add3A_1095 : i32 to index
      %get3A_1104 = arith.constant 0 : index
      %get3A_1105 = tpu.vector_load %arg12[%get3A_1102, %get3A_1103, %get3A_1104] {strides = array<i32>} : memref<4x128x64xf32, #tpu.memory_space<vmem>>, vector<16xf32>,
      %mul3A_1106 = arith.mulf %get3A_1100, %get3A_1105 : vector<16xf32>
      %get3A_1107 = arith.constant 2 : i32
      %get3A_1108 = arith.index_cast %get3A_1107 : i32 to index
      %get3A_1109 = arith.index_cast %add3A_1095 : i32 to index
      %get3A_1110 = arith.constant 16 : index
      %get3A_1111 = tpu.vector_load %arg11[%get3A_1108, %get3A_1109, %get3A_1110] {strides = array<i32>} : memref<4x128x64xf32, #tpu.memory_space<vmem>>, vector<16xf32>,
      %get3A_1112 = arith.constant 2 : i32
      %get3A_1113 = arith.index_cast %get3A_1112 : i32 to index
      %get3A_1114 = arith.index_cast %add3A_1095 : i32 to index
      %get3A_1115 = arith.constant 16 : index
      %get3A_1116 = tpu.vector_load %arg12[%get3A_1113, %get3A_1114, %get3A_1115] {strides = array<i32>} : memref<4x128x64xf32, #tpu.memory_space<vmem>>, vector<16xf32>,
      %mul3A_1117 = arith.mulf %get3A_1111, %get3A_1116 : vector<16xf32>
      %get3A_1118 = arith.constant 2 : i32
      %get3A_1119 = arith.index_cast %get3A_1118 : i32 to index
      %get3A_1120 = arith.index_cast %add3A_1095 : i32 to index
      %get3A_1121 = arith.constant 32 : index
      %get3A_1122 = tpu.vector_load %arg11[%get3A_1119, %get3A_1120, %get3A_1121] {strides = array<i32>} : memref<4x128x64xf32, #tpu.memory_space<vmem>>, vector<16xf32>,
      %get3A_1123 = arith.constant 2 : i32
      %get3A_1124 = arith.index_cast %get3A_1123 : i32 to index
      %get3A_1125 = arith.index_cast %add3A_1095 : i32 to index
      %get3A_1126 = arith.constant 32 : index
      %get3A_1127 = tpu.vector_load %arg12[%get3A_1124, %get3A_1125, %get3A_1126] {strides = array<i32>} : memref<4x128x64xf32, #tpu.memory_space<vmem>>, vector<16xf32>,
      %mul3A_1128 = arith.mulf %get3A_1122, %get3A_1127 : vector<16xf32>
      %add3A_1129 = arith.addf %mul3A_1106, %mul3A_1128 : vector<16xf32>
      %get3A_1130 = arith.constant 2 : i32
      %get3A_1131 = arith.index_cast %get3A_1130 : i32 to index
      %get3A_1132 = arith.index_cast %add3A_1095 : i32 to index
      %get3A_1133 = arith.constant 48 : index
      %get3A_1134 = tpu.vector_load %arg11[%get3A_1131, %get3A_1132, %get3A_1133] {strides = array<i32>} : memref<4x128x64xf32, #tpu.memory_space<vmem>>, vector<16xf32>,
      %get3A_1135 = arith.constant 2 : i32
      %get3A_1136 = arith.index_cast %get3A_1135 : i32 to index
      %get3A_1137 = arith.index_cast %add3A_1095 : i32 to index
      %get3A_1138 = arith.constant 48 : index
      %get3A_1139 = tpu.vector_load %arg12[%get3A_1136, %get3A_1137, %get3A_1138] {strides = array<i32>} : memref<4x128x64xf32, #tpu.memory_space<vmem>>, vector<16xf32>,
      %mul3A_1140 = arith.mulf %get3A_1134, %get3A_1139 : vector<16xf32>
      %add3A_1141 = arith.addf %mul3A_1117, %mul3A_1140 : vector<16xf32>
      %add3A_1142 = arith.addf %add3A_1129, %add3A_1141 : vector<16xf32>
      %swap3A_1143 = arith.constant 238 : index
      %swap3A_1144 = tpu.vector_load %arg15[%swap3A_1143] {strides = array<i32>} : memref<272xf32, #tpu.memory_space<vmem>>, vector<16xf32>,
      tpu.vector_store %arg15[%swap3A_1143], %add3A_1142 {strides = array<i32>} : memref<272xf32, #tpu.memory_space<vmem>>, vector<16xf32>,
      %add3A_1145 = arith.constant 15 : i32
      %add3A_1146 = arith.addi %mul3A_381, %add3A_1145 : i32
      %get3A_1147 = arith.constant 2 : i32
      %get3A_1148 = arith.index_cast %get3A_1147 : i32 to index
      %get3A_1149 = arith.index_cast %add3A_1146 : i32 to index
      %get3A_1150 = arith.constant 0 : index
      %get3A_1151 = tpu.vector_load %arg11[%get3A_1148, %get3A_1149, %get3A_1150] {strides = array<i32>} : memref<4x128x64xf32, #tpu.memory_space<vmem>>, vector<16xf32>,
      %get3A_1152 = arith.constant 2 : i32
      %get3A_1153 = arith.index_cast %get3A_1152 : i32 to index
      %get3A_1154 = arith.index_cast %add3A_1146 : i32 to index
      %get3A_1155 = arith.constant 0 : index
      %get3A_1156 = tpu.vector_load %arg12[%get3A_1153, %get3A_1154, %get3A_1155] {strides = array<i32>} : memref<4x128x64xf32, #tpu.memory_space<vmem>>, vector<16xf32>,
      %mul3A_1157 = arith.mulf %get3A_1151, %get3A_1156 : vector<16xf32>
      %get3A_1158 = arith.constant 2 : i32
      %get3A_1159 = arith.index_cast %get3A_1158 : i32 to index
      %get3A_1160 = arith.index_cast %add3A_1146 : i32 to index
      %get3A_1161 = arith.constant 16 : index
      %get3A_1162 = tpu.vector_load %arg11[%get3A_1159, %get3A_1160, %get3A_1161] {strides = array<i32>} : memref<4x128x64xf32, #tpu.memory_space<vmem>>, vector<16xf32>,
      %get3A_1163 = arith.constant 2 : i32
      %get3A_1164 = arith.index_cast %get3A_1163 : i32 to index
      %get3A_1165 = arith.index_cast %add3A_1146 : i32 to index
      %get3A_1166 = arith.constant 16 : index
      %get3A_1167 = tpu.vector_load %arg12[%get3A_1164, %get3A_1165, %get3A_1166] {strides = array<i32>} : memref<4x128x64xf32, #tpu.memory_space<vmem>>, vector<16xf32>,
      %mul3A_1168 = arith.mulf %get3A_1162, %get3A_1167 : vector<16xf32>
      %get3A_1169 = arith.constant 2 : i32
      %get3A_1170 = arith.index_cast %get3A_1169 : i32 to index
      %get3A_1171 = arith.index_cast %add3A_1146 : i32 to index
      %get3A_1172 = arith.constant 32 : index
      %get3A_1173 = tpu.vector_load %arg11[%get3A_1170, %get3A_1171, %get3A_1172] {strides = array<i32>} : memref<4x128x64xf32, #tpu.memory_space<vmem>>, vector<16xf32>,
      %get3A_1174 = arith.constant 2 : i32
      %get3A_1175 = arith.index_cast %get3A_1174 : i32 to index
      %get3A_1176 = arith.index_cast %add3A_1146 : i32 to index
      %get3A_1177 = arith.constant 32 : index
      %get3A_1178 = tpu.vector_load %arg12[%get3A_1175, %get3A_1176, %get3A_1177] {strides = array<i32>} : memref<4x128x64xf32, #tpu.memory_space<vmem>>, vector<16xf32>,
      %mul3A_1179 = arith.mulf %get3A_1173, %get3A_1178 : vector<16xf32>
      %add3A_1180 = arith.addf %mul3A_1157, %mul3A_1179 : vector<16xf32>
      %get3A_1181 = arith.constant 2 : i32
      %get3A_1182 = arith.index_cast %get3A_1181 : i32 to index
      %get3A_1183 = arith.index_cast %add3A_1146 : i32 to index
      %get3A_1184 = arith.constant 48 : index
      %get3A_1185 = tpu.vector_load %arg11[%get3A_1182, %get3A_1183, %get3A_1184] {strides = array<i32>} : memref<4x128x64xf32, #tpu.memory_space<vmem>>, vector<16xf32>,
      %get3A_1186 = arith.constant 2 : i32
      %get3A_1187 = arith.index_cast %get3A_1186 : i32 to index
      %get3A_1188 = arith.index_cast %add3A_1146 : i32 to index
      %get3A_1189 = arith.constant 48 : index
      %get3A_1190 = tpu.vector_load %arg12[%get3A_1187, %get3A_1188, %get3A_1189] {strides = array<i32>} : memref<4x128x64xf32, #tpu.memory_space<vmem>>, vector<16xf32>,
      %mul3A_1191 = arith.mulf %get3A_1185, %get3A_1190 : vector<16xf32>
      %add3A_1192 = arith.addf %mul3A_1168, %mul3A_1191 : vector<16xf32>
      %add3A_1193 = arith.addf %add3A_1180, %add3A_1192 : vector<16xf32>
      %swap3A_1194 = arith.constant 255 : index
      %swap3A_1195 = tpu.vector_load %arg15[%swap3A_1194] {strides = array<i32>} : memref<272xf32, #tpu.memory_space<vmem>>, vector<16xf32>,
      tpu.vector_store %arg15[%swap3A_1194], %add3A_1193 {strides = array<i32>} : memref<272xf32, #tpu.memory_space<vmem>>, vector<16xf32>,
      %get3A_1196 = arith.constant 2 : i32
      %get3A_1197 = arith.index_cast %get3A_1196 : i32 to index
      %get3A_1198 = arith.index_cast %mul3A_381 : i32 to index
      %get3A_1199 = tpu.vector_load %arg13[%get3A_1197, %get3A_1198] {strides = array<i32>} : memref<4x128xf32, #tpu.memory_space<vmem>>, vector<16xf32>,
      %get3A_1200 = arith.constant 2 : i32
      %get3A_1201 = arith.index_cast %get3A_1200 : i32 to index
      %get3A_1202 = arith.index_cast %mul3A_381 : i32 to index
      %get3A_1203 = tpu.vector_load %arg14[%get3A_1201, %get3A_1202] {strides = array<i32>} : memref<4x128xf32, #tpu.memory_space<vmem>>, vector<16xf32>,
      %add3A_1204 = arith.addf %get3A_1199, %get3A_1203 : vector<16xf32>
      %add3A_1205 = arith.constant 0 : i32
      %add3A_1206 = vector.broadcast %add3A_1205 : i32 to vector<16xi32>
      %add3A_1207 = arith.addi %mul3A_355, %add3A_1206 : vector<16xi32>
      %gather3A = tpu.vector_load_idx %arg15[%add3A_1207] : memref<272xf32, #tpu.memory_space<vmem>>[vector<16xi32>], vector<16xf32>,
      %add3A_1208 = arith.addf %add3A_1204, %gather3A : vector<16xf32>
      %add3A_1209 = arith.constant 1 : i32
      %add3A_1210 = vector.broadcast %add3A_1209 : i32 to vector<16xi32>
      %add3A_1211 = arith.addi %mul3A_355, %add3A_1210 : vector<16xi32>
      %gather3A_1212 = tpu.vector_load_idx %arg15[%add3A_1211] : memref<272xf32, #tpu.memory_space<vmem>>[vector<16xi32>], vector<16xf32>,
      %add3A_1213 = arith.addf %add3A_1208, %gather3A_1212 : vector<16xf32>
      %add3A_1214 = arith.constant 2 : i32
      %add3A_1215 = vector.broadcast %add3A_1214 : i32 to vector<16xi32>
      %add3A_1216 = arith.addi %mul3A_355, %add3A_1215 : vector<16xi32>
      %gather3A_1217 = tpu.vector_load_idx %arg15[%add3A_1216] : memref<272xf32, #tpu.memory_space<vmem>>[vector<16xi32>], vector<16xf32>,
      %add3A_1218 = arith.addf %add3A_1213, %gather3A_1217 : vector<16xf32>
      %add3A_1219 = arith.constant 3 : i32
      %add3A_1220 = vector.broadcast %add3A_1219 : i32 to vector<16xi32>
      %add3A_1221 = arith.addi %mul3A_355, %add3A_1220 : vector<16xi32>
      %gather3A_1222 = tpu.vector_load_idx %arg15[%add3A_1221] : memref<272xf32, #tpu.memory_space<vmem>>[vector<16xi32>], vector<16xf32>,
      %add3A_1223 = arith.addf %add3A_1218, %gather3A_1222 : vector<16xf32>
      %add3A_1224 = arith.constant 4 : i32
      %add3A_1225 = vector.broadcast %add3A_1224 : i32 to vector<16xi32>
      %add3A_1226 = arith.addi %mul3A_355, %add3A_1225 : vector<16xi32>
      %gather3A_1227 = tpu.vector_load_idx %arg15[%add3A_1226] : memref<272xf32, #tpu.memory_space<vmem>>[vector<16xi32>], vector<16xf32>,
      %add3A_1228 = arith.addf %add3A_1223, %gather3A_1227 : vector<16xf32>
      %add3A_1229 = arith.constant 5 : i32
      %add3A_1230 = vector.broadcast %add3A_1229 : i32 to vector<16xi32>
      %add3A_1231 = arith.addi %mul3A_355, %add3A_1230 : vector<16xi32>
      %gather3A_1232 = tpu.vector_load_idx %arg15[%add3A_1231] : memref<272xf32, #tpu.memory_space<vmem>>[vector<16xi32>], vector<16xf32>,
      %add3A_1233 = arith.addf %add3A_1228, %gather3A_1232 : vector<16xf32>
      %add3A_1234 = arith.constant 6 : i32
      %add3A_1235 = vector.broadcast %add3A_1234 : i32 to vector<16xi32>
      %add3A_1236 = arith.addi %mul3A_355, %add3A_1235 : vector<16xi32>
      %gather3A_1237 = tpu.vector_load_idx %arg15[%add3A_1236] : memref<272xf32, #tpu.memory_space<vmem>>[vector<16xi32>], vector<16xf32>,
      %add3A_1238 = arith.addf %add3A_1233, %gather3A_1237 : vector<16xf32>
      %add3A_1239 = arith.constant 7 : i32
      %add3A_1240 = vector.broadcast %add3A_1239 : i32 to vector<16xi32>
      %add3A_1241 = arith.addi %mul3A_355, %add3A_1240 : vector<16xi32>
      %gather3A_1242 = tpu.vector_load_idx %arg15[%add3A_1241] : memref<272xf32, #tpu.memory_space<vmem>>[vector<16xi32>], vector<16xf32>,
      %add3A_1243 = arith.addf %add3A_1238, %gather3A_1242 : vector<16xf32>
      %add3A_1244 = arith.constant 8 : i32
      %add3A_1245 = vector.broadcast %add3A_1244 : i32 to vector<16xi32>
      %add3A_1246 = arith.addi %mul3A_355, %add3A_1245 : vector<16xi32>
      %gather3A_1247 = tpu.vector_load_idx %arg15[%add3A_1246] : memref<272xf32, #tpu.memory_space<vmem>>[vector<16xi32>], vector<16xf32>,
      %add3A_1248 = arith.addf %add3A_1243, %gather3A_1247 : vector<16xf32>
      %add3A_1249 = arith.constant 9 : i32
      %add3A_1250 = vector.broadcast %add3A_1249 : i32 to vector<16xi32>
      %add3A_1251 = arith.addi %mul3A_355, %add3A_1250 : vector<16xi32>
      %gather3A_1252 = tpu.vector_load_idx %arg15[%add3A_1251] : memref<272xf32, #tpu.memory_space<vmem>>[vector<16xi32>], vector<16xf32>,
      %add3A_1253 = arith.addf %add3A_1248, %gather3A_1252 : vector<16xf32>
      %add3A_1254 = arith.constant 10 : i32
      %add3A_1255 = vector.broadcast %add3A_1254 : i32 to vector<16xi32>
      %add3A_1256 = arith.addi %mul3A_355, %add3A_1255 : vector<16xi32>
      %gather3A_1257 = tpu.vector_load_idx %arg15[%add3A_1256] : memref<272xf32, #tpu.memory_space<vmem>>[vector<16xi32>], vector<16xf32>,
      %add3A_1258 = arith.addf %add3A_1253, %gather3A_1257 : vector<16xf32>
      %add3A_1259 = arith.constant 11 : i32
      %add3A_1260 = vector.broadcast %add3A_1259 : i32 to vector<16xi32>
      %add3A_1261 = arith.addi %mul3A_355, %add3A_1260 : vector<16xi32>
      %gather3A_1262 = tpu.vector_load_idx %arg15[%add3A_1261] : memref<272xf32, #tpu.memory_space<vmem>>[vector<16xi32>], vector<16xf32>,
      %add3A_1263 = arith.addf %add3A_1258, %gather3A_1262 : vector<16xf32>
      %add3A_1264 = arith.constant 12 : i32
      %add3A_1265 = vector.broadcast %add3A_1264 : i32 to vector<16xi32>
      %add3A_1266 = arith.addi %mul3A_355, %add3A_1265 : vector<16xi32>
      %gather3A_1267 = tpu.vector_load_idx %arg15[%add3A_1266] : memref<272xf32, #tpu.memory_space<vmem>>[vector<16xi32>], vector<16xf32>,
      %add3A_1268 = arith.addf %add3A_1263, %gather3A_1267 : vector<16xf32>
      %add3A_1269 = arith.constant 13 : i32
      %add3A_1270 = vector.broadcast %add3A_1269 : i32 to vector<16xi32>
      %add3A_1271 = arith.addi %mul3A_355, %add3A_1270 : vector<16xi32>
      %gather3A_1272 = tpu.vector_load_idx %arg15[%add3A_1271] : memref<272xf32, #tpu.memory_space<vmem>>[vector<16xi32>], vector<16xf32>,
      %add3A_1273 = arith.addf %add3A_1268, %gather3A_1272 : vector<16xf32>
      %add3A_1274 = arith.constant 14 : i32
      %add3A_1275 = vector.broadcast %add3A_1274 : i32 to vector<16xi32>
      %add3A_1276 = arith.addi %mul3A_355, %add3A_1275 : vector<16xi32>
      %gather3A_1277 = tpu.vector_load_idx %arg15[%add3A_1276] : memref<272xf32, #tpu.memory_space<vmem>>[vector<16xi32>], vector<16xf32>,
      %add3A_1278 = arith.addf %add3A_1273, %gather3A_1277 : vector<16xf32>
      %add3A_1279 = arith.constant 15 : i32
      %add3A_1280 = vector.broadcast %add3A_1279 : i32 to vector<16xi32>
      %add3A_1281 = arith.addi %mul3A_355, %add3A_1280 : vector<16xi32>
      %gather3A_1282 = tpu.vector_load_idx %arg15[%add3A_1281] : memref<272xf32, #tpu.memory_space<vmem>>[vector<16xi32>], vector<16xf32>,
      %add3A_1283 = arith.addf %add3A_1278, %gather3A_1282 : vector<16xf32>
      %add3A_1284 = arith.constant 256 : i32
      %add3A_1285 = arith.addi %add3A_1284, %mul3A_381 : i32
      %swap3A_1286 = arith.index_cast %add3A_1285 : i32 to index
      %swap3A_1287 = tpu.vector_load %arg16[%swap3A_1286] {strides = array<i32>} : memref<512xf32, #tpu.memory_space<vmem>>, vector<16xf32>,
      tpu.vector_store %arg16[%swap3A_1286], %add3A_1283 {strides = array<i32>} : memref<512xf32, #tpu.memory_space<vmem>>, vector<16xf32>,
    }
    %scan3A_372 = arith.constant 8 : i32
    %scan3A_373 = arith.constant 0 : i32
    %scan3A_374 = arith.constant 0 : i32
    %scan3A_375 = arith.constant 8 : i32
    %scan3A_376 = arith.addi %scan3A_374, %scan3A_375 : i32
    %scan3A_377 = arith.constant 1 : i32
    scf.for %scan3A_379 = %scan3A_374 to %scan3A_376 step %scan3A_377  : i32 {
      %mul3A_380 = arith.constant 16 : i32
      %mul3A_381 = arith.muli %scan3A_379, %mul3A_380 : i32
      %add3A_382 = arith.constant 0 : i32
      %add3A_383 = arith.addi %mul3A_381, %add3A_382 : i32
      %get3A = arith.constant 3 : i32
      %get3A_384 = arith.index_cast %get3A : i32 to index
      %get3A_385 = arith.index_cast %add3A_383 : i32 to index
      %get3A_386 = arith.constant 0 : index
      %get3A_387 = tpu.vector_load %arg11[%get3A_384, %get3A_385, %get3A_386] {strides = array<i32>} : memref<4x128x64xf32, #tpu.memory_space<vmem>>, vector<16xf32>,
      %get3A_388 = arith.constant 3 : i32
      %get3A_389 = arith.index_cast %get3A_388 : i32 to index
      %get3A_390 = arith.index_cast %add3A_383 : i32 to index
      %get3A_391 = arith.constant 0 : index
      %get3A_392 = tpu.vector_load %arg12[%get3A_389, %get3A_390, %get3A_391] {strides = array<i32>} : memref<4x128x64xf32, #tpu.memory_space<vmem>>, vector<16xf32>,
      %mul3A_393 = arith.mulf %get3A_387, %get3A_392 : vector<16xf32>
      %get3A_394 = arith.constant 3 : i32
      %get3A_395 = arith.index_cast %get3A_394 : i32 to index
      %get3A_396 = arith.index_cast %add3A_383 : i32 to index
      %get3A_397 = arith.constant 16 : index
      %get3A_398 = tpu.vector_load %arg11[%get3A_395, %get3A_396, %get3A_397] {strides = array<i32>} : memref<4x128x64xf32, #tpu.memory_space<vmem>>, vector<16xf32>,
      %get3A_399 = arith.constant 3 : i32
      %get3A_400 = arith.index_cast %get3A_399 : i32 to index
      %get3A_401 = arith.index_cast %add3A_383 : i32 to index
      %get3A_402 = arith.constant 16 : index
      %get3A_403 = tpu.vector_load %arg12[%get3A_400, %get3A_401, %get3A_402] {strides = array<i32>} : memref<4x128x64xf32, #tpu.memory_space<vmem>>, vector<16xf32>,
      %mul3A_404 = arith.mulf %get3A_398, %get3A_403 : vector<16xf32>
      %get3A_405 = arith.constant 3 : i32
      %get3A_406 = arith.index_cast %get3A_405 : i32 to index
      %get3A_407 = arith.index_cast %add3A_383 : i32 to index
      %get3A_408 = arith.constant 32 : index
      %get3A_409 = tpu.vector_load %arg11[%get3A_406, %get3A_407, %get3A_408] {strides = array<i32>} : memref<4x128x64xf32, #tpu.memory_space<vmem>>, vector<16xf32>,
      %get3A_410 = arith.constant 3 : i32
      %get3A_411 = arith.index_cast %get3A_410 : i32 to index
      %get3A_412 = arith.index_cast %add3A_383 : i32 to index
      %get3A_413 = arith.constant 32 : index
      %get3A_414 = tpu.vector_load %arg12[%get3A_411, %get3A_412, %get3A_413] {strides = array<i32>} : memref<4x128x64xf32, #tpu.memory_space<vmem>>, vector<16xf32>,
      %mul3A_415 = arith.mulf %get3A_409, %get3A_414 : vector<16xf32>
      %add3A_416 = arith.addf %mul3A_393, %mul3A_415 : vector<16xf32>
      %get3A_417 = arith.constant 3 : i32
      %get3A_418 = arith.index_cast %get3A_417 : i32 to index
      %get3A_419 = arith.index_cast %add3A_383 : i32 to index
      %get3A_420 = arith.constant 48 : index
      %get3A_421 = tpu.vector_load %arg11[%get3A_418, %get3A_419, %get3A_420] {strides = array<i32>} : memref<4x128x64xf32, #tpu.memory_space<vmem>>, vector<16xf32>,
      %get3A_422 = arith.constant 3 : i32
      %get3A_423 = arith.index_cast %get3A_422 : i32 to index
      %get3A_424 = arith.index_cast %add3A_383 : i32 to index
      %get3A_425 = arith.constant 48 : index
      %get3A_426 = tpu.vector_load %arg12[%get3A_423, %get3A_424, %get3A_425] {strides = array<i32>} : memref<4x128x64xf32, #tpu.memory_space<vmem>>, vector<16xf32>,
      %mul3A_427 = arith.mulf %get3A_421, %get3A_426 : vector<16xf32>
      %add3A_428 = arith.addf %mul3A_404, %mul3A_427 : vector<16xf32>
      %add3A_429 = arith.addf %add3A_416, %add3A_428 : vector<16xf32>
      %swap3A = arith.constant 0 : index
      %swap3A_430 = tpu.vector_load %arg15[%swap3A] {strides = array<i32>} : memref<272xf32, #tpu.memory_space<vmem>>, vector<16xf32>,
      tpu.vector_store %arg15[%swap3A], %add3A_429 {strides = array<i32>} : memref<272xf32, #tpu.memory_space<vmem>>, vector<16xf32>,
      %add3A_431 = arith.constant 1 : i32
      %add3A_432 = arith.addi %mul3A_381, %add3A_431 : i32
      %get3A_433 = arith.constant 3 : i32
      %get3A_434 = arith.index_cast %get3A_433 : i32 to index
      %get3A_435 = arith.index_cast %add3A_432 : i32 to index
      %get3A_436 = arith.constant 0 : index
      %get3A_437 = tpu.vector_load %arg11[%get3A_434, %get3A_435, %get3A_436] {strides = array<i32>} : memref<4x128x64xf32, #tpu.memory_space<vmem>>, vector<16xf32>,
      %get3A_438 = arith.constant 3 : i32
      %get3A_439 = arith.index_cast %get3A_438 : i32 to index
      %get3A_440 = arith.index_cast %add3A_432 : i32 to index
      %get3A_441 = arith.constant 0 : index
      %get3A_442 = tpu.vector_load %arg12[%get3A_439, %get3A_440, %get3A_441] {strides = array<i32>} : memref<4x128x64xf32, #tpu.memory_space<vmem>>, vector<16xf32>,
      %mul3A_443 = arith.mulf %get3A_437, %get3A_442 : vector<16xf32>
      %get3A_444 = arith.constant 3 : i32
      %get3A_445 = arith.index_cast %get3A_444 : i32 to index
      %get3A_446 = arith.index_cast %add3A_432 : i32 to index
      %get3A_447 = arith.constant 16 : index
      %get3A_448 = tpu.vector_load %arg11[%get3A_445, %get3A_446, %get3A_447] {strides = array<i32>} : memref<4x128x64xf32, #tpu.memory_space<vmem>>, vector<16xf32>,
      %get3A_449 = arith.constant 3 : i32
      %get3A_450 = arith.index_cast %get3A_449 : i32 to index
      %get3A_451 = arith.index_cast %add3A_432 : i32 to index
      %get3A_452 = arith.constant 16 : index
      %get3A_453 = tpu.vector_load %arg12[%get3A_450, %get3A_451, %get3A_452] {strides = array<i32>} : memref<4x128x64xf32, #tpu.memory_space<vmem>>, vector<16xf32>,
      %mul3A_454 = arith.mulf %get3A_448, %get3A_453 : vector<16xf32>
      %get3A_455 = arith.constant 3 : i32
      %get3A_456 = arith.index_cast %get3A_455 : i32 to index
      %get3A_457 = arith.index_cast %add3A_432 : i32 to index
      %get3A_458 = arith.constant 32 : index
      %get3A_459 = tpu.vector_load %arg11[%get3A_456, %get3A_457, %get3A_458] {strides = array<i32>} : memref<4x128x64xf32, #tpu.memory_space<vmem>>, vector<16xf32>,
      %get3A_460 = arith.constant 3 : i32
      %get3A_461 = arith.index_cast %get3A_460 : i32 to index
      %get3A_462 = arith.index_cast %add3A_432 : i32 to index
      %get3A_463 = arith.constant 32 : index
      %get3A_464 = tpu.vector_load %arg12[%get3A_461, %get3A_462, %get3A_463] {strides = array<i32>} : memref<4x128x64xf32, #tpu.memory_space<vmem>>, vector<16xf32>,
      %mul3A_465 = arith.mulf %get3A_459, %get3A_464 : vector<16xf32>
      %add3A_466 = arith.addf %mul3A_443, %mul3A_465 : vector<16xf32>
      %get3A_467 = arith.constant 3 : i32
      %get3A_468 = arith.index_cast %get3A_467 : i32 to index
      %get3A_469 = arith.index_cast %add3A_432 : i32 to index
      %get3A_470 = arith.constant 48 : index
      %get3A_471 = tpu.vector_load %arg11[%get3A_468, %get3A_469, %get3A_470] {strides = array<i32>} : memref<4x128x64xf32, #tpu.memory_space<vmem>>, vector<16xf32>,
      %get3A_472 = arith.constant 3 : i32
      %get3A_473 = arith.index_cast %get3A_472 : i32 to index
      %get3A_474 = arith.index_cast %add3A_432 : i32 to index
      %get3A_475 = arith.constant 48 : index
      %get3A_476 = tpu.vector_load %arg12[%get3A_473, %get3A_474, %get3A_475] {strides = array<i32>} : memref<4x128x64xf32, #tpu.memory_space<vmem>>, vector<16xf32>,
      %mul3A_477 = arith.mulf %get3A_471, %get3A_476 : vector<16xf32>
      %add3A_478 = arith.addf %mul3A_454, %mul3A_477 : vector<16xf32>
      %add3A_479 = arith.addf %add3A_466, %add3A_478 : vector<16xf32>
      %swap3A_480 = arith.constant 17 : index
      %swap3A_481 = tpu.vector_load %arg15[%swap3A_480] {strides = array<i32>} : memref<272xf32, #tpu.memory_space<vmem>>, vector<16xf32>,
      tpu.vector_store %arg15[%swap3A_480], %add3A_479 {strides = array<i32>} : memref<272xf32, #tpu.memory_space<vmem>>, vector<16xf32>,
      %add3A_482 = arith.constant 2 : i32
      %add3A_483 = arith.addi %mul3A_381, %add3A_482 : i32
      %get3A_484 = arith.constant 3 : i32
      %get3A_485 = arith.index_cast %get3A_484 : i32 to index
      %get3A_486 = arith.index_cast %add3A_483 : i32 to index
      %get3A_487 = arith.constant 0 : index
      %get3A_488 = tpu.vector_load %arg11[%get3A_485, %get3A_486, %get3A_487] {strides = array<i32>} : memref<4x128x64xf32, #tpu.memory_space<vmem>>, vector<16xf32>,
      %get3A_489 = arith.constant 3 : i32
      %get3A_490 = arith.index_cast %get3A_489 : i32 to index
      %get3A_491 = arith.index_cast %add3A_483 : i32 to index
      %get3A_492 = arith.constant 0 : index
      %get3A_493 = tpu.vector_load %arg12[%get3A_490, %get3A_491, %get3A_492] {strides = array<i32>} : memref<4x128x64xf32, #tpu.memory_space<vmem>>, vector<16xf32>,
      %mul3A_494 = arith.mulf %get3A_488, %get3A_493 : vector<16xf32>
      %get3A_495 = arith.constant 3 : i32
      %get3A_496 = arith.index_cast %get3A_495 : i32 to index
      %get3A_497 = arith.index_cast %add3A_483 : i32 to index
      %get3A_498 = arith.constant 16 : index
      %get3A_499 = tpu.vector_load %arg11[%get3A_496, %get3A_497, %get3A_498] {strides = array<i32>} : memref<4x128x64xf32, #tpu.memory_space<vmem>>, vector<16xf32>,
      %get3A_500 = arith.constant 3 : i32
      %get3A_501 = arith.index_cast %get3A_500 : i32 to index
      %get3A_502 = arith.index_cast %add3A_483 : i32 to index
      %get3A_503 = arith.constant 16 : index
      %get3A_504 = tpu.vector_load %arg12[%get3A_501, %get3A_502, %get3A_503] {strides = array<i32>} : memref<4x128x64xf32, #tpu.memory_space<vmem>>, vector<16xf32>,
      %mul3A_505 = arith.mulf %get3A_499, %get3A_504 : vector<16xf32>
      %get3A_506 = arith.constant 3 : i32
      %get3A_507 = arith.index_cast %get3A_506 : i32 to index
      %get3A_508 = arith.index_cast %add3A_483 : i32 to index
      %get3A_509 = arith.constant 32 : index
      %get3A_510 = tpu.vector_load %arg11[%get3A_507, %get3A_508, %get3A_509] {strides = array<i32>} : memref<4x128x64xf32, #tpu.memory_space<vmem>>, vector<16xf32>,
      %get3A_511 = arith.constant 3 : i32
      %get3A_512 = arith.index_cast %get3A_511 : i32 to index
      %get3A_513 = arith.index_cast %add3A_483 : i32 to index
      %get3A_514 = arith.constant 32 : index
      %get3A_515 = tpu.vector_load %arg12[%get3A_512, %get3A_513, %get3A_514] {strides = array<i32>} : memref<4x128x64xf32, #tpu.memory_space<vmem>>, vector<16xf32>,
      %mul3A_516 = arith.mulf %get3A_510, %get3A_515 : vector<16xf32>
      %add3A_517 = arith.addf %mul3A_494, %mul3A_516 : vector<16xf32>
      %get3A_518 = arith.constant 3 : i32
      %get3A_519 = arith.index_cast %get3A_518 : i32 to index
      %get3A_520 = arith.index_cast %add3A_483 : i32 to index
      %get3A_521 = arith.constant 48 : index
      %get3A_522 = tpu.vector_load %arg11[%get3A_519, %get3A_520, %get3A_521] {strides = array<i32>} : memref<4x128x64xf32, #tpu.memory_space<vmem>>, vector<16xf32>,
      %get3A_523 = arith.constant 3 : i32
      %get3A_524 = arith.index_cast %get3A_523 : i32 to index
      %get3A_525 = arith.index_cast %add3A_483 : i32 to index
      %get3A_526 = arith.constant 48 : index
      %get3A_527 = tpu.vector_load %arg12[%get3A_524, %get3A_525, %get3A_526] {strides = array<i32>} : memref<4x128x64xf32, #tpu.memory_space<vmem>>, vector<16xf32>,
      %mul3A_528 = arith.mulf %get3A_522, %get3A_527 : vector<16xf32>
      %add3A_529 = arith.addf %mul3A_505, %mul3A_528 : vector<16xf32>
      %add3A_530 = arith.addf %add3A_517, %add3A_529 : vector<16xf32>
      %swap3A_531 = arith.constant 34 : index
      %swap3A_532 = tpu.vector_load %arg15[%swap3A_531] {strides = array<i32>} : memref<272xf32, #tpu.memory_space<vmem>>, vector<16xf32>,
      tpu.vector_store %arg15[%swap3A_531], %add3A_530 {strides = array<i32>} : memref<272xf32, #tpu.memory_space<vmem>>, vector<16xf32>,
      %add3A_533 = arith.constant 3 : i32
      %add3A_534 = arith.addi %mul3A_381, %add3A_533 : i32
      %get3A_535 = arith.constant 3 : i32
      %get3A_536 = arith.index_cast %get3A_535 : i32 to index
      %get3A_537 = arith.index_cast %add3A_534 : i32 to index
      %get3A_538 = arith.constant 0 : index
      %get3A_539 = tpu.vector_load %arg11[%get3A_536, %get3A_537, %get3A_538] {strides = array<i32>} : memref<4x128x64xf32, #tpu.memory_space<vmem>>, vector<16xf32>,
      %get3A_540 = arith.constant 3 : i32
      %get3A_541 = arith.index_cast %get3A_540 : i32 to index
      %get3A_542 = arith.index_cast %add3A_534 : i32 to index
      %get3A_543 = arith.constant 0 : index
      %get3A_544 = tpu.vector_load %arg12[%get3A_541, %get3A_542, %get3A_543] {strides = array<i32>} : memref<4x128x64xf32, #tpu.memory_space<vmem>>, vector<16xf32>,
      %mul3A_545 = arith.mulf %get3A_539, %get3A_544 : vector<16xf32>
      %get3A_546 = arith.constant 3 : i32
      %get3A_547 = arith.index_cast %get3A_546 : i32 to index
      %get3A_548 = arith.index_cast %add3A_534 : i32 to index
      %get3A_549 = arith.constant 16 : index
      %get3A_550 = tpu.vector_load %arg11[%get3A_547, %get3A_548, %get3A_549] {strides = array<i32>} : memref<4x128x64xf32, #tpu.memory_space<vmem>>, vector<16xf32>,
      %get3A_551 = arith.constant 3 : i32
      %get3A_552 = arith.index_cast %get3A_551 : i32 to index
      %get3A_553 = arith.index_cast %add3A_534 : i32 to index
      %get3A_554 = arith.constant 16 : index
      %get3A_555 = tpu.vector_load %arg12[%get3A_552, %get3A_553, %get3A_554] {strides = array<i32>} : memref<4x128x64xf32, #tpu.memory_space<vmem>>, vector<16xf32>,
      %mul3A_556 = arith.mulf %get3A_550, %get3A_555 : vector<16xf32>
      %get3A_557 = arith.constant 3 : i32
      %get3A_558 = arith.index_cast %get3A_557 : i32 to index
      %get3A_559 = arith.index_cast %add3A_534 : i32 to index
      %get3A_560 = arith.constant 32 : index
      %get3A_561 = tpu.vector_load %arg11[%get3A_558, %get3A_559, %get3A_560] {strides = array<i32>} : memref<4x128x64xf32, #tpu.memory_space<vmem>>, vector<16xf32>,
      %get3A_562 = arith.constant 3 : i32
      %get3A_563 = arith.index_cast %get3A_562 : i32 to index
      %get3A_564 = arith.index_cast %add3A_534 : i32 to index
      %get3A_565 = arith.constant 32 : index
      %get3A_566 = tpu.vector_load %arg12[%get3A_563, %get3A_564, %get3A_565] {strides = array<i32>} : memref<4x128x64xf32, #tpu.memory_space<vmem>>, vector<16xf32>,
      %mul3A_567 = arith.mulf %get3A_561, %get3A_566 : vector<16xf32>
      %add3A_568 = arith.addf %mul3A_545, %mul3A_567 : vector<16xf32>
      %get3A_569 = arith.constant 3 : i32
      %get3A_570 = arith.index_cast %get3A_569 : i32 to index
      %get3A_571 = arith.index_cast %add3A_534 : i32 to index
      %get3A_572 = arith.constant 48 : index
      %get3A_573 = tpu.vector_load %arg11[%get3A_570, %get3A_571, %get3A_572] {strides = array<i32>} : memref<4x128x64xf32, #tpu.memory_space<vmem>>, vector<16xf32>,
      %get3A_574 = arith.constant 3 : i32
      %get3A_575 = arith.index_cast %get3A_574 : i32 to index
      %get3A_576 = arith.index_cast %add3A_534 : i32 to index
      %get3A_577 = arith.constant 48 : index
      %get3A_578 = tpu.vector_load %arg12[%get3A_575, %get3A_576, %get3A_577] {strides = array<i32>} : memref<4x128x64xf32, #tpu.memory_space<vmem>>, vector<16xf32>,
      %mul3A_579 = arith.mulf %get3A_573, %get3A_578 : vector<16xf32>
      %add3A_580 = arith.addf %mul3A_556, %mul3A_579 : vector<16xf32>
      %add3A_581 = arith.addf %add3A_568, %add3A_580 : vector<16xf32>
      %swap3A_582 = arith.constant 51 : index
      %swap3A_583 = tpu.vector_load %arg15[%swap3A_582] {strides = array<i32>} : memref<272xf32, #tpu.memory_space<vmem>>, vector<16xf32>,
      tpu.vector_store %arg15[%swap3A_582], %add3A_581 {strides = array<i32>} : memref<272xf32, #tpu.memory_space<vmem>>, vector<16xf32>,
      %add3A_584 = arith.constant 4 : i32
      %add3A_585 = arith.addi %mul3A_381, %add3A_584 : i32
      %get3A_586 = arith.constant 3 : i32
      %get3A_587 = arith.index_cast %get3A_586 : i32 to index
      %get3A_588 = arith.index_cast %add3A_585 : i32 to index
      %get3A_589 = arith.constant 0 : index
      %get3A_590 = tpu.vector_load %arg11[%get3A_587, %get3A_588, %get3A_589] {strides = array<i32>} : memref<4x128x64xf32, #tpu.memory_space<vmem>>, vector<16xf32>,
      %get3A_591 = arith.constant 3 : i32
      %get3A_592 = arith.index_cast %get3A_591 : i32 to index
      %get3A_593 = arith.index_cast %add3A_585 : i32 to index
      %get3A_594 = arith.constant 0 : index
      %get3A_595 = tpu.vector_load %arg12[%get3A_592, %get3A_593, %get3A_594] {strides = array<i32>} : memref<4x128x64xf32, #tpu.memory_space<vmem>>, vector<16xf32>,
      %mul3A_596 = arith.mulf %get3A_590, %get3A_595 : vector<16xf32>
      %get3A_597 = arith.constant 3 : i32
      %get3A_598 = arith.index_cast %get3A_597 : i32 to index
      %get3A_599 = arith.index_cast %add3A_585 : i32 to index
      %get3A_600 = arith.constant 16 : index
      %get3A_601 = tpu.vector_load %arg11[%get3A_598, %get3A_599, %get3A_600] {strides = array<i32>} : memref<4x128x64xf32, #tpu.memory_space<vmem>>, vector<16xf32>,
      %get3A_602 = arith.constant 3 : i32
      %get3A_603 = arith.index_cast %get3A_602 : i32 to index
      %get3A_604 = arith.index_cast %add3A_585 : i32 to index
      %get3A_605 = arith.constant 16 : index
      %get3A_606 = tpu.vector_load %arg12[%get3A_603, %get3A_604, %get3A_605] {strides = array<i32>} : memref<4x128x64xf32, #tpu.memory_space<vmem>>, vector<16xf32>,
      %mul3A_607 = arith.mulf %get3A_601, %get3A_606 : vector<16xf32>
      %get3A_608 = arith.constant 3 : i32
      %get3A_609 = arith.index_cast %get3A_608 : i32 to index
      %get3A_610 = arith.index_cast %add3A_585 : i32 to index
      %get3A_611 = arith.constant 32 : index
      %get3A_612 = tpu.vector_load %arg11[%get3A_609, %get3A_610, %get3A_611] {strides = array<i32>} : memref<4x128x64xf32, #tpu.memory_space<vmem>>, vector<16xf32>,
      %get3A_613 = arith.constant 3 : i32
      %get3A_614 = arith.index_cast %get3A_613 : i32 to index
      %get3A_615 = arith.index_cast %add3A_585 : i32 to index
      %get3A_616 = arith.constant 32 : index
      %get3A_617 = tpu.vector_load %arg12[%get3A_614, %get3A_615, %get3A_616] {strides = array<i32>} : memref<4x128x64xf32, #tpu.memory_space<vmem>>, vector<16xf32>,
      %mul3A_618 = arith.mulf %get3A_612, %get3A_617 : vector<16xf32>
      %add3A_619 = arith.addf %mul3A_596, %mul3A_618 : vector<16xf32>
      %get3A_620 = arith.constant 3 : i32
      %get3A_621 = arith.index_cast %get3A_620 : i32 to index
      %get3A_622 = arith.index_cast %add3A_585 : i32 to index
      %get3A_623 = arith.constant 48 : index
      %get3A_624 = tpu.vector_load %arg11[%get3A_621, %get3A_622, %get3A_623] {strides = array<i32>} : memref<4x128x64xf32, #tpu.memory_space<vmem>>, vector<16xf32>,
      %get3A_625 = arith.constant 3 : i32
      %get3A_626 = arith.index_cast %get3A_625 : i32 to index
      %get3A_627 = arith.index_cast %add3A_585 : i32 to index
      %get3A_628 = arith.constant 48 : index
      %get3A_629 = tpu.vector_load %arg12[%get3A_626, %get3A_627, %get3A_628] {strides = array<i32>} : memref<4x128x64xf32, #tpu.memory_space<vmem>>, vector<16xf32>,
      %mul3A_630 = arith.mulf %get3A_624, %get3A_629 : vector<16xf32>
      %add3A_631 = arith.addf %mul3A_607, %mul3A_630 : vector<16xf32>
      %add3A_632 = arith.addf %add3A_619, %add3A_631 : vector<16xf32>
      %swap3A_633 = arith.constant 68 : index
      %swap3A_634 = tpu.vector_load %arg15[%swap3A_633] {strides = array<i32>} : memref<272xf32, #tpu.memory_space<vmem>>, vector<16xf32>,
      tpu.vector_store %arg15[%swap3A_633], %add3A_632 {strides = array<i32>} : memref<272xf32, #tpu.memory_space<vmem>>, vector<16xf32>,
      %add3A_635 = arith.constant 5 : i32
      %add3A_636 = arith.addi %mul3A_381, %add3A_635 : i32
      %get3A_637 = arith.constant 3 : i32
      %get3A_638 = arith.index_cast %get3A_637 : i32 to index
      %get3A_639 = arith.index_cast %add3A_636 : i32 to index
      %get3A_640 = arith.constant 0 : index
      %get3A_641 = tpu.vector_load %arg11[%get3A_638, %get3A_639, %get3A_640] {strides = array<i32>} : memref<4x128x64xf32, #tpu.memory_space<vmem>>, vector<16xf32>,
      %get3A_642 = arith.constant 3 : i32
      %get3A_643 = arith.index_cast %get3A_642 : i32 to index
      %get3A_644 = arith.index_cast %add3A_636 : i32 to index
      %get3A_645 = arith.constant 0 : index
      %get3A_646 = tpu.vector_load %arg12[%get3A_643, %get3A_644, %get3A_645] {strides = array<i32>} : memref<4x128x64xf32, #tpu.memory_space<vmem>>, vector<16xf32>,
      %mul3A_647 = arith.mulf %get3A_641, %get3A_646 : vector<16xf32>
      %get3A_648 = arith.constant 3 : i32
      %get3A_649 = arith.index_cast %get3A_648 : i32 to index
      %get3A_650 = arith.index_cast %add3A_636 : i32 to index
      %get3A_651 = arith.constant 16 : index
      %get3A_652 = tpu.vector_load %arg11[%get3A_649, %get3A_650, %get3A_651] {strides = array<i32>} : memref<4x128x64xf32, #tpu.memory_space<vmem>>, vector<16xf32>,
      %get3A_653 = arith.constant 3 : i32
      %get3A_654 = arith.index_cast %get3A_653 : i32 to index
      %get3A_655 = arith.index_cast %add3A_636 : i32 to index
      %get3A_656 = arith.constant 16 : index
      %get3A_657 = tpu.vector_load %arg12[%get3A_654, %get3A_655, %get3A_656] {strides = array<i32>} : memref<4x128x64xf32, #tpu.memory_space<vmem>>, vector<16xf32>,
      %mul3A_658 = arith.mulf %get3A_652, %get3A_657 : vector<16xf32>
      %get3A_659 = arith.constant 3 : i32
      %get3A_660 = arith.index_cast %get3A_659 : i32 to index
      %get3A_661 = arith.index_cast %add3A_636 : i32 to index
      %get3A_662 = arith.constant 32 : index
      %get3A_663 = tpu.vector_load %arg11[%get3A_660, %get3A_661, %get3A_662] {strides = array<i32>} : memref<4x128x64xf32, #tpu.memory_space<vmem>>, vector<16xf32>,
      %get3A_664 = arith.constant 3 : i32
      %get3A_665 = arith.index_cast %get3A_664 : i32 to index
      %get3A_666 = arith.index_cast %add3A_636 : i32 to index
      %get3A_667 = arith.constant 32 : index
      %get3A_668 = tpu.vector_load %arg12[%get3A_665, %get3A_666, %get3A_667] {strides = array<i32>} : memref<4x128x64xf32, #tpu.memory_space<vmem>>, vector<16xf32>,
      %mul3A_669 = arith.mulf %get3A_663, %get3A_668 : vector<16xf32>
      %add3A_670 = arith.addf %mul3A_647, %mul3A_669 : vector<16xf32>
      %get3A_671 = arith.constant 3 : i32
      %get3A_672 = arith.index_cast %get3A_671 : i32 to index
      %get3A_673 = arith.index_cast %add3A_636 : i32 to index
      %get3A_674 = arith.constant 48 : index
      %get3A_675 = tpu.vector_load %arg11[%get3A_672, %get3A_673, %get3A_674] {strides = array<i32>} : memref<4x128x64xf32, #tpu.memory_space<vmem>>, vector<16xf32>,
      %get3A_676 = arith.constant 3 : i32
      %get3A_677 = arith.index_cast %get3A_676 : i32 to index
      %get3A_678 = arith.index_cast %add3A_636 : i32 to index
      %get3A_679 = arith.constant 48 : index
      %get3A_680 = tpu.vector_load %arg12[%get3A_677, %get3A_678, %get3A_679] {strides = array<i32>} : memref<4x128x64xf32, #tpu.memory_space<vmem>>, vector<16xf32>,
      %mul3A_681 = arith.mulf %get3A_675, %get3A_680 : vector<16xf32>
      %add3A_682 = arith.addf %mul3A_658, %mul3A_681 : vector<16xf32>
      %add3A_683 = arith.addf %add3A_670, %add3A_682 : vector<16xf32>
      %swap3A_684 = arith.constant 85 : index
      %swap3A_685 = tpu.vector_load %arg15[%swap3A_684] {strides = array<i32>} : memref<272xf32, #tpu.memory_space<vmem>>, vector<16xf32>,
      tpu.vector_store %arg15[%swap3A_684], %add3A_683 {strides = array<i32>} : memref<272xf32, #tpu.memory_space<vmem>>, vector<16xf32>,
      %add3A_686 = arith.constant 6 : i32
      %add3A_687 = arith.addi %mul3A_381, %add3A_686 : i32
      %get3A_688 = arith.constant 3 : i32
      %get3A_689 = arith.index_cast %get3A_688 : i32 to index
      %get3A_690 = arith.index_cast %add3A_687 : i32 to index
      %get3A_691 = arith.constant 0 : index
      %get3A_692 = tpu.vector_load %arg11[%get3A_689, %get3A_690, %get3A_691] {strides = array<i32>} : memref<4x128x64xf32, #tpu.memory_space<vmem>>, vector<16xf32>,
      %get3A_693 = arith.constant 3 : i32
      %get3A_694 = arith.index_cast %get3A_693 : i32 to index
      %get3A_695 = arith.index_cast %add3A_687 : i32 to index
      %get3A_696 = arith.constant 0 : index
      %get3A_697 = tpu.vector_load %arg12[%get3A_694, %get3A_695, %get3A_696] {strides = array<i32>} : memref<4x128x64xf32, #tpu.memory_space<vmem>>, vector<16xf32>,
      %mul3A_698 = arith.mulf %get3A_692, %get3A_697 : vector<16xf32>
      %get3A_699 = arith.constant 3 : i32
      %get3A_700 = arith.index_cast %get3A_699 : i32 to index
      %get3A_701 = arith.index_cast %add3A_687 : i32 to index
      %get3A_702 = arith.constant 16 : index
      %get3A_703 = tpu.vector_load %arg11[%get3A_700, %get3A_701, %get3A_702] {strides = array<i32>} : memref<4x128x64xf32, #tpu.memory_space<vmem>>, vector<16xf32>,
      %get3A_704 = arith.constant 3 : i32
      %get3A_705 = arith.index_cast %get3A_704 : i32 to index
      %get3A_706 = arith.index_cast %add3A_687 : i32 to index
      %get3A_707 = arith.constant 16 : index
      %get3A_708 = tpu.vector_load %arg12[%get3A_705, %get3A_706, %get3A_707] {strides = array<i32>} : memref<4x128x64xf32, #tpu.memory_space<vmem>>, vector<16xf32>,
      %mul3A_709 = arith.mulf %get3A_703, %get3A_708 : vector<16xf32>
      %get3A_710 = arith.constant 3 : i32
      %get3A_711 = arith.index_cast %get3A_710 : i32 to index
      %get3A_712 = arith.index_cast %add3A_687 : i32 to index
      %get3A_713 = arith.constant 32 : index
      %get3A_714 = tpu.vector_load %arg11[%get3A_711, %get3A_712, %get3A_713] {strides = array<i32>} : memref<4x128x64xf32, #tpu.memory_space<vmem>>, vector<16xf32>,
      %get3A_715 = arith.constant 3 : i32
      %get3A_716 = arith.index_cast %get3A_715 : i32 to index
      %get3A_717 = arith.index_cast %add3A_687 : i32 to index
      %get3A_718 = arith.constant 32 : index
      %get3A_719 = tpu.vector_load %arg12[%get3A_716, %get3A_717, %get3A_718] {strides = array<i32>} : memref<4x128x64xf32, #tpu.memory_space<vmem>>, vector<16xf32>,
      %mul3A_720 = arith.mulf %get3A_714, %get3A_719 : vector<16xf32>
      %add3A_721 = arith.addf %mul3A_698, %mul3A_720 : vector<16xf32>
      %get3A_722 = arith.constant 3 : i32
      %get3A_723 = arith.index_cast %get3A_722 : i32 to index
      %get3A_724 = arith.index_cast %add3A_687 : i32 to index
      %get3A_725 = arith.constant 48 : index
      %get3A_726 = tpu.vector_load %arg11[%get3A_723, %get3A_724, %get3A_725] {strides = array<i32>} : memref<4x128x64xf32, #tpu.memory_space<vmem>>, vector<16xf32>,
      %get3A_727 = arith.constant 3 : i32
      %get3A_728 = arith.index_cast %get3A_727 : i32 to index
      %get3A_729 = arith.index_cast %add3A_687 : i32 to index
      %get3A_730 = arith.constant 48 : index
      %get3A_731 = tpu.vector_load %arg12[%get3A_728, %get3A_729, %get3A_730] {strides = array<i32>} : memref<4x128x64xf32, #tpu.memory_space<vmem>>, vector<16xf32>,
      %mul3A_732 = arith.mulf %get3A_726, %get3A_731 : vector<16xf32>
      %add3A_733 = arith.addf %mul3A_709, %mul3A_732 : vector<16xf32>
      %add3A_734 = arith.addf %add3A_721, %add3A_733 : vector<16xf32>
      %swap3A_735 = arith.constant 102 : index
      %swap3A_736 = tpu.vector_load %arg15[%swap3A_735] {strides = array<i32>} : memref<272xf32, #tpu.memory_space<vmem>>, vector<16xf32>,
      tpu.vector_store %arg15[%swap3A_735], %add3A_734 {strides = array<i32>} : memref<272xf32, #tpu.memory_space<vmem>>, vector<16xf32>,
      %add3A_737 = arith.constant 7 : i32
      %add3A_738 = arith.addi %mul3A_381, %add3A_737 : i32
      %get3A_739 = arith.constant 3 : i32
      %get3A_740 = arith.index_cast %get3A_739 : i32 to index
      %get3A_741 = arith.index_cast %add3A_738 : i32 to index
      %get3A_742 = arith.constant 0 : index
      %get3A_743 = tpu.vector_load %arg11[%get3A_740, %get3A_741, %get3A_742] {strides = array<i32>} : memref<4x128x64xf32, #tpu.memory_space<vmem>>, vector<16xf32>,
      %get3A_744 = arith.constant 3 : i32
      %get3A_745 = arith.index_cast %get3A_744 : i32 to index
      %get3A_746 = arith.index_cast %add3A_738 : i32 to index
      %get3A_747 = arith.constant 0 : index
      %get3A_748 = tpu.vector_load %arg12[%get3A_745, %get3A_746, %get3A_747] {strides = array<i32>} : memref<4x128x64xf32, #tpu.memory_space<vmem>>, vector<16xf32>,
      %mul3A_749 = arith.mulf %get3A_743, %get3A_748 : vector<16xf32>
      %get3A_750 = arith.constant 3 : i32
      %get3A_751 = arith.index_cast %get3A_750 : i32 to index
      %get3A_752 = arith.index_cast %add3A_738 : i32 to index
      %get3A_753 = arith.constant 16 : index
      %get3A_754 = tpu.vector_load %arg11[%get3A_751, %get3A_752, %get3A_753] {strides = array<i32>} : memref<4x128x64xf32, #tpu.memory_space<vmem>>, vector<16xf32>,
      %get3A_755 = arith.constant 3 : i32
      %get3A_756 = arith.index_cast %get3A_755 : i32 to index
      %get3A_757 = arith.index_cast %add3A_738 : i32 to index
      %get3A_758 = arith.constant 16 : index
      %get3A_759 = tpu.vector_load %arg12[%get3A_756, %get3A_757, %get3A_758] {strides = array<i32>} : memref<4x128x64xf32, #tpu.memory_space<vmem>>, vector<16xf32>,
      %mul3A_760 = arith.mulf %get3A_754, %get3A_759 : vector<16xf32>
      %get3A_761 = arith.constant 3 : i32
      %get3A_762 = arith.index_cast %get3A_761 : i32 to index
      %get3A_763 = arith.index_cast %add3A_738 : i32 to index
      %get3A_764 = arith.constant 32 : index
      %get3A_765 = tpu.vector_load %arg11[%get3A_762, %get3A_763, %get3A_764] {strides = array<i32>} : memref<4x128x64xf32, #tpu.memory_space<vmem>>, vector<16xf32>,
      %get3A_766 = arith.constant 3 : i32
      %get3A_767 = arith.index_cast %get3A_766 : i32 to index
      %get3A_768 = arith.index_cast %add3A_738 : i32 to index
      %get3A_769 = arith.constant 32 : index
      %get3A_770 = tpu.vector_load %arg12[%get3A_767, %get3A_768, %get3A_769] {strides = array<i32>} : memref<4x128x64xf32, #tpu.memory_space<vmem>>, vector<16xf32>,
      %mul3A_771 = arith.mulf %get3A_765, %get3A_770 : vector<16xf32>
      %add3A_772 = arith.addf %mul3A_749, %mul3A_771 : vector<16xf32>
      %get3A_773 = arith.constant 3 : i32
      %get3A_774 = arith.index_cast %get3A_773 : i32 to index
      %get3A_775 = arith.index_cast %add3A_738 : i32 to index
      %get3A_776 = arith.constant 48 : index
      %get3A_777 = tpu.vector_load %arg11[%get3A_774, %get3A_775, %get3A_776] {strides = array<i32>} : memref<4x128x64xf32, #tpu.memory_space<vmem>>, vector<16xf32>,
      %get3A_778 = arith.constant 3 : i32
      %get3A_779 = arith.index_cast %get3A_778 : i32 to index
      %get3A_780 = arith.index_cast %add3A_738 : i32 to index
      %get3A_781 = arith.constant 48 : index
      %get3A_782 = tpu.vector_load %arg12[%get3A_779, %get3A_780, %get3A_781] {strides = array<i32>} : memref<4x128x64xf32, #tpu.memory_space<vmem>>, vector<16xf32>,
      %mul3A_783 = arith.mulf %get3A_777, %get3A_782 : vector<16xf32>
      %add3A_784 = arith.addf %mul3A_760, %mul3A_783 : vector<16xf32>
      %add3A_785 = arith.addf %add3A_772, %add3A_784 : vector<16xf32>
      %swap3A_786 = arith.constant 119 : index
      %swap3A_787 = tpu.vector_load %arg15[%swap3A_786] {strides = array<i32>} : memref<272xf32, #tpu.memory_space<vmem>>, vector<16xf32>,
      tpu.vector_store %arg15[%swap3A_786], %add3A_785 {strides = array<i32>} : memref<272xf32, #tpu.memory_space<vmem>>, vector<16xf32>,
      %add3A_788 = arith.constant 8 : i32
      %add3A_789 = arith.addi %mul3A_381, %add3A_788 : i32
      %get3A_790 = arith.constant 3 : i32
      %get3A_791 = arith.index_cast %get3A_790 : i32 to index
      %get3A_792 = arith.index_cast %add3A_789 : i32 to index
      %get3A_793 = arith.constant 0 : index
      %get3A_794 = tpu.vector_load %arg11[%get3A_791, %get3A_792, %get3A_793] {strides = array<i32>} : memref<4x128x64xf32, #tpu.memory_space<vmem>>, vector<16xf32>,
      %get3A_795 = arith.constant 3 : i32
      %get3A_796 = arith.index_cast %get3A_795 : i32 to index
      %get3A_797 = arith.index_cast %add3A_789 : i32 to index
      %get3A_798 = arith.constant 0 : index
      %get3A_799 = tpu.vector_load %arg12[%get3A_796, %get3A_797, %get3A_798] {strides = array<i32>} : memref<4x128x64xf32, #tpu.memory_space<vmem>>, vector<16xf32>,
      %mul3A_800 = arith.mulf %get3A_794, %get3A_799 : vector<16xf32>
      %get3A_801 = arith.constant 3 : i32
      %get3A_802 = arith.index_cast %get3A_801 : i32 to index
      %get3A_803 = arith.index_cast %add3A_789 : i32 to index
      %get3A_804 = arith.constant 16 : index
      %get3A_805 = tpu.vector_load %arg11[%get3A_802, %get3A_803, %get3A_804] {strides = array<i32>} : memref<4x128x64xf32, #tpu.memory_space<vmem>>, vector<16xf32>,
      %get3A_806 = arith.constant 3 : i32
      %get3A_807 = arith.index_cast %get3A_806 : i32 to index
      %get3A_808 = arith.index_cast %add3A_789 : i32 to index
      %get3A_809 = arith.constant 16 : index
      %get3A_810 = tpu.vector_load %arg12[%get3A_807, %get3A_808, %get3A_809] {strides = array<i32>} : memref<4x128x64xf32, #tpu.memory_space<vmem>>, vector<16xf32>,
      %mul3A_811 = arith.mulf %get3A_805, %get3A_810 : vector<16xf32>
      %get3A_812 = arith.constant 3 : i32
      %get3A_813 = arith.index_cast %get3A_812 : i32 to index
      %get3A_814 = arith.index_cast %add3A_789 : i32 to index
      %get3A_815 = arith.constant 32 : index
      %get3A_816 = tpu.vector_load %arg11[%get3A_813, %get3A_814, %get3A_815] {strides = array<i32>} : memref<4x128x64xf32, #tpu.memory_space<vmem>>, vector<16xf32>,
      %get3A_817 = arith.constant 3 : i32
      %get3A_818 = arith.index_cast %get3A_817 : i32 to index
      %get3A_819 = arith.index_cast %add3A_789 : i32 to index
      %get3A_820 = arith.constant 32 : index
      %get3A_821 = tpu.vector_load %arg12[%get3A_818, %get3A_819, %get3A_820] {strides = array<i32>} : memref<4x128x64xf32, #tpu.memory_space<vmem>>, vector<16xf32>,
      %mul3A_822 = arith.mulf %get3A_816, %get3A_821 : vector<16xf32>
      %add3A_823 = arith.addf %mul3A_800, %mul3A_822 : vector<16xf32>
      %get3A_824 = arith.constant 3 : i32
      %get3A_825 = arith.index_cast %get3A_824 : i32 to index
      %get3A_826 = arith.index_cast %add3A_789 : i32 to index
      %get3A_827 = arith.constant 48 : index
      %get3A_828 = tpu.vector_load %arg11[%get3A_825, %get3A_826, %get3A_827] {strides = array<i32>} : memref<4x128x64xf32, #tpu.memory_space<vmem>>, vector<16xf32>,
      %get3A_829 = arith.constant 3 : i32
      %get3A_830 = arith.index_cast %get3A_829 : i32 to index
      %get3A_831 = arith.index_cast %add3A_789 : i32 to index
      %get3A_832 = arith.constant 48 : index
      %get3A_833 = tpu.vector_load %arg12[%get3A_830, %get3A_831, %get3A_832] {strides = array<i32>} : memref<4x128x64xf32, #tpu.memory_space<vmem>>, vector<16xf32>,
      %mul3A_834 = arith.mulf %get3A_828, %get3A_833 : vector<16xf32>
      %add3A_835 = arith.addf %mul3A_811, %mul3A_834 : vector<16xf32>
      %add3A_836 = arith.addf %add3A_823, %add3A_835 : vector<16xf32>
      %swap3A_837 = arith.constant 136 : index
      %swap3A_838 = tpu.vector_load %arg15[%swap3A_837] {strides = array<i32>} : memref<272xf32, #tpu.memory_space<vmem>>, vector<16xf32>,
      tpu.vector_store %arg15[%swap3A_837], %add3A_836 {strides = array<i32>} : memref<272xf32, #tpu.memory_space<vmem>>, vector<16xf32>,
      %add3A_839 = arith.constant 9 : i32
      %add3A_840 = arith.addi %mul3A_381, %add3A_839 : i32
      %get3A_841 = arith.constant 3 : i32
      %get3A_842 = arith.index_cast %get3A_841 : i32 to index
      %get3A_843 = arith.index_cast %add3A_840 : i32 to index
      %get3A_844 = arith.constant 0 : index
      %get3A_845 = tpu.vector_load %arg11[%get3A_842, %get3A_843, %get3A_844] {strides = array<i32>} : memref<4x128x64xf32, #tpu.memory_space<vmem>>, vector<16xf32>,
      %get3A_846 = arith.constant 3 : i32
      %get3A_847 = arith.index_cast %get3A_846 : i32 to index
      %get3A_848 = arith.index_cast %add3A_840 : i32 to index
      %get3A_849 = arith.constant 0 : index
      %get3A_850 = tpu.vector_load %arg12[%get3A_847, %get3A_848, %get3A_849] {strides = array<i32>} : memref<4x128x64xf32, #tpu.memory_space<vmem>>, vector<16xf32>,
      %mul3A_851 = arith.mulf %get3A_845, %get3A_850 : vector<16xf32>
      %get3A_852 = arith.constant 3 : i32
      %get3A_853 = arith.index_cast %get3A_852 : i32 to index
      %get3A_854 = arith.index_cast %add3A_840 : i32 to index
      %get3A_855 = arith.constant 16 : index
      %get3A_856 = tpu.vector_load %arg11[%get3A_853, %get3A_854, %get3A_855] {strides = array<i32>} : memref<4x128x64xf32, #tpu.memory_space<vmem>>, vector<16xf32>,
      %get3A_857 = arith.constant 3 : i32
      %get3A_858 = arith.index_cast %get3A_857 : i32 to index
      %get3A_859 = arith.index_cast %add3A_840 : i32 to index
      %get3A_860 = arith.constant 16 : index
      %get3A_861 = tpu.vector_load %arg12[%get3A_858, %get3A_859, %get3A_860] {strides = array<i32>} : memref<4x128x64xf32, #tpu.memory_space<vmem>>, vector<16xf32>,
      %mul3A_862 = arith.mulf %get3A_856, %get3A_861 : vector<16xf32>
      %get3A_863 = arith.constant 3 : i32
      %get3A_864 = arith.index_cast %get3A_863 : i32 to index
      %get3A_865 = arith.index_cast %add3A_840 : i32 to index
      %get3A_866 = arith.constant 32 : index
      %get3A_867 = tpu.vector_load %arg11[%get3A_864, %get3A_865, %get3A_866] {strides = array<i32>} : memref<4x128x64xf32, #tpu.memory_space<vmem>>, vector<16xf32>,
      %get3A_868 = arith.constant 3 : i32
      %get3A_869 = arith.index_cast %get3A_868 : i32 to index
      %get3A_870 = arith.index_cast %add3A_840 : i32 to index
      %get3A_871 = arith.constant 32 : index
      %get3A_872 = tpu.vector_load %arg12[%get3A_869, %get3A_870, %get3A_871] {strides = array<i32>} : memref<4x128x64xf32, #tpu.memory_space<vmem>>, vector<16xf32>,
      %mul3A_873 = arith.mulf %get3A_867, %get3A_872 : vector<16xf32>
      %add3A_874 = arith.addf %mul3A_851, %mul3A_873 : vector<16xf32>
      %get3A_875 = arith.constant 3 : i32
      %get3A_876 = arith.index_cast %get3A_875 : i32 to index
      %get3A_877 = arith.index_cast %add3A_840 : i32 to index
      %get3A_878 = arith.constant 48 : index
      %get3A_879 = tpu.vector_load %arg11[%get3A_876, %get3A_877, %get3A_878] {strides = array<i32>} : memref<4x128x64xf32, #tpu.memory_space<vmem>>, vector<16xf32>,
      %get3A_880 = arith.constant 3 : i32
      %get3A_881 = arith.index_cast %get3A_880 : i32 to index
      %get3A_882 = arith.index_cast %add3A_840 : i32 to index
      %get3A_883 = arith.constant 48 : index
      %get3A_884 = tpu.vector_load %arg12[%get3A_881, %get3A_882, %get3A_883] {strides = array<i32>} : memref<4x128x64xf32, #tpu.memory_space<vmem>>, vector<16xf32>,
      %mul3A_885 = arith.mulf %get3A_879, %get3A_884 : vector<16xf32>
      %add3A_886 = arith.addf %mul3A_862, %mul3A_885 : vector<16xf32>
      %add3A_887 = arith.addf %add3A_874, %add3A_886 : vector<16xf32>
      %swap3A_888 = arith.constant 153 : index
      %swap3A_889 = tpu.vector_load %arg15[%swap3A_888] {strides = array<i32>} : memref<272xf32, #tpu.memory_space<vmem>>, vector<16xf32>,
      tpu.vector_store %arg15[%swap3A_888], %add3A_887 {strides = array<i32>} : memref<272xf32, #tpu.memory_space<vmem>>, vector<16xf32>,
      %add3A_890 = arith.constant 10 : i32
      %add3A_891 = arith.addi %mul3A_381, %add3A_890 : i32
      %get3A_892 = arith.constant 3 : i32
      %get3A_893 = arith.index_cast %get3A_892 : i32 to index
      %get3A_894 = arith.index_cast %add3A_891 : i32 to index
      %get3A_895 = arith.constant 0 : index
      %get3A_896 = tpu.vector_load %arg11[%get3A_893, %get3A_894, %get3A_895] {strides = array<i32>} : memref<4x128x64xf32, #tpu.memory_space<vmem>>, vector<16xf32>,
      %get3A_897 = arith.constant 3 : i32
      %get3A_898 = arith.index_cast %get3A_897 : i32 to index
      %get3A_899 = arith.index_cast %add3A_891 : i32 to index
      %get3A_900 = arith.constant 0 : index
      %get3A_901 = tpu.vector_load %arg12[%get3A_898, %get3A_899, %get3A_900] {strides = array<i32>} : memref<4x128x64xf32, #tpu.memory_space<vmem>>, vector<16xf32>,
      %mul3A_902 = arith.mulf %get3A_896, %get3A_901 : vector<16xf32>
      %get3A_903 = arith.constant 3 : i32
      %get3A_904 = arith.index_cast %get3A_903 : i32 to index
      %get3A_905 = arith.index_cast %add3A_891 : i32 to index
      %get3A_906 = arith.constant 16 : index
      %get3A_907 = tpu.vector_load %arg11[%get3A_904, %get3A_905, %get3A_906] {strides = array<i32>} : memref<4x128x64xf32, #tpu.memory_space<vmem>>, vector<16xf32>,
      %get3A_908 = arith.constant 3 : i32
      %get3A_909 = arith.index_cast %get3A_908 : i32 to index
      %get3A_910 = arith.index_cast %add3A_891 : i32 to index
      %get3A_911 = arith.constant 16 : index
      %get3A_912 = tpu.vector_load %arg12[%get3A_909, %get3A_910, %get3A_911] {strides = array<i32>} : memref<4x128x64xf32, #tpu.memory_space<vmem>>, vector<16xf32>,
      %mul3A_913 = arith.mulf %get3A_907, %get3A_912 : vector<16xf32>
      %get3A_914 = arith.constant 3 : i32
      %get3A_915 = arith.index_cast %get3A_914 : i32 to index
      %get3A_916 = arith.index_cast %add3A_891 : i32 to index
      %get3A_917 = arith.constant 32 : index
      %get3A_918 = tpu.vector_load %arg11[%get3A_915, %get3A_916, %get3A_917] {strides = array<i32>} : memref<4x128x64xf32, #tpu.memory_space<vmem>>, vector<16xf32>,
      %get3A_919 = arith.constant 3 : i32
      %get3A_920 = arith.index_cast %get3A_919 : i32 to index
      %get3A_921 = arith.index_cast %add3A_891 : i32 to index
      %get3A_922 = arith.constant 32 : index
      %get3A_923 = tpu.vector_load %arg12[%get3A_920, %get3A_921, %get3A_922] {strides = array<i32>} : memref<4x128x64xf32, #tpu.memory_space<vmem>>, vector<16xf32>,
      %mul3A_924 = arith.mulf %get3A_918, %get3A_923 : vector<16xf32>
      %add3A_925 = arith.addf %mul3A_902, %mul3A_924 : vector<16xf32>
      %get3A_926 = arith.constant 3 : i32
      %get3A_927 = arith.index_cast %get3A_926 : i32 to index
      %get3A_928 = arith.index_cast %add3A_891 : i32 to index
      %get3A_929 = arith.constant 48 : index
      %get3A_930 = tpu.vector_load %arg11[%get3A_927, %get3A_928, %get3A_929] {strides = array<i32>} : memref<4x128x64xf32, #tpu.memory_space<vmem>>, vector<16xf32>,
      %get3A_931 = arith.constant 3 : i32
      %get3A_932 = arith.index_cast %get3A_931 : i32 to index
      %get3A_933 = arith.index_cast %add3A_891 : i32 to index
      %get3A_934 = arith.constant 48 : index
      %get3A_935 = tpu.vector_load %arg12[%get3A_932, %get3A_933, %get3A_934] {strides = array<i32>} : memref<4x128x64xf32, #tpu.memory_space<vmem>>, vector<16xf32>,
      %mul3A_936 = arith.mulf %get3A_930, %get3A_935 : vector<16xf32>
      %add3A_937 = arith.addf %mul3A_913, %mul3A_936 : vector<16xf32>
      %add3A_938 = arith.addf %add3A_925, %add3A_937 : vector<16xf32>
      %swap3A_939 = arith.constant 170 : index
      %swap3A_940 = tpu.vector_load %arg15[%swap3A_939] {strides = array<i32>} : memref<272xf32, #tpu.memory_space<vmem>>, vector<16xf32>,
      tpu.vector_store %arg15[%swap3A_939], %add3A_938 {strides = array<i32>} : memref<272xf32, #tpu.memory_space<vmem>>, vector<16xf32>,
      %add3A_941 = arith.constant 11 : i32
      %add3A_942 = arith.addi %mul3A_381, %add3A_941 : i32
      %get3A_943 = arith.constant 3 : i32
      %get3A_944 = arith.index_cast %get3A_943 : i32 to index
      %get3A_945 = arith.index_cast %add3A_942 : i32 to index
      %get3A_946 = arith.constant 0 : index
      %get3A_947 = tpu.vector_load %arg11[%get3A_944, %get3A_945, %get3A_946] {strides = array<i32>} : memref<4x128x64xf32, #tpu.memory_space<vmem>>, vector<16xf32>,
      %get3A_948 = arith.constant 3 : i32
      %get3A_949 = arith.index_cast %get3A_948 : i32 to index
      %get3A_950 = arith.index_cast %add3A_942 : i32 to index
      %get3A_951 = arith.constant 0 : index
      %get3A_952 = tpu.vector_load %arg12[%get3A_949, %get3A_950, %get3A_951] {strides = array<i32>} : memref<4x128x64xf32, #tpu.memory_space<vmem>>, vector<16xf32>,
      %mul3A_953 = arith.mulf %get3A_947, %get3A_952 : vector<16xf32>
      %get3A_954 = arith.constant 3 : i32
      %get3A_955 = arith.index_cast %get3A_954 : i32 to index
      %get3A_956 = arith.index_cast %add3A_942 : i32 to index
      %get3A_957 = arith.constant 16 : index
      %get3A_958 = tpu.vector_load %arg11[%get3A_955, %get3A_956, %get3A_957] {strides = array<i32>} : memref<4x128x64xf32, #tpu.memory_space<vmem>>, vector<16xf32>,
      %get3A_959 = arith.constant 3 : i32
      %get3A_960 = arith.index_cast %get3A_959 : i32 to index
      %get3A_961 = arith.index_cast %add3A_942 : i32 to index
      %get3A_962 = arith.constant 16 : index
      %get3A_963 = tpu.vector_load %arg12[%get3A_960, %get3A_961, %get3A_962] {strides = array<i32>} : memref<4x128x64xf32, #tpu.memory_space<vmem>>, vector<16xf32>,
      %mul3A_964 = arith.mulf %get3A_958, %get3A_963 : vector<16xf32>
      %get3A_965 = arith.constant 3 : i32
      %get3A_966 = arith.index_cast %get3A_965 : i32 to index
      %get3A_967 = arith.index_cast %add3A_942 : i32 to index
      %get3A_968 = arith.constant 32 : index
      %get3A_969 = tpu.vector_load %arg11[%get3A_966, %get3A_967, %get3A_968] {strides = array<i32>} : memref<4x128x64xf32, #tpu.memory_space<vmem>>, vector<16xf32>,
      %get3A_970 = arith.constant 3 : i32
      %get3A_971 = arith.index_cast %get3A_970 : i32 to index
      %get3A_972 = arith.index_cast %add3A_942 : i32 to index
      %get3A_973 = arith.constant 32 : index
      %get3A_974 = tpu.vector_load %arg12[%get3A_971, %get3A_972, %get3A_973] {strides = array<i32>} : memref<4x128x64xf32, #tpu.memory_space<vmem>>, vector<16xf32>,
      %mul3A_975 = arith.mulf %get3A_969, %get3A_974 : vector<16xf32>
      %add3A_976 = arith.addf %mul3A_953, %mul3A_975 : vector<16xf32>
      %get3A_977 = arith.constant 3 : i32
      %get3A_978 = arith.index_cast %get3A_977 : i32 to index
      %get3A_979 = arith.index_cast %add3A_942 : i32 to index
      %get3A_980 = arith.constant 48 : index
      %get3A_981 = tpu.vector_load %arg11[%get3A_978, %get3A_979, %get3A_980] {strides = array<i32>} : memref<4x128x64xf32, #tpu.memory_space<vmem>>, vector<16xf32>,
      %get3A_982 = arith.constant 3 : i32
      %get3A_983 = arith.index_cast %get3A_982 : i32 to index
      %get3A_984 = arith.index_cast %add3A_942 : i32 to index
      %get3A_985 = arith.constant 48 : index
      %get3A_986 = tpu.vector_load %arg12[%get3A_983, %get3A_984, %get3A_985] {strides = array<i32>} : memref<4x128x64xf32, #tpu.memory_space<vmem>>, vector<16xf32>,
      %mul3A_987 = arith.mulf %get3A_981, %get3A_986 : vector<16xf32>
      %add3A_988 = arith.addf %mul3A_964, %mul3A_987 : vector<16xf32>
      %add3A_989 = arith.addf %add3A_976, %add3A_988 : vector<16xf32>
      %swap3A_990 = arith.constant 187 : index
      %swap3A_991 = tpu.vector_load %arg15[%swap3A_990] {strides = array<i32>} : memref<272xf32, #tpu.memory_space<vmem>>, vector<16xf32>,
      tpu.vector_store %arg15[%swap3A_990], %add3A_989 {strides = array<i32>} : memref<272xf32, #tpu.memory_space<vmem>>, vector<16xf32>,
      %add3A_992 = arith.constant 12 : i32
      %add3A_993 = arith.addi %mul3A_381, %add3A_992 : i32
      %get3A_994 = arith.constant 3 : i32
      %get3A_995 = arith.index_cast %get3A_994 : i32 to index
      %get3A_996 = arith.index_cast %add3A_993 : i32 to index
      %get3A_997 = arith.constant 0 : index
      %get3A_998 = tpu.vector_load %arg11[%get3A_995, %get3A_996, %get3A_997] {strides = array<i32>} : memref<4x128x64xf32, #tpu.memory_space<vmem>>, vector<16xf32>,
      %get3A_999 = arith.constant 3 : i32
      %get3A_1000 = arith.index_cast %get3A_999 : i32 to index
      %get3A_1001 = arith.index_cast %add3A_993 : i32 to index
      %get3A_1002 = arith.constant 0 : index
      %get3A_1003 = tpu.vector_load %arg12[%get3A_1000, %get3A_1001, %get3A_1002] {strides = array<i32>} : memref<4x128x64xf32, #tpu.memory_space<vmem>>, vector<16xf32>,
      %mul3A_1004 = arith.mulf %get3A_998, %get3A_1003 : vector<16xf32>
      %get3A_1005 = arith.constant 3 : i32
      %get3A_1006 = arith.index_cast %get3A_1005 : i32 to index
      %get3A_1007 = arith.index_cast %add3A_993 : i32 to index
      %get3A_1008 = arith.constant 16 : index
      %get3A_1009 = tpu.vector_load %arg11[%get3A_1006, %get3A_1007, %get3A_1008] {strides = array<i32>} : memref<4x128x64xf32, #tpu.memory_space<vmem>>, vector<16xf32>,
      %get3A_1010 = arith.constant 3 : i32
      %get3A_1011 = arith.index_cast %get3A_1010 : i32 to index
      %get3A_1012 = arith.index_cast %add3A_993 : i32 to index
      %get3A_1013 = arith.constant 16 : index
      %get3A_1014 = tpu.vector_load %arg12[%get3A_1011, %get3A_1012, %get3A_1013] {strides = array<i32>} : memref<4x128x64xf32, #tpu.memory_space<vmem>>, vector<16xf32>,
      %mul3A_1015 = arith.mulf %get3A_1009, %get3A_1014 : vector<16xf32>
      %get3A_1016 = arith.constant 3 : i32
      %get3A_1017 = arith.index_cast %get3A_1016 : i32 to index
      %get3A_1018 = arith.index_cast %add3A_993 : i32 to index
      %get3A_1019 = arith.constant 32 : index
      %get3A_1020 = tpu.vector_load %arg11[%get3A_1017, %get3A_1018, %get3A_1019] {strides = array<i32>} : memref<4x128x64xf32, #tpu.memory_space<vmem>>, vector<16xf32>,
      %get3A_1021 = arith.constant 3 : i32
      %get3A_1022 = arith.index_cast %get3A_1021 : i32 to index
      %get3A_1023 = arith.index_cast %add3A_993 : i32 to index
      %get3A_1024 = arith.constant 32 : index
      %get3A_1025 = tpu.vector_load %arg12[%get3A_1022, %get3A_1023, %get3A_1024] {strides = array<i32>} : memref<4x128x64xf32, #tpu.memory_space<vmem>>, vector<16xf32>,
      %mul3A_1026 = arith.mulf %get3A_1020, %get3A_1025 : vector<16xf32>
      %add3A_1027 = arith.addf %mul3A_1004, %mul3A_1026 : vector<16xf32>
      %get3A_1028 = arith.constant 3 : i32
      %get3A_1029 = arith.index_cast %get3A_1028 : i32 to index
      %get3A_1030 = arith.index_cast %add3A_993 : i32 to index
      %get3A_1031 = arith.constant 48 : index
      %get3A_1032 = tpu.vector_load %arg11[%get3A_1029, %get3A_1030, %get3A_1031] {strides = array<i32>} : memref<4x128x64xf32, #tpu.memory_space<vmem>>, vector<16xf32>,
      %get3A_1033 = arith.constant 3 : i32
      %get3A_1034 = arith.index_cast %get3A_1033 : i32 to index
      %get3A_1035 = arith.index_cast %add3A_993 : i32 to index
      %get3A_1036 = arith.constant 48 : index
      %get3A_1037 = tpu.vector_load %arg12[%get3A_1034, %get3A_1035, %get3A_1036] {strides = array<i32>} : memref<4x128x64xf32, #tpu.memory_space<vmem>>, vector<16xf32>,
      %mul3A_1038 = arith.mulf %get3A_1032, %get3A_1037 : vector<16xf32>
      %add3A_1039 = arith.addf %mul3A_1015, %mul3A_1038 : vector<16xf32>
      %add3A_1040 = arith.addf %add3A_1027, %add3A_1039 : vector<16xf32>
      %swap3A_1041 = arith.constant 204 : index
      %swap3A_1042 = tpu.vector_load %arg15[%swap3A_1041] {strides = array<i32>} : memref<272xf32, #tpu.memory_space<vmem>>, vector<16xf32>,
      tpu.vector_store %arg15[%swap3A_1041], %add3A_1040 {strides = array<i32>} : memref<272xf32, #tpu.memory_space<vmem>>, vector<16xf32>,
      %add3A_1043 = arith.constant 13 : i32
      %add3A_1044 = arith.addi %mul3A_381, %add3A_1043 : i32
      %get3A_1045 = arith.constant 3 : i32
      %get3A_1046 = arith.index_cast %get3A_1045 : i32 to index
      %get3A_1047 = arith.index_cast %add3A_1044 : i32 to index
      %get3A_1048 = arith.constant 0 : index
      %get3A_1049 = tpu.vector_load %arg11[%get3A_1046, %get3A_1047, %get3A_1048] {strides = array<i32>} : memref<4x128x64xf32, #tpu.memory_space<vmem>>, vector<16xf32>,
      %get3A_1050 = arith.constant 3 : i32
      %get3A_1051 = arith.index_cast %get3A_1050 : i32 to index
      %get3A_1052 = arith.index_cast %add3A_1044 : i32 to index
      %get3A_1053 = arith.constant 0 : index
      %get3A_1054 = tpu.vector_load %arg12[%get3A_1051, %get3A_1052, %get3A_1053] {strides = array<i32>} : memref<4x128x64xf32, #tpu.memory_space<vmem>>, vector<16xf32>,
      %mul3A_1055 = arith.mulf %get3A_1049, %get3A_1054 : vector<16xf32>
      %get3A_1056 = arith.constant 3 : i32
      %get3A_1057 = arith.index_cast %get3A_1056 : i32 to index
      %get3A_1058 = arith.index_cast %add3A_1044 : i32 to index
      %get3A_1059 = arith.constant 16 : index
      %get3A_1060 = tpu.vector_load %arg11[%get3A_1057, %get3A_1058, %get3A_1059] {strides = array<i32>} : memref<4x128x64xf32, #tpu.memory_space<vmem>>, vector<16xf32>,
      %get3A_1061 = arith.constant 3 : i32
      %get3A_1062 = arith.index_cast %get3A_1061 : i32 to index
      %get3A_1063 = arith.index_cast %add3A_1044 : i32 to index
      %get3A_1064 = arith.constant 16 : index
      %get3A_1065 = tpu.vector_load %arg12[%get3A_1062, %get3A_1063, %get3A_1064] {strides = array<i32>} : memref<4x128x64xf32, #tpu.memory_space<vmem>>, vector<16xf32>,
      %mul3A_1066 = arith.mulf %get3A_1060, %get3A_1065 : vector<16xf32>
      %get3A_1067 = arith.constant 3 : i32
      %get3A_1068 = arith.index_cast %get3A_1067 : i32 to index
      %get3A_1069 = arith.index_cast %add3A_1044 : i32 to index
      %get3A_1070 = arith.constant 32 : index
      %get3A_1071 = tpu.vector_load %arg11[%get3A_1068, %get3A_1069, %get3A_1070] {strides = array<i32>} : memref<4x128x64xf32, #tpu.memory_space<vmem>>, vector<16xf32>,
      %get3A_1072 = arith.constant 3 : i32
      %get3A_1073 = arith.index_cast %get3A_1072 : i32 to index
      %get3A_1074 = arith.index_cast %add3A_1044 : i32 to index
      %get3A_1075 = arith.constant 32 : index
      %get3A_1076 = tpu.vector_load %arg12[%get3A_1073, %get3A_1074, %get3A_1075] {strides = array<i32>} : memref<4x128x64xf32, #tpu.memory_space<vmem>>, vector<16xf32>,
      %mul3A_1077 = arith.mulf %get3A_1071, %get3A_1076 : vector<16xf32>
      %add3A_1078 = arith.addf %mul3A_1055, %mul3A_1077 : vector<16xf32>
      %get3A_1079 = arith.constant 3 : i32
      %get3A_1080 = arith.index_cast %get3A_1079 : i32 to index
      %get3A_1081 = arith.index_cast %add3A_1044 : i32 to index
      %get3A_1082 = arith.constant 48 : index
      %get3A_1083 = tpu.vector_load %arg11[%get3A_1080, %get3A_1081, %get3A_1082] {strides = array<i32>} : memref<4x128x64xf32, #tpu.memory_space<vmem>>, vector<16xf32>,
      %get3A_1084 = arith.constant 3 : i32
      %get3A_1085 = arith.index_cast %get3A_1084 : i32 to index
      %get3A_1086 = arith.index_cast %add3A_1044 : i32 to index
      %get3A_1087 = arith.constant 48 : index
      %get3A_1088 = tpu.vector_load %arg12[%get3A_1085, %get3A_1086, %get3A_1087] {strides = array<i32>} : memref<4x128x64xf32, #tpu.memory_space<vmem>>, vector<16xf32>,
      %mul3A_1089 = arith.mulf %get3A_1083, %get3A_1088 : vector<16xf32>
      %add3A_1090 = arith.addf %mul3A_1066, %mul3A_1089 : vector<16xf32>
      %add3A_1091 = arith.addf %add3A_1078, %add3A_1090 : vector<16xf32>
      %swap3A_1092 = arith.constant 221 : index
      %swap3A_1093 = tpu.vector_load %arg15[%swap3A_1092] {strides = array<i32>} : memref<272xf32, #tpu.memory_space<vmem>>, vector<16xf32>,
      tpu.vector_store %arg15[%swap3A_1092], %add3A_1091 {strides = array<i32>} : memref<272xf32, #tpu.memory_space<vmem>>, vector<16xf32>,
      %add3A_1094 = arith.constant 14 : i32
      %add3A_1095 = arith.addi %mul3A_381, %add3A_1094 : i32
      %get3A_1096 = arith.constant 3 : i32
      %get3A_1097 = arith.index_cast %get3A_1096 : i32 to index
      %get3A_1098 = arith.index_cast %add3A_1095 : i32 to index
      %get3A_1099 = arith.constant 0 : index
      %get3A_1100 = tpu.vector_load %arg11[%get3A_1097, %get3A_1098, %get3A_1099] {strides = array<i32>} : memref<4x128x64xf32, #tpu.memory_space<vmem>>, vector<16xf32>,
      %get3A_1101 = arith.constant 3 : i32
      %get3A_1102 = arith.index_cast %get3A_1101 : i32 to index
      %get3A_1103 = arith.index_cast %add3A_1095 : i32 to index
      %get3A_1104 = arith.constant 0 : index
      %get3A_1105 = tpu.vector_load %arg12[%get3A_1102, %get3A_1103, %get3A_1104] {strides = array<i32>} : memref<4x128x64xf32, #tpu.memory_space<vmem>>, vector<16xf32>,
      %mul3A_1106 = arith.mulf %get3A_1100, %get3A_1105 : vector<16xf32>
      %get3A_1107 = arith.constant 3 : i32
      %get3A_1108 = arith.index_cast %get3A_1107 : i32 to index
      %get3A_1109 = arith.index_cast %add3A_1095 : i32 to index
      %get3A_1110 = arith.constant 16 : index
      %get3A_1111 = tpu.vector_load %arg11[%get3A_1108, %get3A_1109, %get3A_1110] {strides = array<i32>} : memref<4x128x64xf32, #tpu.memory_space<vmem>>, vector<16xf32>,
      %get3A_1112 = arith.constant 3 : i32
      %get3A_1113 = arith.index_cast %get3A_1112 : i32 to index
      %get3A_1114 = arith.index_cast %add3A_1095 : i32 to index
      %get3A_1115 = arith.constant 16 : index
      %get3A_1116 = tpu.vector_load %arg12[%get3A_1113, %get3A_1114, %get3A_1115] {strides = array<i32>} : memref<4x128x64xf32, #tpu.memory_space<vmem>>, vector<16xf32>,
      %mul3A_1117 = arith.mulf %get3A_1111, %get3A_1116 : vector<16xf32>
      %get3A_1118 = arith.constant 3 : i32
      %get3A_1119 = arith.index_cast %get3A_1118 : i32 to index
      %get3A_1120 = arith.index_cast %add3A_1095 : i32 to index
      %get3A_1121 = arith.constant 32 : index
      %get3A_1122 = tpu.vector_load %arg11[%get3A_1119, %get3A_1120, %get3A_1121] {strides = array<i32>} : memref<4x128x64xf32, #tpu.memory_space<vmem>>, vector<16xf32>,
      %get3A_1123 = arith.constant 3 : i32
      %get3A_1124 = arith.index_cast %get3A_1123 : i32 to index
      %get3A_1125 = arith.index_cast %add3A_1095 : i32 to index
      %get3A_1126 = arith.constant 32 : index
      %get3A_1127 = tpu.vector_load %arg12[%get3A_1124, %get3A_1125, %get3A_1126] {strides = array<i32>} : memref<4x128x64xf32, #tpu.memory_space<vmem>>, vector<16xf32>,
      %mul3A_1128 = arith.mulf %get3A_1122, %get3A_1127 : vector<16xf32>
      %add3A_1129 = arith.addf %mul3A_1106, %mul3A_1128 : vector<16xf32>
      %get3A_1130 = arith.constant 3 : i32
      %get3A_1131 = arith.index_cast %get3A_1130 : i32 to index
      %get3A_1132 = arith.index_cast %add3A_1095 : i32 to index
      %get3A_1133 = arith.constant 48 : index
      %get3A_1134 = tpu.vector_load %arg11[%get3A_1131, %get3A_1132, %get3A_1133] {strides = array<i32>} : memref<4x128x64xf32, #tpu.memory_space<vmem>>, vector<16xf32>,
      %get3A_1135 = arith.constant 3 : i32
      %get3A_1136 = arith.index_cast %get3A_1135 : i32 to index
      %get3A_1137 = arith.index_cast %add3A_1095 : i32 to index
      %get3A_1138 = arith.constant 48 : index
      %get3A_1139 = tpu.vector_load %arg12[%get3A_1136, %get3A_1137, %get3A_1138] {strides = array<i32>} : memref<4x128x64xf32, #tpu.memory_space<vmem>>, vector<16xf32>,
      %mul3A_1140 = arith.mulf %get3A_1134, %get3A_1139 : vector<16xf32>
      %add3A_1141 = arith.addf %mul3A_1117, %mul3A_1140 : vector<16xf32>
      %add3A_1142 = arith.addf %add3A_1129, %add3A_1141 : vector<16xf32>
      %swap3A_1143 = arith.constant 238 : index
      %swap3A_1144 = tpu.vector_load %arg15[%swap3A_1143] {strides = array<i32>} : memref<272xf32, #tpu.memory_space<vmem>>, vector<16xf32>,
      tpu.vector_store %arg15[%swap3A_1143], %add3A_1142 {strides = array<i32>} : memref<272xf32, #tpu.memory_space<vmem>>, vector<16xf32>,
      %add3A_1145 = arith.constant 15 : i32
      %add3A_1146 = arith.addi %mul3A_381, %add3A_1145 : i32
      %get3A_1147 = arith.constant 3 : i32
      %get3A_1148 = arith.index_cast %get3A_1147 : i32 to index
      %get3A_1149 = arith.index_cast %add3A_1146 : i32 to index
      %get3A_1150 = arith.constant 0 : index
      %get3A_1151 = tpu.vector_load %arg11[%get3A_1148, %get3A_1149, %get3A_1150] {strides = array<i32>} : memref<4x128x64xf32, #tpu.memory_space<vmem>>, vector<16xf32>,
      %get3A_1152 = arith.constant 3 : i32
      %get3A_1153 = arith.index_cast %get3A_1152 : i32 to index
      %get3A_1154 = arith.index_cast %add3A_1146 : i32 to index
      %get3A_1155 = arith.constant 0 : index
      %get3A_1156 = tpu.vector_load %arg12[%get3A_1153, %get3A_1154, %get3A_1155] {strides = array<i32>} : memref<4x128x64xf32, #tpu.memory_space<vmem>>, vector<16xf32>,
      %mul3A_1157 = arith.mulf %get3A_1151, %get3A_1156 : vector<16xf32>
      %get3A_1158 = arith.constant 3 : i32
      %get3A_1159 = arith.index_cast %get3A_1158 : i32 to index
      %get3A_1160 = arith.index_cast %add3A_1146 : i32 to index
      %get3A_1161 = arith.constant 16 : index
      %get3A_1162 = tpu.vector_load %arg11[%get3A_1159, %get3A_1160, %get3A_1161] {strides = array<i32>} : memref<4x128x64xf32, #tpu.memory_space<vmem>>, vector<16xf32>,
      %get3A_1163 = arith.constant 3 : i32
      %get3A_1164 = arith.index_cast %get3A_1163 : i32 to index
      %get3A_1165 = arith.index_cast %add3A_1146 : i32 to index
      %get3A_1166 = arith.constant 16 : index
      %get3A_1167 = tpu.vector_load %arg12[%get3A_1164, %get3A_1165, %get3A_1166] {strides = array<i32>} : memref<4x128x64xf32, #tpu.memory_space<vmem>>, vector<16xf32>,
      %mul3A_1168 = arith.mulf %get3A_1162, %get3A_1167 : vector<16xf32>
      %get3A_1169 = arith.constant 3 : i32
      %get3A_1170 = arith.index_cast %get3A_1169 : i32 to index
      %get3A_1171 = arith.index_cast %add3A_1146 : i32 to index
      %get3A_1172 = arith.constant 32 : index
      %get3A_1173 = tpu.vector_load %arg11[%get3A_1170, %get3A_1171, %get3A_1172] {strides = array<i32>} : memref<4x128x64xf32, #tpu.memory_space<vmem>>, vector<16xf32>,
      %get3A_1174 = arith.constant 3 : i32
      %get3A_1175 = arith.index_cast %get3A_1174 : i32 to index
      %get3A_1176 = arith.index_cast %add3A_1146 : i32 to index
      %get3A_1177 = arith.constant 32 : index
      %get3A_1178 = tpu.vector_load %arg12[%get3A_1175, %get3A_1176, %get3A_1177] {strides = array<i32>} : memref<4x128x64xf32, #tpu.memory_space<vmem>>, vector<16xf32>,
      %mul3A_1179 = arith.mulf %get3A_1173, %get3A_1178 : vector<16xf32>
      %add3A_1180 = arith.addf %mul3A_1157, %mul3A_1179 : vector<16xf32>
      %get3A_1181 = arith.constant 3 : i32
      %get3A_1182 = arith.index_cast %get3A_1181 : i32 to index
      %get3A_1183 = arith.index_cast %add3A_1146 : i32 to index
      %get3A_1184 = arith.constant 48 : index
      %get3A_1185 = tpu.vector_load %arg11[%get3A_1182, %get3A_1183, %get3A_1184] {strides = array<i32>} : memref<4x128x64xf32, #tpu.memory_space<vmem>>, vector<16xf32>,
      %get3A_1186 = arith.constant 3 : i32
      %get3A_1187 = arith.index_cast %get3A_1186 : i32 to index
      %get3A_1188 = arith.index_cast %add3A_1146 : i32 to index
      %get3A_1189 = arith.constant 48 : index
      %get3A_1190 = tpu.vector_load %arg12[%get3A_1187, %get3A_1188, %get3A_1189] {strides = array<i32>} : memref<4x128x64xf32, #tpu.memory_space<vmem>>, vector<16xf32>,
      %mul3A_1191 = arith.mulf %get3A_1185, %get3A_1190 : vector<16xf32>
      %add3A_1192 = arith.addf %mul3A_1168, %mul3A_1191 : vector<16xf32>
      %add3A_1193 = arith.addf %add3A_1180, %add3A_1192 : vector<16xf32>
      %swap3A_1194 = arith.constant 255 : index
      %swap3A_1195 = tpu.vector_load %arg15[%swap3A_1194] {strides = array<i32>} : memref<272xf32, #tpu.memory_space<vmem>>, vector<16xf32>,
      tpu.vector_store %arg15[%swap3A_1194], %add3A_1193 {strides = array<i32>} : memref<272xf32, #tpu.memory_space<vmem>>, vector<16xf32>,
      %get3A_1196 = arith.constant 3 : i32
      %get3A_1197 = arith.index_cast %get3A_1196 : i32 to index
      %get3A_1198 = arith.index_cast %mul3A_381 : i32 to index
      %get3A_1199 = tpu.vector_load %arg13[%get3A_1197, %get3A_1198] {strides = array<i32>} : memref<4x128xf32, #tpu.memory_space<vmem>>, vector<16xf32>,
      %get3A_1200 = arith.constant 3 : i32
      %get3A_1201 = arith.index_cast %get3A_1200 : i32 to index
      %get3A_1202 = arith.index_cast %mul3A_381 : i32 to index
      %get3A_1203 = tpu.vector_load %arg14[%get3A_1201, %get3A_1202] {strides = array<i32>} : memref<4x128xf32, #tpu.memory_space<vmem>>, vector<16xf32>,
      %add3A_1204 = arith.addf %get3A_1199, %get3A_1203 : vector<16xf32>
      %add3A_1205 = arith.constant 0 : i32
      %add3A_1206 = vector.broadcast %add3A_1205 : i32 to vector<16xi32>
      %add3A_1207 = arith.addi %mul3A_355, %add3A_1206 : vector<16xi32>
      %gather3A = tpu.vector_load_idx %arg15[%add3A_1207] : memref<272xf32, #tpu.memory_space<vmem>>[vector<16xi32>], vector<16xf32>,
      %add3A_1208 = arith.addf %add3A_1204, %gather3A : vector<16xf32>
      %add3A_1209 = arith.constant 1 : i32
      %add3A_1210 = vector.broadcast %add3A_1209 : i32 to vector<16xi32>
      %add3A_1211 = arith.addi %mul3A_355, %add3A_1210 : vector<16xi32>
      %gather3A_1212 = tpu.vector_load_idx %arg15[%add3A_1211] : memref<272xf32, #tpu.memory_space<vmem>>[vector<16xi32>], vector<16xf32>,
      %add3A_1213 = arith.addf %add3A_1208, %gather3A_1212 : vector<16xf32>
      %add3A_1214 = arith.constant 2 : i32
      %add3A_1215 = vector.broadcast %add3A_1214 : i32 to vector<16xi32>
      %add3A_1216 = arith.addi %mul3A_355, %add3A_1215 : vector<16xi32>
      %gather3A_1217 = tpu.vector_load_idx %arg15[%add3A_1216] : memref<272xf32, #tpu.memory_space<vmem>>[vector<16xi32>], vector<16xf32>,
      %add3A_1218 = arith.addf %add3A_1213, %gather3A_1217 : vector<16xf32>
      %add3A_1219 = arith.constant 3 : i32
      %add3A_1220 = vector.broadcast %add3A_1219 : i32 to vector<16xi32>
      %add3A_1221 = arith.addi %mul3A_355, %add3A_1220 : vector<16xi32>
      %gather3A_1222 = tpu.vector_load_idx %arg15[%add3A_1221] : memref<272xf32, #tpu.memory_space<vmem>>[vector<16xi32>], vector<16xf32>,
      %add3A_1223 = arith.addf %add3A_1218, %gather3A_1222 : vector<16xf32>
      %add3A_1224 = arith.constant 4 : i32
      %add3A_1225 = vector.broadcast %add3A_1224 : i32 to vector<16xi32>
      %add3A_1226 = arith.addi %mul3A_355, %add3A_1225 : vector<16xi32>
      %gather3A_1227 = tpu.vector_load_idx %arg15[%add3A_1226] : memref<272xf32, #tpu.memory_space<vmem>>[vector<16xi32>], vector<16xf32>,
      %add3A_1228 = arith.addf %add3A_1223, %gather3A_1227 : vector<16xf32>
      %add3A_1229 = arith.constant 5 : i32
      %add3A_1230 = vector.broadcast %add3A_1229 : i32 to vector<16xi32>
      %add3A_1231 = arith.addi %mul3A_355, %add3A_1230 : vector<16xi32>
      %gather3A_1232 = tpu.vector_load_idx %arg15[%add3A_1231] : memref<272xf32, #tpu.memory_space<vmem>>[vector<16xi32>], vector<16xf32>,
      %add3A_1233 = arith.addf %add3A_1228, %gather3A_1232 : vector<16xf32>
      %add3A_1234 = arith.constant 6 : i32
      %add3A_1235 = vector.broadcast %add3A_1234 : i32 to vector<16xi32>
      %add3A_1236 = arith.addi %mul3A_355, %add3A_1235 : vector<16xi32>
      %gather3A_1237 = tpu.vector_load_idx %arg15[%add3A_1236] : memref<272xf32, #tpu.memory_space<vmem>>[vector<16xi32>], vector<16xf32>,
      %add3A_1238 = arith.addf %add3A_1233, %gather3A_1237 : vector<16xf32>
      %add3A_1239 = arith.constant 7 : i32
      %add3A_1240 = vector.broadcast %add3A_1239 : i32 to vector<16xi32>
      %add3A_1241 = arith.addi %mul3A_355, %add3A_1240 : vector<16xi32>
      %gather3A_1242 = tpu.vector_load_idx %arg15[%add3A_1241] : memref<272xf32, #tpu.memory_space<vmem>>[vector<16xi32>], vector<16xf32>,
      %add3A_1243 = arith.addf %add3A_1238, %gather3A_1242 : vector<16xf32>
      %add3A_1244 = arith.constant 8 : i32
      %add3A_1245 = vector.broadcast %add3A_1244 : i32 to vector<16xi32>
      %add3A_1246 = arith.addi %mul3A_355, %add3A_1245 : vector<16xi32>
      %gather3A_1247 = tpu.vector_load_idx %arg15[%add3A_1246] : memref<272xf32, #tpu.memory_space<vmem>>[vector<16xi32>], vector<16xf32>,
      %add3A_1248 = arith.addf %add3A_1243, %gather3A_1247 : vector<16xf32>
      %add3A_1249 = arith.constant 9 : i32
      %add3A_1250 = vector.broadcast %add3A_1249 : i32 to vector<16xi32>
      %add3A_1251 = arith.addi %mul3A_355, %add3A_1250 : vector<16xi32>
      %gather3A_1252 = tpu.vector_load_idx %arg15[%add3A_1251] : memref<272xf32, #tpu.memory_space<vmem>>[vector<16xi32>], vector<16xf32>,
      %add3A_1253 = arith.addf %add3A_1248, %gather3A_1252 : vector<16xf32>
      %add3A_1254 = arith.constant 10 : i32
      %add3A_1255 = vector.broadcast %add3A_1254 : i32 to vector<16xi32>
      %add3A_1256 = arith.addi %mul3A_355, %add3A_1255 : vector<16xi32>
      %gather3A_1257 = tpu.vector_load_idx %arg15[%add3A_1256] : memref<272xf32, #tpu.memory_space<vmem>>[vector<16xi32>], vector<16xf32>,
      %add3A_1258 = arith.addf %add3A_1253, %gather3A_1257 : vector<16xf32>
      %add3A_1259 = arith.constant 11 : i32
      %add3A_1260 = vector.broadcast %add3A_1259 : i32 to vector<16xi32>
      %add3A_1261 = arith.addi %mul3A_355, %add3A_1260 : vector<16xi32>
      %gather3A_1262 = tpu.vector_load_idx %arg15[%add3A_1261] : memref<272xf32, #tpu.memory_space<vmem>>[vector<16xi32>], vector<16xf32>,
      %add3A_1263 = arith.addf %add3A_1258, %gather3A_1262 : vector<16xf32>
      %add3A_1264 = arith.constant 12 : i32
      %add3A_1265 = vector.broadcast %add3A_1264 : i32 to vector<16xi32>
      %add3A_1266 = arith.addi %mul3A_355, %add3A_1265 : vector<16xi32>
      %gather3A_1267 = tpu.vector_load_idx %arg15[%add3A_1266] : memref<272xf32, #tpu.memory_space<vmem>>[vector<16xi32>], vector<16xf32>,
      %add3A_1268 = arith.addf %add3A_1263, %gather3A_1267 : vector<16xf32>
      %add3A_1269 = arith.constant 13 : i32
      %add3A_1270 = vector.broadcast %add3A_1269 : i32 to vector<16xi32>
      %add3A_1271 = arith.addi %mul3A_355, %add3A_1270 : vector<16xi32>
      %gather3A_1272 = tpu.vector_load_idx %arg15[%add3A_1271] : memref<272xf32, #tpu.memory_space<vmem>>[vector<16xi32>], vector<16xf32>,
      %add3A_1273 = arith.addf %add3A_1268, %gather3A_1272 : vector<16xf32>
      %add3A_1274 = arith.constant 14 : i32
      %add3A_1275 = vector.broadcast %add3A_1274 : i32 to vector<16xi32>
      %add3A_1276 = arith.addi %mul3A_355, %add3A_1275 : vector<16xi32>
      %gather3A_1277 = tpu.vector_load_idx %arg15[%add3A_1276] : memref<272xf32, #tpu.memory_space<vmem>>[vector<16xi32>], vector<16xf32>,
      %add3A_1278 = arith.addf %add3A_1273, %gather3A_1277 : vector<16xf32>
      %add3A_1279 = arith.constant 15 : i32
      %add3A_1280 = vector.broadcast %add3A_1279 : i32 to vector<16xi32>
      %add3A_1281 = arith.addi %mul3A_355, %add3A_1280 : vector<16xi32>
      %gather3A_1282 = tpu.vector_load_idx %arg15[%add3A_1281] : memref<272xf32, #tpu.memory_space<vmem>>[vector<16xi32>], vector<16xf32>,
      %add3A_1283 = arith.addf %add3A_1278, %gather3A_1282 : vector<16xf32>
      %add3A_1284 = arith.constant 384 : i32
      %add3A_1285 = arith.addi %add3A_1284, %mul3A_381 : i32
      %swap3A_1286 = arith.index_cast %add3A_1285 : i32 to index
      %swap3A_1287 = tpu.vector_load %arg16[%swap3A_1286] {strides = array<i32>} : memref<512xf32, #tpu.memory_space<vmem>>, vector<16xf32>,
      tpu.vector_store %arg16[%swap3A_1286], %add3A_1283 {strides = array<i32>} : memref<512xf32, #tpu.memory_space<vmem>>, vector<16xf32>,
    }
    %scan3A_378 = arith.constant 8 : i32
    "tpu.region"() ({
      %run_scoped3A = tpu.sem_alloc : memref<!tpu.dma_semaphore, #tpu.memory_space<semaphore_mem>>
      %dma_start3A_379 = tpu.memref_slice %arg8[%mul3A_2] : memref<16384xf32, #tpu.memory_space<hbm>> -> memref<512xf32, #tpu.memory_space<hbm>>
      %dma_start3A_380 = tpu.memref_slice %arg8[%mul3A_2] : memref<16384xf32, #tpu.memory_space<hbm>> -> memref<512xf32, #tpu.memory_space<hbm>>
      tpu.enqueue_dma source(%arg16 : memref<512xf32, #tpu.memory_space<vmem>>) target(%dma_start3A_380 : memref<512xf32, #tpu.memory_space<hbm>>) target_semaphore(%run_scoped3A : memref<!tpu.dma_semaphore, #tpu.memory_space<semaphore_mem>>)
      %dma_wait3A_381 = tpu.memref_slice %arg8[%mul3A_2] : memref<16384xf32, #tpu.memory_space<hbm>> -> memref<512xf32, #tpu.memory_space<hbm>>
      %dma_wait3A_382 = tpu.memref_slice %arg8[%mul3A_2] : memref<16384xf32, #tpu.memory_space<hbm>> -> memref<512xf32, #tpu.memory_space<hbm>>
      tpu.wait_dma2 semaphore(%run_scoped3A : memref<!tpu.dma_semaphore, #tpu.memory_space<semaphore_mem>>) src(%arg16 : memref<512xf32, #tpu.memory_space<vmem>>) dst(%dma_wait3A_382 : memref<512xf32, #tpu.memory_space<hbm>>)
      tpu.yield
    }) : () -> ()
    return
  }
}

</mosaic_0001>

<sc_bundles>
// kernel: _mf_sc.3.cloned.1.call-start
scs
__scs_entry_jumppad:
0x0: {  	(pc) =	sbr.rel $0x88, $3  }
0x1: {  	(tag) =	ssettag $0x0;
	lr =	simm.s32 $0x1  }
0x2: {  	[smem:$0x3F9B] =	sst lr;
	_ =	strace $0xD0000000  }
0x3: {  	_ = 	snop  }
0x4: {  	_ = 	snop  }
0x5: {  	_ = 	snop  }
0x6: {  	_ = 	snop  }
0x7: {  	_ = 	snop  }
__scs_overlays_trampoline_lowered:
0x8: {  	[smem:$0x3FAA] =	sst s0  }
0x9: {  	[smem:$0x3FAB] =	sst s1  }
0xa: {  	[smem:$0x3FAC] =	sst s2  }
0xb: {  	[smem:$0x3FAD] =	sst s3  }
0xc: {  	[smem:$0x3FAE] =	sst s4  }
0xd: {  	[smem:$0x3FAF] =	sst s5  }
0xe: {  	[smem:$0x3FB0] =	sst s6  }
0xf: {  	[smem:$0x3FB1] =	sst s7  }
0x10: {  	[smem:$0x3FB2] =	sst s8  }
0x11: {  	[smem:$0x3FB3] =	sst s9;
	s0 =	simm.s32 @!p0 $0x0  }
0x12: {  	s1 =	sld [smem:$0x3F99];
	s0 =	simm.s32 @p0 $0x1  }
0x13: {  	[smem:$0x3FB4] =	sst s0;
	s0 =	simm.s32 @!p1 $0x0  }
0x14: {  	s2 =	sld [smem:$0x3F98];
	s0 =	simm.s32 @p1 $0x1  }
0x15: {  	[smem:$0x3FB5] =	sst s0;
	s0 =	simm.s32 @!p2 $0x0  }
0x16: {  	s3 =	sld [smem:$0x3FDB];
	s0 =	simm.s32 @p2 $0x1  }
0x17: {  	s4 =	simm.s32 $0x1BF5;
	[smem:$0x3FB7] =	sst s0  }
0x18: {  	s0 =	sld [smem:$0x3F9A];
	_ =	swait.ge [sflag:s4], $0x0  }
0x19: {  	s7 =	sld [smem:$0x3F9B]  }
0x1a: {  	s8 =	sadd.s32 $0xFFFFE003, lr  }
0x1b: {  	s9 =	sadd.s32 $0xFFFFFEF7, lr;
	s5 =	simm.s32 $0xFFFFFFFF;
	p2 =	slt.u32 s8, $0xFFFFF086  }
0x1c: {  	p1 =	slt.u32 s9, $0xF7A;
	s5 =	simm.s32 @!p2 $0x0  }
0x1d: {  	s5 =	simm.s32 @p1 $0x1;
	p0 =	seq.s32 s7, s2  }
0x1e: {  	s7 =	smul.u32 @!p0 $0xF7A, s2;
	p2 =	seq.s32 @!p0 s5, $0x0  }
0x1f: {  	s9 =	smul.u32 $0xF7A, s1;
	s8 =	simm.s32 @!p0 $0x1BF5;
	p2 =	por !p2, p0  }
0x20: {  	[sflag:s8] =	ssyncset.s32 @!p0 $0xFFFFF086;
	s6 =	sadd.s32 @!p0 s3, s7;
	s7 =	simm.s32 @!p0 $0x108  }
0x21: {  	s3 =	sadd.s32 s3, s9;
	s6 =	sadd.s32 @!p0 $0x88, s6;
	s7 =	simm.s32 @p2 $0x1082  }
0x22: {  	[simem:s7], [sflag:s8] =	dma.local @!p0 [hbm:s6], $0xF7A  }
0x23: {  	s9 =	sor.u32 $0xD0000000, s2;
	s6 =	simm.s32 $0x108;
	_ =	swait.ge @!p0 [sflag:s8], $0x0  }
0x24: {  	s3 =	sadd.s32 $0x88, s3;
	s6 =	simm.s32 @!p1 $0x1082;
	[sflag:s4] =	ssyncset.s32 $0xFFFFF086  }
0x25: {  	[simem:s6], [sflag:s4] =	dma.local [hbm:s3], $0xF7A  }
0x26: {  	[smem:$0x3F9B] =	sst s1;
	(tag) =	ssettag s2;
	_ =	strace s9  }
0x27: {  	s1 =	sld [smem:$0x3FAB]  }
0x28: {  	s2 =	sld [smem:$0x3FAC]  }
0x29: {  	s4 =	sld [smem:$0x3FAE]  }
0x2a: {  	p0 =	seq.s32 s5, $0x0;
	s5 =	sld [smem:$0x3FAF]  }
0x2b: {  	s6 =	sld [smem:$0x3FB0]  }
0x2c: {  	s7 =	sld [smem:$0x3FB1]  }
0x2d: {  	s3 =	simm.s32 $0x108;
	s8 =	sld [smem:$0x3FB2]  }
0x2e: {  	s3 =	simm.s32 @!p0 $0x1082;
	s9 =	sld [smem:$0x3FB3]  }
0x2f: {  	lr =	sadd.s32 s0, s3;
	s0 =	sld [smem:$0x3FAA]  }
0x30: {  	s3 =	sld [smem:$0x3FAD]  }
0x31: {  	[smem:$0x3FB6] =	sst s10  }
0x32: {  	s10 =	sld [smem:$0x3FB4];
	_ =	sdelay $0x3  }
0x33: {  	p0 =	seq.s32 s10, $0x1;
	s10 =	sld [smem:$0x3FB6];
	_ =	sdelay $0x3  }
0x34: {  	[smem:$0x3FB6] =	sst s10  }
0x35: {  	s10 =	sld [smem:$0x3FB5];
	_ =	sdelay $0x3  }
0x36: {  	p1 =	seq.s32 s10, $0x1;
	s10 =	sld [smem:$0x3FB6];
	_ =	sdelay $0x3  }
0x37: {  	[smem:$0x3FB6] =	sst s10  }
0x38: {  	s10 =	sld [smem:$0x3FB7]  }
0x39: {  	_ = 	snop;
	(pc) =	sbr.ind lr, $3  }
0x3a: {  	_ = 	snop  }
0x3b: {  	_ = 	snop  }
0x3c: {  	p2 =	seq.s32 s10, $0x1;
	s10 =	sld [smem:$0x3FB6]  }
0x3d: {  	_ =	shalt  }
0x3e: {  	_ =	shalt  }
0x3f: {  	_ =	shalt  }
0x40: {  	_ =	shalt  }
0x41: {  	_ =	shalt  }
0x42: {  	_ =	shalt  }
0x43: {  	_ =	shalt  }
0x44: {  	_ =	shalt  }
0x45: {  	_ =	shalt  }
0x46: {  	_ =	shalt  }
0x47: {  	_ =	shalt  }
0x48: {  	_ =	shalt  }
0x49: {  	_ =	shalt  }
0x4a: {  	_ =	shalt  }
0x4b: {  	_ =	shalt  }
0x4c: {  	_ =	shalt  }
0x4d: {  	_ =	shalt  }
0x4e: {  	_ =	shalt  }
0x4f: {  	_ =	shalt  }
0x50: {  	_ =	shalt  }
0x51: {  	_ =	shalt  }
0x52: {  	_ =	shalt  }
0x53: {  	_ =	shalt  }
0x54: {  	_ =	shalt  }
0x55: {  	_ =	shalt  }
0x56: {  	_ =	shalt  }
0x57: {  	_ =	shalt  }
0x58: {  	_ =	shalt  }
0x59: {  	_ =	shalt  }
0x5a: {  	_ =	shalt  }
0x5b: {  	_ =	shalt  }
0x5c: {  	_ =	shalt  }
0x5d: {  	_ =	shalt  }
0x5e: {  	_ =	shalt  }
0x5f: {  	_ =	shalt  }
0x60: {  	_ =	shalt  }
0x61: {  	_ =	shalt  }
0x62: {  	_ =	shalt  }
0x63: {  	_ =	shalt  }
0x64: {  	_ =	shalt  }
0x65: {  	_ =	shalt  }
0x66: {  	_ =	shalt  }
0x67: {  	_ =	shalt  }
0x68: {  	_ =	shalt  }
0x69: {  	_ =	shalt  }
0x6a: {  	_ =	shalt  }
0x6b: {  	_ =	shalt  }
0x6c: {  	_ =	shalt  }
0x6d: {  	_ =	shalt  }
0x6e: {  	_ =	shalt  }
0x6f: {  	_ =	shalt  }
0x70: {  	_ =	shalt  }
0x71: {  	_ =	shalt  }
0x72: {  	_ =	shalt  }
0x73: {  	_ =	shalt  }
0x74: {  	_ =	shalt  }
0x75: {  	_ =	shalt  }
0x76: {  	_ =	shalt  }
0x77: {  	_ =	shalt  }
0x78: {  	_ =	shalt  }
0x79: {  	_ =	shalt  }
0x7a: {  	_ =	shalt  }
0x7b: {  	_ =	shalt  }
0x7c: {  	_ =	shalt  }
0x7d: {  	_ =	shalt  }
0x7e: {  	_ =	shalt  }
0x7f: {  	_ =	shalt  }
0x80: {  	_ =	shalt  }
0x81: {  	_ =	shalt  }
0x82: {  	_ =	shalt  }
0x83: {  	_ =	shalt  }
0x84: {  	_ =	shalt  }
0x85: {  	_ =	shalt  }
0x86: {  	_ =	shalt  }
0x87: {  	_ =	shalt  }
.Lfunc_end0:
.L_simem_size_0:
called_computation_lowered:
.L_overlay_start_0:
0x88: {  	s2 =	sld [smem:$0x3FD9]  }
0x89: {  	s3 =	sld [smem:$0x3FFE];
	_ =	sdelay $0x1  }
0x8a: {  	s1 =	srdreg.scid  }
0x8b: {  	s0 =	sand.u32 $0x1, s1  }
0x8c: {  	s17 =	sshll.u32 s0, $0xA;
	s2 =	sadd.s32 s3, s2  }
0x8d: {  	s2 =	sadd.s32 s2, s17  }
0x8e: {  	[smem:$0x3FC2] =	sst s2  }
0x8f: {  	_ = 	snop  }
0x90: {  	s2 =	sld [smem:$0x3FC9]  }
0x91: {  	s18 =	sld [smem:$0x3FC8]  }
0x92: {  	s4 =	sld [smem:$0x3FC5]  }
0x93: {  	s5 =	sld [smem:$0x3FC4]  }
0x94: {  	s6 =	sld [smem:$0x3FD0];
	(tm) =	ssettm $0x1  }
0x95: {  	s7 =	sld [smem:$0x3FFB];
	_ =	sdelay $0x3  }
0x96: {  	_ =	strace s7  }
0x97: {  	s7 =	sld [smem:$0x3FFC];
	_ =	sdelay $0x3  }
0x98: {  	_ =	strace s7  }
0x99: {  	s7 =	sld [smem:$0x3FFD];
	_ =	sdelay $0x3  }
0x9a: {  	_ =	strace s7  }
0x9b: {  	_ =	strace $0x8FFFFFFF  }
0x9c: {  	s19 =	sld [smem:$0x3FDB];
	_ =	sdelay $0x1  }
0x9d: {  	s8 =	simm.s32 $_scs_section_size  }
0x9e: {  	s9 =	simm.s32 $_size__tile_overlayer_lowered;
	s10 =	simm.s32 $_tile_overlayer_lowered  }
0x9f: {  	s22 =	simm.s32 $0x1BFF;
	s21 =	sshll.u32 s10, $0x1;
	s7 =	sadd.s32 s8, s19  }
0xa0: {  	s11 =	simm.s32 $0x0;
	s20 =	sshll.u32 s9, $0x1;
	s9 =	sadd.s32 s21, s7  }
0xa1: {  	[timem:s11], [sflag:s22] =	dma.local [hbm:s9], s20  }
0xa2: {  	_ =	swait.ge [sflag:s22], s20  }
0xa3: {  	s8 =	ssub.s32 $0x0, s20;
	[sflag:s22] =	ssyncset.done $0x0  }
0xa4: {  	[sflag:s22] =	ssyncadd.s32 s8;
	_ =	sdelay $0x1  }
0xa5: {  	s23 =	simm.s32 $0x1B8B  }
0xa6: {  	_ =	swait.ge [sflag:s23], $0x1  }
0xa7: {  	[sflag:s23] =	ssyncset.done $0x0  }
0xa8: {  	s25 =	simm.s32 $0x1B8E;
	s24 =	sld [smem:$0x3FFE];
	[sflag:s23] =	ssyncadd.s32 $0xFFFFFFFF  }
0xa9: {  	s26 =	simm.s32 $execute0_lowered;
	[smem:$0x3FD2] =	sst s25  }
0xaa: {  	s9 =	sshll.u32 s26, $0x1;
	_ =	strace $0x80000046;
	[dreg:$0x1] =	wrdreg $0xFFFFFFFF  }
0xab: {  	s28 =	simm.s32 $_size_execute0_lowered;
	s7 =	sadd.s32 s7, s9;
	[dreg:$0x0] =	wrdreg $0x0  }
0xac: {  	s9 =	sshll.u32 s28, $0x1;
	[dreg:$0x2] =	wrdreg s7  }
0xad: {  	[dreg:$0x3] =	wrdreg s9  }
0xae: {  	[dreg:$0x4] =	wrdreg $0xC0  }
0xaf: {  	_ =	task [dreg:s11], $0x5FFFF  }
0xb0: {  	[dreg:$0x1] =	wrdreg $0xFFFFFFFF  }
0xb1: {  	[dreg:$0x0] =	wrdreg $0x60  }
0xb2: {  	[dreg:$0x2] =	wrdreg s2  }
0xb3: {  	[dreg:$0x3] =	wrdreg s18  }
0xb4: {  	[dreg:$0x4] =	wrdreg s24  }
0xb5: {  	[dreg:$0x5] =	wrdreg s4  }
0xb6: {  	[dreg:$0x6] =	wrdreg s5  }
0xb7: {  	[dreg:$0x7] =	wrdreg s6  }
0xb8: {  	[dreg:$0x8] =	wrdreg $0x9  }
0xb9: {  	_ =	task.clear_ibuf [dreg:s11], $0x9FFFF;
	_ =	strace $0x90000046  }
0xba: {  	s29 =	simm.s32 $0x9;
	_ =	strace $0x80000048  }
0xbb: {  	_ =	swait.ge [sflag:s29], $0x1  }
0xbc: {  	[sflag:s29] =	ssyncadd.s32 $0xFFFFFFFF  }
0xbd: {  	_ =	strace $0x90000048  }
0xbe: {  	_ =	sfence  }
0xbf: {  	s30 =	sld [smem:$0x0];
	_ =	sdelay $0x2  }
0xc0: {  	s31 =	sshll.u32 s1, $0xD;
	s1 =	sshrl.u32 s1, $0x2  }
0xc1: {  	s3 =	sand.u32 $0x4000, s31;
	s1 =	sadd.s32 s1, s30  }
0xc2: {  	s0 =	sor.u32 s3, s0;
	s1 =	sshll.u32 s1, $0x11  }
0xc3: {  	s0 =	sor.u32 s1, s0  }
0xc4: {  	s0 =	sadd.s32 $0x8F2B, s0  }
0xc5: {  	[sflag:s0] =	ssyncadd.remote.s32 $0x1  }
0xc6: {  	_ =	sfence.sel $0xFFFF  }
0xc7: {  	[dreg:$0x0] =	wrdreg $0xFFFFFFFF;
	(pc) =	sbr.abs _section_cstart, $3  }
0xc8: {  	[dreg:$0x1] =	wrdreg $0xFFFFFFFF  }
0xc9: {  	_ =	task.clear_ibuf [dreg:s11], $0x2FFFF;
	_ =	strace $0x9FFFFFFF  }
0xca: {  	(tm) =	ssettm $0x7FFFFFFF  }
0xcb: {  	_ =	shalt  }
tec
execute0_lowered:
.L_overlay_start_1:
0x0: {  	(tag) =	ssettag $0x1  }
0x1: {  	s0 =	rddreg [dreg:$0x0]  }
0x2: {  	s4 =	rddreg [dreg:$0x1]  }
0x3: {  	s6 =	rddreg [dreg:$0x2]  }
0x4: {  	s1 =	rddreg [dreg:$0x3]  }
0x5: {  	s2 =	rddreg [dreg:$0x4]  }
0x6: {  	s9 =	rddreg [dreg:$0x5];
	s3 =	simm.s32 $0x0;
	s7 =	srdreg.scid  }
0x7: {  	s10 =	stileid.u32;
	s12 =	simm.s32 $0x200;
	s13 =	simm.s32 $0x80  }
0x8: {  	s19 =	simm.s32 $0x280;
	s23 =	simm.s32 $0x100;
	s25 =	simm.s32 $0x300  }
0x9: {  	s29 =	simm.s32 $0x10700;
	s30 =	simm.s32 $0x180;
	s31 =	simm.s32 $0x6400  }
0xa: {  	v0 =	vlaneseq.u32;
	s14 =	simm.s32 $0x10580;
	s15 =	simm.s32 $0x10780;
	s16 =	simm.s32 $0x1  }
0xb: {  	s17 =	simm.s32 $0x10800;
	s18 =	simm.s32 $0x10910;
	s20 =	simm.s32 $0x0;
	v0 =	vmul.u32 $0x11, v0  }
0xc: {  	[smem:$0x7FF] =	sst s3;
	s5 =	sadd.s32 $0x187000, s6;
	s7 =	sand.u32 $0x1, s7  }
0xd: {  	s10 =	sshll.u32 s10, $0x7;
	s8 =	ssub.s32 $0x2, s7;
	s7 =	sshll.u32 s7, $0x6;
	v1 =	vadd.s32 $0x1, v0;
	v2 =	vadd.s32 $0x2, v0;
	v3 =	vadd.s32 $0x3, v0  }
0xe: {  	s6 =	sadd.s32 $0xF42A00, s6;
	s11 =	sshrl.u32 s8, $0x1;
	s10 =	sor.u32 s7, s10;
	v4 =	vadd.s32 $0x4, v0;
	v5 =	vadd.s32 $0x5, v0;
	v6 =	vadd.s32 $0x6, v0  }
0xf: {  	_ =	strace $0x80000047;
	v7 =	vadd.s32 $0x7, v0;
	v8 =	vadd.s32 $0x8, v0;
	v9 =	vadd.s32 $0x9, v0;
	s11 =	ssub.s32 s8, s11;
	s7 =	sadd.s32 s0, s10  }
0x10: {  	v10 =	vadd.s32 $0xA, v0;
	v11 =	vadd.s32 $0xB, v0;
	v12 =	vadd.s32 $0xC, v0;
	s8 =	sadd.s32 s4, s10;
	s9 =	sadd.s32 s9, s10;
	s0 =	simm.s32 $0x380  }
0x11: {  	v13 =	vadd.s32 $0xD, v0;
	v14 =	vadd.s32 $0xE, v0;
	v15 =	vadd.s32 $0xF, v0;
	s4 =	simm.s32 $0xE400;
	s10 =	smax.u32 s11, $0x1;
	s11 =	simm.s32 $0x2  }
.LBB2_1:
0x12: {  	[tilespmem:s3], [sflag:$0x2] =	stream.linear.gather [hbm4b:s7+s3], $0x200, $0x38;
	[tilespmem:$0x10B10] =	vst v63  }
0x13: {  	_ =	swait.ge [sflag:s11], $0x200  }
0x14: {  	[sflag:s11] =	ssyncset.done $0x0  }
0x15: {  	[sflag:s11] =	ssyncadd.s32 $0xFFFFFE00  }
0x16: {  	[tilespmem:s12], [sflag:$0x2] =	stream.linear.gather [hbm4b:s8+s3], $0x200, $0x38;
	[tilespmem:$0x10B10] =	vst v63  }
0x17: {  	_ =	swait.ge [sflag:s11], $0x200  }
0x18: {  	[sflag:s11] =	ssyncset.done $0x0  }
0x19: {  	s21 =	simm.s32 $0x400;
	[sflag:s11] =	ssyncadd.s32 $0xFFFFFE00  }
0x1a: {  	[tilespmem:s21], [sflag:$0x1] =	stream.indirect.gather [hbm4b:s5+s13], $0x40, s3, s13, $0xb8;
	[tilespmem:$0x10B10] =	vst v63  }
0x1b: {  	s26 =	simm.s32 $0x8400  }
0x1c: {  	[tilespmem:s26], [sflag:$0x1] =	stream.indirect.gather [hbm4b:s6+s13], $0x40, s12, s13, $0xb8;
	[tilespmem:$0x10B10] =	vst v63  }
0x1d: {  	s28 =	simm.s32 $0x10400  }
0x1e: {  	[tilespmem:s28], [sflag:$0x1] =	stream.indirect.gather [hbm4b:s1+s13], $0x1, s3, s13, $0xb8;
	[tilespmem:$0x10B10] =	vst v63  }
0x1f: {  	s22 =	simm.s32 $0x10600  }
0x20: {  	[tilespmem:s22], [sflag:$0x1] =	stream.indirect.gather [hbm4b:s2+s13], $0x1, s12, s13, $0xb8;
	[tilespmem:$0x10B10] =	vst v63  }
0x21: {  	s24 =	simm.s32 $0x2400  }
0x22: {  	[tilespmem:s24], [sflag:$0x1] =	stream.indirect.gather [hbm4b:s5+s13], $0x40, s13, s13, $0xb8;
	[tilespmem:$0x10B10] =	vst v63  }
0x23: {  	s26 =	simm.s32 $0xA400  }
0x24: {  	[tilespmem:s26], [sflag:$0x1] =	stream.indirect.gather [hbm4b:s6+s13], $0x40, s19, s13, $0xb8;
	[tilespmem:$0x10B10] =	vst v63  }
0x25: {  	s28 =	simm.s32 $0x10480  }
0x26: {  	[tilespmem:s28], [sflag:$0x1] =	stream.indirect.gather [hbm4b:s1+s13], $0x1, s13, s13, $0xb8;
	[tilespmem:$0x10B10] =	vst v63  }
0x27: {  	s22 =	simm.s32 $0x10680  }
0x28: {  	[tilespmem:s22], [sflag:$0x1] =	stream.indirect.gather [hbm4b:s2+s13], $0x1, s19, s13, $0xb8;
	[tilespmem:$0x10B10] =	vst v63  }
0x29: {  	s24 =	simm.s32 $0x4400  }
0x2a: {  	[tilespmem:s24], [sflag:$0x1] =	stream.indirect.gather [hbm4b:s5+s13], $0x40, s23, s13, $0xb8;
	[tilespmem:$0x10B10] =	vst v63  }
0x2b: {  	s26 =	simm.s32 $0xC400  }
0x2c: {  	[tilespmem:s26], [sflag:$0x1] =	stream.indirect.gather [hbm4b:s6+s13], $0x40, s25, s13, $0xb8;
	[tilespmem:$0x10B10] =	vst v63  }
0x2d: {  	s28 =	simm.s32 $0x10500  }
0x2e: {  	[tilespmem:s28], [sflag:$0x1] =	stream.indirect.gather [hbm4b:s1+s13], $0x1, s23, s13, $0xb8;
	[tilespmem:$0x10B10] =	vst v63  }
0x2f: {  	_ = 	snop  }
0x30: {  	[tilespmem:s29], [sflag:$0x1] =	stream.indirect.gather [hbm4b:s2+s13], $0x1, s25, s13, $0xb8;
	[tilespmem:$0x10B10] =	vst v63  }
0x31: {  	_ = 	snop  }
0x32: {  	[tilespmem:s31], [sflag:$0x1] =	stream.indirect.gather [hbm4b:s5+s13], $0x40, s30, s13, $0xb8;
	[tilespmem:$0x10B10] =	vst v63  }
0x33: {  	_ = 	snop  }
0x34: {  	[tilespmem:s4], [sflag:$0x1] =	stream.indirect.gather [hbm4b:s6+s13], $0x40, s0, s13, $0xb8;
	[tilespmem:$0x10B10] =	vst v63  }
0x35: {  	_ = 	snop  }
0x36: {  	[tilespmem:s14], [sflag:$0x1] =	stream.indirect.gather [hbm4b:s1+s13], $0x1, s30, s13, $0xb8;
	[tilespmem:$0x10B10] =	vst v63  }
0x37: {  	_ = 	snop  }
0x38: {  	[tilespmem:s15], [sflag:$0x1] =	stream.indirect.gather [hbm4b:s2+s13], $0x1, s0, s13, $0xb8;
	[tilespmem:$0x10B10] =	vst v63  }
0x39: {  	_ =	swait.ge [sflag:s16], $0x2000  }
0x3a: {  	[sflag:s16] =	ssyncset.done $0x0  }
0x3b: {  	[sflag:s16] =	ssyncadd.s32 $0xFFFFE000  }
0x3c: {  	_ =	swait.ge [sflag:s16], $0x2000  }
0x3d: {  	[sflag:s16] =	ssyncset.done $0x0  }
0x3e: {  	[sflag:s16] =	ssyncadd.s32 $0xFFFFE000  }
0x3f: {  	_ =	swait.ge [sflag:s16], $0x80  }
0x40: {  	[sflag:s16] =	ssyncset.done $0x0  }
0x41: {  	[sflag:s16] =	ssyncadd.s32 $0xFFFFFF80  }
0x42: {  	_ =	swait.ge [sflag:s16], $0x80  }
0x43: {  	[sflag:s16] =	ssyncset.done $0x0  }
0x44: {  	[sflag:s16] =	ssyncadd.s32 $0xFFFFFF80  }
0x45: {  	_ =	swait.ge [sflag:s16], $0x2000  }
0x46: {  	[sflag:s16] =	ssyncset.done $0x0  }
0x47: {  	[sflag:s16] =	ssyncadd.s32 $0xFFFFE000  }
0x48: {  	_ =	swait.ge [sflag:s16], $0x2000  }
0x49: {  	[sflag:s16] =	ssyncset.done $0x0  }
0x4a: {  	[sflag:s16] =	ssyncadd.s32 $0xFFFFE000  }
0x4b: {  	_ =	swait.ge [sflag:s16], $0x80  }
0x4c: {  	[sflag:s16] =	ssyncset.done $0x0  }
0x4d: {  	[sflag:s16] =	ssyncadd.s32 $0xFFFFFF80  }
0x4e: {  	_ =	swait.ge [sflag:s16], $0x80  }
0x4f: {  	[sflag:s16] =	ssyncset.done $0x0  }
0x50: {  	[sflag:s16] =	ssyncadd.s32 $0xFFFFFF80  }
0x51: {  	_ =	swait.ge [sflag:s16], $0x2000  }
0x52: {  	[sflag:s16] =	ssyncset.done $0x0  }
0x53: {  	[sflag:s16] =	ssyncadd.s32 $0xFFFFE000  }
0x54: {  	_ =	swait.ge [sflag:s16], $0x2000  }
0x55: {  	[sflag:s16] =	ssyncset.done $0x0  }
0x56: {  	[sflag:s16] =	ssyncadd.s32 $0xFFFFE000  }
0x57: {  	_ =	swait.ge [sflag:s16], $0x80  }
0x58: {  	[sflag:s16] =	ssyncset.done $0x0  }
0x59: {  	[sflag:s16] =	ssyncadd.s32 $0xFFFFFF80  }
0x5a: {  	_ =	swait.ge [sflag:s16], $0x80  }
0x5b: {  	[sflag:s16] =	ssyncset.done $0x0  }
0x5c: {  	[sflag:s16] =	ssyncadd.s32 $0xFFFFFF80  }
0x5d: {  	_ =	swait.ge [sflag:s16], $0x2000  }
0x5e: {  	[sflag:s16] =	ssyncset.done $0x0  }
0x5f: {  	[sflag:s16] =	ssyncadd.s32 $0xFFFFE000  }
0x60: {  	_ =	swait.ge [sflag:s16], $0x2000  }
0x61: {  	[sflag:s16] =	ssyncset.done $0x0  }
0x62: {  	[sflag:s16] =	ssyncadd.s32 $0xFFFFE000  }
0x63: {  	_ =	swait.ge [sflag:s16], $0x80  }
0x64: {  	[sflag:s16] =	ssyncset.done $0x0  }
0x65: {  	[sflag:s16] =	ssyncadd.s32 $0xFFFFFF80  }
0x66: {  	_ =	swait.ge [sflag:s16], $0x80  }
0x67: {  	s21 =	simm.s32 $0x600;
	[sflag:s16] =	ssyncset.done $0x0  }
0x68: {  	s22 =	simm.s32 $0x8600;
	s24 =	simm.s32 $0x0;
	[sflag:s16] =	ssyncadd.s32 $0xFFFFFF80  }
.LBB2_2:
0x69: {  	v16 =	vld [tilespmem:s21+$0xFFFFFE00]  }
0x6a: {  	v17 =	vld [tilespmem:s22+$0xFFFFFE00]  }
0x6b: {  	v18 =	vld [tilespmem:s21+$0xFFFFFE10]  }
0x6c: {  	v19 =	vld [tilespmem:s22+$0xFFFFFE10]  }
0x6d: {  	v20 =	vld [tilespmem:s21+$0xFFFFFE20]  }
0x6e: {  	v21 =	vld [tilespmem:s22+$0xFFFFFE20]  }
0x6f: {  	v22 =	vld [tilespmem:s21+$0xFFFFFE30]  }
0x70: {  	v23 =	vld [tilespmem:s22+$0xFFFFFE30];
	_ =	sdelay $0x3  }
0x71: {  	v16 =	vmul.f32 v17, v16;
	v17 =	vmul.f32 v19, v18  }
0x72: {  	v51 =	vmul.f32 v21, v20;
	v52 =	vmul.f32 v23, v22;
	_ =	sdelay $0x1  }
0x73: {  	v16 =	vadd.f32 v51, v16;
	v17 =	vadd.f32 v52, v17;
	_ =	sdelay $0x1  }
0x74: {  	v16 =	vadd.f32 v17, v16;
	_ =	sdelay $0x1  }
0x75: {  	[tilespmem:$0x10800] =	vst v16  }
0x76: {  	v16 =	vld [tilespmem:s21+$0xFFFFFE40]  }
0x77: {  	v17 =	vld [tilespmem:s22+$0xFFFFFE40]  }
0x78: {  	v53 =	vld [tilespmem:s21+$0xFFFFFE50]  }
0x79: {  	v54 =	vld [tilespmem:s22+$0xFFFFFE50]  }
0x7a: {  	v55 =	vld [tilespmem:s21+$0xFFFFFE60]  }
0x7b: {  	v56 =	vld [tilespmem:s22+$0xFFFFFE60]  }
0x7c: {  	v57 =	vld [tilespmem:s21+$0xFFFFFE70]  }
0x7d: {  	v58 =	vld [tilespmem:s22+$0xFFFFFE70];
	_ =	sdelay $0x3  }
0x7e: {  	v16 =	vmul.f32 v17, v16;
	v17 =	vmul.f32 v54, v53  }
0x7f: {  	v59 =	vmul.f32 v56, v55;
	v60 =	vmul.f32 v58, v57;
	_ =	sdelay $0x1  }
0x80: {  	v16 =	vadd.f32 v59, v16;
	v17 =	vadd.f32 v60, v17;
	_ =	sdelay $0x1  }
0x81: {  	v16 =	vadd.f32 v17, v16;
	_ =	sdelay $0x1  }
0x82: {  	[tilespmem:$0x10811] =	vst v16  }
0x83: {  	v16 =	vld [tilespmem:s21+$0xFFFFFE80]  }
0x84: {  	v17 =	vld [tilespmem:s22+$0xFFFFFE80]  }
0x85: {  	v61 =	vld [tilespmem:s21+$0xFFFFFE90]  }
0x86: {  	v62 =	vld [tilespmem:s22+$0xFFFFFE90]  }
0x87: {  	v63 =	vld [tilespmem:s21+$0xFFFFFEA0]  }
0x88: {  	v24 =	vld [tilespmem:s22+$0xFFFFFEA0]  }
0x89: {  	v25 =	vld [tilespmem:s21+$0xFFFFFEB0]  }
0x8a: {  	v26 =	vld [tilespmem:s22+$0xFFFFFEB0];
	_ =	sdelay $0x3  }
0x8b: {  	v16 =	vmul.f32 v17, v16;
	v17 =	vmul.f32 v62, v61  }
0x8c: {  	v27 =	vmul.f32 v24, v63;
	v28 =	vmul.f32 v26, v25;
	_ =	sdelay $0x1  }
0x8d: {  	v16 =	vadd.f32 v27, v16;
	v17 =	vadd.f32 v28, v17;
	_ =	sdelay $0x1  }
0x8e: {  	v16 =	vadd.f32 v17, v16;
	_ =	sdelay $0x1  }
0x8f: {  	[tilespmem:$0x10822] =	vst v16  }
0x90: {  	v16 =	vld [tilespmem:s21+$0xFFFFFEC0]  }
0x91: {  	v17 =	vld [tilespmem:s22+$0xFFFFFEC0]  }
0x92: {  	v29 =	vld [tilespmem:s21+$0xFFFFFED0]  }
0x93: {  	v30 =	vld [tilespmem:s22+$0xFFFFFED0]  }
0x94: {  	v31 =	vld [tilespmem:s21+$0xFFFFFEE0]  }
0x95: {  	v32 =	vld [tilespmem:s22+$0xFFFFFEE0]  }
0x96: {  	v33 =	vld [tilespmem:s21+$0xFFFFFEF0]  }
0x97: {  	v34 =	vld [tilespmem:s22+$0xFFFFFEF0];
	_ =	sdelay $0x3  }
0x98: {  	v16 =	vmul.f32 v17, v16;
	v17 =	vmul.f32 v30, v29  }
0x99: {  	v35 =	vmul.f32 v32, v31;
	v36 =	vmul.f32 v34, v33;
	_ =	sdelay $0x1  }
0x9a: {  	v16 =	vadd.f32 v35, v16;
	v17 =	vadd.f32 v36, v17;
	_ =	sdelay $0x1  }
0x9b: {  	v16 =	vadd.f32 v17, v16;
	_ =	sdelay $0x1  }
0x9c: {  	[tilespmem:$0x10833] =	vst v16  }
0x9d: {  	v16 =	vld [tilespmem:s21+$0xFFFFFF00]  }
0x9e: {  	v17 =	vld [tilespmem:s22+$0xFFFFFF00]  }
0x9f: {  	v37 =	vld [tilespmem:s21+$0xFFFFFF10]  }
0xa0: {  	v38 =	vld [tilespmem:s22+$0xFFFFFF10]  }
0xa1: {  	v39 =	vld [tilespmem:s21+$0xFFFFFF20]  }
0xa2: {  	v40 =	vld [tilespmem:s22+$0xFFFFFF20]  }
0xa3: {  	v41 =	vld [tilespmem:s21+$0xFFFFFF30]  }
0xa4: {  	v42 =	vld [tilespmem:s22+$0xFFFFFF30];
	_ =	sdelay $0x3  }
0xa5: {  	v16 =	vmul.f32 v17, v16;
	v17 =	vmul.f32 v38, v37  }
0xa6: {  	v43 =	vmul.f32 v40, v39;
	v44 =	vmul.f32 v42, v41;
	_ =	sdelay $0x1  }
0xa7: {  	v16 =	vadd.f32 v43, v16;
	v17 =	vadd.f32 v44, v17;
	_ =	sdelay $0x1  }
0xa8: {  	v16 =	vadd.f32 v17, v16;
	_ =	sdelay $0x1  }
0xa9: {  	[tilespmem:$0x10844] =	vst v16  }
0xaa: {  	v16 =	vld [tilespmem:s21+$0xFFFFFF40]  }
0xab: {  	v17 =	vld [tilespmem:s22+$0xFFFFFF40]  }
0xac: {  	v45 =	vld [tilespmem:s21+$0xFFFFFF50]  }
0xad: {  	v46 =	vld [tilespmem:s22+$0xFFFFFF50]  }
0xae: {  	v47 =	vld [tilespmem:s21+$0xFFFFFF60]  }
0xaf: {  	v48 =	vld [tilespmem:s22+$0xFFFFFF60]  }
0xb0: {  	v49 =	vld [tilespmem:s21+$0xFFFFFF70]  }
0xb1: {  	v50 =	vld [tilespmem:s22+$0xFFFFFF70];
	_ =	sdelay $0x3  }
0xb2: {  	v16 =	vmul.f32 v17, v16;
	v17 =	vmul.f32 v46, v45  }
0xb3: {  	v51 =	vmul.f32 v48, v47;
	v52 =	vmul.f32 v50, v49;
	_ =	sdelay $0x1  }
0xb4: {  	v16 =	vadd.f32 v51, v16;
	v17 =	vadd.f32 v52, v17;
	_ =	sdelay $0x1  }
0xb5: {  	v16 =	vadd.f32 v17, v16;
	_ =	sdelay $0x1  }
0xb6: {  	[tilespmem:$0x10855] =	vst v16  }
0xb7: {  	v16 =	vld [tilespmem:s21+$0xFFFFFF80]  }
0xb8: {  	v17 =	vld [tilespmem:s22+$0xFFFFFF80]  }
0xb9: {  	v53 =	vld [tilespmem:s21+$0xFFFFFF90]  }
0xba: {  	v54 =	vld [tilespmem:s22+$0xFFFFFF90]  }
0xbb: {  	v55 =	vld [tilespmem:s21+$0xFFFFFFA0]  }
0xbc: {  	v56 =	vld [tilespmem:s22+$0xFFFFFFA0]  }
0xbd: {  	v57 =	vld [tilespmem:s21+$0xFFFFFFB0]  }
0xbe: {  	v58 =	vld [tilespmem:s22+$0xFFFFFFB0];
	_ =	sdelay $0x3  }
0xbf: {  	v16 =	vmul.f32 v17, v16;
	v17 =	vmul.f32 v54, v53  }
0xc0: {  	v59 =	vmul.f32 v56, v55;
	v60 =	vmul.f32 v58, v57;
	_ =	sdelay $0x1  }
0xc1: {  	v16 =	vadd.f32 v59, v16;
	v17 =	vadd.f32 v60, v17;
	_ =	sdelay $0x1  }
0xc2: {  	v16 =	vadd.f32 v17, v16;
	_ =	sdelay $0x1  }
0xc3: {  	[tilespmem:$0x10866] =	vst v16  }
0xc4: {  	v16 =	vld [tilespmem:s21+$0xFFFFFFC0]  }
0xc5: {  	v17 =	vld [tilespmem:s22+$0xFFFFFFC0]  }
0xc6: {  	v61 =	vld [tilespmem:s21+$0xFFFFFFD0]  }
0xc7: {  	v62 =	vld [tilespmem:s22+$0xFFFFFFD0]  }
0xc8: {  	v63 =	vld [tilespmem:s21+$0xFFFFFFE0]  }
0xc9: {  	v24 =	vld [tilespmem:s22+$0xFFFFFFE0]  }
0xca: {  	v25 =	vld [tilespmem:s21+$0xFFFFFFF0]  }
0xcb: {  	v26 =	vld [tilespmem:s22+$0xFFFFFFF0];
	_ =	sdelay $0x3  }
0xcc: {  	v16 =	vmul.f32 v17, v16;
	v17 =	vmul.f32 v62, v61  }
0xcd: {  	v27 =	vmul.f32 v24, v63;
	v28 =	vmul.f32 v26, v25;
	_ =	sdelay $0x1  }
0xce: {  	v16 =	vadd.f32 v27, v16;
	v17 =	vadd.f32 v28, v17;
	_ =	sdelay $0x1  }
0xcf: {  	v16 =	vadd.f32 v17, v16;
	_ =	sdelay $0x1  }
0xd0: {  	[tilespmem:$0x10877] =	vst v16  }
0xd1: {  	v16 =	vld [tilespmem:s21+$0x0]  }
0xd2: {  	v17 =	vld [tilespmem:s22+$0x0]  }
0xd3: {  	v29 =	vld [tilespmem:s21+$0x10]  }
0xd4: {  	v30 =	vld [tilespmem:s22+$0x10]  }
0xd5: {  	v31 =	vld [tilespmem:s21+$0x20]  }
0xd6: {  	v32 =	vld [tilespmem:s22+$0x20]  }
0xd7: {  	v33 =	vld [tilespmem:s21+$0x30]  }
0xd8: {  	v34 =	vld [tilespmem:s22+$0x30];
	_ =	sdelay $0x3  }
0xd9: {  	v16 =	vmul.f32 v17, v16;
	v17 =	vmul.f32 v30, v29  }
0xda: {  	v35 =	vmul.f32 v32, v31;
	v36 =	vmul.f32 v34, v33;
	_ =	sdelay $0x1  }
0xdb: {  	v16 =	vadd.f32 v35, v16;
	v17 =	vadd.f32 v36, v17;
	_ =	sdelay $0x1  }
0xdc: {  	v16 =	vadd.f32 v17, v16;
	_ =	sdelay $0x1  }
0xdd: {  	[tilespmem:$0x10888] =	vst v16  }
0xde: {  	v16 =	vld [tilespmem:s21+$0x40]  }
0xdf: {  	v17 =	vld [tilespmem:s22+$0x40]  }
0xe0: {  	v37 =	vld [tilespmem:s21+$0x50]  }
0xe1: {  	v38 =	vld [tilespmem:s22+$0x50]  }
0xe2: {  	v39 =	vld [tilespmem:s21+$0x60]  }
0xe3: {  	v40 =	vld [tilespmem:s22+$0x60]  }
0xe4: {  	v41 =	vld [tilespmem:s21+$0x70]  }
0xe5: {  	v42 =	vld [tilespmem:s22+$0x70];
	_ =	sdelay $0x3  }
0xe6: {  	v16 =	vmul.f32 v17, v16;
	v17 =	vmul.f32 v38, v37  }
0xe7: {  	v43 =	vmul.f32 v40, v39;
	v44 =	vmul.f32 v42, v41;
	_ =	sdelay $0x1  }
0xe8: {  	v16 =	vadd.f32 v43, v16;
	v17 =	vadd.f32 v44, v17;
	_ =	sdelay $0x1  }
0xe9: {  	v16 =	vadd.f32 v17, v16;
	_ =	sdelay $0x1  }
0xea: {  	[tilespmem:$0x10899] =	vst v16  }
0xeb: {  	v16 =	vld [tilespmem:s21+$0x80]  }
0xec: {  	v17 =	vld [tilespmem:s22+$0x80]  }
0xed: {  	v45 =	vld [tilespmem:s21+$0x90]  }
0xee: {  	v46 =	vld [tilespmem:s22+$0x90]  }
0xef: {  	v47 =	vld [tilespmem:s21+$0xA0]  }
0xf0: {  	v48 =	vld [tilespmem:s22+$0xA0]  }
0xf1: {  	v49 =	vld [tilespmem:s21+$0xB0]  }
0xf2: {  	v50 =	vld [tilespmem:s22+$0xB0];
	_ =	sdelay $0x3  }
0xf3: {  	v16 =	vmul.f32 v17, v16;
	v17 =	vmul.f32 v46, v45  }
0xf4: {  	v51 =	vmul.f32 v48, v47;
	v52 =	vmul.f32 v50, v49;
	_ =	sdelay $0x1  }
0xf5: {  	v16 =	vadd.f32 v51, v16;
	v17 =	vadd.f32 v52, v17;
	_ =	sdelay $0x1  }
0xf6: {  	v16 =	vadd.f32 v17, v16;
	_ =	sdelay $0x1  }
0xf7: {  	[tilespmem:$0x108AA] =	vst v16  }
0xf8: {  	v16 =	vld [tilespmem:s21+$0xC0]  }
0xf9: {  	v17 =	vld [tilespmem:s22+$0xC0]  }
0xfa: {  	v53 =	vld [tilespmem:s21+$0xD0]  }
0xfb: {  	v54 =	vld [tilespmem:s22+$0xD0]  }
0xfc: {  	v55 =	vld [tilespmem:s21+$0xE0]  }
0xfd: {  	v56 =	vld [tilespmem:s22+$0xE0]  }
0xfe: {  	v57 =	vld [tilespmem:s21+$0xF0]  }
0xff: {  	v58 =	vld [tilespmem:s22+$0xF0];
	_ =	sdelay $0x3  }
0x100: {  	v16 =	vmul.f32 v17, v16;
	v17 =	vmul.f32 v54, v53  }
0x101: {  	v59 =	vmul.f32 v56, v55;
	v60 =	vmul.f32 v58, v57;
	_ =	sdelay $0x1  }
0x102: {  	v16 =	vadd.f32 v59, v16;
	v17 =	vadd.f32 v60, v17;
	_ =	sdelay $0x1  }
0x103: {  	v16 =	vadd.f32 v17, v16;
	_ =	sdelay $0x1  }
0x104: {  	[tilespmem:$0x108BB] =	vst v16  }
0x105: {  	v16 =	vld [tilespmem:s21+$0x100]  }
0x106: {  	v17 =	vld [tilespmem:s22+$0x100]  }
0x107: {  	v61 =	vld [tilespmem:s21+$0x110]  }
0x108: {  	v62 =	vld [tilespmem:s22+$0x110]  }
0x109: {  	v63 =	vld [tilespmem:s21+$0x120]  }
0x10a: {  	v24 =	vld [tilespmem:s22+$0x120]  }
0x10b: {  	v25 =	vld [tilespmem:s21+$0x130]  }
0x10c: {  	v26 =	vld [tilespmem:s22+$0x130];
	_ =	sdelay $0x3  }
0x10d: {  	v16 =	vmul.f32 v17, v16;
	v17 =	vmul.f32 v62, v61  }
0x10e: {  	v27 =	vmul.f32 v24, v63;
	v28 =	vmul.f32 v26, v25;
	_ =	sdelay $0x1  }
0x10f: {  	v16 =	vadd.f32 v27, v16;
	v17 =	vadd.f32 v28, v17;
	_ =	sdelay $0x1  }
0x110: {  	v16 =	vadd.f32 v17, v16;
	_ =	sdelay $0x1  }
0x111: {  	[tilespmem:$0x108CC] =	vst v16  }
0x112: {  	v16 =	vld [tilespmem:s21+$0x140]  }
0x113: {  	v17 =	vld [tilespmem:s22+$0x140]  }
0x114: {  	v29 =	vld [tilespmem:s21+$0x150]  }
0x115: {  	v30 =	vld [tilespmem:s22+$0x150]  }
0x116: {  	v31 =	vld [tilespmem:s21+$0x160]  }
0x117: {  	v32 =	vld [tilespmem:s22+$0x160]  }
0x118: {  	v33 =	vld [tilespmem:s21+$0x170]  }
0x119: {  	v34 =	vld [tilespmem:s22+$0x170];
	_ =	sdelay $0x3  }
0x11a: {  	v16 =	vmul.f32 v17, v16;
	v17 =	vmul.f32 v30, v29  }
0x11b: {  	v35 =	vmul.f32 v32, v31;
	v36 =	vmul.f32 v34, v33;
	_ =	sdelay $0x1  }
0x11c: {  	v16 =	vadd.f32 v35, v16;
	v17 =	vadd.f32 v36, v17;
	_ =	sdelay $0x1  }
0x11d: {  	v16 =	vadd.f32 v17, v16;
	_ =	sdelay $0x1  }
0x11e: {  	[tilespmem:$0x108DD] =	vst v16  }
0x11f: {  	v16 =	vld [tilespmem:s21+$0x180]  }
0x120: {  	v17 =	vld [tilespmem:s22+$0x180]  }
0x121: {  	v37 =	vld [tilespmem:s21+$0x190]  }
0x122: {  	v38 =	vld [tilespmem:s22+$0x190]  }
0x123: {  	v39 =	vld [tilespmem:s21+$0x1A0]  }
0x124: {  	v40 =	vld [tilespmem:s22+$0x1A0]  }
0x125: {  	v41 =	vld [tilespmem:s21+$0x1B0]  }
0x126: {  	v42 =	vld [tilespmem:s22+$0x1B0];
	_ =	sdelay $0x3  }
0x127: {  	v16 =	vmul.f32 v17, v16;
	v17 =	vmul.f32 v38, v37  }
0x128: {  	v43 =	vmul.f32 v40, v39;
	v44 =	vmul.f32 v42, v41;
	_ =	sdelay $0x1  }
0x129: {  	v16 =	vadd.f32 v43, v16;
	v17 =	vadd.f32 v44, v17;
	_ =	sdelay $0x1  }
0x12a: {  	v16 =	vadd.f32 v17, v16;
	_ =	sdelay $0x1  }
0x12b: {  	[tilespmem:$0x108EE] =	vst v16  }
0x12c: {  	v16 =	vld [tilespmem:s21+$0x1C0]  }
0x12d: {  	v17 =	vld [tilespmem:s22+$0x1C0]  }
0x12e: {  	v45 =	vld [tilespmem:s21+$0x1D0]  }
0x12f: {  	v46 =	vld [tilespmem:s22+$0x1D0]  }
0x130: {  	v47 =	vld [tilespmem:s21+$0x1E0]  }
0x131: {  	v48 =	vld [tilespmem:s22+$0x1E0]  }
0x132: {  	v49 =	vld [tilespmem:s21+$0x1F0]  }
0x133: {  	v50 =	vld [tilespmem:s22+$0x1F0];
	_ =	sdelay $0x3  }
0x134: {  	v16 =	vmul.f32 v17, v16;
	v17 =	vmul.f32 v46, v45  }
0x135: {  	v51 =	vmul.f32 v48, v47;
	v52 =	vmul.f32 v50, v49;
	_ =	sdelay $0x1  }
0x136: {  	v16 =	vadd.f32 v51, v16;
	v17 =	vadd.f32 v52, v17;
	_ =	sdelay $0x1  }
0x137: {  	v16 =	vadd.f32 v17, v16;
	_ =	sdelay $0x1  }
0x138: {  	s26 =	sshra.s32 s24, $0x2;
	[tilespmem:$0x108FF] =	vst v16  }
0x139: {  	v16 =	vld [tilespmem:s26+$0x10400]  }
0x13a: {  	v17 =	vld [tilespmem:s26+$0x10600];
	_ =	sdelay $0x1  }
0x13b: {  	v53 =	vld.idx.msk [tilespmem:v0+s17+$0x0], $0xffff;
	_ =	sdelay $0x1  }
0x13c: {  	v54 =	vld.idx.msk [tilespmem:v1+s17+$0x0], $0xffff  }
0x13d: {  	v16 =	vadd.f32 v17, v16  }
0x13e: {  	v17 =	vld.idx.msk [tilespmem:v2+s17+$0x0], $0xffff  }
0x13f: {  	v16 =	vadd.f32 v53, v16  }
0x140: {  	v55 =	vld.idx.msk [tilespmem:v3+s17+$0x0], $0xffff  }
0x141: {  	v16 =	vadd.f32 v54, v16  }
0x142: {  	v56 =	vld.idx.msk [tilespmem:v4+s17+$0x0], $0xffff  }
0x143: {  	v16 =	vadd.f32 v17, v16  }
0x144: {  	v17 =	vld.idx.msk [tilespmem:v5+s17+$0x0], $0xffff  }
0x145: {  	v16 =	vadd.f32 v55, v16  }
0x146: {  	v57 =	vld.idx.msk [tilespmem:v6+s17+$0x0], $0xffff  }
0x147: {  	v16 =	vadd.f32 v56, v16  }
0x148: {  	v58 =	vld.idx.msk [tilespmem:v7+s17+$0x0], $0xffff  }
0x149: {  	v16 =	vadd.f32 v17, v16  }
0x14a: {  	v17 =	vld.idx.msk [tilespmem:v8+s17+$0x0], $0xffff  }
0x14b: {  	v16 =	vadd.f32 v57, v16  }
0x14c: {  	v59 =	vld.idx.msk [tilespmem:v9+s17+$0x0], $0xffff  }
0x14d: {  	v16 =	vadd.f32 v58, v16  }
0x14e: {  	v60 =	vld.idx.msk [tilespmem:v10+s17+$0x0], $0xffff  }
0x14f: {  	v16 =	vadd.f32 v17, v16  }
0x150: {  	v17 =	vld.idx.msk [tilespmem:v11+s17+$0x0], $0xffff  }
0x151: {  	v16 =	vadd.f32 v59, v16  }
0x152: {  	v61 =	vld.idx.msk [tilespmem:v12+s17+$0x0], $0xffff  }
0x153: {  	v16 =	vadd.f32 v60, v16  }
0x154: {  	v62 =	vld.idx.msk [tilespmem:v13+s17+$0x0], $0xffff  }
0x155: {  	v16 =	vadd.f32 v17, v16  }
0x156: {  	v17 =	vld.idx.msk [tilespmem:v14+s17+$0x0], $0xffff  }
0x157: {  	v16 =	vadd.f32 v61, v16  }
0x158: {  	v63 =	vld.idx.msk [tilespmem:v15+s17+$0x0], $0xffff  }
0x159: {  	v16 =	vadd.f32 v62, v16  }
0x15a: {  	p0 =	sne.s32 s24, $0x1C0  }
.Ltmp0:
0x15b: {  	v16 =	vadd.f32 v17, v16;
	(pc) =	sbr.rel @p0 .LBB2_2-.Ltmp0, $3  }
0x15c: {  	_ = 	snop  }
0x15d: {  	v16 =	vadd.f32 v63, v16;
	_ =	sdelay $0x1  }
0x15e: {  	s24 =	sadd.s32 $0x40, s24;
	s21 =	sadd.s32 $0x400, s21;
	s22 =	sadd.s32 $0x400, s22;
	[tilespmem:s26+$0x10910] =	vst v16  }
0x15f: {  	s21 =	simm.s32 $0x0  }
0x160: {  	s22 =	simm.s32 $0xA7F0;
	s24 =	simm.s32 $0x27F0;
	s26 =	simm.s32 $0x0  }
.LBB2_4:
0x161: {  	v16 =	vld [tilespmem:s24+$0xFFFFFC10]  }
0x162: {  	v17 =	vld [tilespmem:s22+$0xFFFFFC10]  }
0x163: {  	v18 =	vld [tilespmem:s24+$0xFFFFFC20]  }
0x164: {  	v19 =	vld [tilespmem:s22+$0xFFFFFC20]  }
0x165: {  	v20 =	vld [tilespmem:s24+$0xFFFFFC30]  }
0x166: {  	v21 =	vld [tilespmem:s22+$0xFFFFFC30]  }
0x167: {  	v22 =	vld [tilespmem:s24+$0xFFFFFC40]  }
0x168: {  	v23 =	vld [tilespmem:s22+$0xFFFFFC40];
	_ =	sdelay $0x3  }
0x169: {  	v16 =	vmul.f32 v17, v16;
	v17 =	vmul.f32 v19, v18  }
0x16a: {  	v51 =	vmul.f32 v21, v20;
	v52 =	vmul.f32 v23, v22;
	_ =	sdelay $0x1  }
0x16b: {  	v16 =	vadd.f32 v51, v16;
	v17 =	vadd.f32 v52, v17;
	_ =	sdelay $0x1  }
0x16c: {  	v16 =	vadd.f32 v17, v16;
	_ =	sdelay $0x1  }
0x16d: {  	[tilespmem:$0x10800] =	vst v16  }
0x16e: {  	v16 =	vld [tilespmem:s24+$0xFFFFFC50]  }
0x16f: {  	v17 =	vld [tilespmem:s22+$0xFFFFFC50]  }
0x170: {  	v53 =	vld [tilespmem:s24+$0xFFFFFC60]  }
0x171: {  	v54 =	vld [tilespmem:s22+$0xFFFFFC60]  }
0x172: {  	v55 =	vld [tilespmem:s24+$0xFFFFFC70]  }
0x173: {  	v56 =	vld [tilespmem:s22+$0xFFFFFC70]  }
0x174: {  	v57 =	vld [tilespmem:s24+$0xFFFFFC80]  }
0x175: {  	v58 =	vld [tilespmem:s22+$0xFFFFFC80];
	_ =	sdelay $0x3  }
0x176: {  	v16 =	vmul.f32 v17, v16;
	v17 =	vmul.f32 v54, v53  }
0x177: {  	v59 =	vmul.f32 v56, v55;
	v60 =	vmul.f32 v58, v57;
	_ =	sdelay $0x1  }
0x178: {  	v16 =	vadd.f32 v59, v16;
	v17 =	vadd.f32 v60, v17;
	_ =	sdelay $0x1  }
0x179: {  	v16 =	vadd.f32 v17, v16;
	_ =	sdelay $0x1  }
0x17a: {  	[tilespmem:$0x10811] =	vst v16  }
0x17b: {  	v16 =	vld [tilespmem:s24+$0xFFFFFC90]  }
0x17c: {  	v17 =	vld [tilespmem:s22+$0xFFFFFC90]  }
0x17d: {  	v61 =	vld [tilespmem:s24+$0xFFFFFCA0]  }
0x17e: {  	v62 =	vld [tilespmem:s22+$0xFFFFFCA0]  }
0x17f: {  	v63 =	vld [tilespmem:s24+$0xFFFFFCB0]  }
0x180: {  	v24 =	vld [tilespmem:s22+$0xFFFFFCB0]  }
0x181: {  	v25 =	vld [tilespmem:s24+$0xFFFFFCC0]  }
0x182: {  	v26 =	vld [tilespmem:s22+$0xFFFFFCC0];
	_ =	sdelay $0x3  }
0x183: {  	v16 =	vmul.f32 v17, v16;
	v17 =	vmul.f32 v62, v61  }
0x184: {  	v27 =	vmul.f32 v24, v63;
	v28 =	vmul.f32 v26, v25;
	_ =	sdelay $0x1  }
0x185: {  	v16 =	vadd.f32 v27, v16;
	v17 =	vadd.f32 v28, v17;
	_ =	sdelay $0x1  }
0x186: {  	v16 =	vadd.f32 v17, v16;
	_ =	sdelay $0x1  }
0x187: {  	[tilespmem:$0x10822] =	vst v16  }
0x188: {  	v16 =	vld [tilespmem:s24+$0xFFFFFCD0]  }
0x189: {  	v17 =	vld [tilespmem:s22+$0xFFFFFCD0]  }
0x18a: {  	v29 =	vld [tilespmem:s24+$0xFFFFFCE0]  }
0x18b: {  	v30 =	vld [tilespmem:s22+$0xFFFFFCE0]  }
0x18c: {  	v31 =	vld [tilespmem:s24+$0xFFFFFCF0]  }
0x18d: {  	v32 =	vld [tilespmem:s22+$0xFFFFFCF0]  }
0x18e: {  	v33 =	vld [tilespmem:s24+$0xFFFFFD00]  }
0x18f: {  	v34 =	vld [tilespmem:s22+$0xFFFFFD00];
	_ =	sdelay $0x3  }
0x190: {  	v16 =	vmul.f32 v17, v16;
	v17 =	vmul.f32 v30, v29  }
0x191: {  	v35 =	vmul.f32 v32, v31;
	v36 =	vmul.f32 v34, v33;
	_ =	sdelay $0x1  }
0x192: {  	v16 =	vadd.f32 v35, v16;
	v17 =	vadd.f32 v36, v17;
	_ =	sdelay $0x1  }
0x193: {  	v16 =	vadd.f32 v17, v16;
	_ =	sdelay $0x1  }
0x194: {  	[tilespmem:$0x10833] =	vst v16  }
0x195: {  	v16 =	vld [tilespmem:s24+$0xFFFFFD10]  }
0x196: {  	v17 =	vld [tilespmem:s22+$0xFFFFFD10]  }
0x197: {  	v37 =	vld [tilespmem:s24+$0xFFFFFD20]  }
0x198: {  	v38 =	vld [tilespmem:s22+$0xFFFFFD20]  }
0x199: {  	v39 =	vld [tilespmem:s24+$0xFFFFFD30]  }
0x19a: {  	v40 =	vld [tilespmem:s22+$0xFFFFFD30]  }
0x19b: {  	v41 =	vld [tilespmem:s24+$0xFFFFFD40]  }
0x19c: {  	v42 =	vld [tilespmem:s22+$0xFFFFFD40];
	_ =	sdelay $0x3  }
0x19d: {  	v16 =	vmul.f32 v17, v16;
	v17 =	vmul.f32 v38, v37  }
0x19e: {  	v43 =	vmul.f32 v40, v39;
	v44 =	vmul.f32 v42, v41;
	_ =	sdelay $0x1  }
0x19f: {  	v16 =	vadd.f32 v43, v16;
	v17 =	vadd.f32 v44, v17;
	_ =	sdelay $0x1  }
0x1a0: {  	v16 =	vadd.f32 v17, v16;
	_ =	sdelay $0x1  }
0x1a1: {  	[tilespmem:$0x10844] =	vst v16  }
0x1a2: {  	v16 =	vld [tilespmem:s24+$0xFFFFFD50]  }
0x1a3: {  	v17 =	vld [tilespmem:s22+$0xFFFFFD50]  }
0x1a4: {  	v45 =	vld [tilespmem:s24+$0xFFFFFD60]  }
0x1a5: {  	v46 =	vld [tilespmem:s22+$0xFFFFFD60]  }
0x1a6: {  	v47 =	vld [tilespmem:s24+$0xFFFFFD70]  }
0x1a7: {  	v48 =	vld [tilespmem:s22+$0xFFFFFD70]  }
0x1a8: {  	v49 =	vld [tilespmem:s24+$0xFFFFFD80]  }
0x1a9: {  	v50 =	vld [tilespmem:s22+$0xFFFFFD80];
	_ =	sdelay $0x3  }
0x1aa: {  	v16 =	vmul.f32 v17, v16;
	v17 =	vmul.f32 v46, v45  }
0x1ab: {  	v51 =	vmul.f32 v48, v47;
	v52 =	vmul.f32 v50, v49;
	_ =	sdelay $0x1  }
0x1ac: {  	v16 =	vadd.f32 v51, v16;
	v17 =	vadd.f32 v52, v17;
	_ =	sdelay $0x1  }
0x1ad: {  	v16 =	vadd.f32 v17, v16;
	_ =	sdelay $0x1  }
0x1ae: {  	[tilespmem:$0x10855] =	vst v16  }
0x1af: {  	v16 =	vld [tilespmem:s24+$0xFFFFFD90]  }
0x1b0: {  	v17 =	vld [tilespmem:s22+$0xFFFFFD90]  }
0x1b1: {  	v53 =	vld [tilespmem:s24+$0xFFFFFDA0]  }
0x1b2: {  	v54 =	vld [tilespmem:s22+$0xFFFFFDA0]  }
0x1b3: {  	v55 =	vld [tilespmem:s24+$0xFFFFFDB0]  }
0x1b4: {  	v56 =	vld [tilespmem:s22+$0xFFFFFDB0]  }
0x1b5: {  	v57 =	vld [tilespmem:s24+$0xFFFFFDC0]  }
0x1b6: {  	v58 =	vld [tilespmem:s22+$0xFFFFFDC0];
	_ =	sdelay $0x3  }
0x1b7: {  	v16 =	vmul.f32 v17, v16;
	v17 =	vmul.f32 v54, v53  }
0x1b8: {  	v59 =	vmul.f32 v56, v55;
	v60 =	vmul.f32 v58, v57;
	_ =	sdelay $0x1  }
0x1b9: {  	v16 =	vadd.f32 v59, v16;
	v17 =	vadd.f32 v60, v17;
	_ =	sdelay $0x1  }
0x1ba: {  	v16 =	vadd.f32 v17, v16;
	_ =	sdelay $0x1  }
0x1bb: {  	[tilespmem:$0x10866] =	vst v16  }
0x1bc: {  	v16 =	vld [tilespmem:s24+$0xFFFFFDD0]  }
0x1bd: {  	v17 =	vld [tilespmem:s22+$0xFFFFFDD0]  }
0x1be: {  	v61 =	vld [tilespmem:s24+$0xFFFFFDE0]  }
0x1bf: {  	v62 =	vld [tilespmem:s22+$0xFFFFFDE0]  }
0x1c0: {  	v63 =	vld [tilespmem:s24+$0xFFFFFDF0]  }
0x1c1: {  	v24 =	vld [tilespmem:s22+$0xFFFFFDF0]  }
0x1c2: {  	v25 =	vld [tilespmem:s24+$0xFFFFFE00]  }
0x1c3: {  	v26 =	vld [tilespmem:s22+$0xFFFFFE00];
	_ =	sdelay $0x3  }
0x1c4: {  	v16 =	vmul.f32 v17, v16;
	v17 =	vmul.f32 v62, v61  }
0x1c5: {  	v27 =	vmul.f32 v24, v63;
	v28 =	vmul.f32 v26, v25;
	_ =	sdelay $0x1  }
0x1c6: {  	v16 =	vadd.f32 v27, v16;
	v17 =	vadd.f32 v28, v17;
	_ =	sdelay $0x1  }
0x1c7: {  	v16 =	vadd.f32 v17, v16;
	_ =	sdelay $0x1  }
0x1c8: {  	[tilespmem:$0x10877] =	vst v16  }
0x1c9: {  	v16 =	vld [tilespmem:s24+$0xFFFFFE10]  }
0x1ca: {  	v17 =	vld [tilespmem:s22+$0xFFFFFE10]  }
0x1cb: {  	v29 =	vld [tilespmem:s24+$0xFFFFFE20]  }
0x1cc: {  	v30 =	vld [tilespmem:s22+$0xFFFFFE20]  }
0x1cd: {  	v31 =	vld [tilespmem:s24+$0xFFFFFE30]  }
0x1ce: {  	v32 =	vld [tilespmem:s22+$0xFFFFFE30]  }
0x1cf: {  	v33 =	vld [tilespmem:s24+$0xFFFFFE40]  }
0x1d0: {  	v34 =	vld [tilespmem:s22+$0xFFFFFE40];
	_ =	sdelay $0x3  }
0x1d1: {  	v16 =	vmul.f32 v17, v16;
	v17 =	vmul.f32 v30, v29  }
0x1d2: {  	v35 =	vmul.f32 v32, v31;
	v36 =	vmul.f32 v34, v33;
	_ =	sdelay $0x1  }
0x1d3: {  	v16 =	vadd.f32 v35, v16;
	v17 =	vadd.f32 v36, v17;
	_ =	sdelay $0x1  }
0x1d4: {  	v16 =	vadd.f32 v17, v16;
	_ =	sdelay $0x1  }
0x1d5: {  	[tilespmem:$0x10888] =	vst v16  }
0x1d6: {  	v16 =	vld [tilespmem:s24+$0xFFFFFE50]  }
0x1d7: {  	v17 =	vld [tilespmem:s22+$0xFFFFFE50]  }
0x1d8: {  	v37 =	vld [tilespmem:s24+$0xFFFFFE60]  }
0x1d9: {  	v38 =	vld [tilespmem:s22+$0xFFFFFE60]  }
0x1da: {  	v39 =	vld [tilespmem:s24+$0xFFFFFE70]  }
0x1db: {  	v40 =	vld [tilespmem:s22+$0xFFFFFE70]  }
0x1dc: {  	v41 =	vld [tilespmem:s24+$0xFFFFFE80]  }
0x1dd: {  	v42 =	vld [tilespmem:s22+$0xFFFFFE80];
	_ =	sdelay $0x3  }
0x1de: {  	v16 =	vmul.f32 v17, v16;
	v17 =	vmul.f32 v38, v37  }
0x1df: {  	v43 =	vmul.f32 v40, v39;
	v44 =	vmul.f32 v42, v41;
	_ =	sdelay $0x1  }
0x1e0: {  	v16 =	vadd.f32 v43, v16;
	v17 =	vadd.f32 v44, v17;
	_ =	sdelay $0x1  }
0x1e1: {  	v16 =	vadd.f32 v17, v16;
	_ =	sdelay $0x1  }
0x1e2: {  	[tilespmem:$0x10899] =	vst v16  }
0x1e3: {  	v16 =	vld [tilespmem:s24+$0xFFFFFE90]  }
0x1e4: {  	v17 =	vld [tilespmem:s22+$0xFFFFFE90]  }
0x1e5: {  	v45 =	vld [tilespmem:s24+$0xFFFFFEA0]  }
0x1e6: {  	v46 =	vld [tilespmem:s22+$0xFFFFFEA0]  }
0x1e7: {  	v47 =	vld [tilespmem:s24+$0xFFFFFEB0]  }
0x1e8: {  	v48 =	vld [tilespmem:s22+$0xFFFFFEB0]  }
0x1e9: {  	v49 =	vld [tilespmem:s24+$0xFFFFFEC0]  }
0x1ea: {  	v50 =	vld [tilespmem:s22+$0xFFFFFEC0];
	_ =	sdelay $0x3  }
0x1eb: {  	v16 =	vmul.f32 v17, v16;
	v17 =	vmul.f32 v46, v45  }
0x1ec: {  	v51 =	vmul.f32 v48, v47;
	v52 =	vmul.f32 v50, v49;
	_ =	sdelay $0x1  }
0x1ed: {  	v16 =	vadd.f32 v51, v16;
	v17 =	vadd.f32 v52, v17;
	_ =	sdelay $0x1  }
0x1ee: {  	v16 =	vadd.f32 v17, v16;
	_ =	sdelay $0x1  }
0x1ef: {  	[tilespmem:$0x108AA] =	vst v16  }
0x1f0: {  	v16 =	vld [tilespmem:s24+$0xFFFFFED0]  }
0x1f1: {  	v17 =	vld [tilespmem:s22+$0xFFFFFED0]  }
0x1f2: {  	v53 =	vld [tilespmem:s24+$0xFFFFFEE0]  }
0x1f3: {  	v54 =	vld [tilespmem:s22+$0xFFFFFEE0]  }
0x1f4: {  	v55 =	vld [tilespmem:s24+$0xFFFFFEF0]  }
0x1f5: {  	v56 =	vld [tilespmem:s22+$0xFFFFFEF0]  }
0x1f6: {  	v57 =	vld [tilespmem:s24+$0xFFFFFF00]  }
0x1f7: {  	v58 =	vld [tilespmem:s22+$0xFFFFFF00];
	_ =	sdelay $0x3  }
0x1f8: {  	v16 =	vmul.f32 v17, v16;
	v17 =	vmul.f32 v54, v53  }
0x1f9: {  	v59 =	vmul.f32 v56, v55;
	v60 =	vmul.f32 v58, v57;
	_ =	sdelay $0x1  }
0x1fa: {  	v16 =	vadd.f32 v59, v16;
	v17 =	vadd.f32 v60, v17;
	_ =	sdelay $0x1  }
0x1fb: {  	v16 =	vadd.f32 v17, v16;
	_ =	sdelay $0x1  }
0x1fc: {  	[tilespmem:$0x108BB] =	vst v16  }
0x1fd: {  	v16 =	vld [tilespmem:s24+$0xFFFFFF10]  }
0x1fe: {  	v17 =	vld [tilespmem:s22+$0xFFFFFF10]  }
0x1ff: {  	v61 =	vld [tilespmem:s24+$0xFFFFFF20]  }
0x200: {  	v62 =	vld [tilespmem:s22+$0xFFFFFF20]  }
0x201: {  	v63 =	vld [tilespmem:s24+$0xFFFFFF30]  }
0x202: {  	v24 =	vld [tilespmem:s22+$0xFFFFFF30]  }
0x203: {  	v25 =	vld [tilespmem:s24+$0xFFFFFF40]  }
0x204: {  	v26 =	vld [tilespmem:s22+$0xFFFFFF40];
	_ =	sdelay $0x3  }
0x205: {  	v16 =	vmul.f32 v17, v16;
	v17 =	vmul.f32 v62, v61  }
0x206: {  	v27 =	vmul.f32 v24, v63;
	v28 =	vmul.f32 v26, v25;
	_ =	sdelay $0x1  }
0x207: {  	v16 =	vadd.f32 v27, v16;
	v17 =	vadd.f32 v28, v17;
	_ =	sdelay $0x1  }
0x208: {  	v16 =	vadd.f32 v17, v16;
	_ =	sdelay $0x1  }
0x209: {  	[tilespmem:$0x108CC] =	vst v16  }
0x20a: {  	v16 =	vld [tilespmem:s24+$0xFFFFFF50]  }
0x20b: {  	v17 =	vld [tilespmem:s22+$0xFFFFFF50]  }
0x20c: {  	v29 =	vld [tilespmem:s24+$0xFFFFFF60]  }
0x20d: {  	v30 =	vld [tilespmem:s22+$0xFFFFFF60]  }
0x20e: {  	v31 =	vld [tilespmem:s24+$0xFFFFFF70]  }
0x20f: {  	v32 =	vld [tilespmem:s22+$0xFFFFFF70]  }
0x210: {  	v33 =	vld [tilespmem:s24+$0xFFFFFF80]  }
0x211: {  	v34 =	vld [tilespmem:s22+$0xFFFFFF80];
	_ =	sdelay $0x3  }
0x212: {  	v16 =	vmul.f32 v17, v16;
	v17 =	vmul.f32 v30, v29  }
0x213: {  	v35 =	vmul.f32 v32, v31;
	v36 =	vmul.f32 v34, v33;
	_ =	sdelay $0x1  }
0x214: {  	v16 =	vadd.f32 v35, v16;
	v17 =	vadd.f32 v36, v17;
	_ =	sdelay $0x1  }
0x215: {  	v16 =	vadd.f32 v17, v16;
	_ =	sdelay $0x1  }
0x216: {  	[tilespmem:$0x108DD] =	vst v16  }
0x217: {  	v16 =	vld [tilespmem:s24+$0xFFFFFF90]  }
0x218: {  	v17 =	vld [tilespmem:s22+$0xFFFFFF90]  }
0x219: {  	v37 =	vld [tilespmem:s24+$0xFFFFFFA0]  }
0x21a: {  	v38 =	vld [tilespmem:s22+$0xFFFFFFA0]  }
0x21b: {  	v39 =	vld [tilespmem:s24+$0xFFFFFFB0]  }
0x21c: {  	v40 =	vld [tilespmem:s22+$0xFFFFFFB0]  }
0x21d: {  	v41 =	vld [tilespmem:s24+$0xFFFFFFC0]  }
0x21e: {  	v42 =	vld [tilespmem:s22+$0xFFFFFFC0];
	_ =	sdelay $0x3  }
0x21f: {  	v16 =	vmul.f32 v17, v16;
	v17 =	vmul.f32 v38, v37  }
0x220: {  	v43 =	vmul.f32 v40, v39;
	v44 =	vmul.f32 v42, v41;
	_ =	sdelay $0x1  }
0x221: {  	v16 =	vadd.f32 v43, v16;
	v17 =	vadd.f32 v44, v17;
	_ =	sdelay $0x1  }
0x222: {  	v16 =	vadd.f32 v17, v16;
	_ =	sdelay $0x1  }
0x223: {  	[tilespmem:$0x108EE] =	vst v16  }
0x224: {  	v16 =	vld [tilespmem:s24+$0xFFFFFFD0]  }
0x225: {  	v17 =	vld [tilespmem:s22+$0xFFFFFFD0]  }
0x226: {  	v45 =	vld [tilespmem:s24+$0xFFFFFFE0]  }
0x227: {  	v46 =	vld [tilespmem:s22+$0xFFFFFFE0]  }
0x228: {  	v47 =	vld [tilespmem:s24+$0xFFFFFFF0]  }
0x229: {  	v48 =	vld [tilespmem:s22+$0xFFFFFFF0]  }
0x22a: {  	v49 =	vld [tilespmem:s24+$0x0]  }
0x22b: {  	v50 =	vld [tilespmem:s22+$0x0];
	_ =	sdelay $0x3  }
0x22c: {  	v16 =	vmul.f32 v17, v16;
	v17 =	vmul.f32 v46, v45  }
0x22d: {  	v51 =	vmul.f32 v48, v47;
	v52 =	vmul.f32 v50, v49;
	_ =	sdelay $0x1  }
0x22e: {  	v16 =	vadd.f32 v51, v16;
	v17 =	vadd.f32 v52, v17;
	_ =	sdelay $0x1  }
0x22f: {  	v16 =	vadd.f32 v17, v16;
	_ =	sdelay $0x1  }
0x230: {  	s28 =	sshra.s32 s26, $0x2;
	[tilespmem:$0x108FF] =	vst v16  }
0x231: {  	v16 =	vld [tilespmem:s28+$0x10480]  }
0x232: {  	v17 =	vld [tilespmem:s28+$0x10680];
	_ =	sdelay $0x1  }
0x233: {  	v53 =	vld.idx.msk [tilespmem:v0+s17+$0x0], $0xffff;
	_ =	sdelay $0x1  }
0x234: {  	v54 =	vld.idx.msk [tilespmem:v1+s17+$0x0], $0xffff  }
0x235: {  	v16 =	vadd.f32 v17, v16  }
0x236: {  	v17 =	vld.idx.msk [tilespmem:v2+s17+$0x0], $0xffff  }
0x237: {  	v16 =	vadd.f32 v53, v16  }
0x238: {  	v55 =	vld.idx.msk [tilespmem:v3+s17+$0x0], $0xffff  }
0x239: {  	v16 =	vadd.f32 v54, v16  }
0x23a: {  	v56 =	vld.idx.msk [tilespmem:v4+s17+$0x0], $0xffff  }
0x23b: {  	v16 =	vadd.f32 v17, v16  }
0x23c: {  	v17 =	vld.idx.msk [tilespmem:v5+s17+$0x0], $0xffff  }
0x23d: {  	v16 =	vadd.f32 v55, v16  }
0x23e: {  	v57 =	vld.idx.msk [tilespmem:v6+s17+$0x0], $0xffff  }
0x23f: {  	v16 =	vadd.f32 v56, v16  }
0x240: {  	v58 =	vld.idx.msk [tilespmem:v7+s17+$0x0], $0xffff  }
0x241: {  	v16 =	vadd.f32 v17, v16  }
0x242: {  	v17 =	vld.idx.msk [tilespmem:v8+s17+$0x0], $0xffff  }
0x243: {  	v16 =	vadd.f32 v57, v16  }
0x244: {  	v59 =	vld.idx.msk [tilespmem:v9+s17+$0x0], $0xffff  }
0x245: {  	v16 =	vadd.f32 v58, v16  }
0x246: {  	v60 =	vld.idx.msk [tilespmem:v10+s17+$0x0], $0xffff  }
0x247: {  	v16 =	vadd.f32 v17, v16  }
0x248: {  	v17 =	vld.idx.msk [tilespmem:v11+s17+$0x0], $0xffff  }
0x249: {  	v16 =	vadd.f32 v59, v16  }
0x24a: {  	v61 =	vld.idx.msk [tilespmem:v12+s17+$0x0], $0xffff  }
0x24b: {  	v16 =	vadd.f32 v60, v16  }
0x24c: {  	v62 =	vld.idx.msk [tilespmem:v13+s17+$0x0], $0xffff  }
0x24d: {  	v16 =	vadd.f32 v17, v16  }
0x24e: {  	v17 =	vld.idx.msk [tilespmem:v14+s17+$0x0], $0xffff  }
0x24f: {  	v16 =	vadd.f32 v61, v16  }
0x250: {  	v63 =	vld.idx.msk [tilespmem:v15+s17+$0x0], $0xffff  }
0x251: {  	v16 =	vadd.f32 v62, v16  }
0x252: {  	p0 =	sne.s32 s26, $0x1C0  }
.Ltmp1:
0x253: {  	v16 =	vadd.f32 v17, v16;
	(pc) =	sbr.rel @p0 .LBB2_4-.Ltmp1, $3  }
0x254: {  	_ = 	snop  }
0x255: {  	v16 =	vadd.f32 v63, v16;
	_ =	sdelay $0x1  }
0x256: {  	s26 =	sadd.s32 $0x40, s26;
	s22 =	sadd.s32 $0x400, s22;
	s24 =	sadd.s32 $0x400, s24;
	[tilespmem:s28+$0x10990] =	vst v16  }
0x257: {  	s22 =	simm.s32 $0x10700;
	s24 =	simm.s32 $0x10500;
	s26 =	simm.s32 $0x10A10  }
.LBB2_6:
0x258: {  	s28 =	sshra.s32 s21, $0x2  }
0x259: {  	v16 =	vld [tilespmem:s28+$0x4400]  }
0x25a: {  	v17 =	vld [tilespmem:s28+$0xC400]  }
0x25b: {  	v18 =	vld [tilespmem:s28+$0x4410]  }
0x25c: {  	v19 =	vld [tilespmem:s28+$0xC410]  }
0x25d: {  	v20 =	vld [tilespmem:s28+$0x4420]  }
0x25e: {  	v21 =	vld [tilespmem:s28+$0xC420]  }
0x25f: {  	v22 =	vld [tilespmem:s28+$0x4430]  }
0x260: {  	v23 =	vld [tilespmem:s28+$0xC430];
	_ =	sdelay $0x3  }
0x261: {  	v16 =	vmul.f32 v17, v16;
	v17 =	vmul.f32 v19, v18  }
0x262: {  	v51 =	vmul.f32 v21, v20;
	v52 =	vmul.f32 v23, v22;
	_ =	sdelay $0x1  }
0x263: {  	v16 =	vadd.f32 v51, v16;
	v17 =	vadd.f32 v52, v17;
	_ =	sdelay $0x1  }
0x264: {  	v16 =	vadd.f32 v17, v16;
	_ =	sdelay $0x1  }
0x265: {  	[tilespmem:$0x10800] =	vst v16  }
0x266: {  	v16 =	vld [tilespmem:s28+$0x4440]  }
0x267: {  	v17 =	vld [tilespmem:s28+$0xC440]  }
0x268: {  	v53 =	vld [tilespmem:s28+$0x4450]  }
0x269: {  	v54 =	vld [tilespmem:s28+$0xC450]  }
0x26a: {  	v55 =	vld [tilespmem:s28+$0x4460]  }
0x26b: {  	v56 =	vld [tilespmem:s28+$0xC460]  }
0x26c: {  	v57 =	vld [tilespmem:s28+$0x4470]  }
0x26d: {  	v58 =	vld [tilespmem:s28+$0xC470];
	_ =	sdelay $0x3  }
0x26e: {  	v16 =	vmul.f32 v17, v16;
	v17 =	vmul.f32 v54, v53  }
0x26f: {  	v59 =	vmul.f32 v56, v55;
	v60 =	vmul.f32 v58, v57;
	_ =	sdelay $0x1  }
0x270: {  	v16 =	vadd.f32 v59, v16;
	v17 =	vadd.f32 v60, v17;
	_ =	sdelay $0x1  }
0x271: {  	v16 =	vadd.f32 v17, v16;
	_ =	sdelay $0x1  }
0x272: {  	[tilespmem:$0x10811] =	vst v16  }
0x273: {  	v16 =	vld [tilespmem:s28+$0x4480]  }
0x274: {  	v17 =	vld [tilespmem:s28+$0xC480]  }
0x275: {  	v61 =	vld [tilespmem:s28+$0x4490]  }
0x276: {  	v62 =	vld [tilespmem:s28+$0xC490]  }
0x277: {  	v63 =	vld [tilespmem:s28+$0x44A0]  }
0x278: {  	v24 =	vld [tilespmem:s28+$0xC4A0]  }
0x279: {  	v25 =	vld [tilespmem:s28+$0x44B0]  }
0x27a: {  	v26 =	vld [tilespmem:s28+$0xC4B0];
	_ =	sdelay $0x3  }
0x27b: {  	v16 =	vmul.f32 v17, v16;
	v17 =	vmul.f32 v62, v61  }
0x27c: {  	v27 =	vmul.f32 v24, v63;
	v28 =	vmul.f32 v26, v25;
	_ =	sdelay $0x1  }
0x27d: {  	v16 =	vadd.f32 v27, v16;
	v17 =	vadd.f32 v28, v17;
	_ =	sdelay $0x1  }
0x27e: {  	v16 =	vadd.f32 v17, v16;
	_ =	sdelay $0x1  }
0x27f: {  	[tilespmem:$0x10822] =	vst v16  }
0x280: {  	v16 =	vld [tilespmem:s28+$0x44C0]  }
0x281: {  	v17 =	vld [tilespmem:s28+$0xC4C0]  }
0x282: {  	v29 =	vld [tilespmem:s28+$0x44D0]  }
0x283: {  	v30 =	vld [tilespmem:s28+$0xC4D0]  }
0x284: {  	v31 =	vld [tilespmem:s28+$0x44E0]  }
0x285: {  	v32 =	vld [tilespmem:s28+$0xC4E0]  }
0x286: {  	v33 =	vld [tilespmem:s28+$0x44F0]  }
0x287: {  	v34 =	vld [tilespmem:s28+$0xC4F0];
	_ =	sdelay $0x3  }
0x288: {  	v16 =	vmul.f32 v17, v16;
	v17 =	vmul.f32 v30, v29  }
0x289: {  	v35 =	vmul.f32 v32, v31;
	v36 =	vmul.f32 v34, v33;
	_ =	sdelay $0x1  }
0x28a: {  	v16 =	vadd.f32 v35, v16;
	v17 =	vadd.f32 v36, v17;
	_ =	sdelay $0x1  }
0x28b: {  	v16 =	vadd.f32 v17, v16;
	_ =	sdelay $0x1  }
0x28c: {  	[tilespmem:$0x10833] =	vst v16  }
0x28d: {  	v16 =	vld [tilespmem:s28+$0x4500]  }
0x28e: {  	v17 =	vld [tilespmem:s28+$0xC500]  }
0x28f: {  	v37 =	vld [tilespmem:s28+$0x4510]  }
0x290: {  	v38 =	vld [tilespmem:s28+$0xC510]  }
0x291: {  	v39 =	vld [tilespmem:s28+$0x4520]  }
0x292: {  	v40 =	vld [tilespmem:s28+$0xC520]  }
0x293: {  	v41 =	vld [tilespmem:s28+$0x4530]  }
0x294: {  	v42 =	vld [tilespmem:s28+$0xC530];
	_ =	sdelay $0x3  }
0x295: {  	v16 =	vmul.f32 v17, v16;
	v17 =	vmul.f32 v38, v37  }
0x296: {  	v43 =	vmul.f32 v40, v39;
	v44 =	vmul.f32 v42, v41;
	_ =	sdelay $0x1  }
0x297: {  	v16 =	vadd.f32 v43, v16;
	v17 =	vadd.f32 v44, v17;
	_ =	sdelay $0x1  }
0x298: {  	v16 =	vadd.f32 v17, v16;
	_ =	sdelay $0x1  }
0x299: {  	[tilespmem:$0x10844] =	vst v16  }
0x29a: {  	v16 =	vld [tilespmem:s28+$0x4540]  }
0x29b: {  	v17 =	vld [tilespmem:s28+$0xC540]  }
0x29c: {  	v45 =	vld [tilespmem:s28+$0x4550]  }
0x29d: {  	v46 =	vld [tilespmem:s28+$0xC550]  }
0x29e: {  	v47 =	vld [tilespmem:s28+$0x4560]  }
0x29f: {  	v48 =	vld [tilespmem:s28+$0xC560]  }
0x2a0: {  	v49 =	vld [tilespmem:s28+$0x4570]  }
0x2a1: {  	v50 =	vld [tilespmem:s28+$0xC570];
	_ =	sdelay $0x3  }
0x2a2: {  	v16 =	vmul.f32 v17, v16;
	v17 =	vmul.f32 v46, v45  }
0x2a3: {  	v51 =	vmul.f32 v48, v47;
	v52 =	vmul.f32 v50, v49;
	_ =	sdelay $0x1  }
0x2a4: {  	v16 =	vadd.f32 v51, v16;
	v17 =	vadd.f32 v52, v17;
	_ =	sdelay $0x1  }
0x2a5: {  	v16 =	vadd.f32 v17, v16;
	_ =	sdelay $0x1  }
0x2a6: {  	[tilespmem:$0x10855] =	vst v16  }
0x2a7: {  	v16 =	vld [tilespmem:s28+$0x4580]  }
0x2a8: {  	v17 =	vld [tilespmem:s28+$0xC580]  }
0x2a9: {  	v53 =	vld [tilespmem:s28+$0x4590]  }
0x2aa: {  	v54 =	vld [tilespmem:s28+$0xC590]  }
0x2ab: {  	v55 =	vld [tilespmem:s28+$0x45A0]  }
0x2ac: {  	v56 =	vld [tilespmem:s28+$0xC5A0]  }
0x2ad: {  	v57 =	vld [tilespmem:s28+$0x45B0]  }
0x2ae: {  	v58 =	vld [tilespmem:s28+$0xC5B0];
	_ =	sdelay $0x3  }
0x2af: {  	v16 =	vmul.f32 v17, v16;
	v17 =	vmul.f32 v54, v53  }
0x2b0: {  	v59 =	vmul.f32 v56, v55;
	v60 =	vmul.f32 v58, v57;
	_ =	sdelay $0x1  }
0x2b1: {  	v16 =	vadd.f32 v59, v16;
	v17 =	vadd.f32 v60, v17;
	_ =	sdelay $0x1  }
0x2b2: {  	v16 =	vadd.f32 v17, v16;
	_ =	sdelay $0x1  }
0x2b3: {  	[tilespmem:$0x10866] =	vst v16  }
0x2b4: {  	v16 =	vld [tilespmem:s28+$0x45C0]  }
0x2b5: {  	v17 =	vld [tilespmem:s28+$0xC5C0]  }
0x2b6: {  	v61 =	vld [tilespmem:s28+$0x45D0]  }
0x2b7: {  	v62 =	vld [tilespmem:s28+$0xC5D0]  }
0x2b8: {  	v63 =	vld [tilespmem:s28+$0x45E0]  }
0x2b9: {  	v24 =	vld [tilespmem:s28+$0xC5E0]  }
0x2ba: {  	v25 =	vld [tilespmem:s28+$0x45F0]  }
0x2bb: {  	v26 =	vld [tilespmem:s28+$0xC5F0];
	_ =	sdelay $0x3  }
0x2bc: {  	v16 =	vmul.f32 v17, v16;
	v17 =	vmul.f32 v62, v61  }
0x2bd: {  	v27 =	vmul.f32 v24, v63;
	v28 =	vmul.f32 v26, v25;
	_ =	sdelay $0x1  }
0x2be: {  	v16 =	vadd.f32 v27, v16;
	v17 =	vadd.f32 v28, v17;
	_ =	sdelay $0x1  }
0x2bf: {  	v16 =	vadd.f32 v17, v16;
	_ =	sdelay $0x1  }
0x2c0: {  	[tilespmem:$0x10877] =	vst v16  }
0x2c1: {  	v16 =	vld [tilespmem:s28+$0x4600]  }
0x2c2: {  	v17 =	vld [tilespmem:s28+$0xC600]  }
0x2c3: {  	v29 =	vld [tilespmem:s28+$0x4610]  }
0x2c4: {  	v30 =	vld [tilespmem:s28+$0xC610]  }
0x2c5: {  	v31 =	vld [tilespmem:s28+$0x4620]  }
0x2c6: {  	v32 =	vld [tilespmem:s28+$0xC620]  }
0x2c7: {  	v33 =	vld [tilespmem:s28+$0x4630]  }
0x2c8: {  	v34 =	vld [tilespmem:s28+$0xC630];
	_ =	sdelay $0x3  }
0x2c9: {  	v16 =	vmul.f32 v17, v16;
	v17 =	vmul.f32 v30, v29  }
0x2ca: {  	v35 =	vmul.f32 v32, v31;
	v36 =	vmul.f32 v34, v33;
	_ =	sdelay $0x1  }
0x2cb: {  	v16 =	vadd.f32 v35, v16;
	v17 =	vadd.f32 v36, v17;
	_ =	sdelay $0x1  }
0x2cc: {  	v16 =	vadd.f32 v17, v16;
	_ =	sdelay $0x1  }
0x2cd: {  	[tilespmem:$0x10888] =	vst v16  }
0x2ce: {  	v16 =	vld [tilespmem:s28+$0x4640]  }
0x2cf: {  	v17 =	vld [tilespmem:s28+$0xC640]  }
0x2d0: {  	v37 =	vld [tilespmem:s28+$0x4650]  }
0x2d1: {  	v38 =	vld [tilespmem:s28+$0xC650]  }
0x2d2: {  	v39 =	vld [tilespmem:s28+$0x4660]  }
0x2d3: {  	v40 =	vld [tilespmem:s28+$0xC660]  }
0x2d4: {  	v41 =	vld [tilespmem:s28+$0x4670]  }
0x2d5: {  	v42 =	vld [tilespmem:s28+$0xC670];
	_ =	sdelay $0x3  }
0x2d6: {  	v16 =	vmul.f32 v17, v16;
	v17 =	vmul.f32 v38, v37  }
0x2d7: {  	v43 =	vmul.f32 v40, v39;
	v44 =	vmul.f32 v42, v41;
	_ =	sdelay $0x1  }
0x2d8: {  	v16 =	vadd.f32 v43, v16;
	v17 =	vadd.f32 v44, v17;
	_ =	sdelay $0x1  }
0x2d9: {  	v16 =	vadd.f32 v17, v16;
	_ =	sdelay $0x1  }
0x2da: {  	[tilespmem:$0x10899] =	vst v16  }
0x2db: {  	v16 =	vld [tilespmem:s28+$0x4680]  }
0x2dc: {  	v17 =	vld [tilespmem:s28+$0xC680]  }
0x2dd: {  	v45 =	vld [tilespmem:s28+$0x4690]  }
0x2de: {  	v46 =	vld [tilespmem:s28+$0xC690]  }
0x2df: {  	v47 =	vld [tilespmem:s28+$0x46A0]  }
0x2e0: {  	v48 =	vld [tilespmem:s28+$0xC6A0]  }
0x2e1: {  	v49 =	vld [tilespmem:s28+$0x46B0]  }
0x2e2: {  	v50 =	vld [tilespmem:s28+$0xC6B0];
	_ =	sdelay $0x3  }
0x2e3: {  	v16 =	vmul.f32 v17, v16;
	v17 =	vmul.f32 v46, v45  }
0x2e4: {  	v51 =	vmul.f32 v48, v47;
	v52 =	vmul.f32 v50, v49;
	_ =	sdelay $0x1  }
0x2e5: {  	v16 =	vadd.f32 v51, v16;
	v17 =	vadd.f32 v52, v17;
	_ =	sdelay $0x1  }
0x2e6: {  	v16 =	vadd.f32 v17, v16;
	_ =	sdelay $0x1  }
0x2e7: {  	[tilespmem:$0x108AA] =	vst v16  }
0x2e8: {  	v16 =	vld [tilespmem:s28+$0x46C0]  }
0x2e9: {  	v17 =	vld [tilespmem:s28+$0xC6C0]  }
0x2ea: {  	v53 =	vld [tilespmem:s28+$0x46D0]  }
0x2eb: {  	v54 =	vld [tilespmem:s28+$0xC6D0]  }
0x2ec: {  	v55 =	vld [tilespmem:s28+$0x46E0]  }
0x2ed: {  	v56 =	vld [tilespmem:s28+$0xC6E0]  }
0x2ee: {  	v57 =	vld [tilespmem:s28+$0x46F0]  }
0x2ef: {  	v58 =	vld [tilespmem:s28+$0xC6F0];
	_ =	sdelay $0x3  }
0x2f0: {  	v16 =	vmul.f32 v17, v16;
	v17 =	vmul.f32 v54, v53  }
0x2f1: {  	v59 =	vmul.f32 v56, v55;
	v60 =	vmul.f32 v58, v57;
	_ =	sdelay $0x1  }
0x2f2: {  	v16 =	vadd.f32 v59, v16;
	v17 =	vadd.f32 v60, v17;
	_ =	sdelay $0x1  }
0x2f3: {  	v16 =	vadd.f32 v17, v16;
	_ =	sdelay $0x1  }
0x2f4: {  	[tilespmem:$0x108BB] =	vst v16  }
0x2f5: {  	v16 =	vld [tilespmem:s28+$0x4700]  }
0x2f6: {  	v17 =	vld [tilespmem:s28+$0xC700]  }
0x2f7: {  	v61 =	vld [tilespmem:s28+$0x4710]  }
0x2f8: {  	v62 =	vld [tilespmem:s28+$0xC710]  }
0x2f9: {  	v63 =	vld [tilespmem:s28+$0x4720]  }
0x2fa: {  	v24 =	vld [tilespmem:s28+$0xC720]  }
0x2fb: {  	v25 =	vld [tilespmem:s28+$0x4730]  }
0x2fc: {  	v26 =	vld [tilespmem:s28+$0xC730];
	_ =	sdelay $0x3  }
0x2fd: {  	v16 =	vmul.f32 v17, v16;
	v17 =	vmul.f32 v62, v61  }
0x2fe: {  	v27 =	vmul.f32 v24, v63;
	v28 =	vmul.f32 v26, v25;
	_ =	sdelay $0x1  }
0x2ff: {  	v16 =	vadd.f32 v27, v16;
	v17 =	vadd.f32 v28, v17;
	_ =	sdelay $0x1  }
0x300: {  	v16 =	vadd.f32 v17, v16;
	_ =	sdelay $0x1  }
0x301: {  	[tilespmem:$0x108CC] =	vst v16  }
0x302: {  	v16 =	vld [tilespmem:s28+$0x4740]  }
0x303: {  	v17 =	vld [tilespmem:s28+$0xC740]  }
0x304: {  	v29 =	vld [tilespmem:s28+$0x4750]  }
0x305: {  	v30 =	vld [tilespmem:s28+$0xC750]  }
0x306: {  	v31 =	vld [tilespmem:s28+$0x4760]  }
0x307: {  	v32 =	vld [tilespmem:s28+$0xC760]  }
0x308: {  	v33 =	vld [tilespmem:s28+$0x4770]  }
0x309: {  	v34 =	vld [tilespmem:s28+$0xC770];
	_ =	sdelay $0x3  }
0x30a: {  	v16 =	vmul.f32 v17, v16;
	v17 =	vmul.f32 v30, v29  }
0x30b: {  	v35 =	vmul.f32 v32, v31;
	v36 =	vmul.f32 v34, v33;
	_ =	sdelay $0x1  }
0x30c: {  	v16 =	vadd.f32 v35, v16;
	v17 =	vadd.f32 v36, v17;
	_ =	sdelay $0x1  }
0x30d: {  	v16 =	vadd.f32 v17, v16;
	_ =	sdelay $0x1  }
0x30e: {  	[tilespmem:$0x108DD] =	vst v16  }
0x30f: {  	v16 =	vld [tilespmem:s28+$0x4780]  }
0x310: {  	v17 =	vld [tilespmem:s28+$0xC780]  }
0x311: {  	v37 =	vld [tilespmem:s28+$0x4790]  }
0x312: {  	v38 =	vld [tilespmem:s28+$0xC790]  }
0x313: {  	v39 =	vld [tilespmem:s28+$0x47A0]  }
0x314: {  	v40 =	vld [tilespmem:s28+$0xC7A0]  }
0x315: {  	v41 =	vld [tilespmem:s28+$0x47B0]  }
0x316: {  	v42 =	vld [tilespmem:s28+$0xC7B0];
	_ =	sdelay $0x3  }
0x317: {  	v16 =	vmul.f32 v17, v16;
	v17 =	vmul.f32 v38, v37  }
0x318: {  	v43 =	vmul.f32 v40, v39;
	v44 =	vmul.f32 v42, v41;
	_ =	sdelay $0x1  }
0x319: {  	v16 =	vadd.f32 v43, v16;
	v17 =	vadd.f32 v44, v17;
	_ =	sdelay $0x1  }
0x31a: {  	v16 =	vadd.f32 v17, v16;
	_ =	sdelay $0x1  }
0x31b: {  	[tilespmem:$0x108EE] =	vst v16  }
0x31c: {  	v16 =	vld [tilespmem:s28+$0x47C0]  }
0x31d: {  	v17 =	vld [tilespmem:s28+$0xC7C0]  }
0x31e: {  	v45 =	vld [tilespmem:s28+$0x47D0]  }
0x31f: {  	v46 =	vld [tilespmem:s28+$0xC7D0]  }
0x320: {  	v47 =	vld [tilespmem:s28+$0x47E0]  }
0x321: {  	v48 =	vld [tilespmem:s28+$0xC7E0]  }
0x322: {  	v49 =	vld [tilespmem:s28+$0x47F0]  }
0x323: {  	v50 =	vld [tilespmem:s28+$0xC7F0];
	_ =	sdelay $0x3  }
0x324: {  	v16 =	vmul.f32 v17, v16;
	v17 =	vmul.f32 v46, v45  }
0x325: {  	v51 =	vmul.f32 v48, v47;
	v52 =	vmul.f32 v50, v49;
	_ =	sdelay $0x1  }
0x326: {  	v16 =	vadd.f32 v51, v16;
	v17 =	vadd.f32 v52, v17;
	_ =	sdelay $0x1  }
0x327: {  	v16 =	vadd.f32 v17, v16;
	_ =	sdelay $0x1  }
0x328: {  	[tilespmem:$0x108FF] =	vst v16  }
0x329: {  	v16 =	vld [tilespmem:s24+$0x0]  }
0x32a: {  	v17 =	vld [tilespmem:s22+$0x0];
	_ =	sdelay $0x1  }
0x32b: {  	v53 =	vld.idx.msk [tilespmem:v0+s17+$0x0], $0xffff;
	_ =	sdelay $0x1  }
0x32c: {  	v54 =	vld.idx.msk [tilespmem:v1+s17+$0x0], $0xffff  }
0x32d: {  	v16 =	vadd.f32 v17, v16  }
0x32e: {  	v17 =	vld.idx.msk [tilespmem:v2+s17+$0x0], $0xffff  }
0x32f: {  	v16 =	vadd.f32 v53, v16  }
0x330: {  	v55 =	vld.idx.msk [tilespmem:v3+s17+$0x0], $0xffff  }
0x331: {  	v16 =	vadd.f32 v54, v16  }
0x332: {  	v56 =	vld.idx.msk [tilespmem:v4+s17+$0x0], $0xffff  }
0x333: {  	v16 =	vadd.f32 v17, v16  }
0x334: {  	v17 =	vld.idx.msk [tilespmem:v5+s17+$0x0], $0xffff  }
0x335: {  	v16 =	vadd.f32 v55, v16  }
0x336: {  	v57 =	vld.idx.msk [tilespmem:v6+s17+$0x0], $0xffff  }
0x337: {  	v16 =	vadd.f32 v56, v16  }
0x338: {  	v58 =	vld.idx.msk [tilespmem:v7+s17+$0x0], $0xffff  }
0x339: {  	v16 =	vadd.f32 v17, v16  }
0x33a: {  	v17 =	vld.idx.msk [tilespmem:v8+s17+$0x0], $0xffff  }
0x33b: {  	v16 =	vadd.f32 v57, v16  }
0x33c: {  	v59 =	vld.idx.msk [tilespmem:v9+s17+$0x0], $0xffff  }
0x33d: {  	v16 =	vadd.f32 v58, v16  }
0x33e: {  	v60 =	vld.idx.msk [tilespmem:v10+s17+$0x0], $0xffff  }
0x33f: {  	v16 =	vadd.f32 v17, v16  }
0x340: {  	v17 =	vld.idx.msk [tilespmem:v11+s17+$0x0], $0xffff  }
0x341: {  	v16 =	vadd.f32 v59, v16  }
0x342: {  	v61 =	vld.idx.msk [tilespmem:v12+s17+$0x0], $0xffff  }
0x343: {  	v16 =	vadd.f32 v60, v16  }
0x344: {  	v62 =	vld.idx.msk [tilespmem:v13+s17+$0x0], $0xffff  }
0x345: {  	v16 =	vadd.f32 v17, v16  }
0x346: {  	v17 =	vld.idx.msk [tilespmem:v14+s17+$0x0], $0xffff  }
0x347: {  	v16 =	vadd.f32 v61, v16  }
0x348: {  	v63 =	vld.idx.msk [tilespmem:v15+s17+$0x0], $0xffff  }
0x349: {  	v16 =	vadd.f32 v62, v16  }
0x34a: {  	p0 =	sne.s32 s21, $0x7000  }
.Ltmp2:
0x34b: {  	v16 =	vadd.f32 v17, v16;
	(pc) =	sbr.rel @p0 .LBB2_6-.Ltmp2, $4  }
0x34c: {  	_ = 	snop  }
0x34d: {  	v16 =	vadd.f32 v63, v16  }
0x34e: {  	s21 =	sadd.s32 $0x1000, s21  }
0x34f: {  	s22 =	sadd.s32 $0x10, s22;
	s24 =	sadd.s32 $0x10, s24;
	[tilespmem:s26+$0x0] =	vst v16;
	s26 =	sadd.s32 $0x10, s26  }
0x350: {  	s21 =	simm.s32 $0x0  }
0x351: {  	s22 =	simm.s32 $0x10780;
	s24 =	simm.s32 $0x10580;
	s26 =	simm.s32 $0x10A90  }
.LBB2_8:
0x352: {  	s28 =	sshra.s32 s21, $0x2  }
0x353: {  	v16 =	vld [tilespmem:s28+$0x6400]  }
0x354: {  	v17 =	vld [tilespmem:s28+$0xE400]  }
0x355: {  	v18 =	vld [tilespmem:s28+$0x6410]  }
0x356: {  	v19 =	vld [tilespmem:s28+$0xE410]  }
0x357: {  	v20 =	vld [tilespmem:s28+$0x6420]  }
0x358: {  	v21 =	vld [tilespmem:s28+$0xE420]  }
0x359: {  	v22 =	vld [tilespmem:s28+$0x6430]  }
0x35a: {  	v23 =	vld [tilespmem:s28+$0xE430];
	_ =	sdelay $0x3  }
0x35b: {  	v16 =	vmul.f32 v17, v16;
	v17 =	vmul.f32 v19, v18  }
0x35c: {  	v51 =	vmul.f32 v21, v20;
	v52 =	vmul.f32 v23, v22;
	_ =	sdelay $0x1  }
0x35d: {  	v16 =	vadd.f32 v51, v16;
	v17 =	vadd.f32 v52, v17;
	_ =	sdelay $0x1  }
0x35e: {  	v16 =	vadd.f32 v17, v16;
	_ =	sdelay $0x1  }
0x35f: {  	[tilespmem:$0x10800] =	vst v16  }
0x360: {  	v16 =	vld [tilespmem:s28+$0x6440]  }
0x361: {  	v17 =	vld [tilespmem:s28+$0xE440]  }
0x362: {  	v53 =	vld [tilespmem:s28+$0x6450]  }
0x363: {  	v54 =	vld [tilespmem:s28+$0xE450]  }
0x364: {  	v55 =	vld [tilespmem:s28+$0x6460]  }
0x365: {  	v56 =	vld [tilespmem:s28+$0xE460]  }
0x366: {  	v57 =	vld [tilespmem:s28+$0x6470]  }
0x367: {  	v58 =	vld [tilespmem:s28+$0xE470];
	_ =	sdelay $0x3  }
0x368: {  	v16 =	vmul.f32 v17, v16;
	v17 =	vmul.f32 v54, v53  }
0x369: {  	v59 =	vmul.f32 v56, v55;
	v60 =	vmul.f32 v58, v57;
	_ =	sdelay $0x1  }
0x36a: {  	v16 =	vadd.f32 v59, v16;
	v17 =	vadd.f32 v60, v17;
	_ =	sdelay $0x1  }
0x36b: {  	v16 =	vadd.f32 v17, v16;
	_ =	sdelay $0x1  }
0x36c: {  	[tilespmem:$0x10811] =	vst v16  }
0x36d: {  	v16 =	vld [tilespmem:s28+$0x6480]  }
0x36e: {  	v17 =	vld [tilespmem:s28+$0xE480]  }
0x36f: {  	v61 =	vld [tilespmem:s28+$0x6490]  }
0x370: {  	v62 =	vld [tilespmem:s28+$0xE490]  }
0x371: {  	v63 =	vld [tilespmem:s28+$0x64A0]  }
0x372: {  	v24 =	vld [tilespmem:s28+$0xE4A0]  }
0x373: {  	v25 =	vld [tilespmem:s28+$0x64B0]  }
0x374: {  	v26 =	vld [tilespmem:s28+$0xE4B0];
	_ =	sdelay $0x3  }
0x375: {  	v16 =	vmul.f32 v17, v16;
	v17 =	vmul.f32 v62, v61  }
0x376: {  	v27 =	vmul.f32 v24, v63;
	v28 =	vmul.f32 v26, v25;
	_ =	sdelay $0x1  }
0x377: {  	v16 =	vadd.f32 v27, v16;
	v17 =	vadd.f32 v28, v17;
	_ =	sdelay $0x1  }
0x378: {  	v16 =	vadd.f32 v17, v16;
	_ =	sdelay $0x1  }
0x379: {  	[tilespmem:$0x10822] =	vst v16  }
0x37a: {  	v16 =	vld [tilespmem:s28+$0x64C0]  }
0x37b: {  	v17 =	vld [tilespmem:s28+$0xE4C0]  }
0x37c: {  	v29 =	vld [tilespmem:s28+$0x64D0]  }
0x37d: {  	v30 =	vld [tilespmem:s28+$0xE4D0]  }
0x37e: {  	v31 =	vld [tilespmem:s28+$0x64E0]  }
0x37f: {  	v32 =	vld [tilespmem:s28+$0xE4E0]  }
0x380: {  	v33 =	vld [tilespmem:s28+$0x64F0]  }
0x381: {  	v34 =	vld [tilespmem:s28+$0xE4F0];
	_ =	sdelay $0x3  }
0x382: {  	v16 =	vmul.f32 v17, v16;
	v17 =	vmul.f32 v30, v29  }
0x383: {  	v35 =	vmul.f32 v32, v31;
	v36 =	vmul.f32 v34, v33;
	_ =	sdelay $0x1  }
0x384: {  	v16 =	vadd.f32 v35, v16;
	v17 =	vadd.f32 v36, v17;
	_ =	sdelay $0x1  }
0x385: {  	v16 =	vadd.f32 v17, v16;
	_ =	sdelay $0x1  }
0x386: {  	[tilespmem:$0x10833] =	vst v16  }
0x387: {  	v16 =	vld [tilespmem:s28+$0x6500]  }
0x388: {  	v17 =	vld [tilespmem:s28+$0xE500]  }
0x389: {  	v37 =	vld [tilespmem:s28+$0x6510]  }
0x38a: {  	v38 =	vld [tilespmem:s28+$0xE510]  }
0x38b: {  	v39 =	vld [tilespmem:s28+$0x6520]  }
0x38c: {  	v40 =	vld [tilespmem:s28+$0xE520]  }
0x38d: {  	v41 =	vld [tilespmem:s28+$0x6530]  }
0x38e: {  	v42 =	vld [tilespmem:s28+$0xE530];
	_ =	sdelay $0x3  }
0x38f: {  	v16 =	vmul.f32 v17, v16;
	v17 =	vmul.f32 v38, v37  }
0x390: {  	v43 =	vmul.f32 v40, v39;
	v44 =	vmul.f32 v42, v41;
	_ =	sdelay $0x1  }
0x391: {  	v16 =	vadd.f32 v43, v16;
	v17 =	vadd.f32 v44, v17;
	_ =	sdelay $0x1  }
0x392: {  	v16 =	vadd.f32 v17, v16;
	_ =	sdelay $0x1  }
0x393: {  	[tilespmem:$0x10844] =	vst v16  }
0x394: {  	v16 =	vld [tilespmem:s28+$0x6540]  }
0x395: {  	v17 =	vld [tilespmem:s28+$0xE540]  }
0x396: {  	v45 =	vld [tilespmem:s28+$0x6550]  }
0x397: {  	v46 =	vld [tilespmem:s28+$0xE550]  }
0x398: {  	v47 =	vld [tilespmem:s28+$0x6560]  }
0x399: {  	v48 =	vld [tilespmem:s28+$0xE560]  }
0x39a: {  	v49 =	vld [tilespmem:s28+$0x6570]  }
0x39b: {  	v50 =	vld [tilespmem:s28+$0xE570];
	_ =	sdelay $0x3  }
0x39c: {  	v16 =	vmul.f32 v17, v16;
	v17 =	vmul.f32 v46, v45  }
0x39d: {  	v51 =	vmul.f32 v48, v47;
	v52 =	vmul.f32 v50, v49;
	_ =	sdelay $0x1  }
0x39e: {  	v16 =	vadd.f32 v51, v16;
	v17 =	vadd.f32 v52, v17;
	_ =	sdelay $0x1  }
0x39f: {  	v16 =	vadd.f32 v17, v16;
	_ =	sdelay $0x1  }
0x3a0: {  	[tilespmem:$0x10855] =	vst v16  }
0x3a1: {  	v16 =	vld [tilespmem:s28+$0x6580]  }
0x3a2: {  	v17 =	vld [tilespmem:s28+$0xE580]  }
0x3a3: {  	v53 =	vld [tilespmem:s28+$0x6590]  }
0x3a4: {  	v54 =	vld [tilespmem:s28+$0xE590]  }
0x3a5: {  	v55 =	vld [tilespmem:s28+$0x65A0]  }
0x3a6: {  	v56 =	vld [tilespmem:s28+$0xE5A0]  }
0x3a7: {  	v57 =	vld [tilespmem:s28+$0x65B0]  }
0x3a8: {  	v58 =	vld [tilespmem:s28+$0xE5B0];
	_ =	sdelay $0x3  }
0x3a9: {  	v16 =	vmul.f32 v17, v16;
	v17 =	vmul.f32 v54, v53  }
0x3aa: {  	v59 =	vmul.f32 v56, v55;
	v60 =	vmul.f32 v58, v57;
	_ =	sdelay $0x1  }
0x3ab: {  	v16 =	vadd.f32 v59, v16;
	v17 =	vadd.f32 v60, v17;
	_ =	sdelay $0x1  }
0x3ac: {  	v16 =	vadd.f32 v17, v16;
	_ =	sdelay $0x1  }
0x3ad: {  	[tilespmem:$0x10866] =	vst v16  }
0x3ae: {  	v16 =	vld [tilespmem:s28+$0x65C0]  }
0x3af: {  	v17 =	vld [tilespmem:s28+$0xE5C0]  }
0x3b0: {  	v61 =	vld [tilespmem:s28+$0x65D0]  }
0x3b1: {  	v62 =	vld [tilespmem:s28+$0xE5D0]  }
0x3b2: {  	v63 =	vld [tilespmem:s28+$0x65E0]  }
0x3b3: {  	v24 =	vld [tilespmem:s28+$0xE5E0]  }
0x3b4: {  	v25 =	vld [tilespmem:s28+$0x65F0]  }
0x3b5: {  	v26 =	vld [tilespmem:s28+$0xE5F0];
	_ =	sdelay $0x3  }
0x3b6: {  	v16 =	vmul.f32 v17, v16;
	v17 =	vmul.f32 v62, v61  }
0x3b7: {  	v27 =	vmul.f32 v24, v63;
	v28 =	vmul.f32 v26, v25;
	_ =	sdelay $0x1  }
0x3b8: {  	v16 =	vadd.f32 v27, v16;
	v17 =	vadd.f32 v28, v17;
	_ =	sdelay $0x1  }
0x3b9: {  	v16 =	vadd.f32 v17, v16;
	_ =	sdelay $0x1  }
0x3ba: {  	[tilespmem:$0x10877] =	vst v16  }
0x3bb: {  	v16 =	vld [tilespmem:s28+$0x6600]  }
0x3bc: {  	v17 =	vld [tilespmem:s28+$0xE600]  }
0x3bd: {  	v29 =	vld [tilespmem:s28+$0x6610]  }
0x3be: {  	v30 =	vld [tilespmem:s28+$0xE610]  }
0x3bf: {  	v31 =	vld [tilespmem:s28+$0x6620]  }
0x3c0: {  	v32 =	vld [tilespmem:s28+$0xE620]  }
0x3c1: {  	v33 =	vld [tilespmem:s28+$0x6630]  }
0x3c2: {  	v34 =	vld [tilespmem:s28+$0xE630];
	_ =	sdelay $0x3  }
0x3c3: {  	v16 =	vmul.f32 v17, v16;
	v17 =	vmul.f32 v30, v29  }
0x3c4: {  	v35 =	vmul.f32 v32, v31;
	v36 =	vmul.f32 v34, v33;
	_ =	sdelay $0x1  }
0x3c5: {  	v16 =	vadd.f32 v35, v16;
	v17 =	vadd.f32 v36, v17;
	_ =	sdelay $0x1  }
0x3c6: {  	v16 =	vadd.f32 v17, v16;
	_ =	sdelay $0x1  }
0x3c7: {  	[tilespmem:$0x10888] =	vst v16  }
0x3c8: {  	v16 =	vld [tilespmem:s28+$0x6640]  }
0x3c9: {  	v17 =	vld [tilespmem:s28+$0xE640]  }
0x3ca: {  	v37 =	vld [tilespmem:s28+$0x6650]  }
0x3cb: {  	v38 =	vld [tilespmem:s28+$0xE650]  }
0x3cc: {  	v39 =	vld [tilespmem:s28+$0x6660]  }
0x3cd: {  	v40 =	vld [tilespmem:s28+$0xE660]  }
0x3ce: {  	v41 =	vld [tilespmem:s28+$0x6670]  }
0x3cf: {  	v42 =	vld [tilespmem:s28+$0xE670];
	_ =	sdelay $0x3  }
0x3d0: {  	v16 =	vmul.f32 v17, v16;
	v17 =	vmul.f32 v38, v37  }
0x3d1: {  	v43 =	vmul.f32 v40, v39;
	v44 =	vmul.f32 v42, v41;
	_ =	sdelay $0x1  }
0x3d2: {  	v16 =	vadd.f32 v43, v16;
	v17 =	vadd.f32 v44, v17;
	_ =	sdelay $0x1  }
0x3d3: {  	v16 =	vadd.f32 v17, v16;
	_ =	sdelay $0x1  }
0x3d4: {  	[tilespmem:$0x10899] =	vst v16  }
0x3d5: {  	v16 =	vld [tilespmem:s28+$0x6680]  }
0x3d6: {  	v17 =	vld [tilespmem:s28+$0xE680]  }
0x3d7: {  	v45 =	vld [tilespmem:s28+$0x6690]  }
0x3d8: {  	v46 =	vld [tilespmem:s28+$0xE690]  }
0x3d9: {  	v47 =	vld [tilespmem:s28+$0x66A0]  }
0x3da: {  	v48 =	vld [tilespmem:s28+$0xE6A0]  }
0x3db: {  	v49 =	vld [tilespmem:s28+$0x66B0]  }
0x3dc: {  	v50 =	vld [tilespmem:s28+$0xE6B0];
	_ =	sdelay $0x3  }
0x3dd: {  	v16 =	vmul.f32 v17, v16;
	v17 =	vmul.f32 v46, v45  }
0x3de: {  	v51 =	vmul.f32 v48, v47;
	v52 =	vmul.f32 v50, v49;
	_ =	sdelay $0x1  }
0x3df: {  	v16 =	vadd.f32 v51, v16;
	v17 =	vadd.f32 v52, v17;
	_ =	sdelay $0x1  }
0x3e0: {  	v16 =	vadd.f32 v17, v16;
	_ =	sdelay $0x1  }
0x3e1: {  	[tilespmem:$0x108AA] =	vst v16  }
0x3e2: {  	v16 =	vld [tilespmem:s28+$0x66C0]  }
0x3e3: {  	v17 =	vld [tilespmem:s28+$0xE6C0]  }
0x3e4: {  	v53 =	vld [tilespmem:s28+$0x66D0]  }
0x3e5: {  	v54 =	vld [tilespmem:s28+$0xE6D0]  }
0x3e6: {  	v55 =	vld [tilespmem:s28+$0x66E0]  }
0x3e7: {  	v56 =	vld [tilespmem:s28+$0xE6E0]  }
0x3e8: {  	v57 =	vld [tilespmem:s28+$0x66F0]  }
0x3e9: {  	v58 =	vld [tilespmem:s28+$0xE6F0];
	_ =	sdelay $0x3  }
0x3ea: {  	v16 =	vmul.f32 v17, v16;
	v17 =	vmul.f32 v54, v53  }
0x3eb: {  	v59 =	vmul.f32 v56, v55;
	v60 =	vmul.f32 v58, v57;
	_ =	sdelay $0x1  }
0x3ec: {  	v16 =	vadd.f32 v59, v16;
	v17 =	vadd.f32 v60, v17;
	_ =	sdelay $0x1  }
0x3ed: {  	v16 =	vadd.f32 v17, v16;
	_ =	sdelay $0x1  }
0x3ee: {  	[tilespmem:$0x108BB] =	vst v16  }
0x3ef: {  	v16 =	vld [tilespmem:s28+$0x6700]  }
0x3f0: {  	v17 =	vld [tilespmem:s28+$0xE700]  }
0x3f1: {  	v61 =	vld [tilespmem:s28+$0x6710]  }
0x3f2: {  	v62 =	vld [tilespmem:s28+$0xE710]  }
0x3f3: {  	v63 =	vld [tilespmem:s28+$0x6720]  }
0x3f4: {  	v24 =	vld [tilespmem:s28+$0xE720]  }
0x3f5: {  	v25 =	vld [tilespmem:s28+$0x6730]  }
0x3f6: {  	v26 =	vld [tilespmem:s28+$0xE730];
	_ =	sdelay $0x3  }
0x3f7: {  	v16 =	vmul.f32 v17, v16;
	v17 =	vmul.f32 v62, v61  }
0x3f8: {  	v27 =	vmul.f32 v24, v63;
	v28 =	vmul.f32 v26, v25;
	_ =	sdelay $0x1  }
0x3f9: {  	v16 =	vadd.f32 v27, v16;
	v17 =	vadd.f32 v28, v17;
	_ =	sdelay $0x1  }
0x3fa: {  	v16 =	vadd.f32 v17, v16;
	_ =	sdelay $0x1  }
0x3fb: {  	[tilespmem:$0x108CC] =	vst v16  }
0x3fc: {  	v16 =	vld [tilespmem:s28+$0x6740]  }
0x3fd: {  	v17 =	vld [tilespmem:s28+$0xE740]  }
0x3fe: {  	v29 =	vld [tilespmem:s28+$0x6750]  }
0x3ff: {  	v30 =	vld [tilespmem:s28+$0xE750]  }
0x400: {  	v31 =	vld [tilespmem:s28+$0x6760]  }
0x401: {  	v32 =	vld [tilespmem:s28+$0xE760]  }
0x402: {  	v33 =	vld [tilespmem:s28+$0x6770]  }
0x403: {  	v34 =	vld [tilespmem:s28+$0xE770];
	_ =	sdelay $0x3  }
0x404: {  	v16 =	vmul.f32 v17, v16;
	v17 =	vmul.f32 v30, v29  }
0x405: {  	v35 =	vmul.f32 v32, v31;
	v36 =	vmul.f32 v34, v33;
	_ =	sdelay $0x1  }
0x406: {  	v16 =	vadd.f32 v35, v16;
	v17 =	vadd.f32 v36, v17;
	_ =	sdelay $0x1  }
0x407: {  	v16 =	vadd.f32 v17, v16;
	_ =	sdelay $0x1  }
0x408: {  	[tilespmem:$0x108DD] =	vst v16  }
0x409: {  	v16 =	vld [tilespmem:s28+$0x6780]  }
0x40a: {  	v17 =	vld [tilespmem:s28+$0xE780]  }
0x40b: {  	v37 =	vld [tilespmem:s28+$0x6790]  }
0x40c: {  	v38 =	vld [tilespmem:s28+$0xE790]  }
0x40d: {  	v39 =	vld [tilespmem:s28+$0x67A0]  }
0x40e: {  	v40 =	vld [tilespmem:s28+$0xE7A0]  }
0x40f: {  	v41 =	vld [tilespmem:s28+$0x67B0]  }
0x410: {  	v42 =	vld [tilespmem:s28+$0xE7B0];
	_ =	sdelay $0x3  }
0x411: {  	v16 =	vmul.f32 v17, v16;
	v17 =	vmul.f32 v38, v37  }
0x412: {  	v43 =	vmul.f32 v40, v39;
	v44 =	vmul.f32 v42, v41;
	_ =	sdelay $0x1  }
0x413: {  	v16 =	vadd.f32 v43, v16;
	v17 =	vadd.f32 v44, v17;
	_ =	sdelay $0x1  }
0x414: {  	v16 =	vadd.f32 v17, v16;
	_ =	sdelay $0x1  }
0x415: {  	[tilespmem:$0x108EE] =	vst v16  }
0x416: {  	v16 =	vld [tilespmem:s28+$0x67C0]  }
0x417: {  	v17 =	vld [tilespmem:s28+$0xE7C0]  }
0x418: {  	v45 =	vld [tilespmem:s28+$0x67D0]  }
0x419: {  	v46 =	vld [tilespmem:s28+$0xE7D0]  }
0x41a: {  	v47 =	vld [tilespmem:s28+$0x67E0]  }
0x41b: {  	v48 =	vld [tilespmem:s28+$0xE7E0]  }
0x41c: {  	v49 =	vld [tilespmem:s28+$0x67F0]  }
0x41d: {  	v50 =	vld [tilespmem:s28+$0xE7F0];
	_ =	sdelay $0x3  }
0x41e: {  	v16 =	vmul.f32 v17, v16;
	v17 =	vmul.f32 v46, v45  }
0x41f: {  	v51 =	vmul.f32 v48, v47;
	v52 =	vmul.f32 v50, v49;
	_ =	sdelay $0x1  }
0x420: {  	v16 =	vadd.f32 v51, v16;
	v17 =	vadd.f32 v52, v17;
	_ =	sdelay $0x1  }
0x421: {  	v16 =	vadd.f32 v17, v16;
	_ =	sdelay $0x1  }
0x422: {  	[tilespmem:$0x108FF] =	vst v16  }
0x423: {  	v16 =	vld [tilespmem:s24+$0x0]  }
0x424: {  	v17 =	vld [tilespmem:s22+$0x0];
	_ =	sdelay $0x1  }
0x425: {  	v53 =	vld.idx.msk [tilespmem:v0+s17+$0x0], $0xffff;
	_ =	sdelay $0x1  }
0x426: {  	v54 =	vld.idx.msk [tilespmem:v1+s17+$0x0], $0xffff  }
0x427: {  	v16 =	vadd.f32 v17, v16  }
0x428: {  	v17 =	vld.idx.msk [tilespmem:v2+s17+$0x0], $0xffff  }
0x429: {  	v16 =	vadd.f32 v53, v16  }
0x42a: {  	v55 =	vld.idx.msk [tilespmem:v3+s17+$0x0], $0xffff  }
0x42b: {  	v16 =	vadd.f32 v54, v16  }
0x42c: {  	v56 =	vld.idx.msk [tilespmem:v4+s17+$0x0], $0xffff  }
0x42d: {  	v16 =	vadd.f32 v17, v16  }
0x42e: {  	v17 =	vld.idx.msk [tilespmem:v5+s17+$0x0], $0xffff  }
0x42f: {  	v16 =	vadd.f32 v55, v16  }
0x430: {  	v57 =	vld.idx.msk [tilespmem:v6+s17+$0x0], $0xffff  }
0x431: {  	v16 =	vadd.f32 v56, v16  }
0x432: {  	v58 =	vld.idx.msk [tilespmem:v7+s17+$0x0], $0xffff  }
0x433: {  	v16 =	vadd.f32 v17, v16  }
0x434: {  	v17 =	vld.idx.msk [tilespmem:v8+s17+$0x0], $0xffff  }
0x435: {  	v16 =	vadd.f32 v57, v16  }
0x436: {  	v59 =	vld.idx.msk [tilespmem:v9+s17+$0x0], $0xffff  }
0x437: {  	v16 =	vadd.f32 v58, v16  }
0x438: {  	v60 =	vld.idx.msk [tilespmem:v10+s17+$0x0], $0xffff  }
0x439: {  	v16 =	vadd.f32 v17, v16  }
0x43a: {  	v17 =	vld.idx.msk [tilespmem:v11+s17+$0x0], $0xffff  }
0x43b: {  	v16 =	vadd.f32 v59, v16  }
0x43c: {  	v61 =	vld.idx.msk [tilespmem:v12+s17+$0x0], $0xffff  }
0x43d: {  	v16 =	vadd.f32 v60, v16  }
0x43e: {  	v62 =	vld.idx.msk [tilespmem:v13+s17+$0x0], $0xffff  }
0x43f: {  	v16 =	vadd.f32 v17, v16  }
0x440: {  	v17 =	vld.idx.msk [tilespmem:v14+s17+$0x0], $0xffff  }
0x441: {  	v16 =	vadd.f32 v61, v16  }
0x442: {  	v63 =	vld.idx.msk [tilespmem:v15+s17+$0x0], $0xffff  }
0x443: {  	v16 =	vadd.f32 v62, v16  }
0x444: {  	p0 =	sne.s32 s21, $0x7000  }
.Ltmp3:
0x445: {  	v16 =	vadd.f32 v17, v16;
	(pc) =	sbr.rel @p0 .LBB2_8-.Ltmp3, $4  }
0x446: {  	_ = 	snop  }
0x447: {  	v16 =	vadd.f32 v63, v16  }
0x448: {  	s21 =	sadd.s32 $0x1000, s21  }
0x449: {  	s22 =	sadd.s32 $0x10, s22;
	s24 =	sadd.s32 $0x10, s24;
	[tilespmem:s26+$0x0] =	vst v16;
	s26 =	sadd.s32 $0x10, s26  }
0x44a: {  	s20 =	sadd.s32 $0x1, s20  }
0x44b: {  	p0 =	sne.s32 s20, s10  }
.Ltmp4:
0x44c: {  	_ = 	snop;
	(pc) =	sbr.rel @p0 .LBB2_1-.Ltmp4, $4  }
0x44d: {  	[hbm4b:s9+s3] =	stream.linear.scatter [tilespmem:s18], [sflag:$0x2], $0x200, $0x38;
	[tilespmem:$0x10B10] =	vst v63  }
0x44e: {  	_ =	swait.ge [sflag:s11], $0x200  }
0x44f: {  	[sflag:s11] =	ssyncset.done $0x0  }
0x450: {  	[sflag:s11] =	ssyncadd.s32 $0xFFFFFE00  }
0x451: {  	_ =	sfence.sel $0x180000  }
0x452: {  	[bflag:$0x0] =	sbarrier.arrive $0xFFFF  }
0x453: {  	_ =	strace $0x90000047  }
0x454: {  	s0 =	stileid.u32;
	[bflag:$0x2] =	sbarrier.arrive $0xFFFF  }
0x455: {  	p0 =	sne.s32 s0, $0x0;
	s0 =	rddreg [dreg:$0x6]  }
0x456: {  	s0 =	sadd.s32 @!p0 $0x100000, s0  }
0x457: {  	[sflag:s0] =	ssyncadd.tile.s32 @!p0 $0x1;
	_ =	shalt  }
.Lfunc_end2:
_tile_overlayer_lowered:
.L_overlay_start_2:
0x458: {  	(tag) =	ssettag $0x2  }
0x459: {  	s0 =	rddreg [dreg:$0x0];
	s2 =	stileid.u32  }
0x45a: {  	s1 =	rddreg [dreg:$0x1];
	p0 =	sne.s32 s2, $0x0  }
0x45b: {  	s3 =	rddreg [dreg:$0x2];
	[bflag:$0x3] =	sbarrier.arrive $0xFFFF;
	s2 =	simm.s32 @!p0 $0x1C02  }
0x45c: {  	[timem:s3], [sflag:s2] =	dma.local @!p0 [hbm:s0], s1  }
0x45d: {  	s0 =	simm.s32 @!p0 $0x2  }
0x45e: {  	_ =	swait.ge @!p0 [sflag:s0], s1  }
0x45f: {  	s1 =	ssub.s32 @!p0 $0x0, s1;
	[sflag:s0] =	ssyncset.done @!p0 $0x0  }
0x460: {  	[sflag:s0] =	ssyncadd.s32 @!p0 s1  }
0x461: {  	[bflag:$0x3] =	sbarrier.arrive $0xFFFF  }
0x462: {  	_ =	shalt  }

</sc_bundles>
